<compile_context>
chip_gen: v7x
topology: tpu7x:2x2x1
jax: 0.10.2.dev20260603
libtpu: 0.0.44.dev20260713+nightly
codegen_flags: <defaults>
</compile_context>

<pallas_src>
import functools

import jax
import jax.numpy as jnp
from jax import lax
from jax.experimental import pallas as pl
from jax.experimental.pallas import tpu as pltpu
from jax.experimental.pallas import tpu_sc as plsc

_THR = 0.3
_B = 128
_G = _B // 16
_W = 16
_WS = _W - 1


def _iou_conflict(bx1, by1, bx2, by2, bar, tx1, ty1, tx2, ty2, tar):
    xx1 = jnp.maximum(bx1, tx1)
    yy1 = jnp.maximum(by1, ty1)
    xx2 = jnp.minimum(bx2, tx2)
    yy2 = jnp.minimum(by2, ty2)
    w = jnp.maximum(0.0, xx2 - xx1)
    h = jnp.maximum(0.0, yy2 - yy1)
    inter = w * h
    iou = inter / ((bar + tar) - inter + 1e-8)
    return iou > _THR


def _make_sc_nms(npad):
    nblk = npad // _B
    cap = ((npad // _WS) + 31) & ~15
    f32, i32 = jnp.float32, jnp.int32
    mesh = plsc.VectorSubcoreMesh(
        core_axis_name="c", subcore_axis_name="s", num_cores=1
    )

    @functools.partial(
        pl.kernel,
        mesh=mesh,
        out_type=jax.ShapeDtypeStruct((npad,), jnp.float32),
        compiler_params=pltpu.CompilerParams(needs_layout_passes=False),
        scratch_types=[
            pltpu.VMEM((npad,), f32),
            pltpu.VMEM((npad,), f32),
            pltpu.VMEM((npad,), f32),
            pltpu.VMEM((npad,), f32),
            pltpu.VMEM((cap,), i32),
            pltpu.VMEM((_B,), f32),
            pltpu.VMEM((_B,), f32),
            pltpu.VMEM((_W, _B), f32),
            pltpu.VMEM_SHARED((_W, _B), f32),
            pltpu.VMEM_SHARED((_B,), f32),
        ],
    )
    def sc_nms(x1h, y1h, x2h, y2h, keep_h, vx1, vy1, vx2, vy2,
               surv, mymask, av, slots_l, slots_s, alive_s):
        wid = lax.axis_index("s")
        iota16 = lax.broadcasted_iota(i32, (16,), 0)
        zeros16 = jnp.zeros((16,), f32)

        pltpu.sync_copy(x1h, vx1)
        pltpu.sync_copy(y1h, vy1)
        pltpu.sync_copy(x2h, vx2)
        pltpu.sync_copy(y2h, vy2)

        def cross_range(tbase, lo, hi):
            for half in range(2):
                toff = tbase + half * 64
                tx1 = [vx1[pl.ds(toff + g * 16, 16)] for g in range(4)]
                ty1 = [vy1[pl.ds(toff + g * 16, 16)] for g in range(4)]
                tx2 = [vx2[pl.ds(toff + g * 16, 16)] for g in range(4)]
                ty2 = [vy2[pl.ds(toff + g * 16, 16)] for g in range(4)]
                tar = [(tx2[g] - tx1[g]) * (ty2[g] - ty1[g]) for g in range(4)]

                def sbody(s, accs, _tx1=tx1, _ty1=ty1, _tx2=tx2, _ty2=ty2,
                          _tar=tar):
                    iv = plsc.load_gather(surv, [jnp.full((16,), s, i32)])
                    bx1 = plsc.load_gather(vx1, [iv])
                    by1 = plsc.load_gather(vy1, [iv])
                    bx2 = plsc.load_gather(vx2, [iv])
                    by2 = plsc.load_gather(vy2, [iv])
                    bar = (bx2 - bx1) * (by2 - by1)
                    out = []
                    for g in range(4):
                        conf = _iou_conflict(bx1, by1, bx2, by2, bar,
                                             _tx1[g], _ty1[g], _tx2[g],
                                             _ty2[g], _tar[g])
                        out.append(jnp.where(conf, 1.0, accs[g]))
                    return tuple(out)

                init = tuple(
                    mymask[pl.ds(half * 64 + g * 16, 16)] for g in range(4)
                )
                accs = lax.fori_loop(lo, hi, sbody, init)
                for g in range(4):
                    mymask[pl.ds(half * 64 + g * 16, 16)] = accs[g]

        def my_shard_count(gc):
            return jnp.maximum(0, (gc - (wid - 1) + (_WS - 1)) // _WS)

        @pl.when(wid == 0)
        def _zero_slot0():
            for g in range(_G):
                mymask[pl.ds(g * 16, 16)] = zeros16
            pltpu.sync_copy(mymask, slots_s.at[0])

        @pl.when(wid > 0)
        def _zero_mask():
            for g in range(_G):
                mymask[pl.ds(g * 16, 16)] = zeros16

        plsc.subcore_barrier()

        def loop(k, gcnt):
            base = k * _B

            omy = my_shard_count(gcnt)

            def abody(g, gc):
                a = av[pl.ds(g * 16, 16)]
                ai = a.astype(i32)
                inc = jnp.cumsum(ai)
                ordv = gc + (inc - ai)
                mine = (a > 0.5) & ((ordv % _WS) == (wid - 1))
                pos = ordv // _WS
                gidx = (base - _B) + g * 16 + iota16
                plsc.store_scatter(surv, [pos], gidx, mask=mine)
                return gc + jnp.sum(ai)

            @pl.when((wid > 0) & (k > 0))
            def _():
                lax.fori_loop(0, _G, abody, gcnt)

            def cbody(g, gc):
                return gc + jnp.sum(av[pl.ds(g * 16, 16)].astype(i32))

            gcnt2 = lax.cond(
                k > 0,
                lambda: lax.fori_loop(0, _G, cbody, gcnt),
                lambda: gcnt,
            )
            nmy = my_shard_count(gcnt2)

            @pl.when((wid > 0) & (k > 0))
            def _():
                cross_range(base, omy, nmy)

            @pl.when(wid > 0)
            def _():
                pltpu.sync_copy(mymask, slots_s.at[wid])

            plsc.subcore_barrier()

            @pl.when(wid == 0)
            def _resolve():
                pltpu.sync_copy(slots_s, slots_l)
                for g in range(_G):
                    acc = zeros16
                    for w_ in range(_W):
                        acc = jnp.maximum(acc, slots_l[w_, pl.ds(g * 16, 16)])
                    av[pl.ds(g * 16, 16)] = 1.0 - acc

                def rbody(i, _2):
                    a_i = plsc.load_gather(av, [jnp.full((16,), i, i32)])[0]

                    @pl.when(a_i > 0.5)
                    def _3():
                        giv = jnp.full((16,), base + i, i32)
                        bx1 = plsc.load_gather(vx1, [giv])
                        by1 = plsc.load_gather(vy1, [giv])
                        bx2 = plsc.load_gather(vx2, [giv])
                        by2 = plsc.load_gather(vy2, [giv])
                        bar = (bx2 - bx1) * (by2 - by1)

                        def gbody(g, _4):
                            toff = base + g * 16
                            tx1 = vx1[pl.ds(toff, 16)]
                            ty1 = vy1[pl.ds(toff, 16)]
                            tx2 = vx2[pl.ds(toff, 16)]
                            ty2 = vy2[pl.ds(toff, 16)]
                            tar = (tx2 - tx1) * (ty2 - ty1)
                            conf = _iou_conflict(bx1, by1, bx2, by2, bar,
                                                 tx1, ty1, tx2, ty2, tar)
                            conf = conf & ((g * 16 + iota16) > i)
                            cur = av[pl.ds(g * 16, 16)]
                            av[pl.ds(g * 16, 16)] = jnp.where(conf, 0.0, cur)
                            return 0

                        lax.fori_loop(i // 16, _G, gbody, 0)
                    return 0

                lax.fori_loop(0, _B, rbody, 0)
                pltpu.sync_copy(av, alive_s)
                pltpu.sync_copy(av, keep_h.at[pl.ds(base, _B)])

            @pl.when((wid > 0) & (k + 1 < nblk))
            def _():
                for g in range(_G):
                    mymask[pl.ds(g * 16, 16)] = zeros16
                cross_range(base + _B, 0, nmy)

            plsc.subcore_barrier()

            pltpu.sync_copy(alive_s, av)
            return gcnt2

        lax.fori_loop(0, nblk, loop, jnp.int32(0))

    return sc_nms


@jax.jit
def kernel(boxes, scores):
    n = boxes.shape[0]
    order = jnp.argsort(-scores)
    b = jnp.take(boxes, order, axis=0)
    s = jnp.take(scores, order)

    nblk = (n + _B - 1) // _B
    npad = nblk * _B
    bp = jnp.pad(b, ((0, npad - n), (0, 0)))
    keep = _make_sc_nms(npad)(
        bp[:, 0], bp[:, 1], bp[:, 2], bp[:, 3]
    )[:n]
    return jnp.concatenate([b * keep[:, None], (s * keep)[:, None]], axis=1)

# --- scband reference (transcript-rebuilt; emitter-appended) ---
"""Pipeline reference for scband-faster-rcnn-64424509440798 (READ-ONLY COPY).

The authoritative reference and input builder live on the scoring server;
editing this copy changes nothing except your own understanding.
"""

import jax, jax.numpy as jnp
import numpy as np

N = 20000
IOU_THRESHOLD = 0.3
IMAGE_SIZE = 800.0


def setup_inputs(seed: int = 0) -> dict:
    key = jax.random.key(seed)
    k1, k2, k3 = jax.random.split(key, 3)
    # Build valid xyxy boxes inside an 800x800 image (like RPN proposals).
    cxcy = jax.random.uniform(k1, (N, 2), dtype=jnp.float32) * IMAGE_SIZE
    wh = jax.random.uniform(k2, (N, 2), dtype=jnp.float32) * 100.0 + 4.0
    boxes = jnp.concatenate([cxcy - wh / 2.0, cxcy + wh / 2.0], axis=1)
    boxes = jnp.clip(boxes, 0.0, IMAGE_SIZE)
    scores = jax.random.uniform(k3, (N,), dtype=jnp.float32)
    return {"boxes": boxes, "scores": scores}


def _nms_keep(boxes):
    # Greedy NMS over score-sorted boxes: box i suppresses any lower-ranked
    # box j (j > i) with IoU > threshold, provided box i itself survives.
    n = boxes.shape[0]
    x1, y1, x2, y2 = boxes[:, 0], boxes[:, 1], boxes[:, 2], boxes[:, 3]
    areas = (x2 - x1) * (y2 - y1)
    idxs = jnp.arange(n)

    def body(i, keep):
        xx1 = jnp.maximum(x1[i], x1)
        yy1 = jnp.maximum(y1[i], y1)
        xx2 = jnp.minimum(x2[i], x2)
        yy2 = jnp.minimum(y2[i], y2)
        w = jnp.maximum(0.0, xx2 - xx1)
        h = jnp.maximum(0.0, yy2 - yy1)
        inter = w * h
        iou = inter / (areas[i] + areas - inter + 1e-8)
        suppress = (iou > IOU_THRESHOLD) & (idxs > i) & keep[i]
        return keep & (~suppress)

    keep = jax.lax.fori_loop(0, n, body, jnp.ones((n,), dtype=bool))
    return keep


def reference(boxes, scores):
    # Mirrors FasterRcnn.predict's per-class post-processing core:
    # sort proposals by score, run greedy NMS (iou_threshold=0.3),
    # and emit scored boxes hstack([boxes, scores]).
    order = jnp.argsort(-scores)
    b = jnp.take(boxes, order, axis=0)
    s = jnp.take(scores, order)
    keep = _nms_keep(jax.lax.stop_gradient(b))
    keepf = keep.astype(b.dtype)
    scored_boxes = jnp.concatenate([b * keepf[:, None], (s * keepf)[:, None]], axis=1)
    return scored_boxes

if __name__ == "__main__":
    import jax
    _d = setup_inputs()
    print(jax.jit(kernel)(*tuple(_d.values())))

</pallas_src>

<mosaic_0001>
#map = affine_map<(d0, d1) -> (0)>
module attributes {stable_mosaic.version = 14 : i64} {
  func.func @sc_nms(%arg0: i32, %arg1: i32, %arg2: memref<20096xf32, #tpu.memory_space<hbm>>, %arg3: memref<20096xf32, #tpu.memory_space<hbm>>, %arg4: memref<20096xf32, #tpu.memory_space<hbm>>, %arg5: memref<20096xf32, #tpu.memory_space<hbm>>, %arg6: memref<20096xf32, #tpu.memory_space<hbm>>, %arg7: memref<20096xf32, #tpu.memory_space<vmem>>, %arg8: memref<20096xf32, #tpu.memory_space<vmem>>, %arg9: memref<20096xf32, #tpu.memory_space<vmem>>, %arg10: memref<20096xf32, #tpu.memory_space<vmem>>, %arg11: memref<1360xi32, #tpu.memory_space<vmem>>, %arg12: memref<128xf32, #tpu.memory_space<vmem>>, %arg13: memref<128xf32, #tpu.memory_space<vmem>>, %arg14: memref<16x128xf32, #tpu.memory_space<vmem>>, %arg15: memref<16x128xf32, #tpu.memory_space<vmem_shared>>, %arg16: memref<128xf32, #tpu.memory_space<vmem_shared>>) attributes {dimension_semantics = [#tpu.dimension_semantics<core_parallel>, #tpu.dimension_semantics<subcore_parallel>], iteration_bounds = array<i64: 1, 16>, scalar_prefetch = 0 : i64, scratch_operands = 10 : i64, tpu.core_type = #tpu.core_type<sc_vector_subcore>, window_params = [{transform_indices = #map}, {transform_indices = #map}, {transform_indices = #map}, {transform_indices = #map}, {transform_indices = #map}]} {
    %iota3A = tpu.iota {dimensions = array<i32: 0>} : vector<16xi32>
    %broadcast_in_dim3A = arith.constant 0.000000e+00 : f32
    %broadcast_in_dim3A_0 = vector.broadcast %broadcast_in_dim3A : f32 to vector<16xf32>
    "tpu.region"() ({
      %run_scoped3A = tpu.sem_alloc : memref<!tpu.dma_semaphore, #tpu.memory_space<semaphore_mem>>
      tpu.enqueue_dma source(%arg2 : memref<20096xf32, #tpu.memory_space<hbm>>) target(%arg7 : memref<20096xf32, #tpu.memory_space<vmem>>) target_semaphore(%run_scoped3A : memref<!tpu.dma_semaphore, #tpu.memory_space<semaphore_mem>>)
      tpu.wait_dma2 semaphore(%run_scoped3A : memref<!tpu.dma_semaphore, #tpu.memory_space<semaphore_mem>>) src(%arg2 : memref<20096xf32, #tpu.memory_space<hbm>>) dst(%arg7 : memref<20096xf32, #tpu.memory_space<vmem>>)
      tpu.yield
    }) : () -> ()
    "tpu.region"() ({
      %run_scoped3A = tpu.sem_alloc : memref<!tpu.dma_semaphore, #tpu.memory_space<semaphore_mem>>
      tpu.enqueue_dma source(%arg3 : memref<20096xf32, #tpu.memory_space<hbm>>) target(%arg8 : memref<20096xf32, #tpu.memory_space<vmem>>) target_semaphore(%run_scoped3A : memref<!tpu.dma_semaphore, #tpu.memory_space<semaphore_mem>>)
      tpu.wait_dma2 semaphore(%run_scoped3A : memref<!tpu.dma_semaphore, #tpu.memory_space<semaphore_mem>>) src(%arg3 : memref<20096xf32, #tpu.memory_space<hbm>>) dst(%arg8 : memref<20096xf32, #tpu.memory_space<vmem>>)
      tpu.yield
    }) : () -> ()
    "tpu.region"() ({
      %run_scoped3A = tpu.sem_alloc : memref<!tpu.dma_semaphore, #tpu.memory_space<semaphore_mem>>
      tpu.enqueue_dma source(%arg4 : memref<20096xf32, #tpu.memory_space<hbm>>) target(%arg9 : memref<20096xf32, #tpu.memory_space<vmem>>) target_semaphore(%run_scoped3A : memref<!tpu.dma_semaphore, #tpu.memory_space<semaphore_mem>>)
      tpu.wait_dma2 semaphore(%run_scoped3A : memref<!tpu.dma_semaphore, #tpu.memory_space<semaphore_mem>>) src(%arg4 : memref<20096xf32, #tpu.memory_space<hbm>>) dst(%arg9 : memref<20096xf32, #tpu.memory_space<vmem>>)
      tpu.yield
    }) : () -> ()
    "tpu.region"() ({
      %run_scoped3A = tpu.sem_alloc : memref<!tpu.dma_semaphore, #tpu.memory_space<semaphore_mem>>
      tpu.enqueue_dma source(%arg5 : memref<20096xf32, #tpu.memory_space<hbm>>) target(%arg10 : memref<20096xf32, #tpu.memory_space<vmem>>) target_semaphore(%run_scoped3A : memref<!tpu.dma_semaphore, #tpu.memory_space<semaphore_mem>>)
      tpu.wait_dma2 semaphore(%run_scoped3A : memref<!tpu.dma_semaphore, #tpu.memory_space<semaphore_mem>>) src(%arg5 : memref<20096xf32, #tpu.memory_space<hbm>>) dst(%arg10 : memref<20096xf32, #tpu.memory_space<vmem>>)
      tpu.yield
    }) : () -> ()
    %eq3A = arith.constant 0 : i32
    %eq3A_1 = arith.cmpi eq, %arg1, %eq3A : i32
    %convert_element_type3A = arith.extui %eq3A_1 : i1 to i32
    %cond3A = arith.constant 0 : i32
    %cond3A_2 = arith.cmpi ne, %convert_element_type3A, %cond3A : i32
    scf.if %cond3A_2 {
      %swap3A = arith.constant 0 : index
      %swap3A_13 = tpu.vector_load %arg12[%swap3A] {strides = array<i32>} : memref<128xf32, #tpu.memory_space<vmem>>, vector<16xf32>,
      tpu.vector_store %arg12[%swap3A], %broadcast_in_dim3A_0 {strides = array<i32>} : memref<128xf32, #tpu.memory_space<vmem>>, vector<16xf32>,
      %swap3A_14 = arith.constant 16 : index
      %swap3A_15 = tpu.vector_load %arg12[%swap3A_14] {strides = array<i32>} : memref<128xf32, #tpu.memory_space<vmem>>, vector<16xf32>,
      tpu.vector_store %arg12[%swap3A_14], %broadcast_in_dim3A_0 {strides = array<i32>} : memref<128xf32, #tpu.memory_space<vmem>>, vector<16xf32>,
      %swap3A_16 = arith.constant 32 : index
      %swap3A_17 = tpu.vector_load %arg12[%swap3A_16] {strides = array<i32>} : memref<128xf32, #tpu.memory_space<vmem>>, vector<16xf32>,
      tpu.vector_store %arg12[%swap3A_16], %broadcast_in_dim3A_0 {strides = array<i32>} : memref<128xf32, #tpu.memory_space<vmem>>, vector<16xf32>,
      %swap3A_18 = arith.constant 48 : index
      %swap3A_19 = tpu.vector_load %arg12[%swap3A_18] {strides = array<i32>} : memref<128xf32, #tpu.memory_space<vmem>>, vector<16xf32>,
      tpu.vector_store %arg12[%swap3A_18], %broadcast_in_dim3A_0 {strides = array<i32>} : memref<128xf32, #tpu.memory_space<vmem>>, vector<16xf32>,
      %swap3A_20 = arith.constant 64 : index
      %swap3A_21 = tpu.vector_load %arg12[%swap3A_20] {strides = array<i32>} : memref<128xf32, #tpu.memory_space<vmem>>, vector<16xf32>,
      tpu.vector_store %arg12[%swap3A_20], %broadcast_in_dim3A_0 {strides = array<i32>} : memref<128xf32, #tpu.memory_space<vmem>>, vector<16xf32>,
      %swap3A_22 = arith.constant 80 : index
      %swap3A_23 = tpu.vector_load %arg12[%swap3A_22] {strides = array<i32>} : memref<128xf32, #tpu.memory_space<vmem>>, vector<16xf32>,
      tpu.vector_store %arg12[%swap3A_22], %broadcast_in_dim3A_0 {strides = array<i32>} : memref<128xf32, #tpu.memory_space<vmem>>, vector<16xf32>,
      %swap3A_24 = arith.constant 96 : index
      %swap3A_25 = tpu.vector_load %arg12[%swap3A_24] {strides = array<i32>} : memref<128xf32, #tpu.memory_space<vmem>>, vector<16xf32>,
      tpu.vector_store %arg12[%swap3A_24], %broadcast_in_dim3A_0 {strides = array<i32>} : memref<128xf32, #tpu.memory_space<vmem>>, vector<16xf32>,
      %swap3A_26 = arith.constant 112 : index
      %swap3A_27 = tpu.vector_load %arg12[%swap3A_26] {strides = array<i32>} : memref<128xf32, #tpu.memory_space<vmem>>, vector<16xf32>,
      tpu.vector_store %arg12[%swap3A_26], %broadcast_in_dim3A_0 {strides = array<i32>} : memref<128xf32, #tpu.memory_space<vmem>>, vector<16xf32>,
      %run_scoped3A = arith.constant 0 : i32
      "tpu.region"() ({
        %run_scoped3A_28 = tpu.sem_alloc : memref<!tpu.dma_semaphore, #tpu.memory_space<semaphore_mem>>
        %dma_start3A = arith.constant 0 : i32
        %dma_start3A_29 = tpu.memref_slice %arg15[%run_scoped3A, %dma_start3A] : memref<16x128xf32, #tpu.memory_space<vmem_shared>> -> memref<1x128xf32, #tpu.memory_space<vmem_shared>>
        %dma_start3A_30 = tpu.memref_squeeze %dma_start3A_29 : memref<1x128xf32, #tpu.memory_space<vmem_shared>> -> memref<128xf32, #tpu.memory_space<vmem_shared>>
        %dma_start3A_31 = arith.constant 0 : i32
        %dma_start3A_32 = tpu.memref_slice %arg15[%run_scoped3A, %dma_start3A_31] : memref<16x128xf32, #tpu.memory_space<vmem_shared>> -> memref<1x128xf32, #tpu.memory_space<vmem_shared>>
        %dma_start3A_33 = tpu.memref_squeeze %dma_start3A_32 : memref<1x128xf32, #tpu.memory_space<vmem_shared>> -> memref<128xf32, #tpu.memory_space<vmem_shared>>
        tpu.enqueue_dma source(%arg12 : memref<128xf32, #tpu.memory_space<vmem>>) target(%dma_start3A_33 : memref<128xf32, #tpu.memory_space<vmem_shared>>) target_semaphore(%run_scoped3A_28 : memref<!tpu.dma_semaphore, #tpu.memory_space<semaphore_mem>>)
        %dma_wait3A = arith.constant 0 : i32
        %dma_wait3A_34 = tpu.memref_slice %arg15[%run_scoped3A, %dma_wait3A] : memref<16x128xf32, #tpu.memory_space<vmem_shared>> -> memref<1x128xf32, #tpu.memory_space<vmem_shared>>
        %dma_wait3A_35 = tpu.memref_squeeze %dma_wait3A_34 : memref<1x128xf32, #tpu.memory_space<vmem_shared>> -> memref<128xf32, #tpu.memory_space<vmem_shared>>
        %dma_wait3A_36 = arith.constant 0 : i32
        %dma_wait3A_37 = tpu.memref_slice %arg15[%run_scoped3A, %dma_wait3A_36] : memref<16x128xf32, #tpu.memory_space<vmem_shared>> -> memref<1x128xf32, #tpu.memory_space<vmem_shared>>
        %dma_wait3A_38 = tpu.memref_squeeze %dma_wait3A_37 : memref<1x128xf32, #tpu.memory_space<vmem_shared>> -> memref<128xf32, #tpu.memory_space<vmem_shared>>
        tpu.wait_dma2 semaphore(%run_scoped3A_28 : memref<!tpu.dma_semaphore, #tpu.memory_space<semaphore_mem>>) src(%arg12 : memref<128xf32, #tpu.memory_space<vmem>>) dst(%dma_wait3A_38 : memref<128xf32, #tpu.memory_space<vmem_shared>>)
        tpu.yield
      }) : () -> ()
    } else {
    }
    %gt3A = arith.constant 0 : i32
    %gt3A_3 = arith.cmpi sgt, %arg1, %gt3A : i32
    %convert_element_type3A_4 = arith.extui %gt3A_3 : i1 to i32
    %cond3A_5 = arith.constant 0 : i32
    %cond3A_6 = arith.cmpi ne, %convert_element_type3A_4, %cond3A_5 : i32
    scf.if %cond3A_6 {
      %swap3A = arith.constant 0 : index
      %swap3A_13 = tpu.vector_load %arg12[%swap3A] {strides = array<i32>} : memref<128xf32, #tpu.memory_space<vmem>>, vector<16xf32>,
      tpu.vector_store %arg12[%swap3A], %broadcast_in_dim3A_0 {strides = array<i32>} : memref<128xf32, #tpu.memory_space<vmem>>, vector<16xf32>,
      %swap3A_14 = arith.constant 16 : index
      %swap3A_15 = tpu.vector_load %arg12[%swap3A_14] {strides = array<i32>} : memref<128xf32, #tpu.memory_space<vmem>>, vector<16xf32>,
      tpu.vector_store %arg12[%swap3A_14], %broadcast_in_dim3A_0 {strides = array<i32>} : memref<128xf32, #tpu.memory_space<vmem>>, vector<16xf32>,
      %swap3A_16 = arith.constant 32 : index
      %swap3A_17 = tpu.vector_load %arg12[%swap3A_16] {strides = array<i32>} : memref<128xf32, #tpu.memory_space<vmem>>, vector<16xf32>,
      tpu.vector_store %arg12[%swap3A_16], %broadcast_in_dim3A_0 {strides = array<i32>} : memref<128xf32, #tpu.memory_space<vmem>>, vector<16xf32>,
      %swap3A_18 = arith.constant 48 : index
      %swap3A_19 = tpu.vector_load %arg12[%swap3A_18] {strides = array<i32>} : memref<128xf32, #tpu.memory_space<vmem>>, vector<16xf32>,
      tpu.vector_store %arg12[%swap3A_18], %broadcast_in_dim3A_0 {strides = array<i32>} : memref<128xf32, #tpu.memory_space<vmem>>, vector<16xf32>,
      %swap3A_20 = arith.constant 64 : index
      %swap3A_21 = tpu.vector_load %arg12[%swap3A_20] {strides = array<i32>} : memref<128xf32, #tpu.memory_space<vmem>>, vector<16xf32>,
      tpu.vector_store %arg12[%swap3A_20], %broadcast_in_dim3A_0 {strides = array<i32>} : memref<128xf32, #tpu.memory_space<vmem>>, vector<16xf32>,
      %swap3A_22 = arith.constant 80 : index
      %swap3A_23 = tpu.vector_load %arg12[%swap3A_22] {strides = array<i32>} : memref<128xf32, #tpu.memory_space<vmem>>, vector<16xf32>,
      tpu.vector_store %arg12[%swap3A_22], %broadcast_in_dim3A_0 {strides = array<i32>} : memref<128xf32, #tpu.memory_space<vmem>>, vector<16xf32>,
      %swap3A_24 = arith.constant 96 : index
      %swap3A_25 = tpu.vector_load %arg12[%swap3A_24] {strides = array<i32>} : memref<128xf32, #tpu.memory_space<vmem>>, vector<16xf32>,
      tpu.vector_store %arg12[%swap3A_24], %broadcast_in_dim3A_0 {strides = array<i32>} : memref<128xf32, #tpu.memory_space<vmem>>, vector<16xf32>,
      %swap3A_26 = arith.constant 112 : index
      %swap3A_27 = tpu.vector_load %arg12[%swap3A_26] {strides = array<i32>} : memref<128xf32, #tpu.memory_space<vmem>>, vector<16xf32>,
      tpu.vector_store %arg12[%swap3A_26], %broadcast_in_dim3A_0 {strides = array<i32>} : memref<128xf32, #tpu.memory_space<vmem>>, vector<16xf32>,
    } else {
    }
    %barrier3A = arith.constant 0 : index
    tpu.barrier barrier_id(%barrier3A)
    %scan3A = arith.constant 0 : i32
    %scan3A_7 = arith.constant 0 : i32
    %scan3A_8 = arith.constant 157 : i32
    %scan3A_9 = arith.addi %scan3A_7, %scan3A_8 : i32
    %scan3A_10 = arith.constant 1 : i32
    %scan3A_11 = scf.for %scan3A_13 = %scan3A_7 to %scan3A_9 step %scan3A_10 iter_args(%scan3A_14 = %scan3A) -> (i32)  : i32 {
      %mul3A = arith.constant 128 : i32
      %mul3A_15 = arith.muli %scan3A_13, %mul3A : i32
      %sub3A = arith.constant 1 : i32
      %sub3A_16 = arith.subi %arg1, %sub3A : i32
      %sub3A_17 = arith.subi %scan3A_14, %sub3A_16 : i32
      %add3A = arith.constant 14 : i32
      %add3A_18 = arith.addi %sub3A_17, %add3A : i32
      %jit3A = arith.constant 15 : i32
      %div3A = arith.divsi %add3A_18, %jit3A : i32
      %sign3A = arith.constant 0 : i32
      %sign3A_19 = arith.cmpi sgt, %add3A_18, %sign3A : i32
      %sign3A_20 = arith.extui %sign3A_19 : i1 to i32
      %sign3A_21 = arith.constant 0 : i32
      %sign3A_22 = arith.cmpi slt, %add3A_18, %sign3A_21 : i32
      %sign3A_23 = arith.extui %sign3A_22 : i1 to i32
      %sign3A_24 = arith.subi %sign3A_20, %sign3A_23 : i32
      %sign3A_25 = arith.constant 0 : i32
      %sign3A_26 = arith.cmpi sgt, %jit3A, %sign3A_25 : i32
      %sign3A_27 = arith.extui %sign3A_26 : i1 to i32
      %sign3A_28 = arith.constant 0 : i32
      %sign3A_29 = arith.cmpi slt, %jit3A, %sign3A_28 : i32
      %sign3A_30 = arith.extui %sign3A_29 : i1 to i32
      %sign3A_31 = arith.subi %sign3A_27, %sign3A_30 : i32
      %ne3A = arith.cmpi ne, %sign3A_24, %sign3A_31 : i32
      %rem3A = arith.remsi %add3A_18, %jit3A : i32
      %ne3A_32 = arith.constant 0 : i32
      %ne3A_33 = arith.cmpi ne, %rem3A, %ne3A_32 : i32
      %and3A = arith.andi %ne3A, %ne3A_33 : i1
      %sub3A_34 = arith.constant 1 : i32
      %sub3A_35 = arith.subi %div3A, %sub3A_34 : i32
      %select_n3A = arith.select %and3A, %sub3A_35, %div3A : i32
      %max3A = arith.constant 0 : i32
      %max3A_36 = arith.maxsi %max3A, %select_n3A : i32
      %gt3A_37 = arith.constant 0 : i32
      %gt3A_38 = arith.cmpi sgt, %arg1, %gt3A_37 : i32
      %gt3A_39 = arith.constant 0 : i32
      %gt3A_40 = arith.cmpi sgt, %scan3A_13, %gt3A_39 : i32
      %and3A_41 = arith.andi %gt3A_38, %gt3A_40 : i1
      %convert_element_type3A_42 = arith.extui %and3A_41 : i1 to i32
      %cond3A_43 = arith.constant 0 : i32
      %cond3A_44 = arith.cmpi ne, %convert_element_type3A_42, %cond3A_43 : i32
      scf.if %cond3A_44 {
        %scan3A_111 = arith.constant 0 : i32
        %scan3A_112 = arith.constant 8 : i32
        %scan3A_113 = arith.addi %scan3A_111, %scan3A_112 : i32
        %scan3A_114 = arith.constant 1 : i32
        %scan3A_115 = scf.for %scan3A_117 = %scan3A_111 to %scan3A_113 step %scan3A_114 iter_args(%scan3A_118 = %scan3A_14) -> (i32)  : i32 {
          %mul3A_119 = arith.constant 16 : i32
          %mul3A_120 = arith.muli %scan3A_117, %mul3A_119 : i32
          %get3A = arith.index_cast %mul3A_120 : i32 to index
          %get3A_121 = tpu.vector_load %arg13[%get3A] {strides = array<i32>} : memref<128xf32, #tpu.memory_space<vmem>>, vector<16xf32>,
          %convert_element_type3A_122 = arith.fptosi %get3A_121 : vector<16xf32> to vector<16xi32>
          %cumsum3A = arith.constant true
          %cumsum3A_123 = vector.broadcast %cumsum3A : i1 to vector<16xi1>
          %cumsum3A_124 = tpu.scan <sum>, %convert_element_type3A_122 masked %cumsum3A_123 : vector<16xi32>, vector<16xi1> -> vector<16xi32>
          %sub3A_125 = arith.subi %cumsum3A_124, %convert_element_type3A_122 : vector<16xi32>
          %add3A_126 = vector.broadcast %scan3A_118 : i32 to vector<16xi32>
          %add3A_127 = arith.addi %add3A_126, %sub3A_125 : vector<16xi32>
          %gt3A_128 = arith.constant 5.000000e-01 : f32
          %gt3A_129 = vector.broadcast %gt3A_128 : f32 to vector<16xf32>
          %gt3A_130 = arith.cmpf ogt, %get3A_121, %gt3A_129 : vector<16xf32>
          %jit3A_131 = arith.constant 15 : i32
          %eq3A_132 = arith.constant 0 : i32
          %eq3A_133 = arith.cmpi eq, %jit3A_131, %eq3A_132 : i32
          %jit3A_134 = arith.constant 1 : i32
          %select_n3A_135 = arith.select %eq3A_133, %jit3A_134, %jit3A_131 : i32
          %rem3A_136 = vector.broadcast %select_n3A_135 : i32 to vector<16xi32>
          %rem3A_137 = arith.remsi %add3A_127, %rem3A_136 : vector<16xi32>
          %ne3A_138 = arith.constant 0 : i32
          %ne3A_139 = vector.broadcast %ne3A_138 : i32 to vector<16xi32>
          %ne3A_140 = arith.cmpi ne, %rem3A_137, %ne3A_139 : vector<16xi32>
          %lt3A_141 = arith.constant 0 : i32
          %lt3A_142 = vector.broadcast %lt3A_141 : i32 to vector<16xi32>
          %lt3A_143 = arith.cmpi slt, %rem3A_137, %lt3A_142 : vector<16xi32>
          %lt3A_144 = arith.constant 0 : i32
          %lt3A_145 = arith.cmpi slt, %select_n3A_135, %lt3A_144 : i32
          %ne3A_146 = vector.broadcast %lt3A_145 : i1 to vector<16xi1>
          %ne3A_147 = vector.broadcast %ne3A_146 : vector<16xi1> to vector<16xi1>
          %ne3A_148 = arith.xori %lt3A_143, %ne3A_147 : vector<16xi1>
          %and3A_149 = arith.andi %ne3A_148, %ne3A_140 : vector<16xi1>
          %add3A_150 = vector.broadcast %select_n3A_135 : i32 to vector<16xi32>
          %add3A_151 = arith.addi %rem3A_137, %add3A_150 : vector<16xi32>
          %select_n3A_152 = arith.select %and3A_149, %add3A_151, %rem3A_137 : vector<16xi1>, vector<16xi32>
          %sub3A_153 = arith.constant 1 : i32
          %sub3A_154 = arith.subi %arg1, %sub3A_153 : i32
          %eq3A_155 = vector.broadcast %sub3A_154 : i32 to vector<16xi32>
          %eq3A_156 = arith.cmpi eq, %select_n3A_152, %eq3A_155 : vector<16xi32>
          %and3A_157 = arith.andi %gt3A_130, %eq3A_156 : vector<16xi1>
          %jit3A_158 = arith.constant 15 : i32
          %div3A_159 = vector.broadcast %jit3A_158 : i32 to vector<16xi32>
          %div3A_160 = arith.divsi %add3A_127, %div3A_159 : vector<16xi32>
          %sign3A_161 = arith.constant 0 : i32
          %sign3A_162 = vector.broadcast %sign3A_161 : i32 to vector<16xi32>
          %sign3A_163 = arith.cmpi sgt, %add3A_127, %sign3A_162 : vector<16xi32>
          %sign3A_164 = arith.extui %sign3A_163 : vector<16xi1> to vector<16xi32>
          %sign3A_165 = arith.constant 0 : i32
          %sign3A_166 = vector.broadcast %sign3A_165 : i32 to vector<16xi32>
          %sign3A_167 = arith.cmpi slt, %add3A_127, %sign3A_166 : vector<16xi32>
          %sign3A_168 = arith.extui %sign3A_167 : vector<16xi1> to vector<16xi32>
          %sign3A_169 = arith.subi %sign3A_164, %sign3A_168 : vector<16xi32>
          %sign3A_170 = arith.constant 0 : i32
          %sign3A_171 = arith.cmpi sgt, %jit3A_158, %sign3A_170 : i32
          %sign3A_172 = arith.extui %sign3A_171 : i1 to i32
          %sign3A_173 = arith.constant 0 : i32
          %sign3A_174 = arith.cmpi slt, %jit3A_158, %sign3A_173 : i32
          %sign3A_175 = arith.extui %sign3A_174 : i1 to i32
          %sign3A_176 = arith.subi %sign3A_172, %sign3A_175 : i32
          %ne3A_177 = vector.broadcast %sign3A_176 : i32 to vector<16xi32>
          %ne3A_178 = arith.cmpi ne, %sign3A_169, %ne3A_177 : vector<16xi32>
          %rem3A_179 = vector.broadcast %jit3A_158 : i32 to vector<16xi32>
          %rem3A_180 = arith.remsi %add3A_127, %rem3A_179 : vector<16xi32>
          %ne3A_181 = arith.constant 0 : i32
          %ne3A_182 = vector.broadcast %ne3A_181 : i32 to vector<16xi32>
          %ne3A_183 = arith.cmpi ne, %rem3A_180, %ne3A_182 : vector<16xi32>
          %and3A_184 = arith.andi %ne3A_178, %ne3A_183 : vector<16xi1>
          %sub3A_185 = arith.constant 1 : i32
          %sub3A_186 = vector.broadcast %sub3A_185 : i32 to vector<16xi32>
          %sub3A_187 = arith.subi %div3A_160, %sub3A_186 : vector<16xi32>
          %select_n3A_188 = arith.select %and3A_184, %sub3A_187, %div3A_160 : vector<16xi1>, vector<16xi32>
          %sub3A_189 = arith.constant 128 : i32
          %sub3A_190 = arith.subi %mul3A_15, %sub3A_189 : i32
          %mul3A_191 = arith.constant 16 : i32
          %mul3A_192 = arith.muli %scan3A_117, %mul3A_191 : i32
          %add3A_193 = arith.addi %sub3A_190, %mul3A_192 : i32
          %add3A_194 = vector.broadcast %add3A_193 : i32 to vector<16xi32>
          %add3A_195 = arith.addi %add3A_194, %iota3A : vector<16xi32>
          tpu.vector_store_idx %arg11[%select_n3A_188], %add3A_195 masked %and3A_157 : memref<1360xi32, #tpu.memory_space<vmem>>[vector<16xi32>], vector<16xi32>, vector<16xi1>
          %reduce_sum3A = arith.constant true
          %reduce_sum3A_196 = vector.broadcast %reduce_sum3A : i1 to vector<16xi1>
          %reduce_sum3A_197 = tpu.scan <sum>, %convert_element_type3A_122 masked %reduce_sum3A_196 : vector<16xi32>, vector<16xi1> -> vector<16xi32>
          %reduce_sum3A_198 = vector.extract %reduce_sum3A_197[15] : i32 from vector<16xi32>
          %add3A_199 = arith.addi %scan3A_118, %reduce_sum3A_198 : i32
          scf.yield %add3A_199 : i32
        }
        %scan3A_116 = arith.constant 8 : i32
      } else {
      }
      %gt3A_45 = arith.constant 0 : i32
      %gt3A_46 = arith.cmpi sgt, %scan3A_13, %gt3A_45 : i32
      %convert_element_type3A_47 = arith.extui %gt3A_46 : i1 to i32
      %cond3A_48 = arith.constant 0 : i32
      %cond3A_49 = arith.cmpi ne, %convert_element_type3A_47, %cond3A_48 : i32
      %cond3A_50 = scf.if %cond3A_49 -> (i32) {
        %scan3A_111 = arith.constant 0 : i32
        %scan3A_112 = arith.constant 8 : i32
        %scan3A_113 = arith.addi %scan3A_111, %scan3A_112 : i32
        %scan3A_114 = arith.constant 1 : i32
        %scan3A_115 = scf.for %scan3A_117 = %scan3A_111 to %scan3A_113 step %scan3A_114 iter_args(%scan3A_118 = %scan3A_14) -> (i32)  : i32 {
          %mul3A_119 = arith.constant 16 : i32
          %mul3A_120 = arith.muli %scan3A_117, %mul3A_119 : i32
          %get3A = arith.index_cast %mul3A_120 : i32 to index
          %get3A_121 = tpu.vector_load %arg13[%get3A] {strides = array<i32>} : memref<128xf32, #tpu.memory_space<vmem>>, vector<16xf32>,
          %convert_element_type3A_122 = arith.fptosi %get3A_121 : vector<16xf32> to vector<16xi32>
          %reduce_sum3A = arith.constant true
          %reduce_sum3A_123 = vector.broadcast %reduce_sum3A : i1 to vector<16xi1>
          %reduce_sum3A_124 = tpu.scan <sum>, %convert_element_type3A_122 masked %reduce_sum3A_123 : vector<16xi32>, vector<16xi1> -> vector<16xi32>
          %reduce_sum3A_125 = vector.extract %reduce_sum3A_124[15] : i32 from vector<16xi32>
          %add3A_126 = arith.addi %scan3A_118, %reduce_sum3A_125 : i32
          scf.yield %add3A_126 : i32
        }
        %scan3A_116 = arith.constant 8 : i32
        scf.yield %scan3A_115 : i32
      } else {
        scf.yield %scan3A_14 : i32
      }
      %sub3A_51 = arith.constant 1 : i32
      %sub3A_52 = arith.subi %arg1, %sub3A_51 : i32
      %sub3A_53 = arith.subi %cond3A_50, %sub3A_52 : i32
      %add3A_54 = arith.constant 14 : i32
      %add3A_55 = arith.addi %sub3A_53, %add3A_54 : i32
      %jit3A_56 = arith.constant 15 : i32
      %div3A_57 = arith.divsi %add3A_55, %jit3A_56 : i32
      %sign3A_58 = arith.constant 0 : i32
      %sign3A_59 = arith.cmpi sgt, %add3A_55, %sign3A_58 : i32
      %sign3A_60 = arith.extui %sign3A_59 : i1 to i32
      %sign3A_61 = arith.constant 0 : i32
      %sign3A_62 = arith.cmpi slt, %add3A_55, %sign3A_61 : i32
      %sign3A_63 = arith.extui %sign3A_62 : i1 to i32
      %sign3A_64 = arith.subi %sign3A_60, %sign3A_63 : i32
      %sign3A_65 = arith.constant 0 : i32
      %sign3A_66 = arith.cmpi sgt, %jit3A_56, %sign3A_65 : i32
      %sign3A_67 = arith.extui %sign3A_66 : i1 to i32
      %sign3A_68 = arith.constant 0 : i32
      %sign3A_69 = arith.cmpi slt, %jit3A_56, %sign3A_68 : i32
      %sign3A_70 = arith.extui %sign3A_69 : i1 to i32
      %sign3A_71 = arith.subi %sign3A_67, %sign3A_70 : i32
      %ne3A_72 = arith.cmpi ne, %sign3A_64, %sign3A_71 : i32
      %rem3A_73 = arith.remsi %add3A_55, %jit3A_56 : i32
      %ne3A_74 = arith.constant 0 : i32
      %ne3A_75 = arith.cmpi ne, %rem3A_73, %ne3A_74 : i32
      %and3A_76 = arith.andi %ne3A_72, %ne3A_75 : i1
      %sub3A_77 = arith.constant 1 : i32
      %sub3A_78 = arith.subi %div3A_57, %sub3A_77 : i32
      %select_n3A_79 = arith.select %and3A_76, %sub3A_78, %div3A_57 : i32
      %max3A_80 = arith.constant 0 : i32
      %max3A_81 = arith.maxsi %max3A_80, %select_n3A_79 : i32
      %gt3A_82 = arith.constant 0 : i32
      %gt3A_83 = arith.cmpi sgt, %arg1, %gt3A_82 : i32
      %gt3A_84 = arith.constant 0 : i32
      %gt3A_85 = arith.cmpi sgt, %scan3A_13, %gt3A_84 : i32
      %and3A_86 = arith.andi %gt3A_83, %gt3A_85 : i1
      %convert_element_type3A_87 = arith.extui %and3A_86 : i1 to i32
      %cond3A_88 = arith.constant 0 : i32
      %cond3A_89 = arith.cmpi ne, %convert_element_type3A_87, %cond3A_88 : i32
      scf.if %cond3A_89 {
        %add3A_111 = arith.constant 0 : i32
        %add3A_112 = arith.addi %mul3A_15, %add3A_111 : i32
        %add3A_113 = arith.constant 0 : i32
        %add3A_114 = arith.addi %add3A_112, %add3A_113 : i32
        %get3A = arith.index_cast %add3A_114 : i32 to index
        %get3A_115 = tpu.vector_load %arg7[%get3A] {strides = array<i32>} : memref<20096xf32, #tpu.memory_space<vmem>>, vector<16xf32>,
        %add3A_116 = arith.constant 16 : i32
        %add3A_117 = arith.addi %add3A_112, %add3A_116 : i32
        %get3A_118 = arith.index_cast %add3A_117 : i32 to index
        %get3A_119 = tpu.vector_load %arg7[%get3A_118] {strides = array<i32>} : memref<20096xf32, #tpu.memory_space<vmem>>, vector<16xf32>,
        %add3A_120 = arith.constant 32 : i32
        %add3A_121 = arith.addi %add3A_112, %add3A_120 : i32
        %get3A_122 = arith.index_cast %add3A_121 : i32 to index
        %get3A_123 = tpu.vector_load %arg7[%get3A_122] {strides = array<i32>} : memref<20096xf32, #tpu.memory_space<vmem>>, vector<16xf32>,
        %add3A_124 = arith.constant 48 : i32
        %add3A_125 = arith.addi %add3A_112, %add3A_124 : i32
        %get3A_126 = arith.index_cast %add3A_125 : i32 to index
        %get3A_127 = tpu.vector_load %arg7[%get3A_126] {strides = array<i32>} : memref<20096xf32, #tpu.memory_space<vmem>>, vector<16xf32>,
        %add3A_128 = arith.constant 0 : i32
        %add3A_129 = arith.addi %add3A_112, %add3A_128 : i32
        %get3A_130 = arith.index_cast %add3A_129 : i32 to index
        %get3A_131 = tpu.vector_load %arg8[%get3A_130] {strides = array<i32>} : memref<20096xf32, #tpu.memory_space<vmem>>, vector<16xf32>,
        %add3A_132 = arith.constant 16 : i32
        %add3A_133 = arith.addi %add3A_112, %add3A_132 : i32
        %get3A_134 = arith.index_cast %add3A_133 : i32 to index
        %get3A_135 = tpu.vector_load %arg8[%get3A_134] {strides = array<i32>} : memref<20096xf32, #tpu.memory_space<vmem>>, vector<16xf32>,
        %add3A_136 = arith.constant 32 : i32
        %add3A_137 = arith.addi %add3A_112, %add3A_136 : i32
        %get3A_138 = arith.index_cast %add3A_137 : i32 to index
        %get3A_139 = tpu.vector_load %arg8[%get3A_138] {strides = array<i32>} : memref<20096xf32, #tpu.memory_space<vmem>>, vector<16xf32>,
        %add3A_140 = arith.constant 48 : i32
        %add3A_141 = arith.addi %add3A_112, %add3A_140 : i32
        %get3A_142 = arith.index_cast %add3A_141 : i32 to index
        %get3A_143 = tpu.vector_load %arg8[%get3A_142] {strides = array<i32>} : memref<20096xf32, #tpu.memory_space<vmem>>, vector<16xf32>,
        %add3A_144 = arith.constant 0 : i32
        %add3A_145 = arith.addi %add3A_112, %add3A_144 : i32
        %get3A_146 = arith.index_cast %add3A_145 : i32 to index
        %get3A_147 = tpu.vector_load %arg9[%get3A_146] {strides = array<i32>} : memref<20096xf32, #tpu.memory_space<vmem>>, vector<16xf32>,
        %add3A_148 = arith.constant 16 : i32
        %add3A_149 = arith.addi %add3A_112, %add3A_148 : i32
        %get3A_150 = arith.index_cast %add3A_149 : i32 to index
        %get3A_151 = tpu.vector_load %arg9[%get3A_150] {strides = array<i32>} : memref<20096xf32, #tpu.memory_space<vmem>>, vector<16xf32>,
        %add3A_152 = arith.constant 32 : i32
        %add3A_153 = arith.addi %add3A_112, %add3A_152 : i32
        %get3A_154 = arith.index_cast %add3A_153 : i32 to index
        %get3A_155 = tpu.vector_load %arg9[%get3A_154] {strides = array<i32>} : memref<20096xf32, #tpu.memory_space<vmem>>, vector<16xf32>,
        %add3A_156 = arith.constant 48 : i32
        %add3A_157 = arith.addi %add3A_112, %add3A_156 : i32
        %get3A_158 = arith.index_cast %add3A_157 : i32 to index
        %get3A_159 = tpu.vector_load %arg9[%get3A_158] {strides = array<i32>} : memref<20096xf32, #tpu.memory_space<vmem>>, vector<16xf32>,
        %add3A_160 = arith.constant 0 : i32
        %add3A_161 = arith.addi %add3A_112, %add3A_160 : i32
        %get3A_162 = arith.index_cast %add3A_161 : i32 to index
        %get3A_163 = tpu.vector_load %arg10[%get3A_162] {strides = array<i32>} : memref<20096xf32, #tpu.memory_space<vmem>>, vector<16xf32>,
        %add3A_164 = arith.constant 16 : i32
        %add3A_165 = arith.addi %add3A_112, %add3A_164 : i32
        %get3A_166 = arith.index_cast %add3A_165 : i32 to index
        %get3A_167 = tpu.vector_load %arg10[%get3A_166] {strides = array<i32>} : memref<20096xf32, #tpu.memory_space<vmem>>, vector<16xf32>,
        %add3A_168 = arith.constant 32 : i32
        %add3A_169 = arith.addi %add3A_112, %add3A_168 : i32
        %get3A_170 = arith.index_cast %add3A_169 : i32 to index
        %get3A_171 = tpu.vector_load %arg10[%get3A_170] {strides = array<i32>} : memref<20096xf32, #tpu.memory_space<vmem>>, vector<16xf32>,
        %add3A_172 = arith.constant 48 : i32
        %add3A_173 = arith.addi %add3A_112, %add3A_172 : i32
        %get3A_174 = arith.index_cast %add3A_173 : i32 to index
        %get3A_175 = tpu.vector_load %arg10[%get3A_174] {strides = array<i32>} : memref<20096xf32, #tpu.memory_space<vmem>>, vector<16xf32>,
        %sub3A_176 = arith.subf %get3A_147, %get3A_115 : vector<16xf32>
        %sub3A_177 = arith.subf %get3A_163, %get3A_131 : vector<16xf32>
        %mul3A_178 = arith.mulf %sub3A_176, %sub3A_177 : vector<16xf32>
        %sub3A_179 = arith.subf %get3A_151, %get3A_119 : vector<16xf32>
        %sub3A_180 = arith.subf %get3A_167, %get3A_135 : vector<16xf32>
        %mul3A_181 = arith.mulf %sub3A_179, %sub3A_180 : vector<16xf32>
        %sub3A_182 = arith.subf %get3A_155, %get3A_123 : vector<16xf32>
        %sub3A_183 = arith.subf %get3A_171, %get3A_139 : vector<16xf32>
        %mul3A_184 = arith.mulf %sub3A_182, %sub3A_183 : vector<16xf32>
        %sub3A_185 = arith.subf %get3A_159, %get3A_127 : vector<16xf32>
        %sub3A_186 = arith.subf %get3A_175, %get3A_143 : vector<16xf32>
        %mul3A_187 = arith.mulf %sub3A_185, %sub3A_186 : vector<16xf32>
        %get3A_188 = arith.constant 0 : index
        %get3A_189 = tpu.vector_load %arg12[%get3A_188] {strides = array<i32>} : memref<128xf32, #tpu.memory_space<vmem>>, vector<16xf32>,
        %get3A_190 = arith.constant 16 : index
        %get3A_191 = tpu.vector_load %arg12[%get3A_190] {strides = array<i32>} : memref<128xf32, #tpu.memory_space<vmem>>, vector<16xf32>,
        %get3A_192 = arith.constant 32 : index
        %get3A_193 = tpu.vector_load %arg12[%get3A_192] {strides = array<i32>} : memref<128xf32, #tpu.memory_space<vmem>>, vector<16xf32>,
        %get3A_194 = arith.constant 48 : index
        %get3A_195 = tpu.vector_load %arg12[%get3A_194] {strides = array<i32>} : memref<128xf32, #tpu.memory_space<vmem>>, vector<16xf32>,
        %while3A = arith.subi %max3A_81, %max3A_36 : i32
        %while3A_196 = arith.addi %max3A_36, %while3A : i32
        %while3A_197 = arith.constant 1 : i32
        %while3A_198 = arith.divsi %while3A, %while3A_197 : i32
        %while3A_199 = arith.muli %while3A_198, %while3A_197 : i32
        %while3A_200 = arith.addi %max3A_36, %while3A_199 : i32
        %while3A_201 = arith.constant 1 : i32
        %while3A_202:4 = scf.for %while3A_316 = %max3A_36 to %while3A_200 step %while3A_201 iter_args(%while3A_317 = %get3A_189, %while3A_318 = %get3A_191, %while3A_319 = %get3A_193, %while3A_320 = %get3A_195) -> (vector<16xf32>, vector<16xf32>, vector<16xf32>, vector<16xf32>)  : i32 {
          %broadcast_in_dim3A_321 = vector.broadcast %while3A_316 : i32 to vector<16xi32>
          %gather3A = tpu.vector_load_idx %arg11[%broadcast_in_dim3A_321] : memref<1360xi32, #tpu.memory_space<vmem>>[vector<16xi32>], vector<16xi32>,
          %gather3A_322 = tpu.vector_load_idx %arg7[%gather3A] : memref<20096xf32, #tpu.memory_space<vmem>>[vector<16xi32>], vector<16xf32>,
          %gather3A_323 = tpu.vector_load_idx %arg8[%gather3A] : memref<20096xf32, #tpu.memory_space<vmem>>[vector<16xi32>], vector<16xf32>,
          %gather3A_324 = tpu.vector_load_idx %arg9[%gather3A] : memref<20096xf32, #tpu.memory_space<vmem>>[vector<16xi32>], vector<16xf32>,
          %gather3A_325 = tpu.vector_load_idx %arg10[%gather3A] : memref<20096xf32, #tpu.memory_space<vmem>>[vector<16xi32>], vector<16xf32>,
          %sub3A_326 = arith.subf %gather3A_324, %gather3A_322 : vector<16xf32>
          %sub3A_327 = arith.subf %gather3A_325, %gather3A_323 : vector<16xf32>
          %mul3A_328 = arith.mulf %sub3A_326, %sub3A_327 : vector<16xf32>
          %max3A_329 = arith.maximumf %gather3A_322, %get3A_115 : vector<16xf32>
          %max3A_330 = arith.maximumf %gather3A_323, %get3A_131 : vector<16xf32>
          %min3A = arith.minimumf %gather3A_324, %get3A_147 : vector<16xf32>
          %min3A_331 = arith.minimumf %gather3A_325, %get3A_163 : vector<16xf32>
          %sub3A_332 = arith.subf %min3A, %max3A_329 : vector<16xf32>
          %max3A_333 = arith.constant 0.000000e+00 : f32
          %max3A_334 = vector.broadcast %max3A_333 : f32 to vector<16xf32>
          %max3A_335 = arith.maximumf %max3A_334, %sub3A_332 : vector<16xf32>
          %sub3A_336 = arith.subf %min3A_331, %max3A_330 : vector<16xf32>
          %max3A_337 = arith.constant 0.000000e+00 : f32
          %max3A_338 = vector.broadcast %max3A_337 : f32 to vector<16xf32>
          %max3A_339 = arith.maximumf %max3A_338, %sub3A_336 : vector<16xf32>
          %mul3A_340 = arith.mulf %max3A_335, %max3A_339 : vector<16xf32>
          %add3A_341 = arith.addf %mul3A_328, %mul3A_178 : vector<16xf32>
          %sub3A_342 = arith.subf %add3A_341, %mul3A_340 : vector<16xf32>
          %add3A_343 = arith.constant 9.99999993E-9 : f32
          %add3A_344 = vector.broadcast %add3A_343 : f32 to vector<16xf32>
          %add3A_345 = arith.addf %sub3A_342, %add3A_344 : vector<16xf32>
          %div3A_346 = arith.divf %mul3A_340, %add3A_345 : vector<16xf32>
          %gt3A_347 = arith.constant 3.000000e-01 : f32
          %gt3A_348 = vector.broadcast %gt3A_347 : f32 to vector<16xf32>
          %gt3A_349 = arith.cmpf ogt, %div3A_346, %gt3A_348 : vector<16xf32>
          %jit3A_350 = arith.constant 1.000000e+00 : f32
          %broadcast_in_dim3A_351 = vector.broadcast %jit3A_350 : f32 to vector<16xf32>
          %select_n3A_352 = arith.select %gt3A_349, %broadcast_in_dim3A_351, %while3A_317 : vector<16xi1>, vector<16xf32>
          %max3A_353 = arith.maximumf %gather3A_322, %get3A_119 : vector<16xf32>
          %max3A_354 = arith.maximumf %gather3A_323, %get3A_135 : vector<16xf32>
          %min3A_355 = arith.minimumf %gather3A_324, %get3A_151 : vector<16xf32>
          %min3A_356 = arith.minimumf %gather3A_325, %get3A_167 : vector<16xf32>
          %sub3A_357 = arith.subf %min3A_355, %max3A_353 : vector<16xf32>
          %max3A_358 = arith.constant 0.000000e+00 : f32
          %max3A_359 = vector.broadcast %max3A_358 : f32 to vector<16xf32>
          %max3A_360 = arith.maximumf %max3A_359, %sub3A_357 : vector<16xf32>
          %sub3A_361 = arith.subf %min3A_356, %max3A_354 : vector<16xf32>
          %max3A_362 = arith.constant 0.000000e+00 : f32
          %max3A_363 = vector.broadcast %max3A_362 : f32 to vector<16xf32>
          %max3A_364 = arith.maximumf %max3A_363, %sub3A_361 : vector<16xf32>
          %mul3A_365 = arith.mulf %max3A_360, %max3A_364 : vector<16xf32>
          %add3A_366 = arith.addf %mul3A_328, %mul3A_181 : vector<16xf32>
          %sub3A_367 = arith.subf %add3A_366, %mul3A_365 : vector<16xf32>
          %add3A_368 = arith.constant 9.99999993E-9 : f32
          %add3A_369 = vector.broadcast %add3A_368 : f32 to vector<16xf32>
          %add3A_370 = arith.addf %sub3A_367, %add3A_369 : vector<16xf32>
          %div3A_371 = arith.divf %mul3A_365, %add3A_370 : vector<16xf32>
          %gt3A_372 = arith.constant 3.000000e-01 : f32
          %gt3A_373 = vector.broadcast %gt3A_372 : f32 to vector<16xf32>
          %gt3A_374 = arith.cmpf ogt, %div3A_371, %gt3A_373 : vector<16xf32>
          %jit3A_375 = arith.constant 1.000000e+00 : f32
          %broadcast_in_dim3A_376 = vector.broadcast %jit3A_375 : f32 to vector<16xf32>
          %select_n3A_377 = arith.select %gt3A_374, %broadcast_in_dim3A_376, %while3A_318 : vector<16xi1>, vector<16xf32>
          %max3A_378 = arith.maximumf %gather3A_322, %get3A_123 : vector<16xf32>
          %max3A_379 = arith.maximumf %gather3A_323, %get3A_139 : vector<16xf32>
          %min3A_380 = arith.minimumf %gather3A_324, %get3A_155 : vector<16xf32>
          %min3A_381 = arith.minimumf %gather3A_325, %get3A_171 : vector<16xf32>
          %sub3A_382 = arith.subf %min3A_380, %max3A_378 : vector<16xf32>
          %max3A_383 = arith.constant 0.000000e+00 : f32
          %max3A_384 = vector.broadcast %max3A_383 : f32 to vector<16xf32>
          %max3A_385 = arith.maximumf %max3A_384, %sub3A_382 : vector<16xf32>
          %sub3A_386 = arith.subf %min3A_381, %max3A_379 : vector<16xf32>
          %max3A_387 = arith.constant 0.000000e+00 : f32
          %max3A_388 = vector.broadcast %max3A_387 : f32 to vector<16xf32>
          %max3A_389 = arith.maximumf %max3A_388, %sub3A_386 : vector<16xf32>
          %mul3A_390 = arith.mulf %max3A_385, %max3A_389 : vector<16xf32>
          %add3A_391 = arith.addf %mul3A_328, %mul3A_184 : vector<16xf32>
          %sub3A_392 = arith.subf %add3A_391, %mul3A_390 : vector<16xf32>
          %add3A_393 = arith.constant 9.99999993E-9 : f32
          %add3A_394 = vector.broadcast %add3A_393 : f32 to vector<16xf32>
          %add3A_395 = arith.addf %sub3A_392, %add3A_394 : vector<16xf32>
          %div3A_396 = arith.divf %mul3A_390, %add3A_395 : vector<16xf32>
          %gt3A_397 = arith.constant 3.000000e-01 : f32
          %gt3A_398 = vector.broadcast %gt3A_397 : f32 to vector<16xf32>
          %gt3A_399 = arith.cmpf ogt, %div3A_396, %gt3A_398 : vector<16xf32>
          %jit3A_400 = arith.constant 1.000000e+00 : f32
          %broadcast_in_dim3A_401 = vector.broadcast %jit3A_400 : f32 to vector<16xf32>
          %select_n3A_402 = arith.select %gt3A_399, %broadcast_in_dim3A_401, %while3A_319 : vector<16xi1>, vector<16xf32>
          %max3A_403 = arith.maximumf %gather3A_322, %get3A_127 : vector<16xf32>
          %max3A_404 = arith.maximumf %gather3A_323, %get3A_143 : vector<16xf32>
          %min3A_405 = arith.minimumf %gather3A_324, %get3A_159 : vector<16xf32>
          %min3A_406 = arith.minimumf %gather3A_325, %get3A_175 : vector<16xf32>
          %sub3A_407 = arith.subf %min3A_405, %max3A_403 : vector<16xf32>
          %max3A_408 = arith.constant 0.000000e+00 : f32
          %max3A_409 = vector.broadcast %max3A_408 : f32 to vector<16xf32>
          %max3A_410 = arith.maximumf %max3A_409, %sub3A_407 : vector<16xf32>
          %sub3A_411 = arith.subf %min3A_406, %max3A_404 : vector<16xf32>
          %max3A_412 = arith.constant 0.000000e+00 : f32
          %max3A_413 = vector.broadcast %max3A_412 : f32 to vector<16xf32>
          %max3A_414 = arith.maximumf %max3A_413, %sub3A_411 : vector<16xf32>
          %mul3A_415 = arith.mulf %max3A_410, %max3A_414 : vector<16xf32>
          %add3A_416 = arith.addf %mul3A_328, %mul3A_187 : vector<16xf32>
          %sub3A_417 = arith.subf %add3A_416, %mul3A_415 : vector<16xf32>
          %add3A_418 = arith.constant 9.99999993E-9 : f32
          %add3A_419 = vector.broadcast %add3A_418 : f32 to vector<16xf32>
          %add3A_420 = arith.addf %sub3A_417, %add3A_419 : vector<16xf32>
          %div3A_421 = arith.divf %mul3A_415, %add3A_420 : vector<16xf32>
          %gt3A_422 = arith.constant 3.000000e-01 : f32
          %gt3A_423 = vector.broadcast %gt3A_422 : f32 to vector<16xf32>
          %gt3A_424 = arith.cmpf ogt, %div3A_421, %gt3A_423 : vector<16xf32>
          %jit3A_425 = arith.constant 1.000000e+00 : f32
          %broadcast_in_dim3A_426 = vector.broadcast %jit3A_425 : f32 to vector<16xf32>
          %select_n3A_427 = arith.select %gt3A_424, %broadcast_in_dim3A_426, %while3A_320 : vector<16xi1>, vector<16xf32>
          scf.yield %select_n3A_352, %select_n3A_377, %select_n3A_402, %select_n3A_427 : vector<16xf32>, vector<16xf32>, vector<16xf32>, vector<16xf32>
        }
        %while3A_203 = arith.constant 1 : i32
        %while3A_204:4 = scf.for %while3A_316 = %while3A_200 to %while3A_196 step %while3A_203 iter_args(%while3A_317 = %while3A_202#0, %while3A_318 = %while3A_202#1, %while3A_319 = %while3A_202#2, %while3A_320 = %while3A_202#3) -> (vector<16xf32>, vector<16xf32>, vector<16xf32>, vector<16xf32>)  : i32 {
          %broadcast_in_dim3A_321 = vector.broadcast %while3A_316 : i32 to vector<16xi32>
          %gather3A = tpu.vector_load_idx %arg11[%broadcast_in_dim3A_321] : memref<1360xi32, #tpu.memory_space<vmem>>[vector<16xi32>], vector<16xi32>,
          %gather3A_322 = tpu.vector_load_idx %arg7[%gather3A] : memref<20096xf32, #tpu.memory_space<vmem>>[vector<16xi32>], vector<16xf32>,
          %gather3A_323 = tpu.vector_load_idx %arg8[%gather3A] : memref<20096xf32, #tpu.memory_space<vmem>>[vector<16xi32>], vector<16xf32>,
          %gather3A_324 = tpu.vector_load_idx %arg9[%gather3A] : memref<20096xf32, #tpu.memory_space<vmem>>[vector<16xi32>], vector<16xf32>,
          %gather3A_325 = tpu.vector_load_idx %arg10[%gather3A] : memref<20096xf32, #tpu.memory_space<vmem>>[vector<16xi32>], vector<16xf32>,
          %sub3A_326 = arith.subf %gather3A_324, %gather3A_322 : vector<16xf32>
          %sub3A_327 = arith.subf %gather3A_325, %gather3A_323 : vector<16xf32>
          %mul3A_328 = arith.mulf %sub3A_326, %sub3A_327 : vector<16xf32>
          %max3A_329 = arith.maximumf %gather3A_322, %get3A_115 : vector<16xf32>
          %max3A_330 = arith.maximumf %gather3A_323, %get3A_131 : vector<16xf32>
          %min3A = arith.minimumf %gather3A_324, %get3A_147 : vector<16xf32>
          %min3A_331 = arith.minimumf %gather3A_325, %get3A_163 : vector<16xf32>
          %sub3A_332 = arith.subf %min3A, %max3A_329 : vector<16xf32>
          %max3A_333 = arith.constant 0.000000e+00 : f32
          %max3A_334 = vector.broadcast %max3A_333 : f32 to vector<16xf32>
          %max3A_335 = arith.maximumf %max3A_334, %sub3A_332 : vector<16xf32>
          %sub3A_336 = arith.subf %min3A_331, %max3A_330 : vector<16xf32>
          %max3A_337 = arith.constant 0.000000e+00 : f32
          %max3A_338 = vector.broadcast %max3A_337 : f32 to vector<16xf32>
          %max3A_339 = arith.maximumf %max3A_338, %sub3A_336 : vector<16xf32>
          %mul3A_340 = arith.mulf %max3A_335, %max3A_339 : vector<16xf32>
          %add3A_341 = arith.addf %mul3A_328, %mul3A_178 : vector<16xf32>
          %sub3A_342 = arith.subf %add3A_341, %mul3A_340 : vector<16xf32>
          %add3A_343 = arith.constant 9.99999993E-9 : f32
          %add3A_344 = vector.broadcast %add3A_343 : f32 to vector<16xf32>
          %add3A_345 = arith.addf %sub3A_342, %add3A_344 : vector<16xf32>
          %div3A_346 = arith.divf %mul3A_340, %add3A_345 : vector<16xf32>
          %gt3A_347 = arith.constant 3.000000e-01 : f32
          %gt3A_348 = vector.broadcast %gt3A_347 : f32 to vector<16xf32>
          %gt3A_349 = arith.cmpf ogt, %div3A_346, %gt3A_348 : vector<16xf32>
          %jit3A_350 = arith.constant 1.000000e+00 : f32
          %broadcast_in_dim3A_351 = vector.broadcast %jit3A_350 : f32 to vector<16xf32>
          %select_n3A_352 = arith.select %gt3A_349, %broadcast_in_dim3A_351, %while3A_317 : vector<16xi1>, vector<16xf32>
          %max3A_353 = arith.maximumf %gather3A_322, %get3A_119 : vector<16xf32>
          %max3A_354 = arith.maximumf %gather3A_323, %get3A_135 : vector<16xf32>
          %min3A_355 = arith.minimumf %gather3A_324, %get3A_151 : vector<16xf32>
          %min3A_356 = arith.minimumf %gather3A_325, %get3A_167 : vector<16xf32>
          %sub3A_357 = arith.subf %min3A_355, %max3A_353 : vector<16xf32>
          %max3A_358 = arith.constant 0.000000e+00 : f32
          %max3A_359 = vector.broadcast %max3A_358 : f32 to vector<16xf32>
          %max3A_360 = arith.maximumf %max3A_359, %sub3A_357 : vector<16xf32>
          %sub3A_361 = arith.subf %min3A_356, %max3A_354 : vector<16xf32>
          %max3A_362 = arith.constant 0.000000e+00 : f32
          %max3A_363 = vector.broadcast %max3A_362 : f32 to vector<16xf32>
          %max3A_364 = arith.maximumf %max3A_363, %sub3A_361 : vector<16xf32>
          %mul3A_365 = arith.mulf %max3A_360, %max3A_364 : vector<16xf32>
          %add3A_366 = arith.addf %mul3A_328, %mul3A_181 : vector<16xf32>
          %sub3A_367 = arith.subf %add3A_366, %mul3A_365 : vector<16xf32>
          %add3A_368 = arith.constant 9.99999993E-9 : f32
          %add3A_369 = vector.broadcast %add3A_368 : f32 to vector<16xf32>
          %add3A_370 = arith.addf %sub3A_367, %add3A_369 : vector<16xf32>
          %div3A_371 = arith.divf %mul3A_365, %add3A_370 : vector<16xf32>
          %gt3A_372 = arith.constant 3.000000e-01 : f32
          %gt3A_373 = vector.broadcast %gt3A_372 : f32 to vector<16xf32>
          %gt3A_374 = arith.cmpf ogt, %div3A_371, %gt3A_373 : vector<16xf32>
          %jit3A_375 = arith.constant 1.000000e+00 : f32
          %broadcast_in_dim3A_376 = vector.broadcast %jit3A_375 : f32 to vector<16xf32>
          %select_n3A_377 = arith.select %gt3A_374, %broadcast_in_dim3A_376, %while3A_318 : vector<16xi1>, vector<16xf32>
          %max3A_378 = arith.maximumf %gather3A_322, %get3A_123 : vector<16xf32>
          %max3A_379 = arith.maximumf %gather3A_323, %get3A_139 : vector<16xf32>
          %min3A_380 = arith.minimumf %gather3A_324, %get3A_155 : vector<16xf32>
          %min3A_381 = arith.minimumf %gather3A_325, %get3A_171 : vector<16xf32>
          %sub3A_382 = arith.subf %min3A_380, %max3A_378 : vector<16xf32>
          %max3A_383 = arith.constant 0.000000e+00 : f32
          %max3A_384 = vector.broadcast %max3A_383 : f32 to vector<16xf32>
          %max3A_385 = arith.maximumf %max3A_384, %sub3A_382 : vector<16xf32>
          %sub3A_386 = arith.subf %min3A_381, %max3A_379 : vector<16xf32>
          %max3A_387 = arith.constant 0.000000e+00 : f32
          %max3A_388 = vector.broadcast %max3A_387 : f32 to vector<16xf32>
          %max3A_389 = arith.maximumf %max3A_388, %sub3A_386 : vector<16xf32>
          %mul3A_390 = arith.mulf %max3A_385, %max3A_389 : vector<16xf32>
          %add3A_391 = arith.addf %mul3A_328, %mul3A_184 : vector<16xf32>
          %sub3A_392 = arith.subf %add3A_391, %mul3A_390 : vector<16xf32>
          %add3A_393 = arith.constant 9.99999993E-9 : f32
          %add3A_394 = vector.broadcast %add3A_393 : f32 to vector<16xf32>
          %add3A_395 = arith.addf %sub3A_392, %add3A_394 : vector<16xf32>
          %div3A_396 = arith.divf %mul3A_390, %add3A_395 : vector<16xf32>
          %gt3A_397 = arith.constant 3.000000e-01 : f32
          %gt3A_398 = vector.broadcast %gt3A_397 : f32 to vector<16xf32>
          %gt3A_399 = arith.cmpf ogt, %div3A_396, %gt3A_398 : vector<16xf32>
          %jit3A_400 = arith.constant 1.000000e+00 : f32
          %broadcast_in_dim3A_401 = vector.broadcast %jit3A_400 : f32 to vector<16xf32>
          %select_n3A_402 = arith.select %gt3A_399, %broadcast_in_dim3A_401, %while3A_319 : vector<16xi1>, vector<16xf32>
          %max3A_403 = arith.maximumf %gather3A_322, %get3A_127 : vector<16xf32>
          %max3A_404 = arith.maximumf %gather3A_323, %get3A_143 : vector<16xf32>
          %min3A_405 = arith.minimumf %gather3A_324, %get3A_159 : vector<16xf32>
          %min3A_406 = arith.minimumf %gather3A_325, %get3A_175 : vector<16xf32>
          %sub3A_407 = arith.subf %min3A_405, %max3A_403 : vector<16xf32>
          %max3A_408 = arith.constant 0.000000e+00 : f32
          %max3A_409 = vector.broadcast %max3A_408 : f32 to vector<16xf32>
          %max3A_410 = arith.maximumf %max3A_409, %sub3A_407 : vector<16xf32>
          %sub3A_411 = arith.subf %min3A_406, %max3A_404 : vector<16xf32>
          %max3A_412 = arith.constant 0.000000e+00 : f32
          %max3A_413 = vector.broadcast %max3A_412 : f32 to vector<16xf32>
          %max3A_414 = arith.maximumf %max3A_413, %sub3A_411 : vector<16xf32>
          %mul3A_415 = arith.mulf %max3A_410, %max3A_414 : vector<16xf32>
          %add3A_416 = arith.addf %mul3A_328, %mul3A_187 : vector<16xf32>
          %sub3A_417 = arith.subf %add3A_416, %mul3A_415 : vector<16xf32>
          %add3A_418 = arith.constant 9.99999993E-9 : f32
          %add3A_419 = vector.broadcast %add3A_418 : f32 to vector<16xf32>
          %add3A_420 = arith.addf %sub3A_417, %add3A_419 : vector<16xf32>
          %div3A_421 = arith.divf %mul3A_415, %add3A_420 : vector<16xf32>
          %gt3A_422 = arith.constant 3.000000e-01 : f32
          %gt3A_423 = vector.broadcast %gt3A_422 : f32 to vector<16xf32>
          %gt3A_424 = arith.cmpf ogt, %div3A_421, %gt3A_423 : vector<16xf32>
          %jit3A_425 = arith.constant 1.000000e+00 : f32
          %broadcast_in_dim3A_426 = vector.broadcast %jit3A_425 : f32 to vector<16xf32>
          %select_n3A_427 = arith.select %gt3A_424, %broadcast_in_dim3A_426, %while3A_320 : vector<16xi1>, vector<16xf32>
          scf.yield %select_n3A_352, %select_n3A_377, %select_n3A_402, %select_n3A_427 : vector<16xf32>, vector<16xf32>, vector<16xf32>, vector<16xf32>
        }
        %swap3A = arith.constant 0 : index
        %swap3A_205 = tpu.vector_load %arg12[%swap3A] {strides = array<i32>} : memref<128xf32, #tpu.memory_space<vmem>>, vector<16xf32>,
        tpu.vector_store %arg12[%swap3A], %while3A_204#0 {strides = array<i32>} : memref<128xf32, #tpu.memory_space<vmem>>, vector<16xf32>,
        %swap3A_206 = arith.constant 16 : index
        %swap3A_207 = tpu.vector_load %arg12[%swap3A_206] {strides = array<i32>} : memref<128xf32, #tpu.memory_space<vmem>>, vector<16xf32>,
        tpu.vector_store %arg12[%swap3A_206], %while3A_204#1 {strides = array<i32>} : memref<128xf32, #tpu.memory_space<vmem>>, vector<16xf32>,
        %swap3A_208 = arith.constant 32 : index
        %swap3A_209 = tpu.vector_load %arg12[%swap3A_208] {strides = array<i32>} : memref<128xf32, #tpu.memory_space<vmem>>, vector<16xf32>,
        tpu.vector_store %arg12[%swap3A_208], %while3A_204#2 {strides = array<i32>} : memref<128xf32, #tpu.memory_space<vmem>>, vector<16xf32>,
        %swap3A_210 = arith.constant 48 : index
        %swap3A_211 = tpu.vector_load %arg12[%swap3A_210] {strides = array<i32>} : memref<128xf32, #tpu.memory_space<vmem>>, vector<16xf32>,
        tpu.vector_store %arg12[%swap3A_210], %while3A_204#3 {strides = array<i32>} : memref<128xf32, #tpu.memory_space<vmem>>, vector<16xf32>,
        %add3A_212 = arith.constant 64 : i32
        %add3A_213 = arith.addi %mul3A_15, %add3A_212 : i32
        %add3A_214 = arith.constant 0 : i32
        %add3A_215 = arith.addi %add3A_213, %add3A_214 : i32
        %get3A_216 = arith.index_cast %add3A_215 : i32 to index
        %get3A_217 = tpu.vector_load %arg7[%get3A_216] {strides = array<i32>} : memref<20096xf32, #tpu.memory_space<vmem>>, vector<16xf32>,
        %add3A_218 = arith.constant 16 : i32
        %add3A_219 = arith.addi %add3A_213, %add3A_218 : i32
        %get3A_220 = arith.index_cast %add3A_219 : i32 to index
        %get3A_221 = tpu.vector_load %arg7[%get3A_220] {strides = array<i32>} : memref<20096xf32, #tpu.memory_space<vmem>>, vector<16xf32>,
        %add3A_222 = arith.constant 32 : i32
        %add3A_223 = arith.addi %add3A_213, %add3A_222 : i32
        %get3A_224 = arith.index_cast %add3A_223 : i32 to index
        %get3A_225 = tpu.vector_load %arg7[%get3A_224] {strides = array<i32>} : memref<20096xf32, #tpu.memory_space<vmem>>, vector<16xf32>,
        %add3A_226 = arith.constant 48 : i32
        %add3A_227 = arith.addi %add3A_213, %add3A_226 : i32
        %get3A_228 = arith.index_cast %add3A_227 : i32 to index
        %get3A_229 = tpu.vector_load %arg7[%get3A_228] {strides = array<i32>} : memref<20096xf32, #tpu.memory_space<vmem>>, vector<16xf32>,
        %add3A_230 = arith.constant 0 : i32
        %add3A_231 = arith.addi %add3A_213, %add3A_230 : i32
        %get3A_232 = arith.index_cast %add3A_231 : i32 to index
        %get3A_233 = tpu.vector_load %arg8[%get3A_232] {strides = array<i32>} : memref<20096xf32, #tpu.memory_space<vmem>>, vector<16xf32>,
        %add3A_234 = arith.constant 16 : i32
        %add3A_235 = arith.addi %add3A_213, %add3A_234 : i32
        %get3A_236 = arith.index_cast %add3A_235 : i32 to index
        %get3A_237 = tpu.vector_load %arg8[%get3A_236] {strides = array<i32>} : memref<20096xf32, #tpu.memory_space<vmem>>, vector<16xf32>,
        %add3A_238 = arith.constant 32 : i32
        %add3A_239 = arith.addi %add3A_213, %add3A_238 : i32
        %get3A_240 = arith.index_cast %add3A_239 : i32 to index
        %get3A_241 = tpu.vector_load %arg8[%get3A_240] {strides = array<i32>} : memref<20096xf32, #tpu.memory_space<vmem>>, vector<16xf32>,
        %add3A_242 = arith.constant 48 : i32
        %add3A_243 = arith.addi %add3A_213, %add3A_242 : i32
        %get3A_244 = arith.index_cast %add3A_243 : i32 to index
        %get3A_245 = tpu.vector_load %arg8[%get3A_244] {strides = array<i32>} : memref<20096xf32, #tpu.memory_space<vmem>>, vector<16xf32>,
        %add3A_246 = arith.constant 0 : i32
        %add3A_247 = arith.addi %add3A_213, %add3A_246 : i32
        %get3A_248 = arith.index_cast %add3A_247 : i32 to index
        %get3A_249 = tpu.vector_load %arg9[%get3A_248] {strides = array<i32>} : memref<20096xf32, #tpu.memory_space<vmem>>, vector<16xf32>,
        %add3A_250 = arith.constant 16 : i32
        %add3A_251 = arith.addi %add3A_213, %add3A_250 : i32
        %get3A_252 = arith.index_cast %add3A_251 : i32 to index
        %get3A_253 = tpu.vector_load %arg9[%get3A_252] {strides = array<i32>} : memref<20096xf32, #tpu.memory_space<vmem>>, vector<16xf32>,
        %add3A_254 = arith.constant 32 : i32
        %add3A_255 = arith.addi %add3A_213, %add3A_254 : i32
        %get3A_256 = arith.index_cast %add3A_255 : i32 to index
        %get3A_257 = tpu.vector_load %arg9[%get3A_256] {strides = array<i32>} : memref<20096xf32, #tpu.memory_space<vmem>>, vector<16xf32>,
        %add3A_258 = arith.constant 48 : i32
        %add3A_259 = arith.addi %add3A_213, %add3A_258 : i32
        %get3A_260 = arith.index_cast %add3A_259 : i32 to index
        %get3A_261 = tpu.vector_load %arg9[%get3A_260] {strides = array<i32>} : memref<20096xf32, #tpu.memory_space<vmem>>, vector<16xf32>,
        %add3A_262 = arith.constant 0 : i32
        %add3A_263 = arith.addi %add3A_213, %add3A_262 : i32
        %get3A_264 = arith.index_cast %add3A_263 : i32 to index
        %get3A_265 = tpu.vector_load %arg10[%get3A_264] {strides = array<i32>} : memref<20096xf32, #tpu.memory_space<vmem>>, vector<16xf32>,
        %add3A_266 = arith.constant 16 : i32
        %add3A_267 = arith.addi %add3A_213, %add3A_266 : i32
        %get3A_268 = arith.index_cast %add3A_267 : i32 to index
        %get3A_269 = tpu.vector_load %arg10[%get3A_268] {strides = array<i32>} : memref<20096xf32, #tpu.memory_space<vmem>>, vector<16xf32>,
        %add3A_270 = arith.constant 32 : i32
        %add3A_271 = arith.addi %add3A_213, %add3A_270 : i32
        %get3A_272 = arith.index_cast %add3A_271 : i32 to index
        %get3A_273 = tpu.vector_load %arg10[%get3A_272] {strides = array<i32>} : memref<20096xf32, #tpu.memory_space<vmem>>, vector<16xf32>,
        %add3A_274 = arith.constant 48 : i32
        %add3A_275 = arith.addi %add3A_213, %add3A_274 : i32
        %get3A_276 = arith.index_cast %add3A_275 : i32 to index
        %get3A_277 = tpu.vector_load %arg10[%get3A_276] {strides = array<i32>} : memref<20096xf32, #tpu.memory_space<vmem>>, vector<16xf32>,
        %sub3A_278 = arith.subf %get3A_249, %get3A_217 : vector<16xf32>
        %sub3A_279 = arith.subf %get3A_265, %get3A_233 : vector<16xf32>
        %mul3A_280 = arith.mulf %sub3A_278, %sub3A_279 : vector<16xf32>
        %sub3A_281 = arith.subf %get3A_253, %get3A_221 : vector<16xf32>
        %sub3A_282 = arith.subf %get3A_269, %get3A_237 : vector<16xf32>
        %mul3A_283 = arith.mulf %sub3A_281, %sub3A_282 : vector<16xf32>
        %sub3A_284 = arith.subf %get3A_257, %get3A_225 : vector<16xf32>
        %sub3A_285 = arith.subf %get3A_273, %get3A_241 : vector<16xf32>
        %mul3A_286 = arith.mulf %sub3A_284, %sub3A_285 : vector<16xf32>
        %sub3A_287 = arith.subf %get3A_261, %get3A_229 : vector<16xf32>
        %sub3A_288 = arith.subf %get3A_277, %get3A_245 : vector<16xf32>
        %mul3A_289 = arith.mulf %sub3A_287, %sub3A_288 : vector<16xf32>
        %get3A_290 = arith.constant 64 : index
        %get3A_291 = tpu.vector_load %arg12[%get3A_290] {strides = array<i32>} : memref<128xf32, #tpu.memory_space<vmem>>, vector<16xf32>,
        %get3A_292 = arith.constant 80 : index
        %get3A_293 = tpu.vector_load %arg12[%get3A_292] {strides = array<i32>} : memref<128xf32, #tpu.memory_space<vmem>>, vector<16xf32>,
        %get3A_294 = arith.constant 96 : index
        %get3A_295 = tpu.vector_load %arg12[%get3A_294] {strides = array<i32>} : memref<128xf32, #tpu.memory_space<vmem>>, vector<16xf32>,
        %get3A_296 = arith.constant 112 : index
        %get3A_297 = tpu.vector_load %arg12[%get3A_296] {strides = array<i32>} : memref<128xf32, #tpu.memory_space<vmem>>, vector<16xf32>,
        %while3A_298 = arith.subi %max3A_81, %max3A_36 : i32
        %while3A_299 = arith.addi %max3A_36, %while3A_298 : i32
        %while3A_300 = arith.constant 1 : i32
        %while3A_301 = arith.divsi %while3A_298, %while3A_300 : i32
        %while3A_302 = arith.muli %while3A_301, %while3A_300 : i32
        %while3A_303 = arith.addi %max3A_36, %while3A_302 : i32
        %while3A_304 = arith.constant 1 : i32
        %while3A_305:4 = scf.for %while3A_316 = %max3A_36 to %while3A_303 step %while3A_304 iter_args(%while3A_317 = %get3A_291, %while3A_318 = %get3A_293, %while3A_319 = %get3A_295, %while3A_320 = %get3A_297) -> (vector<16xf32>, vector<16xf32>, vector<16xf32>, vector<16xf32>)  : i32 {
          %broadcast_in_dim3A_321 = vector.broadcast %while3A_316 : i32 to vector<16xi32>
          %gather3A = tpu.vector_load_idx %arg11[%broadcast_in_dim3A_321] : memref<1360xi32, #tpu.memory_space<vmem>>[vector<16xi32>], vector<16xi32>,
          %gather3A_322 = tpu.vector_load_idx %arg7[%gather3A] : memref<20096xf32, #tpu.memory_space<vmem>>[vector<16xi32>], vector<16xf32>,
          %gather3A_323 = tpu.vector_load_idx %arg8[%gather3A] : memref<20096xf32, #tpu.memory_space<vmem>>[vector<16xi32>], vector<16xf32>,
          %gather3A_324 = tpu.vector_load_idx %arg9[%gather3A] : memref<20096xf32, #tpu.memory_space<vmem>>[vector<16xi32>], vector<16xf32>,
          %gather3A_325 = tpu.vector_load_idx %arg10[%gather3A] : memref<20096xf32, #tpu.memory_space<vmem>>[vector<16xi32>], vector<16xf32>,
          %sub3A_326 = arith.subf %gather3A_324, %gather3A_322 : vector<16xf32>
          %sub3A_327 = arith.subf %gather3A_325, %gather3A_323 : vector<16xf32>
          %mul3A_328 = arith.mulf %sub3A_326, %sub3A_327 : vector<16xf32>
          %max3A_329 = arith.maximumf %gather3A_322, %get3A_217 : vector<16xf32>
          %max3A_330 = arith.maximumf %gather3A_323, %get3A_233 : vector<16xf32>
          %min3A = arith.minimumf %gather3A_324, %get3A_249 : vector<16xf32>
          %min3A_331 = arith.minimumf %gather3A_325, %get3A_265 : vector<16xf32>
          %sub3A_332 = arith.subf %min3A, %max3A_329 : vector<16xf32>
          %max3A_333 = arith.constant 0.000000e+00 : f32
          %max3A_334 = vector.broadcast %max3A_333 : f32 to vector<16xf32>
          %max3A_335 = arith.maximumf %max3A_334, %sub3A_332 : vector<16xf32>
          %sub3A_336 = arith.subf %min3A_331, %max3A_330 : vector<16xf32>
          %max3A_337 = arith.constant 0.000000e+00 : f32
          %max3A_338 = vector.broadcast %max3A_337 : f32 to vector<16xf32>
          %max3A_339 = arith.maximumf %max3A_338, %sub3A_336 : vector<16xf32>
          %mul3A_340 = arith.mulf %max3A_335, %max3A_339 : vector<16xf32>
          %add3A_341 = arith.addf %mul3A_328, %mul3A_280 : vector<16xf32>
          %sub3A_342 = arith.subf %add3A_341, %mul3A_340 : vector<16xf32>
          %add3A_343 = arith.constant 9.99999993E-9 : f32
          %add3A_344 = vector.broadcast %add3A_343 : f32 to vector<16xf32>
          %add3A_345 = arith.addf %sub3A_342, %add3A_344 : vector<16xf32>
          %div3A_346 = arith.divf %mul3A_340, %add3A_345 : vector<16xf32>
          %gt3A_347 = arith.constant 3.000000e-01 : f32
          %gt3A_348 = vector.broadcast %gt3A_347 : f32 to vector<16xf32>
          %gt3A_349 = arith.cmpf ogt, %div3A_346, %gt3A_348 : vector<16xf32>
          %jit3A_350 = arith.constant 1.000000e+00 : f32
          %broadcast_in_dim3A_351 = vector.broadcast %jit3A_350 : f32 to vector<16xf32>
          %select_n3A_352 = arith.select %gt3A_349, %broadcast_in_dim3A_351, %while3A_317 : vector<16xi1>, vector<16xf32>
          %max3A_353 = arith.maximumf %gather3A_322, %get3A_221 : vector<16xf32>
          %max3A_354 = arith.maximumf %gather3A_323, %get3A_237 : vector<16xf32>
          %min3A_355 = arith.minimumf %gather3A_324, %get3A_253 : vector<16xf32>
          %min3A_356 = arith.minimumf %gather3A_325, %get3A_269 : vector<16xf32>
          %sub3A_357 = arith.subf %min3A_355, %max3A_353 : vector<16xf32>
          %max3A_358 = arith.constant 0.000000e+00 : f32
          %max3A_359 = vector.broadcast %max3A_358 : f32 to vector<16xf32>
          %max3A_360 = arith.maximumf %max3A_359, %sub3A_357 : vector<16xf32>
          %sub3A_361 = arith.subf %min3A_356, %max3A_354 : vector<16xf32>
          %max3A_362 = arith.constant 0.000000e+00 : f32
          %max3A_363 = vector.broadcast %max3A_362 : f32 to vector<16xf32>
          %max3A_364 = arith.maximumf %max3A_363, %sub3A_361 : vector<16xf32>
          %mul3A_365 = arith.mulf %max3A_360, %max3A_364 : vector<16xf32>
          %add3A_366 = arith.addf %mul3A_328, %mul3A_283 : vector<16xf32>
          %sub3A_367 = arith.subf %add3A_366, %mul3A_365 : vector<16xf32>
          %add3A_368 = arith.constant 9.99999993E-9 : f32
          %add3A_369 = vector.broadcast %add3A_368 : f32 to vector<16xf32>
          %add3A_370 = arith.addf %sub3A_367, %add3A_369 : vector<16xf32>
          %div3A_371 = arith.divf %mul3A_365, %add3A_370 : vector<16xf32>
          %gt3A_372 = arith.constant 3.000000e-01 : f32
          %gt3A_373 = vector.broadcast %gt3A_372 : f32 to vector<16xf32>
          %gt3A_374 = arith.cmpf ogt, %div3A_371, %gt3A_373 : vector<16xf32>
          %jit3A_375 = arith.constant 1.000000e+00 : f32
          %broadcast_in_dim3A_376 = vector.broadcast %jit3A_375 : f32 to vector<16xf32>
          %select_n3A_377 = arith.select %gt3A_374, %broadcast_in_dim3A_376, %while3A_318 : vector<16xi1>, vector<16xf32>
          %max3A_378 = arith.maximumf %gather3A_322, %get3A_225 : vector<16xf32>
          %max3A_379 = arith.maximumf %gather3A_323, %get3A_241 : vector<16xf32>
          %min3A_380 = arith.minimumf %gather3A_324, %get3A_257 : vector<16xf32>
          %min3A_381 = arith.minimumf %gather3A_325, %get3A_273 : vector<16xf32>
          %sub3A_382 = arith.subf %min3A_380, %max3A_378 : vector<16xf32>
          %max3A_383 = arith.constant 0.000000e+00 : f32
          %max3A_384 = vector.broadcast %max3A_383 : f32 to vector<16xf32>
          %max3A_385 = arith.maximumf %max3A_384, %sub3A_382 : vector<16xf32>
          %sub3A_386 = arith.subf %min3A_381, %max3A_379 : vector<16xf32>
          %max3A_387 = arith.constant 0.000000e+00 : f32
          %max3A_388 = vector.broadcast %max3A_387 : f32 to vector<16xf32>
          %max3A_389 = arith.maximumf %max3A_388, %sub3A_386 : vector<16xf32>
          %mul3A_390 = arith.mulf %max3A_385, %max3A_389 : vector<16xf32>
          %add3A_391 = arith.addf %mul3A_328, %mul3A_286 : vector<16xf32>
          %sub3A_392 = arith.subf %add3A_391, %mul3A_390 : vector<16xf32>
          %add3A_393 = arith.constant 9.99999993E-9 : f32
          %add3A_394 = vector.broadcast %add3A_393 : f32 to vector<16xf32>
          %add3A_395 = arith.addf %sub3A_392, %add3A_394 : vector<16xf32>
          %div3A_396 = arith.divf %mul3A_390, %add3A_395 : vector<16xf32>
          %gt3A_397 = arith.constant 3.000000e-01 : f32
          %gt3A_398 = vector.broadcast %gt3A_397 : f32 to vector<16xf32>
          %gt3A_399 = arith.cmpf ogt, %div3A_396, %gt3A_398 : vector<16xf32>
          %jit3A_400 = arith.constant 1.000000e+00 : f32
          %broadcast_in_dim3A_401 = vector.broadcast %jit3A_400 : f32 to vector<16xf32>
          %select_n3A_402 = arith.select %gt3A_399, %broadcast_in_dim3A_401, %while3A_319 : vector<16xi1>, vector<16xf32>
          %max3A_403 = arith.maximumf %gather3A_322, %get3A_229 : vector<16xf32>
          %max3A_404 = arith.maximumf %gather3A_323, %get3A_245 : vector<16xf32>
          %min3A_405 = arith.minimumf %gather3A_324, %get3A_261 : vector<16xf32>
          %min3A_406 = arith.minimumf %gather3A_325, %get3A_277 : vector<16xf32>
          %sub3A_407 = arith.subf %min3A_405, %max3A_403 : vector<16xf32>
          %max3A_408 = arith.constant 0.000000e+00 : f32
          %max3A_409 = vector.broadcast %max3A_408 : f32 to vector<16xf32>
          %max3A_410 = arith.maximumf %max3A_409, %sub3A_407 : vector<16xf32>
          %sub3A_411 = arith.subf %min3A_406, %max3A_404 : vector<16xf32>
          %max3A_412 = arith.constant 0.000000e+00 : f32
          %max3A_413 = vector.broadcast %max3A_412 : f32 to vector<16xf32>
          %max3A_414 = arith.maximumf %max3A_413, %sub3A_411 : vector<16xf32>
          %mul3A_415 = arith.mulf %max3A_410, %max3A_414 : vector<16xf32>
          %add3A_416 = arith.addf %mul3A_328, %mul3A_289 : vector<16xf32>
          %sub3A_417 = arith.subf %add3A_416, %mul3A_415 : vector<16xf32>
          %add3A_418 = arith.constant 9.99999993E-9 : f32
          %add3A_419 = vector.broadcast %add3A_418 : f32 to vector<16xf32>
          %add3A_420 = arith.addf %sub3A_417, %add3A_419 : vector<16xf32>
          %div3A_421 = arith.divf %mul3A_415, %add3A_420 : vector<16xf32>
          %gt3A_422 = arith.constant 3.000000e-01 : f32
          %gt3A_423 = vector.broadcast %gt3A_422 : f32 to vector<16xf32>
          %gt3A_424 = arith.cmpf ogt, %div3A_421, %gt3A_423 : vector<16xf32>
          %jit3A_425 = arith.constant 1.000000e+00 : f32
          %broadcast_in_dim3A_426 = vector.broadcast %jit3A_425 : f32 to vector<16xf32>
          %select_n3A_427 = arith.select %gt3A_424, %broadcast_in_dim3A_426, %while3A_320 : vector<16xi1>, vector<16xf32>
          scf.yield %select_n3A_352, %select_n3A_377, %select_n3A_402, %select_n3A_427 : vector<16xf32>, vector<16xf32>, vector<16xf32>, vector<16xf32>
        }
        %while3A_306 = arith.constant 1 : i32
        %while3A_307:4 = scf.for %while3A_316 = %while3A_303 to %while3A_299 step %while3A_306 iter_args(%while3A_317 = %while3A_305#0, %while3A_318 = %while3A_305#1, %while3A_319 = %while3A_305#2, %while3A_320 = %while3A_305#3) -> (vector<16xf32>, vector<16xf32>, vector<16xf32>, vector<16xf32>)  : i32 {
          %broadcast_in_dim3A_321 = vector.broadcast %while3A_316 : i32 to vector<16xi32>
          %gather3A = tpu.vector_load_idx %arg11[%broadcast_in_dim3A_321] : memref<1360xi32, #tpu.memory_space<vmem>>[vector<16xi32>], vector<16xi32>,
          %gather3A_322 = tpu.vector_load_idx %arg7[%gather3A] : memref<20096xf32, #tpu.memory_space<vmem>>[vector<16xi32>], vector<16xf32>,
          %gather3A_323 = tpu.vector_load_idx %arg8[%gather3A] : memref<20096xf32, #tpu.memory_space<vmem>>[vector<16xi32>], vector<16xf32>,
          %gather3A_324 = tpu.vector_load_idx %arg9[%gather3A] : memref<20096xf32, #tpu.memory_space<vmem>>[vector<16xi32>], vector<16xf32>,
          %gather3A_325 = tpu.vector_load_idx %arg10[%gather3A] : memref<20096xf32, #tpu.memory_space<vmem>>[vector<16xi32>], vector<16xf32>,
          %sub3A_326 = arith.subf %gather3A_324, %gather3A_322 : vector<16xf32>
          %sub3A_327 = arith.subf %gather3A_325, %gather3A_323 : vector<16xf32>
          %mul3A_328 = arith.mulf %sub3A_326, %sub3A_327 : vector<16xf32>
          %max3A_329 = arith.maximumf %gather3A_322, %get3A_217 : vector<16xf32>
          %max3A_330 = arith.maximumf %gather3A_323, %get3A_233 : vector<16xf32>
          %min3A = arith.minimumf %gather3A_324, %get3A_249 : vector<16xf32>
          %min3A_331 = arith.minimumf %gather3A_325, %get3A_265 : vector<16xf32>
          %sub3A_332 = arith.subf %min3A, %max3A_329 : vector<16xf32>
          %max3A_333 = arith.constant 0.000000e+00 : f32
          %max3A_334 = vector.broadcast %max3A_333 : f32 to vector<16xf32>
          %max3A_335 = arith.maximumf %max3A_334, %sub3A_332 : vector<16xf32>
          %sub3A_336 = arith.subf %min3A_331, %max3A_330 : vector<16xf32>
          %max3A_337 = arith.constant 0.000000e+00 : f32
          %max3A_338 = vector.broadcast %max3A_337 : f32 to vector<16xf32>
          %max3A_339 = arith.maximumf %max3A_338, %sub3A_336 : vector<16xf32>
          %mul3A_340 = arith.mulf %max3A_335, %max3A_339 : vector<16xf32>
          %add3A_341 = arith.addf %mul3A_328, %mul3A_280 : vector<16xf32>
          %sub3A_342 = arith.subf %add3A_341, %mul3A_340 : vector<16xf32>
          %add3A_343 = arith.constant 9.99999993E-9 : f32
          %add3A_344 = vector.broadcast %add3A_343 : f32 to vector<16xf32>
          %add3A_345 = arith.addf %sub3A_342, %add3A_344 : vector<16xf32>
          %div3A_346 = arith.divf %mul3A_340, %add3A_345 : vector<16xf32>
          %gt3A_347 = arith.constant 3.000000e-01 : f32
          %gt3A_348 = vector.broadcast %gt3A_347 : f32 to vector<16xf32>
          %gt3A_349 = arith.cmpf ogt, %div3A_346, %gt3A_348 : vector<16xf32>
          %jit3A_350 = arith.constant 1.000000e+00 : f32
          %broadcast_in_dim3A_351 = vector.broadcast %jit3A_350 : f32 to vector<16xf32>
          %select_n3A_352 = arith.select %gt3A_349, %broadcast_in_dim3A_351, %while3A_317 : vector<16xi1>, vector<16xf32>
          %max3A_353 = arith.maximumf %gather3A_322, %get3A_221 : vector<16xf32>
          %max3A_354 = arith.maximumf %gather3A_323, %get3A_237 : vector<16xf32>
          %min3A_355 = arith.minimumf %gather3A_324, %get3A_253 : vector<16xf32>
          %min3A_356 = arith.minimumf %gather3A_325, %get3A_269 : vector<16xf32>
          %sub3A_357 = arith.subf %min3A_355, %max3A_353 : vector<16xf32>
          %max3A_358 = arith.constant 0.000000e+00 : f32
          %max3A_359 = vector.broadcast %max3A_358 : f32 to vector<16xf32>
          %max3A_360 = arith.maximumf %max3A_359, %sub3A_357 : vector<16xf32>
          %sub3A_361 = arith.subf %min3A_356, %max3A_354 : vector<16xf32>
          %max3A_362 = arith.constant 0.000000e+00 : f32
          %max3A_363 = vector.broadcast %max3A_362 : f32 to vector<16xf32>
          %max3A_364 = arith.maximumf %max3A_363, %sub3A_361 : vector<16xf32>
          %mul3A_365 = arith.mulf %max3A_360, %max3A_364 : vector<16xf32>
          %add3A_366 = arith.addf %mul3A_328, %mul3A_283 : vector<16xf32>
          %sub3A_367 = arith.subf %add3A_366, %mul3A_365 : vector<16xf32>
          %add3A_368 = arith.constant 9.99999993E-9 : f32
          %add3A_369 = vector.broadcast %add3A_368 : f32 to vector<16xf32>
          %add3A_370 = arith.addf %sub3A_367, %add3A_369 : vector<16xf32>
          %div3A_371 = arith.divf %mul3A_365, %add3A_370 : vector<16xf32>
          %gt3A_372 = arith.constant 3.000000e-01 : f32
          %gt3A_373 = vector.broadcast %gt3A_372 : f32 to vector<16xf32>
          %gt3A_374 = arith.cmpf ogt, %div3A_371, %gt3A_373 : vector<16xf32>
          %jit3A_375 = arith.constant 1.000000e+00 : f32
          %broadcast_in_dim3A_376 = vector.broadcast %jit3A_375 : f32 to vector<16xf32>
          %select_n3A_377 = arith.select %gt3A_374, %broadcast_in_dim3A_376, %while3A_318 : vector<16xi1>, vector<16xf32>
          %max3A_378 = arith.maximumf %gather3A_322, %get3A_225 : vector<16xf32>
          %max3A_379 = arith.maximumf %gather3A_323, %get3A_241 : vector<16xf32>
          %min3A_380 = arith.minimumf %gather3A_324, %get3A_257 : vector<16xf32>
          %min3A_381 = arith.minimumf %gather3A_325, %get3A_273 : vector<16xf32>
          %sub3A_382 = arith.subf %min3A_380, %max3A_378 : vector<16xf32>
          %max3A_383 = arith.constant 0.000000e+00 : f32
          %max3A_384 = vector.broadcast %max3A_383 : f32 to vector<16xf32>
          %max3A_385 = arith.maximumf %max3A_384, %sub3A_382 : vector<16xf32>
          %sub3A_386 = arith.subf %min3A_381, %max3A_379 : vector<16xf32>
          %max3A_387 = arith.constant 0.000000e+00 : f32
          %max3A_388 = vector.broadcast %max3A_387 : f32 to vector<16xf32>
          %max3A_389 = arith.maximumf %max3A_388, %sub3A_386 : vector<16xf32>
          %mul3A_390 = arith.mulf %max3A_385, %max3A_389 : vector<16xf32>
          %add3A_391 = arith.addf %mul3A_328, %mul3A_286 : vector<16xf32>
          %sub3A_392 = arith.subf %add3A_391, %mul3A_390 : vector<16xf32>
          %add3A_393 = arith.constant 9.99999993E-9 : f32
          %add3A_394 = vector.broadcast %add3A_393 : f32 to vector<16xf32>
          %add3A_395 = arith.addf %sub3A_392, %add3A_394 : vector<16xf32>
          %div3A_396 = arith.divf %mul3A_390, %add3A_395 : vector<16xf32>
          %gt3A_397 = arith.constant 3.000000e-01 : f32
          %gt3A_398 = vector.broadcast %gt3A_397 : f32 to vector<16xf32>
          %gt3A_399 = arith.cmpf ogt, %div3A_396, %gt3A_398 : vector<16xf32>
          %jit3A_400 = arith.constant 1.000000e+00 : f32
          %broadcast_in_dim3A_401 = vector.broadcast %jit3A_400 : f32 to vector<16xf32>
          %select_n3A_402 = arith.select %gt3A_399, %broadcast_in_dim3A_401, %while3A_319 : vector<16xi1>, vector<16xf32>
          %max3A_403 = arith.maximumf %gather3A_322, %get3A_229 : vector<16xf32>
          %max3A_404 = arith.maximumf %gather3A_323, %get3A_245 : vector<16xf32>
          %min3A_405 = arith.minimumf %gather3A_324, %get3A_261 : vector<16xf32>
          %min3A_406 = arith.minimumf %gather3A_325, %get3A_277 : vector<16xf32>
          %sub3A_407 = arith.subf %min3A_405, %max3A_403 : vector<16xf32>
          %max3A_408 = arith.constant 0.000000e+00 : f32
          %max3A_409 = vector.broadcast %max3A_408 : f32 to vector<16xf32>
          %max3A_410 = arith.maximumf %max3A_409, %sub3A_407 : vector<16xf32>
          %sub3A_411 = arith.subf %min3A_406, %max3A_404 : vector<16xf32>
          %max3A_412 = arith.constant 0.000000e+00 : f32
          %max3A_413 = vector.broadcast %max3A_412 : f32 to vector<16xf32>
          %max3A_414 = arith.maximumf %max3A_413, %sub3A_411 : vector<16xf32>
          %mul3A_415 = arith.mulf %max3A_410, %max3A_414 : vector<16xf32>
          %add3A_416 = arith.addf %mul3A_328, %mul3A_289 : vector<16xf32>
          %sub3A_417 = arith.subf %add3A_416, %mul3A_415 : vector<16xf32>
          %add3A_418 = arith.constant 9.99999993E-9 : f32
          %add3A_419 = vector.broadcast %add3A_418 : f32 to vector<16xf32>
          %add3A_420 = arith.addf %sub3A_417, %add3A_419 : vector<16xf32>
          %div3A_421 = arith.divf %mul3A_415, %add3A_420 : vector<16xf32>
          %gt3A_422 = arith.constant 3.000000e-01 : f32
          %gt3A_423 = vector.broadcast %gt3A_422 : f32 to vector<16xf32>
          %gt3A_424 = arith.cmpf ogt, %div3A_421, %gt3A_423 : vector<16xf32>
          %jit3A_425 = arith.constant 1.000000e+00 : f32
          %broadcast_in_dim3A_426 = vector.broadcast %jit3A_425 : f32 to vector<16xf32>
          %select_n3A_427 = arith.select %gt3A_424, %broadcast_in_dim3A_426, %while3A_320 : vector<16xi1>, vector<16xf32>
          scf.yield %select_n3A_352, %select_n3A_377, %select_n3A_402, %select_n3A_427 : vector<16xf32>, vector<16xf32>, vector<16xf32>, vector<16xf32>
        }
        %swap3A_308 = arith.constant 64 : index
        %swap3A_309 = tpu.vector_load %arg12[%swap3A_308] {strides = array<i32>} : memref<128xf32, #tpu.memory_space<vmem>>, vector<16xf32>,
        tpu.vector_store %arg12[%swap3A_308], %while3A_307#0 {strides = array<i32>} : memref<128xf32, #tpu.memory_space<vmem>>, vector<16xf32>,
        %swap3A_310 = arith.constant 80 : index
        %swap3A_311 = tpu.vector_load %arg12[%swap3A_310] {strides = array<i32>} : memref<128xf32, #tpu.memory_space<vmem>>, vector<16xf32>,
        tpu.vector_store %arg12[%swap3A_310], %while3A_307#1 {strides = array<i32>} : memref<128xf32, #tpu.memory_space<vmem>>, vector<16xf32>,
        %swap3A_312 = arith.constant 96 : index
        %swap3A_313 = tpu.vector_load %arg12[%swap3A_312] {strides = array<i32>} : memref<128xf32, #tpu.memory_space<vmem>>, vector<16xf32>,
        tpu.vector_store %arg12[%swap3A_312], %while3A_307#2 {strides = array<i32>} : memref<128xf32, #tpu.memory_space<vmem>>, vector<16xf32>,
        %swap3A_314 = arith.constant 112 : index
        %swap3A_315 = tpu.vector_load %arg12[%swap3A_314] {strides = array<i32>} : memref<128xf32, #tpu.memory_space<vmem>>, vector<16xf32>,
        tpu.vector_store %arg12[%swap3A_314], %while3A_307#3 {strides = array<i32>} : memref<128xf32, #tpu.memory_space<vmem>>, vector<16xf32>,
      } else {
      }
      %gt3A_90 = arith.constant 0 : i32
      %gt3A_91 = arith.cmpi sgt, %arg1, %gt3A_90 : i32
      %convert_element_type3A_92 = arith.extui %gt3A_91 : i1 to i32
      %cond3A_93 = arith.constant 0 : i32
      %cond3A_94 = arith.cmpi ne, %convert_element_type3A_92, %cond3A_93 : i32
      scf.if %cond3A_94 {
        "tpu.region"() ({
          %run_scoped3A = tpu.sem_alloc : memref<!tpu.dma_semaphore, #tpu.memory_space<semaphore_mem>>
          %dma_start3A = arith.constant 0 : i32
          %dma_start3A_111 = tpu.memref_slice %arg15[%arg1, %dma_start3A] : memref<16x128xf32, #tpu.memory_space<vmem_shared>> -> memref<1x128xf32, #tpu.memory_space<vmem_shared>>
          %dma_start3A_112 = tpu.memref_squeeze %dma_start3A_111 : memref<1x128xf32, #tpu.memory_space<vmem_shared>> -> memref<128xf32, #tpu.memory_space<vmem_shared>>
          %dma_start3A_113 = arith.constant 0 : i32
          %dma_start3A_114 = tpu.memref_slice %arg15[%arg1, %dma_start3A_113] : memref<16x128xf32, #tpu.memory_space<vmem_shared>> -> memref<1x128xf32, #tpu.memory_space<vmem_shared>>
          %dma_start3A_115 = tpu.memref_squeeze %dma_start3A_114 : memref<1x128xf32, #tpu.memory_space<vmem_shared>> -> memref<128xf32, #tpu.memory_space<vmem_shared>>
          tpu.enqueue_dma source(%arg12 : memref<128xf32, #tpu.memory_space<vmem>>) target(%dma_start3A_115 : memref<128xf32, #tpu.memory_space<vmem_shared>>) target_semaphore(%run_scoped3A : memref<!tpu.dma_semaphore, #tpu.memory_space<semaphore_mem>>)
          %dma_wait3A = arith.constant 0 : i32
          %dma_wait3A_116 = tpu.memref_slice %arg15[%arg1, %dma_wait3A] : memref<16x128xf32, #tpu.memory_space<vmem_shared>> -> memref<1x128xf32, #tpu.memory_space<vmem_shared>>
          %dma_wait3A_117 = tpu.memref_squeeze %dma_wait3A_116 : memref<1x128xf32, #tpu.memory_space<vmem_shared>> -> memref<128xf32, #tpu.memory_space<vmem_shared>>
          %dma_wait3A_118 = arith.constant 0 : i32
          %dma_wait3A_119 = tpu.memref_slice %arg15[%arg1, %dma_wait3A_118] : memref<16x128xf32, #tpu.memory_space<vmem_shared>> -> memref<1x128xf32, #tpu.memory_space<vmem_shared>>
          %dma_wait3A_120 = tpu.memref_squeeze %dma_wait3A_119 : memref<1x128xf32, #tpu.memory_space<vmem_shared>> -> memref<128xf32, #tpu.memory_space<vmem_shared>>
          tpu.wait_dma2 semaphore(%run_scoped3A : memref<!tpu.dma_semaphore, #tpu.memory_space<semaphore_mem>>) src(%arg12 : memref<128xf32, #tpu.memory_space<vmem>>) dst(%dma_wait3A_120 : memref<128xf32, #tpu.memory_space<vmem_shared>>)
          tpu.yield
        }) : () -> ()
      } else {
      }
      %barrier3A_95 = arith.constant 0 : index
      tpu.barrier barrier_id(%barrier3A_95)
      %eq3A_96 = arith.constant 0 : i32
      %eq3A_97 = arith.cmpi eq, %arg1, %eq3A_96 : i32
      %convert_element_type3A_98 = arith.extui %eq3A_97 : i1 to i32
      %cond3A_99 = arith.constant 0 : i32
      %cond3A_100 = arith.cmpi ne, %convert_element_type3A_98, %cond3A_99 : i32
      scf.if %cond3A_100 {
        "tpu.region"() ({
          %run_scoped3A = tpu.sem_alloc : memref<!tpu.dma_semaphore, #tpu.memory_space<semaphore_mem>>
          tpu.enqueue_dma source(%arg15 : memref<16x128xf32, #tpu.memory_space<vmem_shared>>) target(%arg14 : memref<16x128xf32, #tpu.memory_space<vmem>>) target_semaphore(%run_scoped3A : memref<!tpu.dma_semaphore, #tpu.memory_space<semaphore_mem>>)
          tpu.wait_dma2 semaphore(%run_scoped3A : memref<!tpu.dma_semaphore, #tpu.memory_space<semaphore_mem>>) src(%arg15 : memref<16x128xf32, #tpu.memory_space<vmem_shared>>) dst(%arg14 : memref<16x128xf32, #tpu.memory_space<vmem>>)
          tpu.yield
        }) : () -> ()
        %get3A = arith.constant 0 : i32
        %get3A_111 = arith.index_cast %get3A : i32 to index
        %get3A_112 = arith.constant 0 : index
        %get3A_113 = tpu.vector_load %arg14[%get3A_111, %get3A_112] {strides = array<i32>} : memref<16x128xf32, #tpu.memory_space<vmem>>, vector<16xf32>,
        %max3A_114 = arith.maximumf %broadcast_in_dim3A_0, %get3A_113 : vector<16xf32>
        %get3A_115 = arith.constant 1 : i32
        %get3A_116 = arith.index_cast %get3A_115 : i32 to index
        %get3A_117 = arith.constant 0 : index
        %get3A_118 = tpu.vector_load %arg14[%get3A_116, %get3A_117] {strides = array<i32>} : memref<16x128xf32, #tpu.memory_space<vmem>>, vector<16xf32>,
        %max3A_119 = arith.maximumf %max3A_114, %get3A_118 : vector<16xf32>
        %get3A_120 = arith.constant 2 : i32
        %get3A_121 = arith.index_cast %get3A_120 : i32 to index
        %get3A_122 = arith.constant 0 : index
        %get3A_123 = tpu.vector_load %arg14[%get3A_121, %get3A_122] {strides = array<i32>} : memref<16x128xf32, #tpu.memory_space<vmem>>, vector<16xf32>,
        %max3A_124 = arith.maximumf %max3A_119, %get3A_123 : vector<16xf32>
        %get3A_125 = arith.constant 3 : i32
        %get3A_126 = arith.index_cast %get3A_125 : i32 to index
        %get3A_127 = arith.constant 0 : index
        %get3A_128 = tpu.vector_load %arg14[%get3A_126, %get3A_127] {strides = array<i32>} : memref<16x128xf32, #tpu.memory_space<vmem>>, vector<16xf32>,
        %max3A_129 = arith.maximumf %max3A_124, %get3A_128 : vector<16xf32>
        %get3A_130 = arith.constant 4 : i32
        %get3A_131 = arith.index_cast %get3A_130 : i32 to index
        %get3A_132 = arith.constant 0 : index
        %get3A_133 = tpu.vector_load %arg14[%get3A_131, %get3A_132] {strides = array<i32>} : memref<16x128xf32, #tpu.memory_space<vmem>>, vector<16xf32>,
        %max3A_134 = arith.maximumf %max3A_129, %get3A_133 : vector<16xf32>
        %get3A_135 = arith.constant 5 : i32
        %get3A_136 = arith.index_cast %get3A_135 : i32 to index
        %get3A_137 = arith.constant 0 : index
        %get3A_138 = tpu.vector_load %arg14[%get3A_136, %get3A_137] {strides = array<i32>} : memref<16x128xf32, #tpu.memory_space<vmem>>, vector<16xf32>,
        %max3A_139 = arith.maximumf %max3A_134, %get3A_138 : vector<16xf32>
        %get3A_140 = arith.constant 6 : i32
        %get3A_141 = arith.index_cast %get3A_140 : i32 to index
        %get3A_142 = arith.constant 0 : index
        %get3A_143 = tpu.vector_load %arg14[%get3A_141, %get3A_142] {strides = array<i32>} : memref<16x128xf32, #tpu.memory_space<vmem>>, vector<16xf32>,
        %max3A_144 = arith.maximumf %max3A_139, %get3A_143 : vector<16xf32>
        %get3A_145 = arith.constant 7 : i32
        %get3A_146 = arith.index_cast %get3A_145 : i32 to index
        %get3A_147 = arith.constant 0 : index
        %get3A_148 = tpu.vector_load %arg14[%get3A_146, %get3A_147] {strides = array<i32>} : memref<16x128xf32, #tpu.memory_space<vmem>>, vector<16xf32>,
        %max3A_149 = arith.maximumf %max3A_144, %get3A_148 : vector<16xf32>
        %get3A_150 = arith.constant 8 : i32
        %get3A_151 = arith.index_cast %get3A_150 : i32 to index
        %get3A_152 = arith.constant 0 : index
        %get3A_153 = tpu.vector_load %arg14[%get3A_151, %get3A_152] {strides = array<i32>} : memref<16x128xf32, #tpu.memory_space<vmem>>, vector<16xf32>,
        %max3A_154 = arith.maximumf %max3A_149, %get3A_153 : vector<16xf32>
        %get3A_155 = arith.constant 9 : i32
        %get3A_156 = arith.index_cast %get3A_155 : i32 to index
        %get3A_157 = arith.constant 0 : index
        %get3A_158 = tpu.vector_load %arg14[%get3A_156, %get3A_157] {strides = array<i32>} : memref<16x128xf32, #tpu.memory_space<vmem>>, vector<16xf32>,
        %max3A_159 = arith.maximumf %max3A_154, %get3A_158 : vector<16xf32>
        %get3A_160 = arith.constant 10 : i32
        %get3A_161 = arith.index_cast %get3A_160 : i32 to index
        %get3A_162 = arith.constant 0 : index
        %get3A_163 = tpu.vector_load %arg14[%get3A_161, %get3A_162] {strides = array<i32>} : memref<16x128xf32, #tpu.memory_space<vmem>>, vector<16xf32>,
        %max3A_164 = arith.maximumf %max3A_159, %get3A_163 : vector<16xf32>
        %get3A_165 = arith.constant 11 : i32
        %get3A_166 = arith.index_cast %get3A_165 : i32 to index
        %get3A_167 = arith.constant 0 : index
        %get3A_168 = tpu.vector_load %arg14[%get3A_166, %get3A_167] {strides = array<i32>} : memref<16x128xf32, #tpu.memory_space<vmem>>, vector<16xf32>,
        %max3A_169 = arith.maximumf %max3A_164, %get3A_168 : vector<16xf32>
        %get3A_170 = arith.constant 12 : i32
        %get3A_171 = arith.index_cast %get3A_170 : i32 to index
        %get3A_172 = arith.constant 0 : index
        %get3A_173 = tpu.vector_load %arg14[%get3A_171, %get3A_172] {strides = array<i32>} : memref<16x128xf32, #tpu.memory_space<vmem>>, vector<16xf32>,
        %max3A_174 = arith.maximumf %max3A_169, %get3A_173 : vector<16xf32>
        %get3A_175 = arith.constant 13 : i32
        %get3A_176 = arith.index_cast %get3A_175 : i32 to index
        %get3A_177 = arith.constant 0 : index
        %get3A_178 = tpu.vector_load %arg14[%get3A_176, %get3A_177] {strides = array<i32>} : memref<16x128xf32, #tpu.memory_space<vmem>>, vector<16xf32>,
        %max3A_179 = arith.maximumf %max3A_174, %get3A_178 : vector<16xf32>
        %get3A_180 = arith.constant 14 : i32
        %get3A_181 = arith.index_cast %get3A_180 : i32 to index
        %get3A_182 = arith.constant 0 : index
        %get3A_183 = tpu.vector_load %arg14[%get3A_181, %get3A_182] {strides = array<i32>} : memref<16x128xf32, #tpu.memory_space<vmem>>, vector<16xf32>,
        %max3A_184 = arith.maximumf %max3A_179, %get3A_183 : vector<16xf32>
        %get3A_185 = arith.constant 15 : i32
        %get3A_186 = arith.index_cast %get3A_185 : i32 to index
        %get3A_187 = arith.constant 0 : index
        %get3A_188 = tpu.vector_load %arg14[%get3A_186, %get3A_187] {strides = array<i32>} : memref<16x128xf32, #tpu.memory_space<vmem>>, vector<16xf32>,
        %max3A_189 = arith.maximumf %max3A_184, %get3A_188 : vector<16xf32>
        %sub3A_190 = arith.constant 1.000000e+00 : f32
        %sub3A_191 = vector.broadcast %sub3A_190 : f32 to vector<16xf32>
        %sub3A_192 = arith.subf %sub3A_191, %max3A_189 : vector<16xf32>
        %swap3A = arith.constant 0 : index
        %swap3A_193 = tpu.vector_load %arg13[%swap3A] {strides = array<i32>} : memref<128xf32, #tpu.memory_space<vmem>>, vector<16xf32>,
        tpu.vector_store %arg13[%swap3A], %sub3A_192 {strides = array<i32>} : memref<128xf32, #tpu.memory_space<vmem>>, vector<16xf32>,
        %get3A_194 = arith.constant 0 : i32
        %get3A_195 = arith.index_cast %get3A_194 : i32 to index
        %get3A_196 = arith.constant 16 : index
        %get3A_197 = tpu.vector_load %arg14[%get3A_195, %get3A_196] {strides = array<i32>} : memref<16x128xf32, #tpu.memory_space<vmem>>, vector<16xf32>,
        %max3A_198 = arith.maximumf %broadcast_in_dim3A_0, %get3A_197 : vector<16xf32>
        %get3A_199 = arith.constant 1 : i32
        %get3A_200 = arith.index_cast %get3A_199 : i32 to index
        %get3A_201 = arith.constant 16 : index
        %get3A_202 = tpu.vector_load %arg14[%get3A_200, %get3A_201] {strides = array<i32>} : memref<16x128xf32, #tpu.memory_space<vmem>>, vector<16xf32>,
        %max3A_203 = arith.maximumf %max3A_198, %get3A_202 : vector<16xf32>
        %get3A_204 = arith.constant 2 : i32
        %get3A_205 = arith.index_cast %get3A_204 : i32 to index
        %get3A_206 = arith.constant 16 : index
        %get3A_207 = tpu.vector_load %arg14[%get3A_205, %get3A_206] {strides = array<i32>} : memref<16x128xf32, #tpu.memory_space<vmem>>, vector<16xf32>,
        %max3A_208 = arith.maximumf %max3A_203, %get3A_207 : vector<16xf32>
        %get3A_209 = arith.constant 3 : i32
        %get3A_210 = arith.index_cast %get3A_209 : i32 to index
        %get3A_211 = arith.constant 16 : index
        %get3A_212 = tpu.vector_load %arg14[%get3A_210, %get3A_211] {strides = array<i32>} : memref<16x128xf32, #tpu.memory_space<vmem>>, vector<16xf32>,
        %max3A_213 = arith.maximumf %max3A_208, %get3A_212 : vector<16xf32>
        %get3A_214 = arith.constant 4 : i32
        %get3A_215 = arith.index_cast %get3A_214 : i32 to index
        %get3A_216 = arith.constant 16 : index
        %get3A_217 = tpu.vector_load %arg14[%get3A_215, %get3A_216] {strides = array<i32>} : memref<16x128xf32, #tpu.memory_space<vmem>>, vector<16xf32>,
        %max3A_218 = arith.maximumf %max3A_213, %get3A_217 : vector<16xf32>
        %get3A_219 = arith.constant 5 : i32
        %get3A_220 = arith.index_cast %get3A_219 : i32 to index
        %get3A_221 = arith.constant 16 : index
        %get3A_222 = tpu.vector_load %arg14[%get3A_220, %get3A_221] {strides = array<i32>} : memref<16x128xf32, #tpu.memory_space<vmem>>, vector<16xf32>,
        %max3A_223 = arith.maximumf %max3A_218, %get3A_222 : vector<16xf32>
        %get3A_224 = arith.constant 6 : i32
        %get3A_225 = arith.index_cast %get3A_224 : i32 to index
        %get3A_226 = arith.constant 16 : index
        %get3A_227 = tpu.vector_load %arg14[%get3A_225, %get3A_226] {strides = array<i32>} : memref<16x128xf32, #tpu.memory_space<vmem>>, vector<16xf32>,
        %max3A_228 = arith.maximumf %max3A_223, %get3A_227 : vector<16xf32>
        %get3A_229 = arith.constant 7 : i32
        %get3A_230 = arith.index_cast %get3A_229 : i32 to index
        %get3A_231 = arith.constant 16 : index
        %get3A_232 = tpu.vector_load %arg14[%get3A_230, %get3A_231] {strides = array<i32>} : memref<16x128xf32, #tpu.memory_space<vmem>>, vector<16xf32>,
        %max3A_233 = arith.maximumf %max3A_228, %get3A_232 : vector<16xf32>
        %get3A_234 = arith.constant 8 : i32
        %get3A_235 = arith.index_cast %get3A_234 : i32 to index
        %get3A_236 = arith.constant 16 : index
        %get3A_237 = tpu.vector_load %arg14[%get3A_235, %get3A_236] {strides = array<i32>} : memref<16x128xf32, #tpu.memory_space<vmem>>, vector<16xf32>,
        %max3A_238 = arith.maximumf %max3A_233, %get3A_237 : vector<16xf32>
        %get3A_239 = arith.constant 9 : i32
        %get3A_240 = arith.index_cast %get3A_239 : i32 to index
        %get3A_241 = arith.constant 16 : index
        %get3A_242 = tpu.vector_load %arg14[%get3A_240, %get3A_241] {strides = array<i32>} : memref<16x128xf32, #tpu.memory_space<vmem>>, vector<16xf32>,
        %max3A_243 = arith.maximumf %max3A_238, %get3A_242 : vector<16xf32>
        %get3A_244 = arith.constant 10 : i32
        %get3A_245 = arith.index_cast %get3A_244 : i32 to index
        %get3A_246 = arith.constant 16 : index
        %get3A_247 = tpu.vector_load %arg14[%get3A_245, %get3A_246] {strides = array<i32>} : memref<16x128xf32, #tpu.memory_space<vmem>>, vector<16xf32>,
        %max3A_248 = arith.maximumf %max3A_243, %get3A_247 : vector<16xf32>
        %get3A_249 = arith.constant 11 : i32
        %get3A_250 = arith.index_cast %get3A_249 : i32 to index
        %get3A_251 = arith.constant 16 : index
        %get3A_252 = tpu.vector_load %arg14[%get3A_250, %get3A_251] {strides = array<i32>} : memref<16x128xf32, #tpu.memory_space<vmem>>, vector<16xf32>,
        %max3A_253 = arith.maximumf %max3A_248, %get3A_252 : vector<16xf32>
        %get3A_254 = arith.constant 12 : i32
        %get3A_255 = arith.index_cast %get3A_254 : i32 to index
        %get3A_256 = arith.constant 16 : index
        %get3A_257 = tpu.vector_load %arg14[%get3A_255, %get3A_256] {strides = array<i32>} : memref<16x128xf32, #tpu.memory_space<vmem>>, vector<16xf32>,
        %max3A_258 = arith.maximumf %max3A_253, %get3A_257 : vector<16xf32>
        %get3A_259 = arith.constant 13 : i32
        %get3A_260 = arith.index_cast %get3A_259 : i32 to index
        %get3A_261 = arith.constant 16 : index
        %get3A_262 = tpu.vector_load %arg14[%get3A_260, %get3A_261] {strides = array<i32>} : memref<16x128xf32, #tpu.memory_space<vmem>>, vector<16xf32>,
        %max3A_263 = arith.maximumf %max3A_258, %get3A_262 : vector<16xf32>
        %get3A_264 = arith.constant 14 : i32
        %get3A_265 = arith.index_cast %get3A_264 : i32 to index
        %get3A_266 = arith.constant 16 : index
        %get3A_267 = tpu.vector_load %arg14[%get3A_265, %get3A_266] {strides = array<i32>} : memref<16x128xf32, #tpu.memory_space<vmem>>, vector<16xf32>,
        %max3A_268 = arith.maximumf %max3A_263, %get3A_267 : vector<16xf32>
        %get3A_269 = arith.constant 15 : i32
        %get3A_270 = arith.index_cast %get3A_269 : i32 to index
        %get3A_271 = arith.constant 16 : index
        %get3A_272 = tpu.vector_load %arg14[%get3A_270, %get3A_271] {strides = array<i32>} : memref<16x128xf32, #tpu.memory_space<vmem>>, vector<16xf32>,
        %max3A_273 = arith.maximumf %max3A_268, %get3A_272 : vector<16xf32>
        %sub3A_274 = arith.constant 1.000000e+00 : f32
        %sub3A_275 = vector.broadcast %sub3A_274 : f32 to vector<16xf32>
        %sub3A_276 = arith.subf %sub3A_275, %max3A_273 : vector<16xf32>
        %swap3A_277 = arith.constant 16 : index
        %swap3A_278 = tpu.vector_load %arg13[%swap3A_277] {strides = array<i32>} : memref<128xf32, #tpu.memory_space<vmem>>, vector<16xf32>,
        tpu.vector_store %arg13[%swap3A_277], %sub3A_276 {strides = array<i32>} : memref<128xf32, #tpu.memory_space<vmem>>, vector<16xf32>,
        %get3A_279 = arith.constant 0 : i32
        %get3A_280 = arith.index_cast %get3A_279 : i32 to index
        %get3A_281 = arith.constant 32 : index
        %get3A_282 = tpu.vector_load %arg14[%get3A_280, %get3A_281] {strides = array<i32>} : memref<16x128xf32, #tpu.memory_space<vmem>>, vector<16xf32>,
        %max3A_283 = arith.maximumf %broadcast_in_dim3A_0, %get3A_282 : vector<16xf32>
        %get3A_284 = arith.constant 1 : i32
        %get3A_285 = arith.index_cast %get3A_284 : i32 to index
        %get3A_286 = arith.constant 32 : index
        %get3A_287 = tpu.vector_load %arg14[%get3A_285, %get3A_286] {strides = array<i32>} : memref<16x128xf32, #tpu.memory_space<vmem>>, vector<16xf32>,
        %max3A_288 = arith.maximumf %max3A_283, %get3A_287 : vector<16xf32>
        %get3A_289 = arith.constant 2 : i32
        %get3A_290 = arith.index_cast %get3A_289 : i32 to index
        %get3A_291 = arith.constant 32 : index
        %get3A_292 = tpu.vector_load %arg14[%get3A_290, %get3A_291] {strides = array<i32>} : memref<16x128xf32, #tpu.memory_space<vmem>>, vector<16xf32>,
        %max3A_293 = arith.maximumf %max3A_288, %get3A_292 : vector<16xf32>
        %get3A_294 = arith.constant 3 : i32
        %get3A_295 = arith.index_cast %get3A_294 : i32 to index
        %get3A_296 = arith.constant 32 : index
        %get3A_297 = tpu.vector_load %arg14[%get3A_295, %get3A_296] {strides = array<i32>} : memref<16x128xf32, #tpu.memory_space<vmem>>, vector<16xf32>,
        %max3A_298 = arith.maximumf %max3A_293, %get3A_297 : vector<16xf32>
        %get3A_299 = arith.constant 4 : i32
        %get3A_300 = arith.index_cast %get3A_299 : i32 to index
        %get3A_301 = arith.constant 32 : index
        %get3A_302 = tpu.vector_load %arg14[%get3A_300, %get3A_301] {strides = array<i32>} : memref<16x128xf32, #tpu.memory_space<vmem>>, vector<16xf32>,
        %max3A_303 = arith.maximumf %max3A_298, %get3A_302 : vector<16xf32>
        %get3A_304 = arith.constant 5 : i32
        %get3A_305 = arith.index_cast %get3A_304 : i32 to index
        %get3A_306 = arith.constant 32 : index
        %get3A_307 = tpu.vector_load %arg14[%get3A_305, %get3A_306] {strides = array<i32>} : memref<16x128xf32, #tpu.memory_space<vmem>>, vector<16xf32>,
        %max3A_308 = arith.maximumf %max3A_303, %get3A_307 : vector<16xf32>
        %get3A_309 = arith.constant 6 : i32
        %get3A_310 = arith.index_cast %get3A_309 : i32 to index
        %get3A_311 = arith.constant 32 : index
        %get3A_312 = tpu.vector_load %arg14[%get3A_310, %get3A_311] {strides = array<i32>} : memref<16x128xf32, #tpu.memory_space<vmem>>, vector<16xf32>,
        %max3A_313 = arith.maximumf %max3A_308, %get3A_312 : vector<16xf32>
        %get3A_314 = arith.constant 7 : i32
        %get3A_315 = arith.index_cast %get3A_314 : i32 to index
        %get3A_316 = arith.constant 32 : index
        %get3A_317 = tpu.vector_load %arg14[%get3A_315, %get3A_316] {strides = array<i32>} : memref<16x128xf32, #tpu.memory_space<vmem>>, vector<16xf32>,
        %max3A_318 = arith.maximumf %max3A_313, %get3A_317 : vector<16xf32>
        %get3A_319 = arith.constant 8 : i32
        %get3A_320 = arith.index_cast %get3A_319 : i32 to index
        %get3A_321 = arith.constant 32 : index
        %get3A_322 = tpu.vector_load %arg14[%get3A_320, %get3A_321] {strides = array<i32>} : memref<16x128xf32, #tpu.memory_space<vmem>>, vector<16xf32>,
        %max3A_323 = arith.maximumf %max3A_318, %get3A_322 : vector<16xf32>
        %get3A_324 = arith.constant 9 : i32
        %get3A_325 = arith.index_cast %get3A_324 : i32 to index
        %get3A_326 = arith.constant 32 : index
        %get3A_327 = tpu.vector_load %arg14[%get3A_325, %get3A_326] {strides = array<i32>} : memref<16x128xf32, #tpu.memory_space<vmem>>, vector<16xf32>,
        %max3A_328 = arith.maximumf %max3A_323, %get3A_327 : vector<16xf32>
        %get3A_329 = arith.constant 10 : i32
        %get3A_330 = arith.index_cast %get3A_329 : i32 to index
        %get3A_331 = arith.constant 32 : index
        %get3A_332 = tpu.vector_load %arg14[%get3A_330, %get3A_331] {strides = array<i32>} : memref<16x128xf32, #tpu.memory_space<vmem>>, vector<16xf32>,
        %max3A_333 = arith.maximumf %max3A_328, %get3A_332 : vector<16xf32>
        %get3A_334 = arith.constant 11 : i32
        %get3A_335 = arith.index_cast %get3A_334 : i32 to index
        %get3A_336 = arith.constant 32 : index
        %get3A_337 = tpu.vector_load %arg14[%get3A_335, %get3A_336] {strides = array<i32>} : memref<16x128xf32, #tpu.memory_space<vmem>>, vector<16xf32>,
        %max3A_338 = arith.maximumf %max3A_333, %get3A_337 : vector<16xf32>
        %get3A_339 = arith.constant 12 : i32
        %get3A_340 = arith.index_cast %get3A_339 : i32 to index
        %get3A_341 = arith.constant 32 : index
        %get3A_342 = tpu.vector_load %arg14[%get3A_340, %get3A_341] {strides = array<i32>} : memref<16x128xf32, #tpu.memory_space<vmem>>, vector<16xf32>,
        %max3A_343 = arith.maximumf %max3A_338, %get3A_342 : vector<16xf32>
        %get3A_344 = arith.constant 13 : i32
        %get3A_345 = arith.index_cast %get3A_344 : i32 to index
        %get3A_346 = arith.constant 32 : index
        %get3A_347 = tpu.vector_load %arg14[%get3A_345, %get3A_346] {strides = array<i32>} : memref<16x128xf32, #tpu.memory_space<vmem>>, vector<16xf32>,
        %max3A_348 = arith.maximumf %max3A_343, %get3A_347 : vector<16xf32>
        %get3A_349 = arith.constant 14 : i32
        %get3A_350 = arith.index_cast %get3A_349 : i32 to index
        %get3A_351 = arith.constant 32 : index
        %get3A_352 = tpu.vector_load %arg14[%get3A_350, %get3A_351] {strides = array<i32>} : memref<16x128xf32, #tpu.memory_space<vmem>>, vector<16xf32>,
        %max3A_353 = arith.maximumf %max3A_348, %get3A_352 : vector<16xf32>
        %get3A_354 = arith.constant 15 : i32
        %get3A_355 = arith.index_cast %get3A_354 : i32 to index
        %get3A_356 = arith.constant 32 : index
        %get3A_357 = tpu.vector_load %arg14[%get3A_355, %get3A_356] {strides = array<i32>} : memref<16x128xf32, #tpu.memory_space<vmem>>, vector<16xf32>,
        %max3A_358 = arith.maximumf %max3A_353, %get3A_357 : vector<16xf32>
        %sub3A_359 = arith.constant 1.000000e+00 : f32
        %sub3A_360 = vector.broadcast %sub3A_359 : f32 to vector<16xf32>
        %sub3A_361 = arith.subf %sub3A_360, %max3A_358 : vector<16xf32>
        %swap3A_362 = arith.constant 32 : index
        %swap3A_363 = tpu.vector_load %arg13[%swap3A_362] {strides = array<i32>} : memref<128xf32, #tpu.memory_space<vmem>>, vector<16xf32>,
        tpu.vector_store %arg13[%swap3A_362], %sub3A_361 {strides = array<i32>} : memref<128xf32, #tpu.memory_space<vmem>>, vector<16xf32>,
        %get3A_364 = arith.constant 0 : i32
        %get3A_365 = arith.index_cast %get3A_364 : i32 to index
        %get3A_366 = arith.constant 48 : index
        %get3A_367 = tpu.vector_load %arg14[%get3A_365, %get3A_366] {strides = array<i32>} : memref<16x128xf32, #tpu.memory_space<vmem>>, vector<16xf32>,
        %max3A_368 = arith.maximumf %broadcast_in_dim3A_0, %get3A_367 : vector<16xf32>
        %get3A_369 = arith.constant 1 : i32
        %get3A_370 = arith.index_cast %get3A_369 : i32 to index
        %get3A_371 = arith.constant 48 : index
        %get3A_372 = tpu.vector_load %arg14[%get3A_370, %get3A_371] {strides = array<i32>} : memref<16x128xf32, #tpu.memory_space<vmem>>, vector<16xf32>,
        %max3A_373 = arith.maximumf %max3A_368, %get3A_372 : vector<16xf32>
        %get3A_374 = arith.constant 2 : i32
        %get3A_375 = arith.index_cast %get3A_374 : i32 to index
        %get3A_376 = arith.constant 48 : index
        %get3A_377 = tpu.vector_load %arg14[%get3A_375, %get3A_376] {strides = array<i32>} : memref<16x128xf32, #tpu.memory_space<vmem>>, vector<16xf32>,
        %max3A_378 = arith.maximumf %max3A_373, %get3A_377 : vector<16xf32>
        %get3A_379 = arith.constant 3 : i32
        %get3A_380 = arith.index_cast %get3A_379 : i32 to index
        %get3A_381 = arith.constant 48 : index
        %get3A_382 = tpu.vector_load %arg14[%get3A_380, %get3A_381] {strides = array<i32>} : memref<16x128xf32, #tpu.memory_space<vmem>>, vector<16xf32>,
        %max3A_383 = arith.maximumf %max3A_378, %get3A_382 : vector<16xf32>
        %get3A_384 = arith.constant 4 : i32
        %get3A_385 = arith.index_cast %get3A_384 : i32 to index
        %get3A_386 = arith.constant 48 : index
        %get3A_387 = tpu.vector_load %arg14[%get3A_385, %get3A_386] {strides = array<i32>} : memref<16x128xf32, #tpu.memory_space<vmem>>, vector<16xf32>,
        %max3A_388 = arith.maximumf %max3A_383, %get3A_387 : vector<16xf32>
        %get3A_389 = arith.constant 5 : i32
        %get3A_390 = arith.index_cast %get3A_389 : i32 to index
        %get3A_391 = arith.constant 48 : index
        %get3A_392 = tpu.vector_load %arg14[%get3A_390, %get3A_391] {strides = array<i32>} : memref<16x128xf32, #tpu.memory_space<vmem>>, vector<16xf32>,
        %max3A_393 = arith.maximumf %max3A_388, %get3A_392 : vector<16xf32>
        %get3A_394 = arith.constant 6 : i32
        %get3A_395 = arith.index_cast %get3A_394 : i32 to index
        %get3A_396 = arith.constant 48 : index
        %get3A_397 = tpu.vector_load %arg14[%get3A_395, %get3A_396] {strides = array<i32>} : memref<16x128xf32, #tpu.memory_space<vmem>>, vector<16xf32>,
        %max3A_398 = arith.maximumf %max3A_393, %get3A_397 : vector<16xf32>
        %get3A_399 = arith.constant 7 : i32
        %get3A_400 = arith.index_cast %get3A_399 : i32 to index
        %get3A_401 = arith.constant 48 : index
        %get3A_402 = tpu.vector_load %arg14[%get3A_400, %get3A_401] {strides = array<i32>} : memref<16x128xf32, #tpu.memory_space<vmem>>, vector<16xf32>,
        %max3A_403 = arith.maximumf %max3A_398, %get3A_402 : vector<16xf32>
        %get3A_404 = arith.constant 8 : i32
        %get3A_405 = arith.index_cast %get3A_404 : i32 to index
        %get3A_406 = arith.constant 48 : index
        %get3A_407 = tpu.vector_load %arg14[%get3A_405, %get3A_406] {strides = array<i32>} : memref<16x128xf32, #tpu.memory_space<vmem>>, vector<16xf32>,
        %max3A_408 = arith.maximumf %max3A_403, %get3A_407 : vector<16xf32>
        %get3A_409 = arith.constant 9 : i32
        %get3A_410 = arith.index_cast %get3A_409 : i32 to index
        %get3A_411 = arith.constant 48 : index
        %get3A_412 = tpu.vector_load %arg14[%get3A_410, %get3A_411] {strides = array<i32>} : memref<16x128xf32, #tpu.memory_space<vmem>>, vector<16xf32>,
        %max3A_413 = arith.maximumf %max3A_408, %get3A_412 : vector<16xf32>
        %get3A_414 = arith.constant 10 : i32
        %get3A_415 = arith.index_cast %get3A_414 : i32 to index
        %get3A_416 = arith.constant 48 : index
        %get3A_417 = tpu.vector_load %arg14[%get3A_415, %get3A_416] {strides = array<i32>} : memref<16x128xf32, #tpu.memory_space<vmem>>, vector<16xf32>,
        %max3A_418 = arith.maximumf %max3A_413, %get3A_417 : vector<16xf32>
        %get3A_419 = arith.constant 11 : i32
        %get3A_420 = arith.index_cast %get3A_419 : i32 to index
        %get3A_421 = arith.constant 48 : index
        %get3A_422 = tpu.vector_load %arg14[%get3A_420, %get3A_421] {strides = array<i32>} : memref<16x128xf32, #tpu.memory_space<vmem>>, vector<16xf32>,
        %max3A_423 = arith.maximumf %max3A_418, %get3A_422 : vector<16xf32>
        %get3A_424 = arith.constant 12 : i32
        %get3A_425 = arith.index_cast %get3A_424 : i32 to index
        %get3A_426 = arith.constant 48 : index
        %get3A_427 = tpu.vector_load %arg14[%get3A_425, %get3A_426] {strides = array<i32>} : memref<16x128xf32, #tpu.memory_space<vmem>>, vector<16xf32>,
        %max3A_428 = arith.maximumf %max3A_423, %get3A_427 : vector<16xf32>
        %get3A_429 = arith.constant 13 : i32
        %get3A_430 = arith.index_cast %get3A_429 : i32 to index
        %get3A_431 = arith.constant 48 : index
        %get3A_432 = tpu.vector_load %arg14[%get3A_430, %get3A_431] {strides = array<i32>} : memref<16x128xf32, #tpu.memory_space<vmem>>, vector<16xf32>,
        %max3A_433 = arith.maximumf %max3A_428, %get3A_432 : vector<16xf32>
        %get3A_434 = arith.constant 14 : i32
        %get3A_435 = arith.index_cast %get3A_434 : i32 to index
        %get3A_436 = arith.constant 48 : index
        %get3A_437 = tpu.vector_load %arg14[%get3A_435, %get3A_436] {strides = array<i32>} : memref<16x128xf32, #tpu.memory_space<vmem>>, vector<16xf32>,
        %max3A_438 = arith.maximumf %max3A_433, %get3A_437 : vector<16xf32>
        %get3A_439 = arith.constant 15 : i32
        %get3A_440 = arith.index_cast %get3A_439 : i32 to index
        %get3A_441 = arith.constant 48 : index
        %get3A_442 = tpu.vector_load %arg14[%get3A_440, %get3A_441] {strides = array<i32>} : memref<16x128xf32, #tpu.memory_space<vmem>>, vector<16xf32>,
        %max3A_443 = arith.maximumf %max3A_438, %get3A_442 : vector<16xf32>
        %sub3A_444 = arith.constant 1.000000e+00 : f32
        %sub3A_445 = vector.broadcast %sub3A_444 : f32 to vector<16xf32>
        %sub3A_446 = arith.subf %sub3A_445, %max3A_443 : vector<16xf32>
        %swap3A_447 = arith.constant 48 : index
        %swap3A_448 = tpu.vector_load %arg13[%swap3A_447] {strides = array<i32>} : memref<128xf32, #tpu.memory_space<vmem>>, vector<16xf32>,
        tpu.vector_store %arg13[%swap3A_447], %sub3A_446 {strides = array<i32>} : memref<128xf32, #tpu.memory_space<vmem>>, vector<16xf32>,
        %get3A_449 = arith.constant 0 : i32
        %get3A_450 = arith.index_cast %get3A_449 : i32 to index
        %get3A_451 = arith.constant 64 : index
        %get3A_452 = tpu.vector_load %arg14[%get3A_450, %get3A_451] {strides = array<i32>} : memref<16x128xf32, #tpu.memory_space<vmem>>, vector<16xf32>,
        %max3A_453 = arith.maximumf %broadcast_in_dim3A_0, %get3A_452 : vector<16xf32>
        %get3A_454 = arith.constant 1 : i32
        %get3A_455 = arith.index_cast %get3A_454 : i32 to index
        %get3A_456 = arith.constant 64 : index
        %get3A_457 = tpu.vector_load %arg14[%get3A_455, %get3A_456] {strides = array<i32>} : memref<16x128xf32, #tpu.memory_space<vmem>>, vector<16xf32>,
        %max3A_458 = arith.maximumf %max3A_453, %get3A_457 : vector<16xf32>
        %get3A_459 = arith.constant 2 : i32
        %get3A_460 = arith.index_cast %get3A_459 : i32 to index
        %get3A_461 = arith.constant 64 : index
        %get3A_462 = tpu.vector_load %arg14[%get3A_460, %get3A_461] {strides = array<i32>} : memref<16x128xf32, #tpu.memory_space<vmem>>, vector<16xf32>,
        %max3A_463 = arith.maximumf %max3A_458, %get3A_462 : vector<16xf32>
        %get3A_464 = arith.constant 3 : i32
        %get3A_465 = arith.index_cast %get3A_464 : i32 to index
        %get3A_466 = arith.constant 64 : index
        %get3A_467 = tpu.vector_load %arg14[%get3A_465, %get3A_466] {strides = array<i32>} : memref<16x128xf32, #tpu.memory_space<vmem>>, vector<16xf32>,
        %max3A_468 = arith.maximumf %max3A_463, %get3A_467 : vector<16xf32>
        %get3A_469 = arith.constant 4 : i32
        %get3A_470 = arith.index_cast %get3A_469 : i32 to index
        %get3A_471 = arith.constant 64 : index
        %get3A_472 = tpu.vector_load %arg14[%get3A_470, %get3A_471] {strides = array<i32>} : memref<16x128xf32, #tpu.memory_space<vmem>>, vector<16xf32>,
        %max3A_473 = arith.maximumf %max3A_468, %get3A_472 : vector<16xf32>
        %get3A_474 = arith.constant 5 : i32
        %get3A_475 = arith.index_cast %get3A_474 : i32 to index
        %get3A_476 = arith.constant 64 : index
        %get3A_477 = tpu.vector_load %arg14[%get3A_475, %get3A_476] {strides = array<i32>} : memref<16x128xf32, #tpu.memory_space<vmem>>, vector<16xf32>,
        %max3A_478 = arith.maximumf %max3A_473, %get3A_477 : vector<16xf32>
        %get3A_479 = arith.constant 6 : i32
        %get3A_480 = arith.index_cast %get3A_479 : i32 to index
        %get3A_481 = arith.constant 64 : index
        %get3A_482 = tpu.vector_load %arg14[%get3A_480, %get3A_481] {strides = array<i32>} : memref<16x128xf32, #tpu.memory_space<vmem>>, vector<16xf32>,
        %max3A_483 = arith.maximumf %max3A_478, %get3A_482 : vector<16xf32>
        %get3A_484 = arith.constant 7 : i32
        %get3A_485 = arith.index_cast %get3A_484 : i32 to index
        %get3A_486 = arith.constant 64 : index
        %get3A_487 = tpu.vector_load %arg14[%get3A_485, %get3A_486] {strides = array<i32>} : memref<16x128xf32, #tpu.memory_space<vmem>>, vector<16xf32>,
        %max3A_488 = arith.maximumf %max3A_483, %get3A_487 : vector<16xf32>
        %get3A_489 = arith.constant 8 : i32
        %get3A_490 = arith.index_cast %get3A_489 : i32 to index
        %get3A_491 = arith.constant 64 : index
        %get3A_492 = tpu.vector_load %arg14[%get3A_490, %get3A_491] {strides = array<i32>} : memref<16x128xf32, #tpu.memory_space<vmem>>, vector<16xf32>,
        %max3A_493 = arith.maximumf %max3A_488, %get3A_492 : vector<16xf32>
        %get3A_494 = arith.constant 9 : i32
        %get3A_495 = arith.index_cast %get3A_494 : i32 to index
        %get3A_496 = arith.constant 64 : index
        %get3A_497 = tpu.vector_load %arg14[%get3A_495, %get3A_496] {strides = array<i32>} : memref<16x128xf32, #tpu.memory_space<vmem>>, vector<16xf32>,
        %max3A_498 = arith.maximumf %max3A_493, %get3A_497 : vector<16xf32>
        %get3A_499 = arith.constant 10 : i32
        %get3A_500 = arith.index_cast %get3A_499 : i32 to index
        %get3A_501 = arith.constant 64 : index
        %get3A_502 = tpu.vector_load %arg14[%get3A_500, %get3A_501] {strides = array<i32>} : memref<16x128xf32, #tpu.memory_space<vmem>>, vector<16xf32>,
        %max3A_503 = arith.maximumf %max3A_498, %get3A_502 : vector<16xf32>
        %get3A_504 = arith.constant 11 : i32
        %get3A_505 = arith.index_cast %get3A_504 : i32 to index
        %get3A_506 = arith.constant 64 : index
        %get3A_507 = tpu.vector_load %arg14[%get3A_505, %get3A_506] {strides = array<i32>} : memref<16x128xf32, #tpu.memory_space<vmem>>, vector<16xf32>,
        %max3A_508 = arith.maximumf %max3A_503, %get3A_507 : vector<16xf32>
        %get3A_509 = arith.constant 12 : i32
        %get3A_510 = arith.index_cast %get3A_509 : i32 to index
        %get3A_511 = arith.constant 64 : index
        %get3A_512 = tpu.vector_load %arg14[%get3A_510, %get3A_511] {strides = array<i32>} : memref<16x128xf32, #tpu.memory_space<vmem>>, vector<16xf32>,
        %max3A_513 = arith.maximumf %max3A_508, %get3A_512 : vector<16xf32>
        %get3A_514 = arith.constant 13 : i32
        %get3A_515 = arith.index_cast %get3A_514 : i32 to index
        %get3A_516 = arith.constant 64 : index
        %get3A_517 = tpu.vector_load %arg14[%get3A_515, %get3A_516] {strides = array<i32>} : memref<16x128xf32, #tpu.memory_space<vmem>>, vector<16xf32>,
        %max3A_518 = arith.maximumf %max3A_513, %get3A_517 : vector<16xf32>
        %get3A_519 = arith.constant 14 : i32
        %get3A_520 = arith.index_cast %get3A_519 : i32 to index
        %get3A_521 = arith.constant 64 : index
        %get3A_522 = tpu.vector_load %arg14[%get3A_520, %get3A_521] {strides = array<i32>} : memref<16x128xf32, #tpu.memory_space<vmem>>, vector<16xf32>,
        %max3A_523 = arith.maximumf %max3A_518, %get3A_522 : vector<16xf32>
        %get3A_524 = arith.constant 15 : i32
        %get3A_525 = arith.index_cast %get3A_524 : i32 to index
        %get3A_526 = arith.constant 64 : index
        %get3A_527 = tpu.vector_load %arg14[%get3A_525, %get3A_526] {strides = array<i32>} : memref<16x128xf32, #tpu.memory_space<vmem>>, vector<16xf32>,
        %max3A_528 = arith.maximumf %max3A_523, %get3A_527 : vector<16xf32>
        %sub3A_529 = arith.constant 1.000000e+00 : f32
        %sub3A_530 = vector.broadcast %sub3A_529 : f32 to vector<16xf32>
        %sub3A_531 = arith.subf %sub3A_530, %max3A_528 : vector<16xf32>
        %swap3A_532 = arith.constant 64 : index
        %swap3A_533 = tpu.vector_load %arg13[%swap3A_532] {strides = array<i32>} : memref<128xf32, #tpu.memory_space<vmem>>, vector<16xf32>,
        tpu.vector_store %arg13[%swap3A_532], %sub3A_531 {strides = array<i32>} : memref<128xf32, #tpu.memory_space<vmem>>, vector<16xf32>,
        %get3A_534 = arith.constant 0 : i32
        %get3A_535 = arith.index_cast %get3A_534 : i32 to index
        %get3A_536 = arith.constant 80 : index
        %get3A_537 = tpu.vector_load %arg14[%get3A_535, %get3A_536] {strides = array<i32>} : memref<16x128xf32, #tpu.memory_space<vmem>>, vector<16xf32>,
        %max3A_538 = arith.maximumf %broadcast_in_dim3A_0, %get3A_537 : vector<16xf32>
        %get3A_539 = arith.constant 1 : i32
        %get3A_540 = arith.index_cast %get3A_539 : i32 to index
        %get3A_541 = arith.constant 80 : index
        %get3A_542 = tpu.vector_load %arg14[%get3A_540, %get3A_541] {strides = array<i32>} : memref<16x128xf32, #tpu.memory_space<vmem>>, vector<16xf32>,
        %max3A_543 = arith.maximumf %max3A_538, %get3A_542 : vector<16xf32>
        %get3A_544 = arith.constant 2 : i32
        %get3A_545 = arith.index_cast %get3A_544 : i32 to index
        %get3A_546 = arith.constant 80 : index
        %get3A_547 = tpu.vector_load %arg14[%get3A_545, %get3A_546] {strides = array<i32>} : memref<16x128xf32, #tpu.memory_space<vmem>>, vector<16xf32>,
        %max3A_548 = arith.maximumf %max3A_543, %get3A_547 : vector<16xf32>
        %get3A_549 = arith.constant 3 : i32
        %get3A_550 = arith.index_cast %get3A_549 : i32 to index
        %get3A_551 = arith.constant 80 : index
        %get3A_552 = tpu.vector_load %arg14[%get3A_550, %get3A_551] {strides = array<i32>} : memref<16x128xf32, #tpu.memory_space<vmem>>, vector<16xf32>,
        %max3A_553 = arith.maximumf %max3A_548, %get3A_552 : vector<16xf32>
        %get3A_554 = arith.constant 4 : i32
        %get3A_555 = arith.index_cast %get3A_554 : i32 to index
        %get3A_556 = arith.constant 80 : index
        %get3A_557 = tpu.vector_load %arg14[%get3A_555, %get3A_556] {strides = array<i32>} : memref<16x128xf32, #tpu.memory_space<vmem>>, vector<16xf32>,
        %max3A_558 = arith.maximumf %max3A_553, %get3A_557 : vector<16xf32>
        %get3A_559 = arith.constant 5 : i32
        %get3A_560 = arith.index_cast %get3A_559 : i32 to index
        %get3A_561 = arith.constant 80 : index
        %get3A_562 = tpu.vector_load %arg14[%get3A_560, %get3A_561] {strides = array<i32>} : memref<16x128xf32, #tpu.memory_space<vmem>>, vector<16xf32>,
        %max3A_563 = arith.maximumf %max3A_558, %get3A_562 : vector<16xf32>
        %get3A_564 = arith.constant 6 : i32
        %get3A_565 = arith.index_cast %get3A_564 : i32 to index
        %get3A_566 = arith.constant 80 : index
        %get3A_567 = tpu.vector_load %arg14[%get3A_565, %get3A_566] {strides = array<i32>} : memref<16x128xf32, #tpu.memory_space<vmem>>, vector<16xf32>,
        %max3A_568 = arith.maximumf %max3A_563, %get3A_567 : vector<16xf32>
        %get3A_569 = arith.constant 7 : i32
        %get3A_570 = arith.index_cast %get3A_569 : i32 to index
        %get3A_571 = arith.constant 80 : index
        %get3A_572 = tpu.vector_load %arg14[%get3A_570, %get3A_571] {strides = array<i32>} : memref<16x128xf32, #tpu.memory_space<vmem>>, vector<16xf32>,
        %max3A_573 = arith.maximumf %max3A_568, %get3A_572 : vector<16xf32>
        %get3A_574 = arith.constant 8 : i32
        %get3A_575 = arith.index_cast %get3A_574 : i32 to index
        %get3A_576 = arith.constant 80 : index
        %get3A_577 = tpu.vector_load %arg14[%get3A_575, %get3A_576] {strides = array<i32>} : memref<16x128xf32, #tpu.memory_space<vmem>>, vector<16xf32>,
        %max3A_578 = arith.maximumf %max3A_573, %get3A_577 : vector<16xf32>
        %get3A_579 = arith.constant 9 : i32
        %get3A_580 = arith.index_cast %get3A_579 : i32 to index
        %get3A_581 = arith.constant 80 : index
        %get3A_582 = tpu.vector_load %arg14[%get3A_580, %get3A_581] {strides = array<i32>} : memref<16x128xf32, #tpu.memory_space<vmem>>, vector<16xf32>,
        %max3A_583 = arith.maximumf %max3A_578, %get3A_582 : vector<16xf32>
        %get3A_584 = arith.constant 10 : i32
        %get3A_585 = arith.index_cast %get3A_584 : i32 to index
        %get3A_586 = arith.constant 80 : index
        %get3A_587 = tpu.vector_load %arg14[%get3A_585, %get3A_586] {strides = array<i32>} : memref<16x128xf32, #tpu.memory_space<vmem>>, vector<16xf32>,
        %max3A_588 = arith.maximumf %max3A_583, %get3A_587 : vector<16xf32>
        %get3A_589 = arith.constant 11 : i32
        %get3A_590 = arith.index_cast %get3A_589 : i32 to index
        %get3A_591 = arith.constant 80 : index
        %get3A_592 = tpu.vector_load %arg14[%get3A_590, %get3A_591] {strides = array<i32>} : memref<16x128xf32, #tpu.memory_space<vmem>>, vector<16xf32>,
        %max3A_593 = arith.maximumf %max3A_588, %get3A_592 : vector<16xf32>
        %get3A_594 = arith.constant 12 : i32
        %get3A_595 = arith.index_cast %get3A_594 : i32 to index
        %get3A_596 = arith.constant 80 : index
        %get3A_597 = tpu.vector_load %arg14[%get3A_595, %get3A_596] {strides = array<i32>} : memref<16x128xf32, #tpu.memory_space<vmem>>, vector<16xf32>,
        %max3A_598 = arith.maximumf %max3A_593, %get3A_597 : vector<16xf32>
        %get3A_599 = arith.constant 13 : i32
        %get3A_600 = arith.index_cast %get3A_599 : i32 to index
        %get3A_601 = arith.constant 80 : index
        %get3A_602 = tpu.vector_load %arg14[%get3A_600, %get3A_601] {strides = array<i32>} : memref<16x128xf32, #tpu.memory_space<vmem>>, vector<16xf32>,
        %max3A_603 = arith.maximumf %max3A_598, %get3A_602 : vector<16xf32>
        %get3A_604 = arith.constant 14 : i32
        %get3A_605 = arith.index_cast %get3A_604 : i32 to index
        %get3A_606 = arith.constant 80 : index
        %get3A_607 = tpu.vector_load %arg14[%get3A_605, %get3A_606] {strides = array<i32>} : memref<16x128xf32, #tpu.memory_space<vmem>>, vector<16xf32>,
        %max3A_608 = arith.maximumf %max3A_603, %get3A_607 : vector<16xf32>
        %get3A_609 = arith.constant 15 : i32
        %get3A_610 = arith.index_cast %get3A_609 : i32 to index
        %get3A_611 = arith.constant 80 : index
        %get3A_612 = tpu.vector_load %arg14[%get3A_610, %get3A_611] {strides = array<i32>} : memref<16x128xf32, #tpu.memory_space<vmem>>, vector<16xf32>,
        %max3A_613 = arith.maximumf %max3A_608, %get3A_612 : vector<16xf32>
        %sub3A_614 = arith.constant 1.000000e+00 : f32
        %sub3A_615 = vector.broadcast %sub3A_614 : f32 to vector<16xf32>
        %sub3A_616 = arith.subf %sub3A_615, %max3A_613 : vector<16xf32>
        %swap3A_617 = arith.constant 80 : index
        %swap3A_618 = tpu.vector_load %arg13[%swap3A_617] {strides = array<i32>} : memref<128xf32, #tpu.memory_space<vmem>>, vector<16xf32>,
        tpu.vector_store %arg13[%swap3A_617], %sub3A_616 {strides = array<i32>} : memref<128xf32, #tpu.memory_space<vmem>>, vector<16xf32>,
        %get3A_619 = arith.constant 0 : i32
        %get3A_620 = arith.index_cast %get3A_619 : i32 to index
        %get3A_621 = arith.constant 96 : index
        %get3A_622 = tpu.vector_load %arg14[%get3A_620, %get3A_621] {strides = array<i32>} : memref<16x128xf32, #tpu.memory_space<vmem>>, vector<16xf32>,
        %max3A_623 = arith.maximumf %broadcast_in_dim3A_0, %get3A_622 : vector<16xf32>
        %get3A_624 = arith.constant 1 : i32
        %get3A_625 = arith.index_cast %get3A_624 : i32 to index
        %get3A_626 = arith.constant 96 : index
        %get3A_627 = tpu.vector_load %arg14[%get3A_625, %get3A_626] {strides = array<i32>} : memref<16x128xf32, #tpu.memory_space<vmem>>, vector<16xf32>,
        %max3A_628 = arith.maximumf %max3A_623, %get3A_627 : vector<16xf32>
        %get3A_629 = arith.constant 2 : i32
        %get3A_630 = arith.index_cast %get3A_629 : i32 to index
        %get3A_631 = arith.constant 96 : index
        %get3A_632 = tpu.vector_load %arg14[%get3A_630, %get3A_631] {strides = array<i32>} : memref<16x128xf32, #tpu.memory_space<vmem>>, vector<16xf32>,
        %max3A_633 = arith.maximumf %max3A_628, %get3A_632 : vector<16xf32>
        %get3A_634 = arith.constant 3 : i32
        %get3A_635 = arith.index_cast %get3A_634 : i32 to index
        %get3A_636 = arith.constant 96 : index
        %get3A_637 = tpu.vector_load %arg14[%get3A_635, %get3A_636] {strides = array<i32>} : memref<16x128xf32, #tpu.memory_space<vmem>>, vector<16xf32>,
        %max3A_638 = arith.maximumf %max3A_633, %get3A_637 : vector<16xf32>
        %get3A_639 = arith.constant 4 : i32
        %get3A_640 = arith.index_cast %get3A_639 : i32 to index
        %get3A_641 = arith.constant 96 : index
        %get3A_642 = tpu.vector_load %arg14[%get3A_640, %get3A_641] {strides = array<i32>} : memref<16x128xf32, #tpu.memory_space<vmem>>, vector<16xf32>,
        %max3A_643 = arith.maximumf %max3A_638, %get3A_642 : vector<16xf32>
        %get3A_644 = arith.constant 5 : i32
        %get3A_645 = arith.index_cast %get3A_644 : i32 to index
        %get3A_646 = arith.constant 96 : index
        %get3A_647 = tpu.vector_load %arg14[%get3A_645, %get3A_646] {strides = array<i32>} : memref<16x128xf32, #tpu.memory_space<vmem>>, vector<16xf32>,
        %max3A_648 = arith.maximumf %max3A_643, %get3A_647 : vector<16xf32>
        %get3A_649 = arith.constant 6 : i32
        %get3A_650 = arith.index_cast %get3A_649 : i32 to index
        %get3A_651 = arith.constant 96 : index
        %get3A_652 = tpu.vector_load %arg14[%get3A_650, %get3A_651] {strides = array<i32>} : memref<16x128xf32, #tpu.memory_space<vmem>>, vector<16xf32>,
        %max3A_653 = arith.maximumf %max3A_648, %get3A_652 : vector<16xf32>
        %get3A_654 = arith.constant 7 : i32
        %get3A_655 = arith.index_cast %get3A_654 : i32 to index
        %get3A_656 = arith.constant 96 : index
        %get3A_657 = tpu.vector_load %arg14[%get3A_655, %get3A_656] {strides = array<i32>} : memref<16x128xf32, #tpu.memory_space<vmem>>, vector<16xf32>,
        %max3A_658 = arith.maximumf %max3A_653, %get3A_657 : vector<16xf32>
        %get3A_659 = arith.constant 8 : i32
        %get3A_660 = arith.index_cast %get3A_659 : i32 to index
        %get3A_661 = arith.constant 96 : index
        %get3A_662 = tpu.vector_load %arg14[%get3A_660, %get3A_661] {strides = array<i32>} : memref<16x128xf32, #tpu.memory_space<vmem>>, vector<16xf32>,
        %max3A_663 = arith.maximumf %max3A_658, %get3A_662 : vector<16xf32>
        %get3A_664 = arith.constant 9 : i32
        %get3A_665 = arith.index_cast %get3A_664 : i32 to index
        %get3A_666 = arith.constant 96 : index
        %get3A_667 = tpu.vector_load %arg14[%get3A_665, %get3A_666] {strides = array<i32>} : memref<16x128xf32, #tpu.memory_space<vmem>>, vector<16xf32>,
        %max3A_668 = arith.maximumf %max3A_663, %get3A_667 : vector<16xf32>
        %get3A_669 = arith.constant 10 : i32
        %get3A_670 = arith.index_cast %get3A_669 : i32 to index
        %get3A_671 = arith.constant 96 : index
        %get3A_672 = tpu.vector_load %arg14[%get3A_670, %get3A_671] {strides = array<i32>} : memref<16x128xf32, #tpu.memory_space<vmem>>, vector<16xf32>,
        %max3A_673 = arith.maximumf %max3A_668, %get3A_672 : vector<16xf32>
        %get3A_674 = arith.constant 11 : i32
        %get3A_675 = arith.index_cast %get3A_674 : i32 to index
        %get3A_676 = arith.constant 96 : index
        %get3A_677 = tpu.vector_load %arg14[%get3A_675, %get3A_676] {strides = array<i32>} : memref<16x128xf32, #tpu.memory_space<vmem>>, vector<16xf32>,
        %max3A_678 = arith.maximumf %max3A_673, %get3A_677 : vector<16xf32>
        %get3A_679 = arith.constant 12 : i32
        %get3A_680 = arith.index_cast %get3A_679 : i32 to index
        %get3A_681 = arith.constant 96 : index
        %get3A_682 = tpu.vector_load %arg14[%get3A_680, %get3A_681] {strides = array<i32>} : memref<16x128xf32, #tpu.memory_space<vmem>>, vector<16xf32>,
        %max3A_683 = arith.maximumf %max3A_678, %get3A_682 : vector<16xf32>
        %get3A_684 = arith.constant 13 : i32
        %get3A_685 = arith.index_cast %get3A_684 : i32 to index
        %get3A_686 = arith.constant 96 : index
        %get3A_687 = tpu.vector_load %arg14[%get3A_685, %get3A_686] {strides = array<i32>} : memref<16x128xf32, #tpu.memory_space<vmem>>, vector<16xf32>,
        %max3A_688 = arith.maximumf %max3A_683, %get3A_687 : vector<16xf32>
        %get3A_689 = arith.constant 14 : i32
        %get3A_690 = arith.index_cast %get3A_689 : i32 to index
        %get3A_691 = arith.constant 96 : index
        %get3A_692 = tpu.vector_load %arg14[%get3A_690, %get3A_691] {strides = array<i32>} : memref<16x128xf32, #tpu.memory_space<vmem>>, vector<16xf32>,
        %max3A_693 = arith.maximumf %max3A_688, %get3A_692 : vector<16xf32>
        %get3A_694 = arith.constant 15 : i32
        %get3A_695 = arith.index_cast %get3A_694 : i32 to index
        %get3A_696 = arith.constant 96 : index
        %get3A_697 = tpu.vector_load %arg14[%get3A_695, %get3A_696] {strides = array<i32>} : memref<16x128xf32, #tpu.memory_space<vmem>>, vector<16xf32>,
        %max3A_698 = arith.maximumf %max3A_693, %get3A_697 : vector<16xf32>
        %sub3A_699 = arith.constant 1.000000e+00 : f32
        %sub3A_700 = vector.broadcast %sub3A_699 : f32 to vector<16xf32>
        %sub3A_701 = arith.subf %sub3A_700, %max3A_698 : vector<16xf32>
        %swap3A_702 = arith.constant 96 : index
        %swap3A_703 = tpu.vector_load %arg13[%swap3A_702] {strides = array<i32>} : memref<128xf32, #tpu.memory_space<vmem>>, vector<16xf32>,
        tpu.vector_store %arg13[%swap3A_702], %sub3A_701 {strides = array<i32>} : memref<128xf32, #tpu.memory_space<vmem>>, vector<16xf32>,
        %get3A_704 = arith.constant 0 : i32
        %get3A_705 = arith.index_cast %get3A_704 : i32 to index
        %get3A_706 = arith.constant 112 : index
        %get3A_707 = tpu.vector_load %arg14[%get3A_705, %get3A_706] {strides = array<i32>} : memref<16x128xf32, #tpu.memory_space<vmem>>, vector<16xf32>,
        %max3A_708 = arith.maximumf %broadcast_in_dim3A_0, %get3A_707 : vector<16xf32>
        %get3A_709 = arith.constant 1 : i32
        %get3A_710 = arith.index_cast %get3A_709 : i32 to index
        %get3A_711 = arith.constant 112 : index
        %get3A_712 = tpu.vector_load %arg14[%get3A_710, %get3A_711] {strides = array<i32>} : memref<16x128xf32, #tpu.memory_space<vmem>>, vector<16xf32>,
        %max3A_713 = arith.maximumf %max3A_708, %get3A_712 : vector<16xf32>
        %get3A_714 = arith.constant 2 : i32
        %get3A_715 = arith.index_cast %get3A_714 : i32 to index
        %get3A_716 = arith.constant 112 : index
        %get3A_717 = tpu.vector_load %arg14[%get3A_715, %get3A_716] {strides = array<i32>} : memref<16x128xf32, #tpu.memory_space<vmem>>, vector<16xf32>,
        %max3A_718 = arith.maximumf %max3A_713, %get3A_717 : vector<16xf32>
        %get3A_719 = arith.constant 3 : i32
        %get3A_720 = arith.index_cast %get3A_719 : i32 to index
        %get3A_721 = arith.constant 112 : index
        %get3A_722 = tpu.vector_load %arg14[%get3A_720, %get3A_721] {strides = array<i32>} : memref<16x128xf32, #tpu.memory_space<vmem>>, vector<16xf32>,
        %max3A_723 = arith.maximumf %max3A_718, %get3A_722 : vector<16xf32>
        %get3A_724 = arith.constant 4 : i32
        %get3A_725 = arith.index_cast %get3A_724 : i32 to index
        %get3A_726 = arith.constant 112 : index
        %get3A_727 = tpu.vector_load %arg14[%get3A_725, %get3A_726] {strides = array<i32>} : memref<16x128xf32, #tpu.memory_space<vmem>>, vector<16xf32>,
        %max3A_728 = arith.maximumf %max3A_723, %get3A_727 : vector<16xf32>
        %get3A_729 = arith.constant 5 : i32
        %get3A_730 = arith.index_cast %get3A_729 : i32 to index
        %get3A_731 = arith.constant 112 : index
        %get3A_732 = tpu.vector_load %arg14[%get3A_730, %get3A_731] {strides = array<i32>} : memref<16x128xf32, #tpu.memory_space<vmem>>, vector<16xf32>,
        %max3A_733 = arith.maximumf %max3A_728, %get3A_732 : vector<16xf32>
        %get3A_734 = arith.constant 6 : i32
        %get3A_735 = arith.index_cast %get3A_734 : i32 to index
        %get3A_736 = arith.constant 112 : index
        %get3A_737 = tpu.vector_load %arg14[%get3A_735, %get3A_736] {strides = array<i32>} : memref<16x128xf32, #tpu.memory_space<vmem>>, vector<16xf32>,
        %max3A_738 = arith.maximumf %max3A_733, %get3A_737 : vector<16xf32>
        %get3A_739 = arith.constant 7 : i32
        %get3A_740 = arith.index_cast %get3A_739 : i32 to index
        %get3A_741 = arith.constant 112 : index
        %get3A_742 = tpu.vector_load %arg14[%get3A_740, %get3A_741] {strides = array<i32>} : memref<16x128xf32, #tpu.memory_space<vmem>>, vector<16xf32>,
        %max3A_743 = arith.maximumf %max3A_738, %get3A_742 : vector<16xf32>
        %get3A_744 = arith.constant 8 : i32
        %get3A_745 = arith.index_cast %get3A_744 : i32 to index
        %get3A_746 = arith.constant 112 : index
        %get3A_747 = tpu.vector_load %arg14[%get3A_745, %get3A_746] {strides = array<i32>} : memref<16x128xf32, #tpu.memory_space<vmem>>, vector<16xf32>,
        %max3A_748 = arith.maximumf %max3A_743, %get3A_747 : vector<16xf32>
        %get3A_749 = arith.constant 9 : i32
        %get3A_750 = arith.index_cast %get3A_749 : i32 to index
        %get3A_751 = arith.constant 112 : index
        %get3A_752 = tpu.vector_load %arg14[%get3A_750, %get3A_751] {strides = array<i32>} : memref<16x128xf32, #tpu.memory_space<vmem>>, vector<16xf32>,
        %max3A_753 = arith.maximumf %max3A_748, %get3A_752 : vector<16xf32>
        %get3A_754 = arith.constant 10 : i32
        %get3A_755 = arith.index_cast %get3A_754 : i32 to index
        %get3A_756 = arith.constant 112 : index
        %get3A_757 = tpu.vector_load %arg14[%get3A_755, %get3A_756] {strides = array<i32>} : memref<16x128xf32, #tpu.memory_space<vmem>>, vector<16xf32>,
        %max3A_758 = arith.maximumf %max3A_753, %get3A_757 : vector<16xf32>
        %get3A_759 = arith.constant 11 : i32
        %get3A_760 = arith.index_cast %get3A_759 : i32 to index
        %get3A_761 = arith.constant 112 : index
        %get3A_762 = tpu.vector_load %arg14[%get3A_760, %get3A_761] {strides = array<i32>} : memref<16x128xf32, #tpu.memory_space<vmem>>, vector<16xf32>,
        %max3A_763 = arith.maximumf %max3A_758, %get3A_762 : vector<16xf32>
        %get3A_764 = arith.constant 12 : i32
        %get3A_765 = arith.index_cast %get3A_764 : i32 to index
        %get3A_766 = arith.constant 112 : index
        %get3A_767 = tpu.vector_load %arg14[%get3A_765, %get3A_766] {strides = array<i32>} : memref<16x128xf32, #tpu.memory_space<vmem>>, vector<16xf32>,
        %max3A_768 = arith.maximumf %max3A_763, %get3A_767 : vector<16xf32>
        %get3A_769 = arith.constant 13 : i32
        %get3A_770 = arith.index_cast %get3A_769 : i32 to index
        %get3A_771 = arith.constant 112 : index
        %get3A_772 = tpu.vector_load %arg14[%get3A_770, %get3A_771] {strides = array<i32>} : memref<16x128xf32, #tpu.memory_space<vmem>>, vector<16xf32>,
        %max3A_773 = arith.maximumf %max3A_768, %get3A_772 : vector<16xf32>
        %get3A_774 = arith.constant 14 : i32
        %get3A_775 = arith.index_cast %get3A_774 : i32 to index
        %get3A_776 = arith.constant 112 : index
        %get3A_777 = tpu.vector_load %arg14[%get3A_775, %get3A_776] {strides = array<i32>} : memref<16x128xf32, #tpu.memory_space<vmem>>, vector<16xf32>,
        %max3A_778 = arith.maximumf %max3A_773, %get3A_777 : vector<16xf32>
        %get3A_779 = arith.constant 15 : i32
        %get3A_780 = arith.index_cast %get3A_779 : i32 to index
        %get3A_781 = arith.constant 112 : index
        %get3A_782 = tpu.vector_load %arg14[%get3A_780, %get3A_781] {strides = array<i32>} : memref<16x128xf32, #tpu.memory_space<vmem>>, vector<16xf32>,
        %max3A_783 = arith.maximumf %max3A_778, %get3A_782 : vector<16xf32>
        %sub3A_784 = arith.constant 1.000000e+00 : f32
        %sub3A_785 = vector.broadcast %sub3A_784 : f32 to vector<16xf32>
        %sub3A_786 = arith.subf %sub3A_785, %max3A_783 : vector<16xf32>
        %swap3A_787 = arith.constant 112 : index
        %swap3A_788 = tpu.vector_load %arg13[%swap3A_787] {strides = array<i32>} : memref<128xf32, #tpu.memory_space<vmem>>, vector<16xf32>,
        tpu.vector_store %arg13[%swap3A_787], %sub3A_786 {strides = array<i32>} : memref<128xf32, #tpu.memory_space<vmem>>, vector<16xf32>,
        %scan3A_789 = arith.constant 0 : i32
        %scan3A_790 = arith.constant 0 : i32
        %scan3A_791 = arith.constant 128 : i32
        %scan3A_792 = arith.addi %scan3A_790, %scan3A_791 : i32
        %scan3A_793 = arith.constant 1 : i32
        %scan3A_794 = scf.for %scan3A_796 = %scan3A_790 to %scan3A_792 step %scan3A_793 iter_args(%scan3A_797 = %scan3A_789) -> (i32)  : i32 {
          %broadcast_in_dim3A_798 = vector.broadcast %scan3A_796 : i32 to vector<16xi32>
          %gather3A = tpu.vector_load_idx %arg13[%broadcast_in_dim3A_798] : memref<128xf32, #tpu.memory_space<vmem>>[vector<16xi32>], vector<16xf32>,
          %slice3A = vector.extract_strided_slice %gather3A {offsets = [0], sizes = [1], strides = [1]} : vector<16xf32> to vector<1xf32>
          %squeeze3A = vector.extract %slice3A[0] : f32 from vector<1xf32>
          %gt3A_799 = arith.constant 5.000000e-01 : f32
          %gt3A_800 = arith.cmpf ogt, %squeeze3A, %gt3A_799 : f32
          %convert_element_type3A_801 = arith.extui %gt3A_800 : i1 to i32
          %cond3A_802 = arith.constant 0 : i32
          %cond3A_803 = arith.cmpi ne, %convert_element_type3A_801, %cond3A_802 : i32
          scf.if %cond3A_803 {
            %add3A_805 = arith.addi %mul3A_15, %scan3A_796 : i32
            %broadcast_in_dim3A_806 = vector.broadcast %add3A_805 : i32 to vector<16xi32>
            %gather3A_807 = tpu.vector_load_idx %arg7[%broadcast_in_dim3A_806] : memref<20096xf32, #tpu.memory_space<vmem>>[vector<16xi32>], vector<16xf32>,
            %gather3A_808 = tpu.vector_load_idx %arg8[%broadcast_in_dim3A_806] : memref<20096xf32, #tpu.memory_space<vmem>>[vector<16xi32>], vector<16xf32>,
            %gather3A_809 = tpu.vector_load_idx %arg9[%broadcast_in_dim3A_806] : memref<20096xf32, #tpu.memory_space<vmem>>[vector<16xi32>], vector<16xf32>,
            %gather3A_810 = tpu.vector_load_idx %arg10[%broadcast_in_dim3A_806] : memref<20096xf32, #tpu.memory_space<vmem>>[vector<16xi32>], vector<16xf32>,
            %sub3A_811 = arith.subf %gather3A_809, %gather3A_807 : vector<16xf32>
            %sub3A_812 = arith.subf %gather3A_810, %gather3A_808 : vector<16xf32>
            %mul3A_813 = arith.mulf %sub3A_811, %sub3A_812 : vector<16xf32>
            %jit3A_814 = arith.constant 16 : i32
            %div3A_815 = arith.divsi %scan3A_796, %jit3A_814 : i32
            %sign3A_816 = arith.constant 0 : i32
            %sign3A_817 = arith.cmpi sgt, %scan3A_796, %sign3A_816 : i32
            %sign3A_818 = arith.extui %sign3A_817 : i1 to i32
            %sign3A_819 = arith.constant 0 : i32
            %sign3A_820 = arith.cmpi slt, %scan3A_796, %sign3A_819 : i32
            %sign3A_821 = arith.extui %sign3A_820 : i1 to i32
            %sign3A_822 = arith.subi %sign3A_818, %sign3A_821 : i32
            %sign3A_823 = arith.constant 0 : i32
            %sign3A_824 = arith.cmpi sgt, %jit3A_814, %sign3A_823 : i32
            %sign3A_825 = arith.extui %sign3A_824 : i1 to i32
            %sign3A_826 = arith.constant 0 : i32
            %sign3A_827 = arith.cmpi slt, %jit3A_814, %sign3A_826 : i32
            %sign3A_828 = arith.extui %sign3A_827 : i1 to i32
            %sign3A_829 = arith.subi %sign3A_825, %sign3A_828 : i32
            %ne3A_830 = arith.cmpi ne, %sign3A_822, %sign3A_829 : i32
            %rem3A_831 = arith.remsi %scan3A_796, %jit3A_814 : i32
            %ne3A_832 = arith.constant 0 : i32
            %ne3A_833 = arith.cmpi ne, %rem3A_831, %ne3A_832 : i32
            %and3A_834 = arith.andi %ne3A_830, %ne3A_833 : i1
            %sub3A_835 = arith.constant 1 : i32
            %sub3A_836 = arith.subi %div3A_815, %sub3A_835 : i32
            %select_n3A_837 = arith.select %and3A_834, %sub3A_836, %div3A_815 : i32
            %while3A = arith.constant 8 : i32
            %while3A_838 = arith.constant 0 : i32
            %while3A_839 = arith.subi %while3A, %select_n3A_837 : i32
            %while3A_840 = arith.addi %select_n3A_837, %while3A_839 : i32
            %while3A_841 = arith.constant 1 : i32
            %while3A_842 = arith.divsi %while3A_839, %while3A_841 : i32
            %while3A_843 = arith.muli %while3A_842, %while3A_841 : i32
            %while3A_844 = arith.addi %select_n3A_837, %while3A_843 : i32
            %while3A_845 = arith.constant 1 : i32
            %while3A_846 = scf.for %while3A_849 = %select_n3A_837 to %while3A_844 step %while3A_845 iter_args(%while3A_850 = %while3A_838) -> (i32)  : i32 {
              %mul3A_851 = arith.constant 16 : i32
              %mul3A_852 = arith.muli %while3A_849, %mul3A_851 : i32
              %add3A_853 = arith.addi %mul3A_15, %mul3A_852 : i32
              %get3A_854 = arith.index_cast %add3A_853 : i32 to index
              %get3A_855 = tpu.vector_load %arg7[%get3A_854] {strides = array<i32>} : memref<20096xf32, #tpu.memory_space<vmem>>, vector<16xf32>,
              %get3A_856 = arith.index_cast %add3A_853 : i32 to index
              %get3A_857 = tpu.vector_load %arg8[%get3A_856] {strides = array<i32>} : memref<20096xf32, #tpu.memory_space<vmem>>, vector<16xf32>,
              %get3A_858 = arith.index_cast %add3A_853 : i32 to index
              %get3A_859 = tpu.vector_load %arg9[%get3A_858] {strides = array<i32>} : memref<20096xf32, #tpu.memory_space<vmem>>, vector<16xf32>,
              %get3A_860 = arith.index_cast %add3A_853 : i32 to index
              %get3A_861 = tpu.vector_load %arg10[%get3A_860] {strides = array<i32>} : memref<20096xf32, #tpu.memory_space<vmem>>, vector<16xf32>,
              %sub3A_862 = arith.subf %get3A_859, %get3A_855 : vector<16xf32>
              %sub3A_863 = arith.subf %get3A_861, %get3A_857 : vector<16xf32>
              %mul3A_864 = arith.mulf %sub3A_862, %sub3A_863 : vector<16xf32>
              %max3A_865 = arith.maximumf %gather3A_807, %get3A_855 : vector<16xf32>
              %max3A_866 = arith.maximumf %gather3A_808, %get3A_857 : vector<16xf32>
              %min3A = arith.minimumf %gather3A_809, %get3A_859 : vector<16xf32>
              %min3A_867 = arith.minimumf %gather3A_810, %get3A_861 : vector<16xf32>
              %sub3A_868 = arith.subf %min3A, %max3A_865 : vector<16xf32>
              %max3A_869 = arith.constant 0.000000e+00 : f32
              %max3A_870 = vector.broadcast %max3A_869 : f32 to vector<16xf32>
              %max3A_871 = arith.maximumf %max3A_870, %sub3A_868 : vector<16xf32>
              %sub3A_872 = arith.subf %min3A_867, %max3A_866 : vector<16xf32>
              %max3A_873 = arith.constant 0.000000e+00 : f32
              %max3A_874 = vector.broadcast %max3A_873 : f32 to vector<16xf32>
              %max3A_875 = arith.maximumf %max3A_874, %sub3A_872 : vector<16xf32>
              %mul3A_876 = arith.mulf %max3A_871, %max3A_875 : vector<16xf32>
              %add3A_877 = arith.addf %mul3A_813, %mul3A_864 : vector<16xf32>
              %sub3A_878 = arith.subf %add3A_877, %mul3A_876 : vector<16xf32>
              %add3A_879 = arith.constant 9.99999993E-9 : f32
              %add3A_880 = vector.broadcast %add3A_879 : f32 to vector<16xf32>
              %add3A_881 = arith.addf %sub3A_878, %add3A_880 : vector<16xf32>
              %div3A_882 = arith.divf %mul3A_876, %add3A_881 : vector<16xf32>
              %gt3A_883 = arith.constant 3.000000e-01 : f32
              %gt3A_884 = vector.broadcast %gt3A_883 : f32 to vector<16xf32>
              %gt3A_885 = arith.cmpf ogt, %div3A_882, %gt3A_884 : vector<16xf32>
              %mul3A_886 = arith.constant 16 : i32
              %mul3A_887 = arith.muli %while3A_849, %mul3A_886 : i32
              %add3A_888 = vector.broadcast %mul3A_887 : i32 to vector<16xi32>
              %add3A_889 = arith.addi %add3A_888, %iota3A : vector<16xi32>
              %gt3A_890 = vector.broadcast %scan3A_796 : i32 to vector<16xi32>
              %gt3A_891 = arith.cmpi sgt, %add3A_889, %gt3A_890 : vector<16xi32>
              %and3A_892 = arith.andi %gt3A_885, %gt3A_891 : vector<16xi1>
              %mul3A_893 = arith.constant 16 : i32
              %mul3A_894 = arith.muli %while3A_849, %mul3A_893 : i32
              %get3A_895 = arith.index_cast %mul3A_894 : i32 to index
              %get3A_896 = tpu.vector_load %arg13[%get3A_895] {strides = array<i32>} : memref<128xf32, #tpu.memory_space<vmem>>, vector<16xf32>,
              %jit3A_897 = arith.constant 0.000000e+00 : f32
              %broadcast_in_dim3A_898 = vector.broadcast %jit3A_897 : f32 to vector<16xf32>
              %select_n3A_899 = arith.select %and3A_892, %broadcast_in_dim3A_898, %get3A_896 : vector<16xi1>, vector<16xf32>
              %mul3A_900 = arith.constant 16 : i32
              %mul3A_901 = arith.muli %while3A_849, %mul3A_900 : i32
              %swap3A_902 = arith.index_cast %mul3A_901 : i32 to index
              %swap3A_903 = tpu.vector_load %arg13[%swap3A_902] {strides = array<i32>} : memref<128xf32, #tpu.memory_space<vmem>>, vector<16xf32>,
              tpu.vector_store %arg13[%swap3A_902], %select_n3A_899 {strides = array<i32>} : memref<128xf32, #tpu.memory_space<vmem>>, vector<16xf32>,
              %while3A_904 = arith.constant 0 : i32
              scf.yield %while3A_904 : i32
            }
            %while3A_847 = arith.constant 1 : i32
            %while3A_848 = scf.for %while3A_849 = %while3A_844 to %while3A_840 step %while3A_847 iter_args(%while3A_850 = %while3A_846) -> (i32)  : i32 {
              %mul3A_851 = arith.constant 16 : i32
              %mul3A_852 = arith.muli %while3A_849, %mul3A_851 : i32
              %add3A_853 = arith.addi %mul3A_15, %mul3A_852 : i32
              %get3A_854 = arith.index_cast %add3A_853 : i32 to index
              %get3A_855 = tpu.vector_load %arg7[%get3A_854] {strides = array<i32>} : memref<20096xf32, #tpu.memory_space<vmem>>, vector<16xf32>,
              %get3A_856 = arith.index_cast %add3A_853 : i32 to index
              %get3A_857 = tpu.vector_load %arg8[%get3A_856] {strides = array<i32>} : memref<20096xf32, #tpu.memory_space<vmem>>, vector<16xf32>,
              %get3A_858 = arith.index_cast %add3A_853 : i32 to index
              %get3A_859 = tpu.vector_load %arg9[%get3A_858] {strides = array<i32>} : memref<20096xf32, #tpu.memory_space<vmem>>, vector<16xf32>,
              %get3A_860 = arith.index_cast %add3A_853 : i32 to index
              %get3A_861 = tpu.vector_load %arg10[%get3A_860] {strides = array<i32>} : memref<20096xf32, #tpu.memory_space<vmem>>, vector<16xf32>,
              %sub3A_862 = arith.subf %get3A_859, %get3A_855 : vector<16xf32>
              %sub3A_863 = arith.subf %get3A_861, %get3A_857 : vector<16xf32>
              %mul3A_864 = arith.mulf %sub3A_862, %sub3A_863 : vector<16xf32>
              %max3A_865 = arith.maximumf %gather3A_807, %get3A_855 : vector<16xf32>
              %max3A_866 = arith.maximumf %gather3A_808, %get3A_857 : vector<16xf32>
              %min3A = arith.minimumf %gather3A_809, %get3A_859 : vector<16xf32>
              %min3A_867 = arith.minimumf %gather3A_810, %get3A_861 : vector<16xf32>
              %sub3A_868 = arith.subf %min3A, %max3A_865 : vector<16xf32>
              %max3A_869 = arith.constant 0.000000e+00 : f32
              %max3A_870 = vector.broadcast %max3A_869 : f32 to vector<16xf32>
              %max3A_871 = arith.maximumf %max3A_870, %sub3A_868 : vector<16xf32>
              %sub3A_872 = arith.subf %min3A_867, %max3A_866 : vector<16xf32>
              %max3A_873 = arith.constant 0.000000e+00 : f32
              %max3A_874 = vector.broadcast %max3A_873 : f32 to vector<16xf32>
              %max3A_875 = arith.maximumf %max3A_874, %sub3A_872 : vector<16xf32>
              %mul3A_876 = arith.mulf %max3A_871, %max3A_875 : vector<16xf32>
              %add3A_877 = arith.addf %mul3A_813, %mul3A_864 : vector<16xf32>
              %sub3A_878 = arith.subf %add3A_877, %mul3A_876 : vector<16xf32>
              %add3A_879 = arith.constant 9.99999993E-9 : f32
              %add3A_880 = vector.broadcast %add3A_879 : f32 to vector<16xf32>
              %add3A_881 = arith.addf %sub3A_878, %add3A_880 : vector<16xf32>
              %div3A_882 = arith.divf %mul3A_876, %add3A_881 : vector<16xf32>
              %gt3A_883 = arith.constant 3.000000e-01 : f32
              %gt3A_884 = vector.broadcast %gt3A_883 : f32 to vector<16xf32>
              %gt3A_885 = arith.cmpf ogt, %div3A_882, %gt3A_884 : vector<16xf32>
              %mul3A_886 = arith.constant 16 : i32
              %mul3A_887 = arith.muli %while3A_849, %mul3A_886 : i32
              %add3A_888 = vector.broadcast %mul3A_887 : i32 to vector<16xi32>
              %add3A_889 = arith.addi %add3A_888, %iota3A : vector<16xi32>
              %gt3A_890 = vector.broadcast %scan3A_796 : i32 to vector<16xi32>
              %gt3A_891 = arith.cmpi sgt, %add3A_889, %gt3A_890 : vector<16xi32>
              %and3A_892 = arith.andi %gt3A_885, %gt3A_891 : vector<16xi1>
              %mul3A_893 = arith.constant 16 : i32
              %mul3A_894 = arith.muli %while3A_849, %mul3A_893 : i32
              %get3A_895 = arith.index_cast %mul3A_894 : i32 to index
              %get3A_896 = tpu.vector_load %arg13[%get3A_895] {strides = array<i32>} : memref<128xf32, #tpu.memory_space<vmem>>, vector<16xf32>,
              %jit3A_897 = arith.constant 0.000000e+00 : f32
              %broadcast_in_dim3A_898 = vector.broadcast %jit3A_897 : f32 to vector<16xf32>
              %select_n3A_899 = arith.select %and3A_892, %broadcast_in_dim3A_898, %get3A_896 : vector<16xi1>, vector<16xf32>
              %mul3A_900 = arith.constant 16 : i32
              %mul3A_901 = arith.muli %while3A_849, %mul3A_900 : i32
              %swap3A_902 = arith.index_cast %mul3A_901 : i32 to index
              %swap3A_903 = tpu.vector_load %arg13[%swap3A_902] {strides = array<i32>} : memref<128xf32, #tpu.memory_space<vmem>>, vector<16xf32>,
              tpu.vector_store %arg13[%swap3A_902], %select_n3A_899 {strides = array<i32>} : memref<128xf32, #tpu.memory_space<vmem>>, vector<16xf32>,
              %while3A_904 = arith.constant 0 : i32
              scf.yield %while3A_904 : i32
            }
          } else {
          }
          %scan3A_804 = arith.constant 0 : i32
          scf.yield %scan3A_804 : i32
        }
        %scan3A_795 = arith.constant 128 : i32
        "tpu.region"() ({
          %run_scoped3A = tpu.sem_alloc : memref<!tpu.dma_semaphore, #tpu.memory_space<semaphore_mem>>
          tpu.enqueue_dma source(%arg13 : memref<128xf32, #tpu.memory_space<vmem>>) target(%arg16 : memref<128xf32, #tpu.memory_space<vmem_shared>>) target_semaphore(%run_scoped3A : memref<!tpu.dma_semaphore, #tpu.memory_space<semaphore_mem>>)
          tpu.wait_dma2 semaphore(%run_scoped3A : memref<!tpu.dma_semaphore, #tpu.memory_space<semaphore_mem>>) src(%arg13 : memref<128xf32, #tpu.memory_space<vmem>>) dst(%arg16 : memref<128xf32, #tpu.memory_space<vmem_shared>>)
          tpu.yield
        }) : () -> ()
        "tpu.region"() ({
          %run_scoped3A = tpu.sem_alloc : memref<!tpu.dma_semaphore, #tpu.memory_space<semaphore_mem>>
          %dma_start3A = tpu.memref_slice %arg6[%mul3A_15] : memref<20096xf32, #tpu.memory_space<hbm>> -> memref<128xf32, #tpu.memory_space<hbm>>
          %dma_start3A_796 = tpu.memref_slice %arg6[%mul3A_15] : memref<20096xf32, #tpu.memory_space<hbm>> -> memref<128xf32, #tpu.memory_space<hbm>>
          tpu.enqueue_dma source(%arg13 : memref<128xf32, #tpu.memory_space<vmem>>) target(%dma_start3A_796 : memref<128xf32, #tpu.memory_space<hbm>>) target_semaphore(%run_scoped3A : memref<!tpu.dma_semaphore, #tpu.memory_space<semaphore_mem>>)
          %dma_wait3A = tpu.memref_slice %arg6[%mul3A_15] : memref<20096xf32, #tpu.memory_space<hbm>> -> memref<128xf32, #tpu.memory_space<hbm>>
          %dma_wait3A_797 = tpu.memref_slice %arg6[%mul3A_15] : memref<20096xf32, #tpu.memory_space<hbm>> -> memref<128xf32, #tpu.memory_space<hbm>>
          tpu.wait_dma2 semaphore(%run_scoped3A : memref<!tpu.dma_semaphore, #tpu.memory_space<semaphore_mem>>) src(%arg13 : memref<128xf32, #tpu.memory_space<vmem>>) dst(%dma_wait3A_797 : memref<128xf32, #tpu.memory_space<hbm>>)
          tpu.yield
        }) : () -> ()
      } else {
      }
      %gt3A_101 = arith.constant 0 : i32
      %gt3A_102 = arith.cmpi sgt, %arg1, %gt3A_101 : i32
      %add3A_103 = arith.constant 1 : i32
      %add3A_104 = arith.addi %scan3A_13, %add3A_103 : i32
      %lt3A = arith.constant 157 : i32
      %lt3A_105 = arith.cmpi slt, %add3A_104, %lt3A : i32
      %and3A_106 = arith.andi %gt3A_102, %lt3A_105 : i1
      %convert_element_type3A_107 = arith.extui %and3A_106 : i1 to i32
      %cond3A_108 = arith.constant 0 : i32
      %cond3A_109 = arith.cmpi ne, %convert_element_type3A_107, %cond3A_108 : i32
      scf.if %cond3A_109 {
        %swap3A = arith.constant 0 : index
        %swap3A_111 = tpu.vector_load %arg12[%swap3A] {strides = array<i32>} : memref<128xf32, #tpu.memory_space<vmem>>, vector<16xf32>,
        tpu.vector_store %arg12[%swap3A], %broadcast_in_dim3A_0 {strides = array<i32>} : memref<128xf32, #tpu.memory_space<vmem>>, vector<16xf32>,
        %swap3A_112 = arith.constant 16 : index
        %swap3A_113 = tpu.vector_load %arg12[%swap3A_112] {strides = array<i32>} : memref<128xf32, #tpu.memory_space<vmem>>, vector<16xf32>,
        tpu.vector_store %arg12[%swap3A_112], %broadcast_in_dim3A_0 {strides = array<i32>} : memref<128xf32, #tpu.memory_space<vmem>>, vector<16xf32>,
        %swap3A_114 = arith.constant 32 : index
        %swap3A_115 = tpu.vector_load %arg12[%swap3A_114] {strides = array<i32>} : memref<128xf32, #tpu.memory_space<vmem>>, vector<16xf32>,
        tpu.vector_store %arg12[%swap3A_114], %broadcast_in_dim3A_0 {strides = array<i32>} : memref<128xf32, #tpu.memory_space<vmem>>, vector<16xf32>,
        %swap3A_116 = arith.constant 48 : index
        %swap3A_117 = tpu.vector_load %arg12[%swap3A_116] {strides = array<i32>} : memref<128xf32, #tpu.memory_space<vmem>>, vector<16xf32>,
        tpu.vector_store %arg12[%swap3A_116], %broadcast_in_dim3A_0 {strides = array<i32>} : memref<128xf32, #tpu.memory_space<vmem>>, vector<16xf32>,
        %swap3A_118 = arith.constant 64 : index
        %swap3A_119 = tpu.vector_load %arg12[%swap3A_118] {strides = array<i32>} : memref<128xf32, #tpu.memory_space<vmem>>, vector<16xf32>,
        tpu.vector_store %arg12[%swap3A_118], %broadcast_in_dim3A_0 {strides = array<i32>} : memref<128xf32, #tpu.memory_space<vmem>>, vector<16xf32>,
        %swap3A_120 = arith.constant 80 : index
        %swap3A_121 = tpu.vector_load %arg12[%swap3A_120] {strides = array<i32>} : memref<128xf32, #tpu.memory_space<vmem>>, vector<16xf32>,
        tpu.vector_store %arg12[%swap3A_120], %broadcast_in_dim3A_0 {strides = array<i32>} : memref<128xf32, #tpu.memory_space<vmem>>, vector<16xf32>,
        %swap3A_122 = arith.constant 96 : index
        %swap3A_123 = tpu.vector_load %arg12[%swap3A_122] {strides = array<i32>} : memref<128xf32, #tpu.memory_space<vmem>>, vector<16xf32>,
        tpu.vector_store %arg12[%swap3A_122], %broadcast_in_dim3A_0 {strides = array<i32>} : memref<128xf32, #tpu.memory_space<vmem>>, vector<16xf32>,
        %swap3A_124 = arith.constant 112 : index
        %swap3A_125 = tpu.vector_load %arg12[%swap3A_124] {strides = array<i32>} : memref<128xf32, #tpu.memory_space<vmem>>, vector<16xf32>,
        tpu.vector_store %arg12[%swap3A_124], %broadcast_in_dim3A_0 {strides = array<i32>} : memref<128xf32, #tpu.memory_space<vmem>>, vector<16xf32>,
        %add3A_126 = arith.constant 128 : i32
        %add3A_127 = arith.addi %mul3A_15, %add3A_126 : i32
        %add3A_128 = arith.constant 0 : i32
        %add3A_129 = arith.addi %add3A_127, %add3A_128 : i32
        %add3A_130 = arith.constant 0 : i32
        %add3A_131 = arith.addi %add3A_129, %add3A_130 : i32
        %get3A = arith.index_cast %add3A_131 : i32 to index
        %get3A_132 = tpu.vector_load %arg7[%get3A] {strides = array<i32>} : memref<20096xf32, #tpu.memory_space<vmem>>, vector<16xf32>,
        %add3A_133 = arith.constant 16 : i32
        %add3A_134 = arith.addi %add3A_129, %add3A_133 : i32
        %get3A_135 = arith.index_cast %add3A_134 : i32 to index
        %get3A_136 = tpu.vector_load %arg7[%get3A_135] {strides = array<i32>} : memref<20096xf32, #tpu.memory_space<vmem>>, vector<16xf32>,
        %add3A_137 = arith.constant 32 : i32
        %add3A_138 = arith.addi %add3A_129, %add3A_137 : i32
        %get3A_139 = arith.index_cast %add3A_138 : i32 to index
        %get3A_140 = tpu.vector_load %arg7[%get3A_139] {strides = array<i32>} : memref<20096xf32, #tpu.memory_space<vmem>>, vector<16xf32>,
        %add3A_141 = arith.constant 48 : i32
        %add3A_142 = arith.addi %add3A_129, %add3A_141 : i32
        %get3A_143 = arith.index_cast %add3A_142 : i32 to index
        %get3A_144 = tpu.vector_load %arg7[%get3A_143] {strides = array<i32>} : memref<20096xf32, #tpu.memory_space<vmem>>, vector<16xf32>,
        %add3A_145 = arith.constant 0 : i32
        %add3A_146 = arith.addi %add3A_129, %add3A_145 : i32
        %get3A_147 = arith.index_cast %add3A_146 : i32 to index
        %get3A_148 = tpu.vector_load %arg8[%get3A_147] {strides = array<i32>} : memref<20096xf32, #tpu.memory_space<vmem>>, vector<16xf32>,
        %add3A_149 = arith.constant 16 : i32
        %add3A_150 = arith.addi %add3A_129, %add3A_149 : i32
        %get3A_151 = arith.index_cast %add3A_150 : i32 to index
        %get3A_152 = tpu.vector_load %arg8[%get3A_151] {strides = array<i32>} : memref<20096xf32, #tpu.memory_space<vmem>>, vector<16xf32>,
        %add3A_153 = arith.constant 32 : i32
        %add3A_154 = arith.addi %add3A_129, %add3A_153 : i32
        %get3A_155 = arith.index_cast %add3A_154 : i32 to index
        %get3A_156 = tpu.vector_load %arg8[%get3A_155] {strides = array<i32>} : memref<20096xf32, #tpu.memory_space<vmem>>, vector<16xf32>,
        %add3A_157 = arith.constant 48 : i32
        %add3A_158 = arith.addi %add3A_129, %add3A_157 : i32
        %get3A_159 = arith.index_cast %add3A_158 : i32 to index
        %get3A_160 = tpu.vector_load %arg8[%get3A_159] {strides = array<i32>} : memref<20096xf32, #tpu.memory_space<vmem>>, vector<16xf32>,
        %add3A_161 = arith.constant 0 : i32
        %add3A_162 = arith.addi %add3A_129, %add3A_161 : i32
        %get3A_163 = arith.index_cast %add3A_162 : i32 to index
        %get3A_164 = tpu.vector_load %arg9[%get3A_163] {strides = array<i32>} : memref<20096xf32, #tpu.memory_space<vmem>>, vector<16xf32>,
        %add3A_165 = arith.constant 16 : i32
        %add3A_166 = arith.addi %add3A_129, %add3A_165 : i32
        %get3A_167 = arith.index_cast %add3A_166 : i32 to index
        %get3A_168 = tpu.vector_load %arg9[%get3A_167] {strides = array<i32>} : memref<20096xf32, #tpu.memory_space<vmem>>, vector<16xf32>,
        %add3A_169 = arith.constant 32 : i32
        %add3A_170 = arith.addi %add3A_129, %add3A_169 : i32
        %get3A_171 = arith.index_cast %add3A_170 : i32 to index
        %get3A_172 = tpu.vector_load %arg9[%get3A_171] {strides = array<i32>} : memref<20096xf32, #tpu.memory_space<vmem>>, vector<16xf32>,
        %add3A_173 = arith.constant 48 : i32
        %add3A_174 = arith.addi %add3A_129, %add3A_173 : i32
        %get3A_175 = arith.index_cast %add3A_174 : i32 to index
        %get3A_176 = tpu.vector_load %arg9[%get3A_175] {strides = array<i32>} : memref<20096xf32, #tpu.memory_space<vmem>>, vector<16xf32>,
        %add3A_177 = arith.constant 0 : i32
        %add3A_178 = arith.addi %add3A_129, %add3A_177 : i32
        %get3A_179 = arith.index_cast %add3A_178 : i32 to index
        %get3A_180 = tpu.vector_load %arg10[%get3A_179] {strides = array<i32>} : memref<20096xf32, #tpu.memory_space<vmem>>, vector<16xf32>,
        %add3A_181 = arith.constant 16 : i32
        %add3A_182 = arith.addi %add3A_129, %add3A_181 : i32
        %get3A_183 = arith.index_cast %add3A_182 : i32 to index
        %get3A_184 = tpu.vector_load %arg10[%get3A_183] {strides = array<i32>} : memref<20096xf32, #tpu.memory_space<vmem>>, vector<16xf32>,
        %add3A_185 = arith.constant 32 : i32
        %add3A_186 = arith.addi %add3A_129, %add3A_185 : i32
        %get3A_187 = arith.index_cast %add3A_186 : i32 to index
        %get3A_188 = tpu.vector_load %arg10[%get3A_187] {strides = array<i32>} : memref<20096xf32, #tpu.memory_space<vmem>>, vector<16xf32>,
        %add3A_189 = arith.constant 48 : i32
        %add3A_190 = arith.addi %add3A_129, %add3A_189 : i32
        %get3A_191 = arith.index_cast %add3A_190 : i32 to index
        %get3A_192 = tpu.vector_load %arg10[%get3A_191] {strides = array<i32>} : memref<20096xf32, #tpu.memory_space<vmem>>, vector<16xf32>,
        %sub3A_193 = arith.subf %get3A_164, %get3A_132 : vector<16xf32>
        %sub3A_194 = arith.subf %get3A_180, %get3A_148 : vector<16xf32>
        %mul3A_195 = arith.mulf %sub3A_193, %sub3A_194 : vector<16xf32>
        %sub3A_196 = arith.subf %get3A_168, %get3A_136 : vector<16xf32>
        %sub3A_197 = arith.subf %get3A_184, %get3A_152 : vector<16xf32>
        %mul3A_198 = arith.mulf %sub3A_196, %sub3A_197 : vector<16xf32>
        %sub3A_199 = arith.subf %get3A_172, %get3A_140 : vector<16xf32>
        %sub3A_200 = arith.subf %get3A_188, %get3A_156 : vector<16xf32>
        %mul3A_201 = arith.mulf %sub3A_199, %sub3A_200 : vector<16xf32>
        %sub3A_202 = arith.subf %get3A_176, %get3A_144 : vector<16xf32>
        %sub3A_203 = arith.subf %get3A_192, %get3A_160 : vector<16xf32>
        %mul3A_204 = arith.mulf %sub3A_202, %sub3A_203 : vector<16xf32>
        %get3A_205 = arith.constant 0 : index
        %get3A_206 = tpu.vector_load %arg12[%get3A_205] {strides = array<i32>} : memref<128xf32, #tpu.memory_space<vmem>>, vector<16xf32>,
        %get3A_207 = arith.constant 16 : index
        %get3A_208 = tpu.vector_load %arg12[%get3A_207] {strides = array<i32>} : memref<128xf32, #tpu.memory_space<vmem>>, vector<16xf32>,
        %get3A_209 = arith.constant 32 : index
        %get3A_210 = tpu.vector_load %arg12[%get3A_209] {strides = array<i32>} : memref<128xf32, #tpu.memory_space<vmem>>, vector<16xf32>,
        %get3A_211 = arith.constant 48 : index
        %get3A_212 = tpu.vector_load %arg12[%get3A_211] {strides = array<i32>} : memref<128xf32, #tpu.memory_space<vmem>>, vector<16xf32>,
        %while3A = arith.constant 0 : i32
        %while3A_213 = arith.subi %max3A_81, %while3A : i32
        %while3A_214 = arith.addi %while3A, %while3A_213 : i32
        %while3A_215 = arith.constant 1 : i32
        %while3A_216 = arith.divsi %while3A_213, %while3A_215 : i32
        %while3A_217 = arith.muli %while3A_216, %while3A_215 : i32
        %while3A_218 = arith.addi %while3A, %while3A_217 : i32
        %while3A_219 = arith.constant 1 : i32
        %while3A_220:4 = scf.for %while3A_336 = %while3A to %while3A_218 step %while3A_219 iter_args(%while3A_337 = %get3A_206, %while3A_338 = %get3A_208, %while3A_339 = %get3A_210, %while3A_340 = %get3A_212) -> (vector<16xf32>, vector<16xf32>, vector<16xf32>, vector<16xf32>)  : i32 {
          %broadcast_in_dim3A_341 = vector.broadcast %while3A_336 : i32 to vector<16xi32>
          %gather3A = tpu.vector_load_idx %arg11[%broadcast_in_dim3A_341] : memref<1360xi32, #tpu.memory_space<vmem>>[vector<16xi32>], vector<16xi32>,
          %gather3A_342 = tpu.vector_load_idx %arg7[%gather3A] : memref<20096xf32, #tpu.memory_space<vmem>>[vector<16xi32>], vector<16xf32>,
          %gather3A_343 = tpu.vector_load_idx %arg8[%gather3A] : memref<20096xf32, #tpu.memory_space<vmem>>[vector<16xi32>], vector<16xf32>,
          %gather3A_344 = tpu.vector_load_idx %arg9[%gather3A] : memref<20096xf32, #tpu.memory_space<vmem>>[vector<16xi32>], vector<16xf32>,
          %gather3A_345 = tpu.vector_load_idx %arg10[%gather3A] : memref<20096xf32, #tpu.memory_space<vmem>>[vector<16xi32>], vector<16xf32>,
          %sub3A_346 = arith.subf %gather3A_344, %gather3A_342 : vector<16xf32>
          %sub3A_347 = arith.subf %gather3A_345, %gather3A_343 : vector<16xf32>
          %mul3A_348 = arith.mulf %sub3A_346, %sub3A_347 : vector<16xf32>
          %max3A_349 = arith.maximumf %gather3A_342, %get3A_132 : vector<16xf32>
          %max3A_350 = arith.maximumf %gather3A_343, %get3A_148 : vector<16xf32>
          %min3A = arith.minimumf %gather3A_344, %get3A_164 : vector<16xf32>
          %min3A_351 = arith.minimumf %gather3A_345, %get3A_180 : vector<16xf32>
          %sub3A_352 = arith.subf %min3A, %max3A_349 : vector<16xf32>
          %max3A_353 = arith.constant 0.000000e+00 : f32
          %max3A_354 = vector.broadcast %max3A_353 : f32 to vector<16xf32>
          %max3A_355 = arith.maximumf %max3A_354, %sub3A_352 : vector<16xf32>
          %sub3A_356 = arith.subf %min3A_351, %max3A_350 : vector<16xf32>
          %max3A_357 = arith.constant 0.000000e+00 : f32
          %max3A_358 = vector.broadcast %max3A_357 : f32 to vector<16xf32>
          %max3A_359 = arith.maximumf %max3A_358, %sub3A_356 : vector<16xf32>
          %mul3A_360 = arith.mulf %max3A_355, %max3A_359 : vector<16xf32>
          %add3A_361 = arith.addf %mul3A_348, %mul3A_195 : vector<16xf32>
          %sub3A_362 = arith.subf %add3A_361, %mul3A_360 : vector<16xf32>
          %add3A_363 = arith.constant 9.99999993E-9 : f32
          %add3A_364 = vector.broadcast %add3A_363 : f32 to vector<16xf32>
          %add3A_365 = arith.addf %sub3A_362, %add3A_364 : vector<16xf32>
          %div3A_366 = arith.divf %mul3A_360, %add3A_365 : vector<16xf32>
          %gt3A_367 = arith.constant 3.000000e-01 : f32
          %gt3A_368 = vector.broadcast %gt3A_367 : f32 to vector<16xf32>
          %gt3A_369 = arith.cmpf ogt, %div3A_366, %gt3A_368 : vector<16xf32>
          %jit3A_370 = arith.constant 1.000000e+00 : f32
          %broadcast_in_dim3A_371 = vector.broadcast %jit3A_370 : f32 to vector<16xf32>
          %select_n3A_372 = arith.select %gt3A_369, %broadcast_in_dim3A_371, %while3A_337 : vector<16xi1>, vector<16xf32>
          %max3A_373 = arith.maximumf %gather3A_342, %get3A_136 : vector<16xf32>
          %max3A_374 = arith.maximumf %gather3A_343, %get3A_152 : vector<16xf32>
          %min3A_375 = arith.minimumf %gather3A_344, %get3A_168 : vector<16xf32>
          %min3A_376 = arith.minimumf %gather3A_345, %get3A_184 : vector<16xf32>
          %sub3A_377 = arith.subf %min3A_375, %max3A_373 : vector<16xf32>
          %max3A_378 = arith.constant 0.000000e+00 : f32
          %max3A_379 = vector.broadcast %max3A_378 : f32 to vector<16xf32>
          %max3A_380 = arith.maximumf %max3A_379, %sub3A_377 : vector<16xf32>
          %sub3A_381 = arith.subf %min3A_376, %max3A_374 : vector<16xf32>
          %max3A_382 = arith.constant 0.000000e+00 : f32
          %max3A_383 = vector.broadcast %max3A_382 : f32 to vector<16xf32>
          %max3A_384 = arith.maximumf %max3A_383, %sub3A_381 : vector<16xf32>
          %mul3A_385 = arith.mulf %max3A_380, %max3A_384 : vector<16xf32>
          %add3A_386 = arith.addf %mul3A_348, %mul3A_198 : vector<16xf32>
          %sub3A_387 = arith.subf %add3A_386, %mul3A_385 : vector<16xf32>
          %add3A_388 = arith.constant 9.99999993E-9 : f32
          %add3A_389 = vector.broadcast %add3A_388 : f32 to vector<16xf32>
          %add3A_390 = arith.addf %sub3A_387, %add3A_389 : vector<16xf32>
          %div3A_391 = arith.divf %mul3A_385, %add3A_390 : vector<16xf32>
          %gt3A_392 = arith.constant 3.000000e-01 : f32
          %gt3A_393 = vector.broadcast %gt3A_392 : f32 to vector<16xf32>
          %gt3A_394 = arith.cmpf ogt, %div3A_391, %gt3A_393 : vector<16xf32>
          %jit3A_395 = arith.constant 1.000000e+00 : f32
          %broadcast_in_dim3A_396 = vector.broadcast %jit3A_395 : f32 to vector<16xf32>
          %select_n3A_397 = arith.select %gt3A_394, %broadcast_in_dim3A_396, %while3A_338 : vector<16xi1>, vector<16xf32>
          %max3A_398 = arith.maximumf %gather3A_342, %get3A_140 : vector<16xf32>
          %max3A_399 = arith.maximumf %gather3A_343, %get3A_156 : vector<16xf32>
          %min3A_400 = arith.minimumf %gather3A_344, %get3A_172 : vector<16xf32>
          %min3A_401 = arith.minimumf %gather3A_345, %get3A_188 : vector<16xf32>
          %sub3A_402 = arith.subf %min3A_400, %max3A_398 : vector<16xf32>
          %max3A_403 = arith.constant 0.000000e+00 : f32
          %max3A_404 = vector.broadcast %max3A_403 : f32 to vector<16xf32>
          %max3A_405 = arith.maximumf %max3A_404, %sub3A_402 : vector<16xf32>
          %sub3A_406 = arith.subf %min3A_401, %max3A_399 : vector<16xf32>
          %max3A_407 = arith.constant 0.000000e+00 : f32
          %max3A_408 = vector.broadcast %max3A_407 : f32 to vector<16xf32>
          %max3A_409 = arith.maximumf %max3A_408, %sub3A_406 : vector<16xf32>
          %mul3A_410 = arith.mulf %max3A_405, %max3A_409 : vector<16xf32>
          %add3A_411 = arith.addf %mul3A_348, %mul3A_201 : vector<16xf32>
          %sub3A_412 = arith.subf %add3A_411, %mul3A_410 : vector<16xf32>
          %add3A_413 = arith.constant 9.99999993E-9 : f32
          %add3A_414 = vector.broadcast %add3A_413 : f32 to vector<16xf32>
          %add3A_415 = arith.addf %sub3A_412, %add3A_414 : vector<16xf32>
          %div3A_416 = arith.divf %mul3A_410, %add3A_415 : vector<16xf32>
          %gt3A_417 = arith.constant 3.000000e-01 : f32
          %gt3A_418 = vector.broadcast %gt3A_417 : f32 to vector<16xf32>
          %gt3A_419 = arith.cmpf ogt, %div3A_416, %gt3A_418 : vector<16xf32>
          %jit3A_420 = arith.constant 1.000000e+00 : f32
          %broadcast_in_dim3A_421 = vector.broadcast %jit3A_420 : f32 to vector<16xf32>
          %select_n3A_422 = arith.select %gt3A_419, %broadcast_in_dim3A_421, %while3A_339 : vector<16xi1>, vector<16xf32>
          %max3A_423 = arith.maximumf %gather3A_342, %get3A_144 : vector<16xf32>
          %max3A_424 = arith.maximumf %gather3A_343, %get3A_160 : vector<16xf32>
          %min3A_425 = arith.minimumf %gather3A_344, %get3A_176 : vector<16xf32>
          %min3A_426 = arith.minimumf %gather3A_345, %get3A_192 : vector<16xf32>
          %sub3A_427 = arith.subf %min3A_425, %max3A_423 : vector<16xf32>
          %max3A_428 = arith.constant 0.000000e+00 : f32
          %max3A_429 = vector.broadcast %max3A_428 : f32 to vector<16xf32>
          %max3A_430 = arith.maximumf %max3A_429, %sub3A_427 : vector<16xf32>
          %sub3A_431 = arith.subf %min3A_426, %max3A_424 : vector<16xf32>
          %max3A_432 = arith.constant 0.000000e+00 : f32
          %max3A_433 = vector.broadcast %max3A_432 : f32 to vector<16xf32>
          %max3A_434 = arith.maximumf %max3A_433, %sub3A_431 : vector<16xf32>
          %mul3A_435 = arith.mulf %max3A_430, %max3A_434 : vector<16xf32>
          %add3A_436 = arith.addf %mul3A_348, %mul3A_204 : vector<16xf32>
          %sub3A_437 = arith.subf %add3A_436, %mul3A_435 : vector<16xf32>
          %add3A_438 = arith.constant 9.99999993E-9 : f32
          %add3A_439 = vector.broadcast %add3A_438 : f32 to vector<16xf32>
          %add3A_440 = arith.addf %sub3A_437, %add3A_439 : vector<16xf32>
          %div3A_441 = arith.divf %mul3A_435, %add3A_440 : vector<16xf32>
          %gt3A_442 = arith.constant 3.000000e-01 : f32
          %gt3A_443 = vector.broadcast %gt3A_442 : f32 to vector<16xf32>
          %gt3A_444 = arith.cmpf ogt, %div3A_441, %gt3A_443 : vector<16xf32>
          %jit3A_445 = arith.constant 1.000000e+00 : f32
          %broadcast_in_dim3A_446 = vector.broadcast %jit3A_445 : f32 to vector<16xf32>
          %select_n3A_447 = arith.select %gt3A_444, %broadcast_in_dim3A_446, %while3A_340 : vector<16xi1>, vector<16xf32>
          scf.yield %select_n3A_372, %select_n3A_397, %select_n3A_422, %select_n3A_447 : vector<16xf32>, vector<16xf32>, vector<16xf32>, vector<16xf32>
        }
        %while3A_221 = arith.constant 1 : i32
        %while3A_222:4 = scf.for %while3A_336 = %while3A_218 to %while3A_214 step %while3A_221 iter_args(%while3A_337 = %while3A_220#0, %while3A_338 = %while3A_220#1, %while3A_339 = %while3A_220#2, %while3A_340 = %while3A_220#3) -> (vector<16xf32>, vector<16xf32>, vector<16xf32>, vector<16xf32>)  : i32 {
          %broadcast_in_dim3A_341 = vector.broadcast %while3A_336 : i32 to vector<16xi32>
          %gather3A = tpu.vector_load_idx %arg11[%broadcast_in_dim3A_341] : memref<1360xi32, #tpu.memory_space<vmem>>[vector<16xi32>], vector<16xi32>,
          %gather3A_342 = tpu.vector_load_idx %arg7[%gather3A] : memref<20096xf32, #tpu.memory_space<vmem>>[vector<16xi32>], vector<16xf32>,
          %gather3A_343 = tpu.vector_load_idx %arg8[%gather3A] : memref<20096xf32, #tpu.memory_space<vmem>>[vector<16xi32>], vector<16xf32>,
          %gather3A_344 = tpu.vector_load_idx %arg9[%gather3A] : memref<20096xf32, #tpu.memory_space<vmem>>[vector<16xi32>], vector<16xf32>,
          %gather3A_345 = tpu.vector_load_idx %arg10[%gather3A] : memref<20096xf32, #tpu.memory_space<vmem>>[vector<16xi32>], vector<16xf32>,
          %sub3A_346 = arith.subf %gather3A_344, %gather3A_342 : vector<16xf32>
          %sub3A_347 = arith.subf %gather3A_345, %gather3A_343 : vector<16xf32>
          %mul3A_348 = arith.mulf %sub3A_346, %sub3A_347 : vector<16xf32>
          %max3A_349 = arith.maximumf %gather3A_342, %get3A_132 : vector<16xf32>
          %max3A_350 = arith.maximumf %gather3A_343, %get3A_148 : vector<16xf32>
          %min3A = arith.minimumf %gather3A_344, %get3A_164 : vector<16xf32>
          %min3A_351 = arith.minimumf %gather3A_345, %get3A_180 : vector<16xf32>
          %sub3A_352 = arith.subf %min3A, %max3A_349 : vector<16xf32>
          %max3A_353 = arith.constant 0.000000e+00 : f32
          %max3A_354 = vector.broadcast %max3A_353 : f32 to vector<16xf32>
          %max3A_355 = arith.maximumf %max3A_354, %sub3A_352 : vector<16xf32>
          %sub3A_356 = arith.subf %min3A_351, %max3A_350 : vector<16xf32>
          %max3A_357 = arith.constant 0.000000e+00 : f32
          %max3A_358 = vector.broadcast %max3A_357 : f32 to vector<16xf32>
          %max3A_359 = arith.maximumf %max3A_358, %sub3A_356 : vector<16xf32>
          %mul3A_360 = arith.mulf %max3A_355, %max3A_359 : vector<16xf32>
          %add3A_361 = arith.addf %mul3A_348, %mul3A_195 : vector<16xf32>
          %sub3A_362 = arith.subf %add3A_361, %mul3A_360 : vector<16xf32>
          %add3A_363 = arith.constant 9.99999993E-9 : f32
          %add3A_364 = vector.broadcast %add3A_363 : f32 to vector<16xf32>
          %add3A_365 = arith.addf %sub3A_362, %add3A_364 : vector<16xf32>
          %div3A_366 = arith.divf %mul3A_360, %add3A_365 : vector<16xf32>
          %gt3A_367 = arith.constant 3.000000e-01 : f32
          %gt3A_368 = vector.broadcast %gt3A_367 : f32 to vector<16xf32>
          %gt3A_369 = arith.cmpf ogt, %div3A_366, %gt3A_368 : vector<16xf32>
          %jit3A_370 = arith.constant 1.000000e+00 : f32
          %broadcast_in_dim3A_371 = vector.broadcast %jit3A_370 : f32 to vector<16xf32>
          %select_n3A_372 = arith.select %gt3A_369, %broadcast_in_dim3A_371, %while3A_337 : vector<16xi1>, vector<16xf32>
          %max3A_373 = arith.maximumf %gather3A_342, %get3A_136 : vector<16xf32>
          %max3A_374 = arith.maximumf %gather3A_343, %get3A_152 : vector<16xf32>
          %min3A_375 = arith.minimumf %gather3A_344, %get3A_168 : vector<16xf32>
          %min3A_376 = arith.minimumf %gather3A_345, %get3A_184 : vector<16xf32>
          %sub3A_377 = arith.subf %min3A_375, %max3A_373 : vector<16xf32>
          %max3A_378 = arith.constant 0.000000e+00 : f32
          %max3A_379 = vector.broadcast %max3A_378 : f32 to vector<16xf32>
          %max3A_380 = arith.maximumf %max3A_379, %sub3A_377 : vector<16xf32>
          %sub3A_381 = arith.subf %min3A_376, %max3A_374 : vector<16xf32>
          %max3A_382 = arith.constant 0.000000e+00 : f32
          %max3A_383 = vector.broadcast %max3A_382 : f32 to vector<16xf32>
          %max3A_384 = arith.maximumf %max3A_383, %sub3A_381 : vector<16xf32>
          %mul3A_385 = arith.mulf %max3A_380, %max3A_384 : vector<16xf32>
          %add3A_386 = arith.addf %mul3A_348, %mul3A_198 : vector<16xf32>
          %sub3A_387 = arith.subf %add3A_386, %mul3A_385 : vector<16xf32>
          %add3A_388 = arith.constant 9.99999993E-9 : f32
          %add3A_389 = vector.broadcast %add3A_388 : f32 to vector<16xf32>
          %add3A_390 = arith.addf %sub3A_387, %add3A_389 : vector<16xf32>
          %div3A_391 = arith.divf %mul3A_385, %add3A_390 : vector<16xf32>
          %gt3A_392 = arith.constant 3.000000e-01 : f32
          %gt3A_393 = vector.broadcast %gt3A_392 : f32 to vector<16xf32>
          %gt3A_394 = arith.cmpf ogt, %div3A_391, %gt3A_393 : vector<16xf32>
          %jit3A_395 = arith.constant 1.000000e+00 : f32
          %broadcast_in_dim3A_396 = vector.broadcast %jit3A_395 : f32 to vector<16xf32>
          %select_n3A_397 = arith.select %gt3A_394, %broadcast_in_dim3A_396, %while3A_338 : vector<16xi1>, vector<16xf32>
          %max3A_398 = arith.maximumf %gather3A_342, %get3A_140 : vector<16xf32>
          %max3A_399 = arith.maximumf %gather3A_343, %get3A_156 : vector<16xf32>
          %min3A_400 = arith.minimumf %gather3A_344, %get3A_172 : vector<16xf32>
          %min3A_401 = arith.minimumf %gather3A_345, %get3A_188 : vector<16xf32>
          %sub3A_402 = arith.subf %min3A_400, %max3A_398 : vector<16xf32>
          %max3A_403 = arith.constant 0.000000e+00 : f32
          %max3A_404 = vector.broadcast %max3A_403 : f32 to vector<16xf32>
          %max3A_405 = arith.maximumf %max3A_404, %sub3A_402 : vector<16xf32>
          %sub3A_406 = arith.subf %min3A_401, %max3A_399 : vector<16xf32>
          %max3A_407 = arith.constant 0.000000e+00 : f32
          %max3A_408 = vector.broadcast %max3A_407 : f32 to vector<16xf32>
          %max3A_409 = arith.maximumf %max3A_408, %sub3A_406 : vector<16xf32>
          %mul3A_410 = arith.mulf %max3A_405, %max3A_409 : vector<16xf32>
          %add3A_411 = arith.addf %mul3A_348, %mul3A_201 : vector<16xf32>
          %sub3A_412 = arith.subf %add3A_411, %mul3A_410 : vector<16xf32>
          %add3A_413 = arith.constant 9.99999993E-9 : f32
          %add3A_414 = vector.broadcast %add3A_413 : f32 to vector<16xf32>
          %add3A_415 = arith.addf %sub3A_412, %add3A_414 : vector<16xf32>
          %div3A_416 = arith.divf %mul3A_410, %add3A_415 : vector<16xf32>
          %gt3A_417 = arith.constant 3.000000e-01 : f32
          %gt3A_418 = vector.broadcast %gt3A_417 : f32 to vector<16xf32>
          %gt3A_419 = arith.cmpf ogt, %div3A_416, %gt3A_418 : vector<16xf32>
          %jit3A_420 = arith.constant 1.000000e+00 : f32
          %broadcast_in_dim3A_421 = vector.broadcast %jit3A_420 : f32 to vector<16xf32>
          %select_n3A_422 = arith.select %gt3A_419, %broadcast_in_dim3A_421, %while3A_339 : vector<16xi1>, vector<16xf32>
          %max3A_423 = arith.maximumf %gather3A_342, %get3A_144 : vector<16xf32>
          %max3A_424 = arith.maximumf %gather3A_343, %get3A_160 : vector<16xf32>
          %min3A_425 = arith.minimumf %gather3A_344, %get3A_176 : vector<16xf32>
          %min3A_426 = arith.minimumf %gather3A_345, %get3A_192 : vector<16xf32>
          %sub3A_427 = arith.subf %min3A_425, %max3A_423 : vector<16xf32>
          %max3A_428 = arith.constant 0.000000e+00 : f32
          %max3A_429 = vector.broadcast %max3A_428 : f32 to vector<16xf32>
          %max3A_430 = arith.maximumf %max3A_429, %sub3A_427 : vector<16xf32>
          %sub3A_431 = arith.subf %min3A_426, %max3A_424 : vector<16xf32>
          %max3A_432 = arith.constant 0.000000e+00 : f32
          %max3A_433 = vector.broadcast %max3A_432 : f32 to vector<16xf32>
          %max3A_434 = arith.maximumf %max3A_433, %sub3A_431 : vector<16xf32>
          %mul3A_435 = arith.mulf %max3A_430, %max3A_434 : vector<16xf32>
          %add3A_436 = arith.addf %mul3A_348, %mul3A_204 : vector<16xf32>
          %sub3A_437 = arith.subf %add3A_436, %mul3A_435 : vector<16xf32>
          %add3A_438 = arith.constant 9.99999993E-9 : f32
          %add3A_439 = vector.broadcast %add3A_438 : f32 to vector<16xf32>
          %add3A_440 = arith.addf %sub3A_437, %add3A_439 : vector<16xf32>
          %div3A_441 = arith.divf %mul3A_435, %add3A_440 : vector<16xf32>
          %gt3A_442 = arith.constant 3.000000e-01 : f32
          %gt3A_443 = vector.broadcast %gt3A_442 : f32 to vector<16xf32>
          %gt3A_444 = arith.cmpf ogt, %div3A_441, %gt3A_443 : vector<16xf32>
          %jit3A_445 = arith.constant 1.000000e+00 : f32
          %broadcast_in_dim3A_446 = vector.broadcast %jit3A_445 : f32 to vector<16xf32>
          %select_n3A_447 = arith.select %gt3A_444, %broadcast_in_dim3A_446, %while3A_340 : vector<16xi1>, vector<16xf32>
          scf.yield %select_n3A_372, %select_n3A_397, %select_n3A_422, %select_n3A_447 : vector<16xf32>, vector<16xf32>, vector<16xf32>, vector<16xf32>
        }
        %swap3A_223 = arith.constant 0 : index
        %swap3A_224 = tpu.vector_load %arg12[%swap3A_223] {strides = array<i32>} : memref<128xf32, #tpu.memory_space<vmem>>, vector<16xf32>,
        tpu.vector_store %arg12[%swap3A_223], %while3A_222#0 {strides = array<i32>} : memref<128xf32, #tpu.memory_space<vmem>>, vector<16xf32>,
        %swap3A_225 = arith.constant 16 : index
        %swap3A_226 = tpu.vector_load %arg12[%swap3A_225] {strides = array<i32>} : memref<128xf32, #tpu.memory_space<vmem>>, vector<16xf32>,
        tpu.vector_store %arg12[%swap3A_225], %while3A_222#1 {strides = array<i32>} : memref<128xf32, #tpu.memory_space<vmem>>, vector<16xf32>,
        %swap3A_227 = arith.constant 32 : index
        %swap3A_228 = tpu.vector_load %arg12[%swap3A_227] {strides = array<i32>} : memref<128xf32, #tpu.memory_space<vmem>>, vector<16xf32>,
        tpu.vector_store %arg12[%swap3A_227], %while3A_222#2 {strides = array<i32>} : memref<128xf32, #tpu.memory_space<vmem>>, vector<16xf32>,
        %swap3A_229 = arith.constant 48 : index
        %swap3A_230 = tpu.vector_load %arg12[%swap3A_229] {strides = array<i32>} : memref<128xf32, #tpu.memory_space<vmem>>, vector<16xf32>,
        tpu.vector_store %arg12[%swap3A_229], %while3A_222#3 {strides = array<i32>} : memref<128xf32, #tpu.memory_space<vmem>>, vector<16xf32>,
        %add3A_231 = arith.constant 64 : i32
        %add3A_232 = arith.addi %add3A_127, %add3A_231 : i32
        %add3A_233 = arith.constant 0 : i32
        %add3A_234 = arith.addi %add3A_232, %add3A_233 : i32
        %get3A_235 = arith.index_cast %add3A_234 : i32 to index
        %get3A_236 = tpu.vector_load %arg7[%get3A_235] {strides = array<i32>} : memref<20096xf32, #tpu.memory_space<vmem>>, vector<16xf32>,
        %add3A_237 = arith.constant 16 : i32
        %add3A_238 = arith.addi %add3A_232, %add3A_237 : i32
        %get3A_239 = arith.index_cast %add3A_238 : i32 to index
        %get3A_240 = tpu.vector_load %arg7[%get3A_239] {strides = array<i32>} : memref<20096xf32, #tpu.memory_space<vmem>>, vector<16xf32>,
        %add3A_241 = arith.constant 32 : i32
        %add3A_242 = arith.addi %add3A_232, %add3A_241 : i32
        %get3A_243 = arith.index_cast %add3A_242 : i32 to index
        %get3A_244 = tpu.vector_load %arg7[%get3A_243] {strides = array<i32>} : memref<20096xf32, #tpu.memory_space<vmem>>, vector<16xf32>,
        %add3A_245 = arith.constant 48 : i32
        %add3A_246 = arith.addi %add3A_232, %add3A_245 : i32
        %get3A_247 = arith.index_cast %add3A_246 : i32 to index
        %get3A_248 = tpu.vector_load %arg7[%get3A_247] {strides = array<i32>} : memref<20096xf32, #tpu.memory_space<vmem>>, vector<16xf32>,
        %add3A_249 = arith.constant 0 : i32
        %add3A_250 = arith.addi %add3A_232, %add3A_249 : i32
        %get3A_251 = arith.index_cast %add3A_250 : i32 to index
        %get3A_252 = tpu.vector_load %arg8[%get3A_251] {strides = array<i32>} : memref<20096xf32, #tpu.memory_space<vmem>>, vector<16xf32>,
        %add3A_253 = arith.constant 16 : i32
        %add3A_254 = arith.addi %add3A_232, %add3A_253 : i32
        %get3A_255 = arith.index_cast %add3A_254 : i32 to index
        %get3A_256 = tpu.vector_load %arg8[%get3A_255] {strides = array<i32>} : memref<20096xf32, #tpu.memory_space<vmem>>, vector<16xf32>,
        %add3A_257 = arith.constant 32 : i32
        %add3A_258 = arith.addi %add3A_232, %add3A_257 : i32
        %get3A_259 = arith.index_cast %add3A_258 : i32 to index
        %get3A_260 = tpu.vector_load %arg8[%get3A_259] {strides = array<i32>} : memref<20096xf32, #tpu.memory_space<vmem>>, vector<16xf32>,
        %add3A_261 = arith.constant 48 : i32
        %add3A_262 = arith.addi %add3A_232, %add3A_261 : i32
        %get3A_263 = arith.index_cast %add3A_262 : i32 to index
        %get3A_264 = tpu.vector_load %arg8[%get3A_263] {strides = array<i32>} : memref<20096xf32, #tpu.memory_space<vmem>>, vector<16xf32>,
        %add3A_265 = arith.constant 0 : i32
        %add3A_266 = arith.addi %add3A_232, %add3A_265 : i32
        %get3A_267 = arith.index_cast %add3A_266 : i32 to index
        %get3A_268 = tpu.vector_load %arg9[%get3A_267] {strides = array<i32>} : memref<20096xf32, #tpu.memory_space<vmem>>, vector<16xf32>,
        %add3A_269 = arith.constant 16 : i32
        %add3A_270 = arith.addi %add3A_232, %add3A_269 : i32
        %get3A_271 = arith.index_cast %add3A_270 : i32 to index
        %get3A_272 = tpu.vector_load %arg9[%get3A_271] {strides = array<i32>} : memref<20096xf32, #tpu.memory_space<vmem>>, vector<16xf32>,
        %add3A_273 = arith.constant 32 : i32
        %add3A_274 = arith.addi %add3A_232, %add3A_273 : i32
        %get3A_275 = arith.index_cast %add3A_274 : i32 to index
        %get3A_276 = tpu.vector_load %arg9[%get3A_275] {strides = array<i32>} : memref<20096xf32, #tpu.memory_space<vmem>>, vector<16xf32>,
        %add3A_277 = arith.constant 48 : i32
        %add3A_278 = arith.addi %add3A_232, %add3A_277 : i32
        %get3A_279 = arith.index_cast %add3A_278 : i32 to index
        %get3A_280 = tpu.vector_load %arg9[%get3A_279] {strides = array<i32>} : memref<20096xf32, #tpu.memory_space<vmem>>, vector<16xf32>,
        %add3A_281 = arith.constant 0 : i32
        %add3A_282 = arith.addi %add3A_232, %add3A_281 : i32
        %get3A_283 = arith.index_cast %add3A_282 : i32 to index
        %get3A_284 = tpu.vector_load %arg10[%get3A_283] {strides = array<i32>} : memref<20096xf32, #tpu.memory_space<vmem>>, vector<16xf32>,
        %add3A_285 = arith.constant 16 : i32
        %add3A_286 = arith.addi %add3A_232, %add3A_285 : i32
        %get3A_287 = arith.index_cast %add3A_286 : i32 to index
        %get3A_288 = tpu.vector_load %arg10[%get3A_287] {strides = array<i32>} : memref<20096xf32, #tpu.memory_space<vmem>>, vector<16xf32>,
        %add3A_289 = arith.constant 32 : i32
        %add3A_290 = arith.addi %add3A_232, %add3A_289 : i32
        %get3A_291 = arith.index_cast %add3A_290 : i32 to index
        %get3A_292 = tpu.vector_load %arg10[%get3A_291] {strides = array<i32>} : memref<20096xf32, #tpu.memory_space<vmem>>, vector<16xf32>,
        %add3A_293 = arith.constant 48 : i32
        %add3A_294 = arith.addi %add3A_232, %add3A_293 : i32
        %get3A_295 = arith.index_cast %add3A_294 : i32 to index
        %get3A_296 = tpu.vector_load %arg10[%get3A_295] {strides = array<i32>} : memref<20096xf32, #tpu.memory_space<vmem>>, vector<16xf32>,
        %sub3A_297 = arith.subf %get3A_268, %get3A_236 : vector<16xf32>
        %sub3A_298 = arith.subf %get3A_284, %get3A_252 : vector<16xf32>
        %mul3A_299 = arith.mulf %sub3A_297, %sub3A_298 : vector<16xf32>
        %sub3A_300 = arith.subf %get3A_272, %get3A_240 : vector<16xf32>
        %sub3A_301 = arith.subf %get3A_288, %get3A_256 : vector<16xf32>
        %mul3A_302 = arith.mulf %sub3A_300, %sub3A_301 : vector<16xf32>
        %sub3A_303 = arith.subf %get3A_276, %get3A_244 : vector<16xf32>
        %sub3A_304 = arith.subf %get3A_292, %get3A_260 : vector<16xf32>
        %mul3A_305 = arith.mulf %sub3A_303, %sub3A_304 : vector<16xf32>
        %sub3A_306 = arith.subf %get3A_280, %get3A_248 : vector<16xf32>
        %sub3A_307 = arith.subf %get3A_296, %get3A_264 : vector<16xf32>
        %mul3A_308 = arith.mulf %sub3A_306, %sub3A_307 : vector<16xf32>
        %get3A_309 = arith.constant 64 : index
        %get3A_310 = tpu.vector_load %arg12[%get3A_309] {strides = array<i32>} : memref<128xf32, #tpu.memory_space<vmem>>, vector<16xf32>,
        %get3A_311 = arith.constant 80 : index
        %get3A_312 = tpu.vector_load %arg12[%get3A_311] {strides = array<i32>} : memref<128xf32, #tpu.memory_space<vmem>>, vector<16xf32>,
        %get3A_313 = arith.constant 96 : index
        %get3A_314 = tpu.vector_load %arg12[%get3A_313] {strides = array<i32>} : memref<128xf32, #tpu.memory_space<vmem>>, vector<16xf32>,
        %get3A_315 = arith.constant 112 : index
        %get3A_316 = tpu.vector_load %arg12[%get3A_315] {strides = array<i32>} : memref<128xf32, #tpu.memory_space<vmem>>, vector<16xf32>,
        %while3A_317 = arith.constant 0 : i32
        %while3A_318 = arith.subi %max3A_81, %while3A_317 : i32
        %while3A_319 = arith.addi %while3A_317, %while3A_318 : i32
        %while3A_320 = arith.constant 1 : i32
        %while3A_321 = arith.divsi %while3A_318, %while3A_320 : i32
        %while3A_322 = arith.muli %while3A_321, %while3A_320 : i32
        %while3A_323 = arith.addi %while3A_317, %while3A_322 : i32
        %while3A_324 = arith.constant 1 : i32
        %while3A_325:4 = scf.for %while3A_336 = %while3A_317 to %while3A_323 step %while3A_324 iter_args(%while3A_337 = %get3A_310, %while3A_338 = %get3A_312, %while3A_339 = %get3A_314, %while3A_340 = %get3A_316) -> (vector<16xf32>, vector<16xf32>, vector<16xf32>, vector<16xf32>)  : i32 {
          %broadcast_in_dim3A_341 = vector.broadcast %while3A_336 : i32 to vector<16xi32>
          %gather3A = tpu.vector_load_idx %arg11[%broadcast_in_dim3A_341] : memref<1360xi32, #tpu.memory_space<vmem>>[vector<16xi32>], vector<16xi32>,
          %gather3A_342 = tpu.vector_load_idx %arg7[%gather3A] : memref<20096xf32, #tpu.memory_space<vmem>>[vector<16xi32>], vector<16xf32>,
          %gather3A_343 = tpu.vector_load_idx %arg8[%gather3A] : memref<20096xf32, #tpu.memory_space<vmem>>[vector<16xi32>], vector<16xf32>,
          %gather3A_344 = tpu.vector_load_idx %arg9[%gather3A] : memref<20096xf32, #tpu.memory_space<vmem>>[vector<16xi32>], vector<16xf32>,
          %gather3A_345 = tpu.vector_load_idx %arg10[%gather3A] : memref<20096xf32, #tpu.memory_space<vmem>>[vector<16xi32>], vector<16xf32>,
          %sub3A_346 = arith.subf %gather3A_344, %gather3A_342 : vector<16xf32>
          %sub3A_347 = arith.subf %gather3A_345, %gather3A_343 : vector<16xf32>
          %mul3A_348 = arith.mulf %sub3A_346, %sub3A_347 : vector<16xf32>
          %max3A_349 = arith.maximumf %gather3A_342, %get3A_236 : vector<16xf32>
          %max3A_350 = arith.maximumf %gather3A_343, %get3A_252 : vector<16xf32>
          %min3A = arith.minimumf %gather3A_344, %get3A_268 : vector<16xf32>
          %min3A_351 = arith.minimumf %gather3A_345, %get3A_284 : vector<16xf32>
          %sub3A_352 = arith.subf %min3A, %max3A_349 : vector<16xf32>
          %max3A_353 = arith.constant 0.000000e+00 : f32
          %max3A_354 = vector.broadcast %max3A_353 : f32 to vector<16xf32>
          %max3A_355 = arith.maximumf %max3A_354, %sub3A_352 : vector<16xf32>
          %sub3A_356 = arith.subf %min3A_351, %max3A_350 : vector<16xf32>
          %max3A_357 = arith.constant 0.000000e+00 : f32
          %max3A_358 = vector.broadcast %max3A_357 : f32 to vector<16xf32>
          %max3A_359 = arith.maximumf %max3A_358, %sub3A_356 : vector<16xf32>
          %mul3A_360 = arith.mulf %max3A_355, %max3A_359 : vector<16xf32>
          %add3A_361 = arith.addf %mul3A_348, %mul3A_299 : vector<16xf32>
          %sub3A_362 = arith.subf %add3A_361, %mul3A_360 : vector<16xf32>
          %add3A_363 = arith.constant 9.99999993E-9 : f32
          %add3A_364 = vector.broadcast %add3A_363 : f32 to vector<16xf32>
          %add3A_365 = arith.addf %sub3A_362, %add3A_364 : vector<16xf32>
          %div3A_366 = arith.divf %mul3A_360, %add3A_365 : vector<16xf32>
          %gt3A_367 = arith.constant 3.000000e-01 : f32
          %gt3A_368 = vector.broadcast %gt3A_367 : f32 to vector<16xf32>
          %gt3A_369 = arith.cmpf ogt, %div3A_366, %gt3A_368 : vector<16xf32>
          %jit3A_370 = arith.constant 1.000000e+00 : f32
          %broadcast_in_dim3A_371 = vector.broadcast %jit3A_370 : f32 to vector<16xf32>
          %select_n3A_372 = arith.select %gt3A_369, %broadcast_in_dim3A_371, %while3A_337 : vector<16xi1>, vector<16xf32>
          %max3A_373 = arith.maximumf %gather3A_342, %get3A_240 : vector<16xf32>
          %max3A_374 = arith.maximumf %gather3A_343, %get3A_256 : vector<16xf32>
          %min3A_375 = arith.minimumf %gather3A_344, %get3A_272 : vector<16xf32>
          %min3A_376 = arith.minimumf %gather3A_345, %get3A_288 : vector<16xf32>
          %sub3A_377 = arith.subf %min3A_375, %max3A_373 : vector<16xf32>
          %max3A_378 = arith.constant 0.000000e+00 : f32
          %max3A_379 = vector.broadcast %max3A_378 : f32 to vector<16xf32>
          %max3A_380 = arith.maximumf %max3A_379, %sub3A_377 : vector<16xf32>
          %sub3A_381 = arith.subf %min3A_376, %max3A_374 : vector<16xf32>
          %max3A_382 = arith.constant 0.000000e+00 : f32
          %max3A_383 = vector.broadcast %max3A_382 : f32 to vector<16xf32>
          %max3A_384 = arith.maximumf %max3A_383, %sub3A_381 : vector<16xf32>
          %mul3A_385 = arith.mulf %max3A_380, %max3A_384 : vector<16xf32>
          %add3A_386 = arith.addf %mul3A_348, %mul3A_302 : vector<16xf32>
          %sub3A_387 = arith.subf %add3A_386, %mul3A_385 : vector<16xf32>
          %add3A_388 = arith.constant 9.99999993E-9 : f32
          %add3A_389 = vector.broadcast %add3A_388 : f32 to vector<16xf32>
          %add3A_390 = arith.addf %sub3A_387, %add3A_389 : vector<16xf32>
          %div3A_391 = arith.divf %mul3A_385, %add3A_390 : vector<16xf32>
          %gt3A_392 = arith.constant 3.000000e-01 : f32
          %gt3A_393 = vector.broadcast %gt3A_392 : f32 to vector<16xf32>
          %gt3A_394 = arith.cmpf ogt, %div3A_391, %gt3A_393 : vector<16xf32>
          %jit3A_395 = arith.constant 1.000000e+00 : f32
          %broadcast_in_dim3A_396 = vector.broadcast %jit3A_395 : f32 to vector<16xf32>
          %select_n3A_397 = arith.select %gt3A_394, %broadcast_in_dim3A_396, %while3A_338 : vector<16xi1>, vector<16xf32>
          %max3A_398 = arith.maximumf %gather3A_342, %get3A_244 : vector<16xf32>
          %max3A_399 = arith.maximumf %gather3A_343, %get3A_260 : vector<16xf32>
          %min3A_400 = arith.minimumf %gather3A_344, %get3A_276 : vector<16xf32>
          %min3A_401 = arith.minimumf %gather3A_345, %get3A_292 : vector<16xf32>
          %sub3A_402 = arith.subf %min3A_400, %max3A_398 : vector<16xf32>
          %max3A_403 = arith.constant 0.000000e+00 : f32
          %max3A_404 = vector.broadcast %max3A_403 : f32 to vector<16xf32>
          %max3A_405 = arith.maximumf %max3A_404, %sub3A_402 : vector<16xf32>
          %sub3A_406 = arith.subf %min3A_401, %max3A_399 : vector<16xf32>
          %max3A_407 = arith.constant 0.000000e+00 : f32
          %max3A_408 = vector.broadcast %max3A_407 : f32 to vector<16xf32>
          %max3A_409 = arith.maximumf %max3A_408, %sub3A_406 : vector<16xf32>
          %mul3A_410 = arith.mulf %max3A_405, %max3A_409 : vector<16xf32>
          %add3A_411 = arith.addf %mul3A_348, %mul3A_305 : vector<16xf32>
          %sub3A_412 = arith.subf %add3A_411, %mul3A_410 : vector<16xf32>
          %add3A_413 = arith.constant 9.99999993E-9 : f32
          %add3A_414 = vector.broadcast %add3A_413 : f32 to vector<16xf32>
          %add3A_415 = arith.addf %sub3A_412, %add3A_414 : vector<16xf32>
          %div3A_416 = arith.divf %mul3A_410, %add3A_415 : vector<16xf32>
          %gt3A_417 = arith.constant 3.000000e-01 : f32
          %gt3A_418 = vector.broadcast %gt3A_417 : f32 to vector<16xf32>
          %gt3A_419 = arith.cmpf ogt, %div3A_416, %gt3A_418 : vector<16xf32>
          %jit3A_420 = arith.constant 1.000000e+00 : f32
          %broadcast_in_dim3A_421 = vector.broadcast %jit3A_420 : f32 to vector<16xf32>
          %select_n3A_422 = arith.select %gt3A_419, %broadcast_in_dim3A_421, %while3A_339 : vector<16xi1>, vector<16xf32>
          %max3A_423 = arith.maximumf %gather3A_342, %get3A_248 : vector<16xf32>
          %max3A_424 = arith.maximumf %gather3A_343, %get3A_264 : vector<16xf32>
          %min3A_425 = arith.minimumf %gather3A_344, %get3A_280 : vector<16xf32>
          %min3A_426 = arith.minimumf %gather3A_345, %get3A_296 : vector<16xf32>
          %sub3A_427 = arith.subf %min3A_425, %max3A_423 : vector<16xf32>
          %max3A_428 = arith.constant 0.000000e+00 : f32
          %max3A_429 = vector.broadcast %max3A_428 : f32 to vector<16xf32>
          %max3A_430 = arith.maximumf %max3A_429, %sub3A_427 : vector<16xf32>
          %sub3A_431 = arith.subf %min3A_426, %max3A_424 : vector<16xf32>
          %max3A_432 = arith.constant 0.000000e+00 : f32
          %max3A_433 = vector.broadcast %max3A_432 : f32 to vector<16xf32>
          %max3A_434 = arith.maximumf %max3A_433, %sub3A_431 : vector<16xf32>
          %mul3A_435 = arith.mulf %max3A_430, %max3A_434 : vector<16xf32>
          %add3A_436 = arith.addf %mul3A_348, %mul3A_308 : vector<16xf32>
          %sub3A_437 = arith.subf %add3A_436, %mul3A_435 : vector<16xf32>
          %add3A_438 = arith.constant 9.99999993E-9 : f32
          %add3A_439 = vector.broadcast %add3A_438 : f32 to vector<16xf32>
          %add3A_440 = arith.addf %sub3A_437, %add3A_439 : vector<16xf32>
          %div3A_441 = arith.divf %mul3A_435, %add3A_440 : vector<16xf32>
          %gt3A_442 = arith.constant 3.000000e-01 : f32
          %gt3A_443 = vector.broadcast %gt3A_442 : f32 to vector<16xf32>
          %gt3A_444 = arith.cmpf ogt, %div3A_441, %gt3A_443 : vector<16xf32>
          %jit3A_445 = arith.constant 1.000000e+00 : f32
          %broadcast_in_dim3A_446 = vector.broadcast %jit3A_445 : f32 to vector<16xf32>
          %select_n3A_447 = arith.select %gt3A_444, %broadcast_in_dim3A_446, %while3A_340 : vector<16xi1>, vector<16xf32>
          scf.yield %select_n3A_372, %select_n3A_397, %select_n3A_422, %select_n3A_447 : vector<16xf32>, vector<16xf32>, vector<16xf32>, vector<16xf32>
        }
        %while3A_326 = arith.constant 1 : i32
        %while3A_327:4 = scf.for %while3A_336 = %while3A_323 to %while3A_319 step %while3A_326 iter_args(%while3A_337 = %while3A_325#0, %while3A_338 = %while3A_325#1, %while3A_339 = %while3A_325#2, %while3A_340 = %while3A_325#3) -> (vector<16xf32>, vector<16xf32>, vector<16xf32>, vector<16xf32>)  : i32 {
          %broadcast_in_dim3A_341 = vector.broadcast %while3A_336 : i32 to vector<16xi32>
          %gather3A = tpu.vector_load_idx %arg11[%broadcast_in_dim3A_341] : memref<1360xi32, #tpu.memory_space<vmem>>[vector<16xi32>], vector<16xi32>,
          %gather3A_342 = tpu.vector_load_idx %arg7[%gather3A] : memref<20096xf32, #tpu.memory_space<vmem>>[vector<16xi32>], vector<16xf32>,
          %gather3A_343 = tpu.vector_load_idx %arg8[%gather3A] : memref<20096xf32, #tpu.memory_space<vmem>>[vector<16xi32>], vector<16xf32>,
          %gather3A_344 = tpu.vector_load_idx %arg9[%gather3A] : memref<20096xf32, #tpu.memory_space<vmem>>[vector<16xi32>], vector<16xf32>,
          %gather3A_345 = tpu.vector_load_idx %arg10[%gather3A] : memref<20096xf32, #tpu.memory_space<vmem>>[vector<16xi32>], vector<16xf32>,
          %sub3A_346 = arith.subf %gather3A_344, %gather3A_342 : vector<16xf32>
          %sub3A_347 = arith.subf %gather3A_345, %gather3A_343 : vector<16xf32>
          %mul3A_348 = arith.mulf %sub3A_346, %sub3A_347 : vector<16xf32>
          %max3A_349 = arith.maximumf %gather3A_342, %get3A_236 : vector<16xf32>
          %max3A_350 = arith.maximumf %gather3A_343, %get3A_252 : vector<16xf32>
          %min3A = arith.minimumf %gather3A_344, %get3A_268 : vector<16xf32>
          %min3A_351 = arith.minimumf %gather3A_345, %get3A_284 : vector<16xf32>
          %sub3A_352 = arith.subf %min3A, %max3A_349 : vector<16xf32>
          %max3A_353 = arith.constant 0.000000e+00 : f32
          %max3A_354 = vector.broadcast %max3A_353 : f32 to vector<16xf32>
          %max3A_355 = arith.maximumf %max3A_354, %sub3A_352 : vector<16xf32>
          %sub3A_356 = arith.subf %min3A_351, %max3A_350 : vector<16xf32>
          %max3A_357 = arith.constant 0.000000e+00 : f32
          %max3A_358 = vector.broadcast %max3A_357 : f32 to vector<16xf32>
          %max3A_359 = arith.maximumf %max3A_358, %sub3A_356 : vector<16xf32>
          %mul3A_360 = arith.mulf %max3A_355, %max3A_359 : vector<16xf32>
          %add3A_361 = arith.addf %mul3A_348, %mul3A_299 : vector<16xf32>
          %sub3A_362 = arith.subf %add3A_361, %mul3A_360 : vector<16xf32>
          %add3A_363 = arith.constant 9.99999993E-9 : f32
          %add3A_364 = vector.broadcast %add3A_363 : f32 to vector<16xf32>
          %add3A_365 = arith.addf %sub3A_362, %add3A_364 : vector<16xf32>
          %div3A_366 = arith.divf %mul3A_360, %add3A_365 : vector<16xf32>
          %gt3A_367 = arith.constant 3.000000e-01 : f32
          %gt3A_368 = vector.broadcast %gt3A_367 : f32 to vector<16xf32>
          %gt3A_369 = arith.cmpf ogt, %div3A_366, %gt3A_368 : vector<16xf32>
          %jit3A_370 = arith.constant 1.000000e+00 : f32
          %broadcast_in_dim3A_371 = vector.broadcast %jit3A_370 : f32 to vector<16xf32>
          %select_n3A_372 = arith.select %gt3A_369, %broadcast_in_dim3A_371, %while3A_337 : vector<16xi1>, vector<16xf32>
          %max3A_373 = arith.maximumf %gather3A_342, %get3A_240 : vector<16xf32>
          %max3A_374 = arith.maximumf %gather3A_343, %get3A_256 : vector<16xf32>
          %min3A_375 = arith.minimumf %gather3A_344, %get3A_272 : vector<16xf32>
          %min3A_376 = arith.minimumf %gather3A_345, %get3A_288 : vector<16xf32>
          %sub3A_377 = arith.subf %min3A_375, %max3A_373 : vector<16xf32>
          %max3A_378 = arith.constant 0.000000e+00 : f32
          %max3A_379 = vector.broadcast %max3A_378 : f32 to vector<16xf32>
          %max3A_380 = arith.maximumf %max3A_379, %sub3A_377 : vector<16xf32>
          %sub3A_381 = arith.subf %min3A_376, %max3A_374 : vector<16xf32>
          %max3A_382 = arith.constant 0.000000e+00 : f32
          %max3A_383 = vector.broadcast %max3A_382 : f32 to vector<16xf32>
          %max3A_384 = arith.maximumf %max3A_383, %sub3A_381 : vector<16xf32>
          %mul3A_385 = arith.mulf %max3A_380, %max3A_384 : vector<16xf32>
          %add3A_386 = arith.addf %mul3A_348, %mul3A_302 : vector<16xf32>
          %sub3A_387 = arith.subf %add3A_386, %mul3A_385 : vector<16xf32>
          %add3A_388 = arith.constant 9.99999993E-9 : f32
          %add3A_389 = vector.broadcast %add3A_388 : f32 to vector<16xf32>
          %add3A_390 = arith.addf %sub3A_387, %add3A_389 : vector<16xf32>
          %div3A_391 = arith.divf %mul3A_385, %add3A_390 : vector<16xf32>
          %gt3A_392 = arith.constant 3.000000e-01 : f32
          %gt3A_393 = vector.broadcast %gt3A_392 : f32 to vector<16xf32>
          %gt3A_394 = arith.cmpf ogt, %div3A_391, %gt3A_393 : vector<16xf32>
          %jit3A_395 = arith.constant 1.000000e+00 : f32
          %broadcast_in_dim3A_396 = vector.broadcast %jit3A_395 : f32 to vector<16xf32>
          %select_n3A_397 = arith.select %gt3A_394, %broadcast_in_dim3A_396, %while3A_338 : vector<16xi1>, vector<16xf32>
          %max3A_398 = arith.maximumf %gather3A_342, %get3A_244 : vector<16xf32>
          %max3A_399 = arith.maximumf %gather3A_343, %get3A_260 : vector<16xf32>
          %min3A_400 = arith.minimumf %gather3A_344, %get3A_276 : vector<16xf32>
          %min3A_401 = arith.minimumf %gather3A_345, %get3A_292 : vector<16xf32>
          %sub3A_402 = arith.subf %min3A_400, %max3A_398 : vector<16xf32>
          %max3A_403 = arith.constant 0.000000e+00 : f32
          %max3A_404 = vector.broadcast %max3A_403 : f32 to vector<16xf32>
          %max3A_405 = arith.maximumf %max3A_404, %sub3A_402 : vector<16xf32>
          %sub3A_406 = arith.subf %min3A_401, %max3A_399 : vector<16xf32>
          %max3A_407 = arith.constant 0.000000e+00 : f32
          %max3A_408 = vector.broadcast %max3A_407 : f32 to vector<16xf32>
          %max3A_409 = arith.maximumf %max3A_408, %sub3A_406 : vector<16xf32>
          %mul3A_410 = arith.mulf %max3A_405, %max3A_409 : vector<16xf32>
          %add3A_411 = arith.addf %mul3A_348, %mul3A_305 : vector<16xf32>
          %sub3A_412 = arith.subf %add3A_411, %mul3A_410 : vector<16xf32>
          %add3A_413 = arith.constant 9.99999993E-9 : f32
          %add3A_414 = vector.broadcast %add3A_413 : f32 to vector<16xf32>
          %add3A_415 = arith.addf %sub3A_412, %add3A_414 : vector<16xf32>
          %div3A_416 = arith.divf %mul3A_410, %add3A_415 : vector<16xf32>
          %gt3A_417 = arith.constant 3.000000e-01 : f32
          %gt3A_418 = vector.broadcast %gt3A_417 : f32 to vector<16xf32>
          %gt3A_419 = arith.cmpf ogt, %div3A_416, %gt3A_418 : vector<16xf32>
          %jit3A_420 = arith.constant 1.000000e+00 : f32
          %broadcast_in_dim3A_421 = vector.broadcast %jit3A_420 : f32 to vector<16xf32>
          %select_n3A_422 = arith.select %gt3A_419, %broadcast_in_dim3A_421, %while3A_339 : vector<16xi1>, vector<16xf32>
          %max3A_423 = arith.maximumf %gather3A_342, %get3A_248 : vector<16xf32>
          %max3A_424 = arith.maximumf %gather3A_343, %get3A_264 : vector<16xf32>
          %min3A_425 = arith.minimumf %gather3A_344, %get3A_280 : vector<16xf32>
          %min3A_426 = arith.minimumf %gather3A_345, %get3A_296 : vector<16xf32>
          %sub3A_427 = arith.subf %min3A_425, %max3A_423 : vector<16xf32>
          %max3A_428 = arith.constant 0.000000e+00 : f32
          %max3A_429 = vector.broadcast %max3A_428 : f32 to vector<16xf32>
          %max3A_430 = arith.maximumf %max3A_429, %sub3A_427 : vector<16xf32>
          %sub3A_431 = arith.subf %min3A_426, %max3A_424 : vector<16xf32>
          %max3A_432 = arith.constant 0.000000e+00 : f32
          %max3A_433 = vector.broadcast %max3A_432 : f32 to vector<16xf32>
          %max3A_434 = arith.maximumf %max3A_433, %sub3A_431 : vector<16xf32>
          %mul3A_435 = arith.mulf %max3A_430, %max3A_434 : vector<16xf32>
          %add3A_436 = arith.addf %mul3A_348, %mul3A_308 : vector<16xf32>
          %sub3A_437 = arith.subf %add3A_436, %mul3A_435 : vector<16xf32>
          %add3A_438 = arith.constant 9.99999993E-9 : f32
          %add3A_439 = vector.broadcast %add3A_438 : f32 to vector<16xf32>
          %add3A_440 = arith.addf %sub3A_437, %add3A_439 : vector<16xf32>
          %div3A_441 = arith.divf %mul3A_435, %add3A_440 : vector<16xf32>
          %gt3A_442 = arith.constant 3.000000e-01 : f32
          %gt3A_443 = vector.broadcast %gt3A_442 : f32 to vector<16xf32>
          %gt3A_444 = arith.cmpf ogt, %div3A_441, %gt3A_443 : vector<16xf32>
          %jit3A_445 = arith.constant 1.000000e+00 : f32
          %broadcast_in_dim3A_446 = vector.broadcast %jit3A_445 : f32 to vector<16xf32>
          %select_n3A_447 = arith.select %gt3A_444, %broadcast_in_dim3A_446, %while3A_340 : vector<16xi1>, vector<16xf32>
          scf.yield %select_n3A_372, %select_n3A_397, %select_n3A_422, %select_n3A_447 : vector<16xf32>, vector<16xf32>, vector<16xf32>, vector<16xf32>
        }
        %swap3A_328 = arith.constant 64 : index
        %swap3A_329 = tpu.vector_load %arg12[%swap3A_328] {strides = array<i32>} : memref<128xf32, #tpu.memory_space<vmem>>, vector<16xf32>,
        tpu.vector_store %arg12[%swap3A_328], %while3A_327#0 {strides = array<i32>} : memref<128xf32, #tpu.memory_space<vmem>>, vector<16xf32>,
        %swap3A_330 = arith.constant 80 : index
        %swap3A_331 = tpu.vector_load %arg12[%swap3A_330] {strides = array<i32>} : memref<128xf32, #tpu.memory_space<vmem>>, vector<16xf32>,
        tpu.vector_store %arg12[%swap3A_330], %while3A_327#1 {strides = array<i32>} : memref<128xf32, #tpu.memory_space<vmem>>, vector<16xf32>,
        %swap3A_332 = arith.constant 96 : index
        %swap3A_333 = tpu.vector_load %arg12[%swap3A_332] {strides = array<i32>} : memref<128xf32, #tpu.memory_space<vmem>>, vector<16xf32>,
        tpu.vector_store %arg12[%swap3A_332], %while3A_327#2 {strides = array<i32>} : memref<128xf32, #tpu.memory_space<vmem>>, vector<16xf32>,
        %swap3A_334 = arith.constant 112 : index
        %swap3A_335 = tpu.vector_load %arg12[%swap3A_334] {strides = array<i32>} : memref<128xf32, #tpu.memory_space<vmem>>, vector<16xf32>,
        tpu.vector_store %arg12[%swap3A_334], %while3A_327#3 {strides = array<i32>} : memref<128xf32, #tpu.memory_space<vmem>>, vector<16xf32>,
      } else {
      }
      %barrier3A_110 = arith.constant 0 : index
      tpu.barrier barrier_id(%barrier3A_110)
      "tpu.region"() ({
        %run_scoped3A = tpu.sem_alloc : memref<!tpu.dma_semaphore, #tpu.memory_space<semaphore_mem>>
        tpu.enqueue_dma source(%arg16 : memref<128xf32, #tpu.memory_space<vmem_shared>>) target(%arg13 : memref<128xf32, #tpu.memory_space<vmem>>) target_semaphore(%run_scoped3A : memref<!tpu.dma_semaphore, #tpu.memory_space<semaphore_mem>>)
        tpu.wait_dma2 semaphore(%run_scoped3A : memref<!tpu.dma_semaphore, #tpu.memory_space<semaphore_mem>>) src(%arg16 : memref<128xf32, #tpu.memory_space<vmem_shared>>) dst(%arg13 : memref<128xf32, #tpu.memory_space<vmem>>)
        tpu.yield
      }) : () -> ()
      scf.yield %cond3A_50 : i32
    }
    %scan3A_12 = arith.constant 157 : i32
    return
  }
}

</mosaic_0001>

<sc_bundles>
// kernel: gather_offload_async_start.1
scs
__scs_entry_jumppad:
0x0: {  	(pc) =	sbr.rel $0x88, $3  }
0x1: {  	(tag) =	ssettag $0x0;
	lr =	simm.s32 $0x1  }
0x2: {  	[smem:$0x3F9F] =	sst lr;
	_ =	strace $0xD0000000  }
0x3: {  	_ = 	snop  }
0x4: {  	_ = 	snop  }
0x5: {  	_ = 	snop  }
0x6: {  	_ = 	snop  }
0x7: {  	_ = 	snop  }
__scs_overlays_trampoline_lowered:
0x8: {  	[smem:$0x3FAE] =	sst s0  }
0x9: {  	[smem:$0x3FAF] =	sst s1  }
0xa: {  	[smem:$0x3FB0] =	sst s2  }
0xb: {  	[smem:$0x3FB1] =	sst s3  }
0xc: {  	[smem:$0x3FB2] =	sst s4  }
0xd: {  	[smem:$0x3FB3] =	sst s5  }
0xe: {  	[smem:$0x3FB4] =	sst s6  }
0xf: {  	[smem:$0x3FB5] =	sst s7  }
0x10: {  	[smem:$0x3FB6] =	sst s8  }
0x11: {  	[smem:$0x3FB7] =	sst s9;
	s0 =	simm.s32 @!p0 $0x0  }
0x12: {  	s1 =	sld [smem:$0x3F9D];
	s0 =	simm.s32 @p0 $0x1  }
0x13: {  	[smem:$0x3FB8] =	sst s0;
	s0 =	simm.s32 @!p1 $0x0  }
0x14: {  	s2 =	sld [smem:$0x3F9C];
	s0 =	simm.s32 @p1 $0x1  }
0x15: {  	[smem:$0x3FB9] =	sst s0;
	s0 =	simm.s32 @!p2 $0x0  }
0x16: {  	s3 =	sld [smem:$0x3FDB];
	s0 =	simm.s32 @p2 $0x1  }
0x17: {  	s4 =	simm.s32 $0x1BF5;
	[smem:$0x3FBB] =	sst s0  }
0x18: {  	s0 =	sld [smem:$0x3F9E];
	_ =	swait.ge [sflag:s4], $0x0  }
0x19: {  	s7 =	sld [smem:$0x3F9F]  }
0x1a: {  	s8 =	sadd.s32 $0xFFFFE003, lr  }
0x1b: {  	s9 =	sadd.s32 $0xFFFFFEF7, lr;
	s5 =	simm.s32 $0xFFFFFFFF;
	p2 =	slt.u32 s8, $0xFFFFF086  }
0x1c: {  	p1 =	slt.u32 s9, $0xF7A;
	s5 =	simm.s32 @!p2 $0x0  }
0x1d: {  	s5 =	simm.s32 @p1 $0x1;
	p0 =	seq.s32 s7, s2  }
0x1e: {  	s7 =	smul.u32 @!p0 $0xF7A, s2;
	p2 =	seq.s32 @!p0 s5, $0x0  }
0x1f: {  	s9 =	smul.u32 $0xF7A, s1;
	s8 =	simm.s32 @!p0 $0x1BF5;
	p2 =	por !p2, p0  }
0x20: {  	[sflag:s8] =	ssyncset.s32 @!p0 $0xFFFFF086;
	s6 =	sadd.s32 @!p0 s3, s7;
	s7 =	simm.s32 @!p0 $0x108  }
0x21: {  	s3 =	sadd.s32 s3, s9;
	s6 =	sadd.s32 @!p0 $0x88, s6;
	s7 =	simm.s32 @p2 $0x1082  }
0x22: {  	[simem:s7], [sflag:s8] =	dma.local @!p0 [hbm:s6], $0xF7A  }
0x23: {  	s9 =	sor.u32 $0xD0000000, s2;
	s6 =	simm.s32 $0x108;
	_ =	swait.ge @!p0 [sflag:s8], $0x0  }
0x24: {  	s3 =	sadd.s32 $0x88, s3;
	s6 =	simm.s32 @!p1 $0x1082;
	[sflag:s4] =	ssyncset.s32 $0xFFFFF086  }
0x25: {  	[simem:s6], [sflag:s4] =	dma.local [hbm:s3], $0xF7A  }
0x26: {  	[smem:$0x3F9F] =	sst s1;
	(tag) =	ssettag s2;
	_ =	strace s9  }
0x27: {  	s1 =	sld [smem:$0x3FAF]  }
0x28: {  	s2 =	sld [smem:$0x3FB0]  }
0x29: {  	s4 =	sld [smem:$0x3FB2]  }
0x2a: {  	p0 =	seq.s32 s5, $0x0;
	s5 =	sld [smem:$0x3FB3]  }
0x2b: {  	s6 =	sld [smem:$0x3FB4]  }
0x2c: {  	s7 =	sld [smem:$0x3FB5]  }
0x2d: {  	s3 =	simm.s32 $0x108;
	s8 =	sld [smem:$0x3FB6]  }
0x2e: {  	s3 =	simm.s32 @!p0 $0x1082;
	s9 =	sld [smem:$0x3FB7]  }
0x2f: {  	lr =	sadd.s32 s0, s3;
	s0 =	sld [smem:$0x3FAE]  }
0x30: {  	s3 =	sld [smem:$0x3FB1]  }
0x31: {  	[smem:$0x3FBA] =	sst s10  }
0x32: {  	s10 =	sld [smem:$0x3FB8];
	_ =	sdelay $0x3  }
0x33: {  	p0 =	seq.s32 s10, $0x1;
	s10 =	sld [smem:$0x3FBA];
	_ =	sdelay $0x3  }
0x34: {  	[smem:$0x3FBA] =	sst s10  }
0x35: {  	s10 =	sld [smem:$0x3FB9];
	_ =	sdelay $0x3  }
0x36: {  	p1 =	seq.s32 s10, $0x1;
	s10 =	sld [smem:$0x3FBA];
	_ =	sdelay $0x3  }
0x37: {  	[smem:$0x3FBA] =	sst s10  }
0x38: {  	s10 =	sld [smem:$0x3FBB]  }
0x39: {  	_ = 	snop;
	(pc) =	sbr.ind lr, $3  }
0x3a: {  	_ = 	snop  }
0x3b: {  	_ = 	snop  }
0x3c: {  	p2 =	seq.s32 s10, $0x1;
	s10 =	sld [smem:$0x3FBA]  }
0x3d: {  	_ =	shalt  }
0x3e: {  	_ =	shalt  }
0x3f: {  	_ =	shalt  }
0x40: {  	_ =	shalt  }
0x41: {  	_ =	shalt  }
0x42: {  	_ =	shalt  }
0x43: {  	_ =	shalt  }
0x44: {  	_ =	shalt  }
0x45: {  	_ =	shalt  }
0x46: {  	_ =	shalt  }
0x47: {  	_ =	shalt  }
0x48: {  	_ =	shalt  }
0x49: {  	_ =	shalt  }
0x4a: {  	_ =	shalt  }
0x4b: {  	_ =	shalt  }
0x4c: {  	_ =	shalt  }
0x4d: {  	_ =	shalt  }
0x4e: {  	_ =	shalt  }
0x4f: {  	_ =	shalt  }
0x50: {  	_ =	shalt  }
0x51: {  	_ =	shalt  }
0x52: {  	_ =	shalt  }
0x53: {  	_ =	shalt  }
0x54: {  	_ =	shalt  }
0x55: {  	_ =	shalt  }
0x56: {  	_ =	shalt  }
0x57: {  	_ =	shalt  }
0x58: {  	_ =	shalt  }
0x59: {  	_ =	shalt  }
0x5a: {  	_ =	shalt  }
0x5b: {  	_ =	shalt  }
0x5c: {  	_ =	shalt  }
0x5d: {  	_ =	shalt  }
0x5e: {  	_ =	shalt  }
0x5f: {  	_ =	shalt  }
0x60: {  	_ =	shalt  }
0x61: {  	_ =	shalt  }
0x62: {  	_ =	shalt  }
0x63: {  	_ =	shalt  }
0x64: {  	_ =	shalt  }
0x65: {  	_ =	shalt  }
0x66: {  	_ =	shalt  }
0x67: {  	_ =	shalt  }
0x68: {  	_ =	shalt  }
0x69: {  	_ =	shalt  }
0x6a: {  	_ =	shalt  }
0x6b: {  	_ =	shalt  }
0x6c: {  	_ =	shalt  }
0x6d: {  	_ =	shalt  }
0x6e: {  	_ =	shalt  }
0x6f: {  	_ =	shalt  }
0x70: {  	_ =	shalt  }
0x71: {  	_ =	shalt  }
0x72: {  	_ =	shalt  }
0x73: {  	_ =	shalt  }
0x74: {  	_ =	shalt  }
0x75: {  	_ =	shalt  }
0x76: {  	_ =	shalt  }
0x77: {  	_ =	shalt  }
0x78: {  	_ =	shalt  }
0x79: {  	_ =	shalt  }
0x7a: {  	_ =	shalt  }
0x7b: {  	_ =	shalt  }
0x7c: {  	_ =	shalt  }
0x7d: {  	_ =	shalt  }
0x7e: {  	_ =	shalt  }
0x7f: {  	_ =	shalt  }
0x80: {  	_ =	shalt  }
0x81: {  	_ =	shalt  }
0x82: {  	_ =	shalt  }
0x83: {  	_ =	shalt  }
0x84: {  	_ =	shalt  }
0x85: {  	_ =	shalt  }
0x86: {  	_ =	shalt  }
0x87: {  	_ =	shalt  }
.Lfunc_end0:
.L_simem_size_0:
called_computation.1_lowered:
.L_overlay_start_0:
0x88: {  	s2 =	sld [smem:$0x3FD9]  }
0x89: {  	s3 =	sld [smem:$0x3FFE];
	_ =	sdelay $0x1  }
0x8a: {  	s1 =	srdreg.scid  }
0x8b: {  	s0 =	sand.u32 $0x1, s1  }
0x8c: {  	s17 =	sshll.u32 s0, $0xA;
	s2 =	sadd.s32 s3, s2  }
0x8d: {  	s2 =	sadd.s32 s2, s17  }
0x8e: {  	[smem:$0x3FC6] =	sst s2  }
0x8f: {  	_ = 	snop  }
0x90: {  	s2 =	sld [smem:$0x3FC8]  }
0x91: {  	s18 =	sld [smem:$0x3FD0];
	(tm) =	ssettm $0x1  }
0x92: {  	s4 =	sld [smem:$0x3FFB];
	_ =	sdelay $0x3  }
0x93: {  	_ =	strace s4  }
0x94: {  	s4 =	sld [smem:$0x3FFC];
	_ =	sdelay $0x3  }
0x95: {  	_ =	strace s4  }
0x96: {  	s4 =	sld [smem:$0x3FFD];
	_ =	sdelay $0x3  }
0x97: {  	_ =	strace s4  }
0x98: {  	_ =	strace $0x8FFFFFFF  }
0x99: {  	s19 =	sld [smem:$0x3FDB];
	_ =	sdelay $0x1  }
0x9a: {  	s5 =	simm.s32 $_scs_section_size  }
0x9b: {  	s6 =	simm.s32 $_size__tile_overlayer_lowered;
	s7 =	simm.s32 $_tile_overlayer_lowered  }
0x9c: {  	s22 =	simm.s32 $0x1BFF;
	s21 =	sshll.u32 s7, $0x1;
	s4 =	sadd.s32 s5, s19  }
0x9d: {  	s8 =	simm.s32 $0x0;
	s20 =	sshll.u32 s6, $0x1;
	s6 =	sadd.s32 s21, s4  }
0x9e: {  	[timem:s8], [sflag:s22] =	dma.local [hbm:s6], s20  }
0x9f: {  	_ =	swait.ge [sflag:s22], s20  }
0xa0: {  	s5 =	ssub.s32 $0x0, s20;
	[sflag:s22] =	ssyncset.done $0x0  }
0xa1: {  	[sflag:s22] =	ssyncadd.s32 s5;
	_ =	sdelay $0x1  }
0xa2: {  	s23 =	simm.s32 $0x1B8B  }
0xa3: {  	_ =	swait.ge [sflag:s23], $0x1  }
0xa4: {  	[sflag:s23] =	ssyncset.done $0x0  }
0xa5: {  	s25 =	simm.s32 $0x1B8E;
	s24 =	sld [smem:$0x3FFE];
	[sflag:s23] =	ssyncadd.s32 $0xFFFFFFFF  }
0xa6: {  	s26 =	simm.s32 $execute0_lowered;
	[smem:$0x3FD2] =	sst s25  }
0xa7: {  	s6 =	sshll.u32 s26, $0x1;
	_ =	strace $0x80000049;
	[dreg:$0x1] =	wrdreg $0xFFFFFFFF  }
0xa8: {  	s28 =	simm.s32 $_size_execute0_lowered;
	s4 =	sadd.s32 s4, s6;
	[dreg:$0x0] =	wrdreg $0x0  }
0xa9: {  	s6 =	sshll.u32 s28, $0x1;
	[dreg:$0x2] =	wrdreg s4  }
0xaa: {  	[dreg:$0x3] =	wrdreg s6  }
0xab: {  	[dreg:$0x4] =	wrdreg $0xC0  }
0xac: {  	_ =	task [dreg:s8], $0x5FFFF  }
0xad: {  	[dreg:$0x1] =	wrdreg $0xFFFFFFFF  }
0xae: {  	[dreg:$0x0] =	wrdreg $0x60  }
0xaf: {  	[dreg:$0x2] =	wrdreg s2  }
0xb0: {  	[dreg:$0x3] =	wrdreg s18  }
0xb1: {  	[dreg:$0x4] =	wrdreg s24  }
0xb2: {  	[dreg:$0x5] =	wrdreg $0x9  }
0xb3: {  	_ =	task.clear_ibuf [dreg:s8], $0x6FFFF;
	_ =	strace $0x90000049  }
0xb4: {  	s29 =	simm.s32 $0x9;
	_ =	strace $0x8000004B  }
0xb5: {  	_ =	swait.ge [sflag:s29], $0x1  }
0xb6: {  	[sflag:s29] =	ssyncadd.s32 $0xFFFFFFFF  }
0xb7: {  	_ =	strace $0x9000004B  }
0xb8: {  	_ =	sfence  }
0xb9: {  	s30 =	sld [smem:$0x0];
	_ =	sdelay $0x2  }
0xba: {  	s31 =	sshll.u32 s1, $0xD;
	s1 =	sshrl.u32 s1, $0x2  }
0xbb: {  	s3 =	sand.u32 $0x4000, s31;
	s1 =	sadd.s32 s1, s30  }
0xbc: {  	s0 =	sor.u32 s3, s0;
	s1 =	sshll.u32 s1, $0x11  }
0xbd: {  	s0 =	sor.u32 s1, s0  }
0xbe: {  	s0 =	sadd.s32 $0x8F2B, s0  }
0xbf: {  	[sflag:s0] =	ssyncadd.remote.s32 $0x1  }
0xc0: {  	_ =	sfence.sel $0xFFFF  }
0xc1: {  	[dreg:$0x0] =	wrdreg $0xFFFFFFFF;
	(pc) =	sbr.abs _section_cstart, $3  }
0xc2: {  	[dreg:$0x1] =	wrdreg $0xFFFFFFFF  }
0xc3: {  	_ =	task.clear_ibuf [dreg:s8], $0x2FFFF;
	_ =	strace $0x9FFFFFFF  }
0xc4: {  	(tm) =	ssettm $0x7FFFFFFF  }
0xc5: {  	_ =	shalt  }
tec
execute0_lowered:
.L_overlay_start_1:
0x0: {  	(tag) =	ssettag $0x1  }
0x1: {  	s2 =	rddreg [dreg:$0x0]  }
0x2: {  	s3 =	rddreg [dreg:$0x1]  }
0x3: {  	s8 =	rddreg [dreg:$0x2];
	s1 =	stileid.u32  }
0x4: {  	s4 =	srdreg.scid;
	s0 =	rddreg [dreg:$0x3];
	_ =	strace $0x8000004A  }
0x5: {  	s7 =	simm.s32 $0x1;
	s9 =	simm.s32 $0x1;
	s10 =	simm.s32 $0x3  }
0x6: {  	s13 =	simm.s32 $0x0;
	s5 =	sand.u32 $0x1, s4;
	s6 =	sshll.u32 s1, $0x1  }
0x7: {  	s12 =	simm.s32 $0x0;
	s4 =	simm.s32 $0x1;
	s5 =	sor.u32 s6, s5  }
.Ltmp0:
0x8: {  	[sflag:s4] =	ssyncpa.u1 $0x0;
	p0 =	slt.u32 s5, $0x13;
	(pc) =	sbr.rel .LBB2_1-.Ltmp0, $4  }
0x9: {  	s6 =	simm.s32 $0x2;
	s7 =	simm.s32 @!p0 $0x0;
	p0 =	sne.s32 s5, $0x12  }
0xa: {  	[sflag:s6] =	ssyncpa.u1 $0x0;
	s5 =	smul.u32 $0x190, s5;
	s9 =	simm.s32 @!p0 $0x0  }
0xb: {  	s8 =	sadd.s32 $0x2800, s8;
	[sflag:s10] =	ssyncpa.u1 $0x0;
	s7 =	sadd.s32 s9, s7  }
0xc: {  	vm0 =	vmmov $0xffff;
	s10 =	simm.s32 $0x0;
	s11 =	smov.u32 s5;
	s9 =	sadd.s32 $0x1, s7  }
.LBB2_4:
0xd: {  	v2 =	vnsel vm1, $0x0, v2  }
0xe: {  	vm1 =	vgt.s32 v0, $0x0;
	v2 =	vmin.u32 v2, $0x4E1F  }
0xf: {  	v0 =	vnsel vm1, $0x0, v0  }
0x10: {  	v0 =	vmin.u32 v0, $0x4E1F  }
0x11: {  	[tilespmem:s18], [sflag:$0x1] =	stream.indirect_vreg.gather [hbm4b:s2+s10], $0x1, v1, vm0, $0x4038;
	[tilespmem:$0x640] =	vst v63  }
0x12: {  	(ifvalue) =	ssetifvalue $0x7FFFFFFF  }
0x13: {  	[tilespmem:s15], [sflag:$0x1] =	stream.indirect_vreg.gather [hbm4b:s2+s10], $0x1, v2, vm0, $0x4038;
	[tilespmem:$0x640] =	vst v63  }
0x14: {  	s29 =	sadd.s32 $0x10, s15;
	(ifvalue) =	ssetifvalue $0x7FFFFFFF  }
0x15: {  	[tilespmem:s29], [sflag:$0x1] =	stream.indirect_vreg.gather [hbm4b:s2+s10], $0x1, v0, vm0, $0x4038;
	[tilespmem:$0x640] =	vst v63  }
0x16: {  	_ =	swait.ge [sflag:s4], $0x190  }
0x17: {  	s30 =	sshrl.u32 s13, $0x3;
	[sflag:s4] =	ssyncset.done $0x0  }
0x18: {  	s31 =	sand.u32 $0x7, s13;
	s15 =	sadd.s32 s8, s30;
	[sflag:s4] =	ssyncadd.s32 $0xFFFFFE70  }
0x19: {  	[hbm4b:s15+s31] =	stream.linear.scatter [tilespmem:s14], [sflag:$0x3], $0x190, $0x38;
	[tilespmem:$0x640] =	vst v63  }
.LBB2_5:
0x1a: {  	s15 =	sadd.s32 $0x3200, s11  }
0x1b: {  	p1 =	sgt.s32 s15, $0x4E1F  }
0x1c: {  	s15 =	smov.u32 @p1 s5;
	p1 =	sne.s32 s12, s9  }
.Ltmp1:
0x1d: {  	p0 =	slt.u32 s12, $0x2;
	(pc) =	sbr.rel @!p1 .LBB2_6-.Ltmp1, $4  }
0x1e: {  	s14 =	simm.s32 @!p0 $0x3  }
0x1f: {  	_ =	swait.ge @!p0 [sflag:s14], $0x190  }
0x20: {  	s16 =	sadd.s32 $0x1, s12;
	s13 =	smov.u32 s11;
	[sflag:s14] =	ssyncset.done @!p0 $0x0  }
0x21: {  	s12 =	smov.u32 s16;
	s11 =	smov.u32 s15;
	[sflag:s14] =	ssyncadd.s32 @!p0 $0xFFFFFE70  }
.LBB2_1:
0x22: {  	p0 =	sge.u32 s12, s7  }
0x23: {  	s14 =	sxor.u32 @!p0 $0x1, s12  }
0x24: {  	s14 =	smul.u32 @!p0 $0x640, s14  }
0x25: {  	s31 =	sadd.s32 $0xFFFFFFFF, s12;
	s15 =	sshrl.u32 @!p0 s11, $0x3  }
0x26: {  	s16 =	sand.u32 @!p0 $0x7, s11;
	s15 =	sadd.s32 @!p0 s3, s15;
	s14 =	sshra.s32 @!p0 s14, $0x2  }
0x27: {  	[tilespmem:s14], [sflag:$0x2] =	stream.linear.gather @!p0 [hbm4b:s15+s16], $0x190, $0x38;
	[tilespmem:$0x640] =	vst v63  }
0x28: {  	p0 =	sge.u32 s31, s7  }
.Ltmp2:
0x29: {  	_ = 	snop;
	(pc) =	sbr.rel @p0 .LBB2_5-.Ltmp2, $1  }
0x2a: {  	_ =	sdelay $0x3  }
0x2b: {  	s14 =	sand.u32 $0x1, s12  }
0x2c: {  	_ =	swait.ge [sflag:s6], $0x190;
	p0 =	seq.s32 s14, $0x1;
	s14 =	simm.s32 $0x190  }
0x2d: {  	[sflag:s6] =	ssyncset.done $0x0;
	s14 =	simm.s32 @!p0 $0x0  }
0x2e: {  	[sflag:s6] =	ssyncadd.s32 $0xFFFFFE70;
	(ifvalue) =	ssetifvalue $0x7FFFFFFF;
	v0 =	vld.msk [tilespmem:s14+$0x0 ss:$0x1], $0xffff;
	_ =	sdelay $0x4  }
0x2f: {  	s15 =	sadd.s32 $0x10, s14;
	vm1 =	vgt.s32 v0, $0x0  }
0x30: {  	v2 =	vld.msk [tilespmem:s15+$0x0 ss:$0x1], $0xffff;
	v1 =	vnsel vm1, $0x0, v0  }
0x31: {  	v1 =	vmin.u32 v1, $0x4E1F;
	_ =	sdelay $0x2  }
0x32: {  	s17 =	simm.s32 $0x20;
	s14 =	sadd.s32 $0x320, s14;
	s16 =	sadd.s32 $0x10, s15  }
0x33: {  	s15 =	sadd.s32 $0x10, s14;
	s18 =	smov.u32 s14;
	v0 =	vld.msk [tilespmem:s16+$0x0 ss:$0x1], $0xffff;
	vm1 =	vgt.s32 v2, $0x0;
	(ifvalue) =	ssetifvalue $0x7FFFFFFF  }
.LBB2_3:
0x34: {  	[tilespmem:s18], [sflag:$0x1] =	stream.indirect_vreg.gather [hbm4b:s2+s10], $0x1, v1, vm0, $0x4038;
	[tilespmem:$0x640] =	vst v63  }
0x35: {  	s17 =	sadd.s32 $0x10, s17  }
0x36: {  	v2 =	vnsel vm1, $0x0, v2;
	p0 =	slt.u32 s17, $0x180  }
.Ltmp3:
0x37: {  	s18 =	smov.u32 s15;
	v1 =	vmin.u32 v2, $0x4E1F;
	(pc) =	sbr.rel @p0 .LBB2_3-.Ltmp3, $3  }
0x38: {  	_ =	sdelay $0x1  }
0x39: {  	s16 =	sadd.s32 $0x10, s16  }
0x3a: {  	vm1 =	vgt.s32 v0, $0x0;
	s15 =	sadd.s32 $0x10, s15;
	v2 =	vmov v0;
	(ifvalue) =	ssetifvalue $0x7FFFFFFF;
	v0 =	vld.msk [tilespmem:s16+$0x0 ss:$0x1], $0xffff  }
.Ltmp4:
0x3b: {  	_ = 	snop;
	(pc) =	sbr.rel .LBB2_4-.Ltmp4, $1  }
0x3c: {  	_ =	sdelay $0x3  }
.LBB2_6:
0x3d: {  	_ =	sfence.sel $0x180000  }
0x3e: {  	s2 =	simm.s32 $0x2;
	[bflag:$0x0] =	sbarrier.arrive $0xFFFF  }
0x3f: {  	s30 =	simm.s32 $0x3;
	[sflag:s2] =	ssyncpa.u1 $0x1  }
0x40: {  	s31 =	simm.s32 $0x1;
	[sflag:s30] =	ssyncpa.u1 $0x1  }
0x41: {  	[sflag:s31] =	ssyncpa.u1 $0x1  }
0x42: {  	p0 =	sne.s32 s1, $0x0;
	_ =	strace $0x9000004A  }
0x43: {  	s0 =	sadd.s32 @!p0 $0x100000, s0;
	[bflag:$0x2] =	sbarrier.arrive $0xFFFF  }
0x44: {  	[sflag:s0] =	ssyncadd.tile.s32 @!p0 $0x1;
	_ =	shalt  }
.Lfunc_end2:
_tile_overlayer_lowered:
.L_overlay_start_2:
0x45: {  	(tag) =	ssettag $0x2  }
0x46: {  	s0 =	rddreg [dreg:$0x0];
	s2 =	stileid.u32  }
0x47: {  	s1 =	rddreg [dreg:$0x1];
	p0 =	sne.s32 s2, $0x0  }
0x48: {  	s3 =	rddreg [dreg:$0x2];
	[bflag:$0x3] =	sbarrier.arrive $0xFFFF;
	s2 =	simm.s32 @!p0 $0x1C01  }
0x49: {  	[timem:s3], [sflag:s2] =	dma.local @!p0 [hbm:s0], s1  }
0x4a: {  	s0 =	simm.s32 @!p0 $0x1  }
0x4b: {  	_ =	swait.ge @!p0 [sflag:s0], s1  }
0x4c: {  	s1 =	ssub.s32 @!p0 $0x0, s1;
	[sflag:s0] =	ssyncset.done @!p0 $0x0  }
0x4d: {  	[sflag:s0] =	ssyncadd.s32 @!p0 s1  }
0x4e: {  	[bflag:$0x3] =	sbarrier.arrive $0xFFFF  }
0x4f: {  	_ =	shalt  }

// kernel: gather_offload_async_start
scs
__scs_entry_jumppad:
0x0: {  	(pc) =	sbr.rel $0x88, $3  }
0x1: {  	(tag) =	ssettag $0x0;
	lr =	simm.s32 $0x1  }
0x2: {  	[smem:$0x3F9F] =	sst lr;
	_ =	strace $0xD0000000  }
0x3: {  	_ = 	snop  }
0x4: {  	_ = 	snop  }
0x5: {  	_ = 	snop  }
0x6: {  	_ = 	snop  }
0x7: {  	_ = 	snop  }
__scs_overlays_trampoline_lowered:
0x8: {  	[smem:$0x3FAE] =	sst s0  }
0x9: {  	[smem:$0x3FAF] =	sst s1  }
0xa: {  	[smem:$0x3FB0] =	sst s2  }
0xb: {  	[smem:$0x3FB1] =	sst s3  }
0xc: {  	[smem:$0x3FB2] =	sst s4  }
0xd: {  	[smem:$0x3FB3] =	sst s5  }
0xe: {  	[smem:$0x3FB4] =	sst s6  }
0xf: {  	[smem:$0x3FB5] =	sst s7  }
0x10: {  	[smem:$0x3FB6] =	sst s8  }
0x11: {  	[smem:$0x3FB7] =	sst s9;
	s0 =	simm.s32 @!p0 $0x0  }
0x12: {  	s1 =	sld [smem:$0x3F9D];
	s0 =	simm.s32 @p0 $0x1  }
0x13: {  	[smem:$0x3FB8] =	sst s0;
	s0 =	simm.s32 @!p1 $0x0  }
0x14: {  	s2 =	sld [smem:$0x3F9C];
	s0 =	simm.s32 @p1 $0x1  }
0x15: {  	[smem:$0x3FB9] =	sst s0;
	s0 =	simm.s32 @!p2 $0x0  }
0x16: {  	s3 =	sld [smem:$0x3FDB];
	s0 =	simm.s32 @p2 $0x1  }
0x17: {  	s4 =	simm.s32 $0x1BF5;
	[smem:$0x3FBB] =	sst s0  }
0x18: {  	s0 =	sld [smem:$0x3F9E];
	_ =	swait.ge [sflag:s4], $0x0  }
0x19: {  	s7 =	sld [smem:$0x3F9F]  }
0x1a: {  	s8 =	sadd.s32 $0xFFFFE003, lr  }
0x1b: {  	s9 =	sadd.s32 $0xFFFFFEF7, lr;
	s5 =	simm.s32 $0xFFFFFFFF;
	p2 =	slt.u32 s8, $0xFFFFF086  }
0x1c: {  	p1 =	slt.u32 s9, $0xF7A;
	s5 =	simm.s32 @!p2 $0x0  }
0x1d: {  	s5 =	simm.s32 @p1 $0x1;
	p0 =	seq.s32 s7, s2  }
0x1e: {  	s7 =	smul.u32 @!p0 $0xF7A, s2;
	p2 =	seq.s32 @!p0 s5, $0x0  }
0x1f: {  	s9 =	smul.u32 $0xF7A, s1;
	s8 =	simm.s32 @!p0 $0x1BF5;
	p2 =	por !p2, p0  }
0x20: {  	[sflag:s8] =	ssyncset.s32 @!p0 $0xFFFFF086;
	s6 =	sadd.s32 @!p0 s3, s7;
	s7 =	simm.s32 @!p0 $0x108  }
0x21: {  	s3 =	sadd.s32 s3, s9;
	s6 =	sadd.s32 @!p0 $0x88, s6;
	s7 =	simm.s32 @p2 $0x1082  }
0x22: {  	[simem:s7], [sflag:s8] =	dma.local @!p0 [hbm:s6], $0xF7A  }
0x23: {  	s9 =	sor.u32 $0xD0000000, s2;
	s6 =	simm.s32 $0x108;
	_ =	swait.ge @!p0 [sflag:s8], $0x0  }
0x24: {  	s3 =	sadd.s32 $0x88, s3;
	s6 =	simm.s32 @!p1 $0x1082;
	[sflag:s4] =	ssyncset.s32 $0xFFFFF086  }
0x25: {  	[simem:s6], [sflag:s4] =	dma.local [hbm:s3], $0xF7A  }
0x26: {  	[smem:$0x3F9F] =	sst s1;
	(tag) =	ssettag s2;
	_ =	strace s9  }
0x27: {  	s1 =	sld [smem:$0x3FAF]  }
0x28: {  	s2 =	sld [smem:$0x3FB0]  }
0x29: {  	s4 =	sld [smem:$0x3FB2]  }
0x2a: {  	p0 =	seq.s32 s5, $0x0;
	s5 =	sld [smem:$0x3FB3]  }
0x2b: {  	s6 =	sld [smem:$0x3FB4]  }
0x2c: {  	s7 =	sld [smem:$0x3FB5]  }
0x2d: {  	s3 =	simm.s32 $0x108;
	s8 =	sld [smem:$0x3FB6]  }
0x2e: {  	s3 =	simm.s32 @!p0 $0x1082;
	s9 =	sld [smem:$0x3FB7]  }
0x2f: {  	lr =	sadd.s32 s0, s3;
	s0 =	sld [smem:$0x3FAE]  }
0x30: {  	s3 =	sld [smem:$0x3FB1]  }
0x31: {  	[smem:$0x3FBA] =	sst s10  }
0x32: {  	s10 =	sld [smem:$0x3FB8];
	_ =	sdelay $0x3  }
0x33: {  	p0 =	seq.s32 s10, $0x1;
	s10 =	sld [smem:$0x3FBA];
	_ =	sdelay $0x3  }
0x34: {  	[smem:$0x3FBA] =	sst s10  }
0x35: {  	s10 =	sld [smem:$0x3FB9];
	_ =	sdelay $0x3  }
0x36: {  	p1 =	seq.s32 s10, $0x1;
	s10 =	sld [smem:$0x3FBA];
	_ =	sdelay $0x3  }
0x37: {  	[smem:$0x3FBA] =	sst s10  }
0x38: {  	s10 =	sld [smem:$0x3FBB]  }
0x39: {  	_ = 	snop;
	(pc) =	sbr.ind lr, $3  }
0x3a: {  	_ = 	snop  }
0x3b: {  	_ = 	snop  }
0x3c: {  	p2 =	seq.s32 s10, $0x1;
	s10 =	sld [smem:$0x3FBA]  }
0x3d: {  	_ =	shalt  }
0x3e: {  	_ =	shalt  }
0x3f: {  	_ =	shalt  }
0x40: {  	_ =	shalt  }
0x41: {  	_ =	shalt  }
0x42: {  	_ =	shalt  }
0x43: {  	_ =	shalt  }
0x44: {  	_ =	shalt  }
0x45: {  	_ =	shalt  }
0x46: {  	_ =	shalt  }
0x47: {  	_ =	shalt  }
0x48: {  	_ =	shalt  }
0x49: {  	_ =	shalt  }
0x4a: {  	_ =	shalt  }
0x4b: {  	_ =	shalt  }
0x4c: {  	_ =	shalt  }
0x4d: {  	_ =	shalt  }
0x4e: {  	_ =	shalt  }
0x4f: {  	_ =	shalt  }
0x50: {  	_ =	shalt  }
0x51: {  	_ =	shalt  }
0x52: {  	_ =	shalt  }
0x53: {  	_ =	shalt  }
0x54: {  	_ =	shalt  }
0x55: {  	_ =	shalt  }
0x56: {  	_ =	shalt  }
0x57: {  	_ =	shalt  }
0x58: {  	_ =	shalt  }
0x59: {  	_ =	shalt  }
0x5a: {  	_ =	shalt  }
0x5b: {  	_ =	shalt  }
0x5c: {  	_ =	shalt  }
0x5d: {  	_ =	shalt  }
0x5e: {  	_ =	shalt  }
0x5f: {  	_ =	shalt  }
0x60: {  	_ =	shalt  }
0x61: {  	_ =	shalt  }
0x62: {  	_ =	shalt  }
0x63: {  	_ =	shalt  }
0x64: {  	_ =	shalt  }
0x65: {  	_ =	shalt  }
0x66: {  	_ =	shalt  }
0x67: {  	_ =	shalt  }
0x68: {  	_ =	shalt  }
0x69: {  	_ =	shalt  }
0x6a: {  	_ =	shalt  }
0x6b: {  	_ =	shalt  }
0x6c: {  	_ =	shalt  }
0x6d: {  	_ =	shalt  }
0x6e: {  	_ =	shalt  }
0x6f: {  	_ =	shalt  }
0x70: {  	_ =	shalt  }
0x71: {  	_ =	shalt  }
0x72: {  	_ =	shalt  }
0x73: {  	_ =	shalt  }
0x74: {  	_ =	shalt  }
0x75: {  	_ =	shalt  }
0x76: {  	_ =	shalt  }
0x77: {  	_ =	shalt  }
0x78: {  	_ =	shalt  }
0x79: {  	_ =	shalt  }
0x7a: {  	_ =	shalt  }
0x7b: {  	_ =	shalt  }
0x7c: {  	_ =	shalt  }
0x7d: {  	_ =	shalt  }
0x7e: {  	_ =	shalt  }
0x7f: {  	_ =	shalt  }
0x80: {  	_ =	shalt  }
0x81: {  	_ =	shalt  }
0x82: {  	_ =	shalt  }
0x83: {  	_ =	shalt  }
0x84: {  	_ =	shalt  }
0x85: {  	_ =	shalt  }
0x86: {  	_ =	shalt  }
0x87: {  	_ =	shalt  }
.Lfunc_end0:
.L_simem_size_0:
called_computation_lowered:
.L_overlay_start_0:
0x88: {  	s2 =	sld [smem:$0x3FD9]  }
0x89: {  	s3 =	sld [smem:$0x3FFE];
	_ =	sdelay $0x1  }
0x8a: {  	s1 =	srdreg.scid  }
0x8b: {  	s0 =	sand.u32 $0x1, s1  }
0x8c: {  	s17 =	sshll.u32 s0, $0xA;
	s2 =	sadd.s32 s3, s2  }
0x8d: {  	s2 =	sadd.s32 s2, s17  }
0x8e: {  	[smem:$0x3FC6] =	sst s2  }
0x8f: {  	_ = 	snop  }
0x90: {  	s2 =	sld [smem:$0x3FD0];
	(tm) =	ssettm $0x1  }
0x91: {  	s18 =	sld [smem:$0x3FFB];
	_ =	sdelay $0x3  }
0x92: {  	_ =	strace s18  }
0x93: {  	s3 =	sld [smem:$0x3FFC];
	_ =	sdelay $0x3  }
0x94: {  	_ =	strace s3  }
0x95: {  	s3 =	sld [smem:$0x3FFD];
	_ =	sdelay $0x3  }
0x96: {  	_ =	strace s3  }
0x97: {  	_ =	strace $0x8FFFFFFF  }
0x98: {  	s19 =	sld [smem:$0x3FDB];
	_ =	sdelay $0x1  }
0x99: {  	s4 =	simm.s32 $_scs_section_size  }
0x9a: {  	s5 =	simm.s32 $_size__tile_overlayer_lowered;
	s6 =	simm.s32 $_tile_overlayer_lowered  }
0x9b: {  	s22 =	simm.s32 $0x1BFF;
	s21 =	sshll.u32 s6, $0x1;
	s3 =	sadd.s32 s4, s19  }
0x9c: {  	s7 =	simm.s32 $0x0;
	s20 =	sshll.u32 s5, $0x1;
	s5 =	sadd.s32 s21, s3  }
0x9d: {  	[timem:s7], [sflag:s22] =	dma.local [hbm:s5], s20  }
0x9e: {  	_ =	swait.ge [sflag:s22], s20  }
0x9f: {  	s4 =	ssub.s32 $0x0, s20;
	[sflag:s22] =	ssyncset.done $0x0  }
0xa0: {  	[sflag:s22] =	ssyncadd.s32 s4;
	_ =	sdelay $0x1  }
0xa1: {  	s23 =	simm.s32 $0x1B8B  }
0xa2: {  	_ =	swait.ge [sflag:s23], $0x1  }
0xa3: {  	[sflag:s23] =	ssyncset.done $0x0  }
0xa4: {  	s25 =	simm.s32 $0x1B8E;
	s24 =	sld [smem:$0x3FFE];
	[sflag:s23] =	ssyncadd.s32 $0xFFFFFFFF  }
0xa5: {  	s26 =	simm.s32 $execute0_lowered;
	[smem:$0x3FD2] =	sst s25  }
0xa6: {  	s5 =	sshll.u32 s26, $0x1;
	_ =	strace $0x80000046;
	[dreg:$0x1] =	wrdreg $0xFFFFFFFF  }
0xa7: {  	s28 =	simm.s32 $_size_execute0_lowered;
	s3 =	sadd.s32 s3, s5;
	[dreg:$0x0] =	wrdreg $0x0  }
0xa8: {  	s5 =	sshll.u32 s28, $0x1;
	[dreg:$0x2] =	wrdreg s3  }
0xa9: {  	[dreg:$0x3] =	wrdreg s5  }
0xaa: {  	[dreg:$0x4] =	wrdreg $0xC0  }
0xab: {  	_ =	task [dreg:s7], $0x5FFFF  }
0xac: {  	[dreg:$0x1] =	wrdreg $0xFFFFFFFF  }
0xad: {  	[dreg:$0x0] =	wrdreg $0x60  }
0xae: {  	[dreg:$0x2] =	wrdreg s24  }
0xaf: {  	[dreg:$0x3] =	wrdreg s2  }
0xb0: {  	[dreg:$0x4] =	wrdreg $0x9  }
0xb1: {  	_ =	task.clear_ibuf [dreg:s7], $0x5FFFF;
	_ =	strace $0x90000046  }
0xb2: {  	s29 =	simm.s32 $0x9;
	_ =	strace $0x80000048  }
0xb3: {  	_ =	swait.ge [sflag:s29], $0x1  }
0xb4: {  	[sflag:s29] =	ssyncadd.s32 $0xFFFFFFFF  }
0xb5: {  	_ =	strace $0x90000048  }
0xb6: {  	_ =	sfence  }
0xb7: {  	s30 =	sld [smem:$0x0];
	_ =	sdelay $0x2  }
0xb8: {  	s31 =	sshll.u32 s1, $0xD;
	s1 =	sshrl.u32 s1, $0x2  }
0xb9: {  	s3 =	sand.u32 $0x4000, s31;
	s1 =	sadd.s32 s1, s30  }
0xba: {  	s0 =	sor.u32 s3, s0;
	s1 =	sshll.u32 s1, $0x11  }
0xbb: {  	s0 =	sor.u32 s1, s0  }
0xbc: {  	s0 =	sadd.s32 $0x8F2B, s0  }
0xbd: {  	[sflag:s0] =	ssyncadd.remote.s32 $0x1  }
0xbe: {  	_ =	sfence.sel $0xFFFF  }
0xbf: {  	[dreg:$0x0] =	wrdreg $0xFFFFFFFF;
	(pc) =	sbr.abs _section_cstart, $3  }
0xc0: {  	[dreg:$0x1] =	wrdreg $0xFFFFFFFF  }
0xc1: {  	_ =	task.clear_ibuf [dreg:s7], $0x2FFFF;
	_ =	strace $0x9FFFFFFF  }
0xc2: {  	(tm) =	ssettm $0x7FFFFFFF  }
0xc3: {  	_ =	shalt  }
tec
execute0_lowered:
.L_overlay_start_1:
0x0: {  	(tag) =	ssettag $0x1  }
0x1: {  	s0 =	srdreg.scid  }
0x2: {  	s1 =	sshll.u32 s0, $0x4  }
0x3: {  	s0 =	stileid.u32;
	s1 =	sand.u32 $0x10, s1  }
0x4: {  	s2 =	sor.u32 s0, s1  }
0x5: {  	s1 =	smin.u32 s2, $0x12  }
0x6: {  	s1 =	sadd.s32 s2, s1  }
0x7: {  	p0 =	slt.u32 s2, $0x12;
	s2 =	simm.s32 $0x320;
	s1 =	smul.u32 $0x190, s1  }
0x8: {  	s2 =	simm.s32 @!p0 $0x190  }
0x9: {  	s2 =	sadd.s32 s2, s1  }
0xa: {  	s3 =	smin.u32 s2, $0x4E20  }
0xb: {  	s7 =	ssub.s32 s3, s1  }
0xc: {  	p0 =	sgt.s32 s7, $0x0  }
0xd: {  	s7 =	simm.s32 @!p0 $0x0  }
0xe: {  	s31 =	sand.u32 $0xFFF0, s7  }
0xf: {  	s2 =	sshrl.u32 s31, $0x4  }
0x10: {  	s4 =	rddreg [dreg:$0x0];
	s2 =	smul.u32 $0xA3E, s2  }
0x11: {  	s5 =	rddreg [dreg:$0x1]  }
0x12: {  	s6 =	simm.s32 $0x1;
	s10 =	simm.s32 $0x3;
	s8 =	sshrl.u32 s2, $0x10  }
0x13: {  	s13 =	simm.s32 $0x0;
	s12 =	simm.s32 $0x0;
	s9 =	smul.u32 $0x190, s8  }
.Ltmp0:
0x14: {  	s11 =	smov.u32 s1;
	s2 =	rddreg [dreg:$0x2];
	(pc) =	sbr.rel .LBB2_1-.Ltmp0, $4  }
0x15: {  	_ =	strace $0x80000047;
	p0 =	sne.s32 s7, s9;
	s9 =	simm.s32 $0x1  }
0x16: {  	[sflag:s6] =	ssyncpa.u1 $0x0;
	s7 =	simm.s32 $0x2;
	s9 =	simm.s32 @!p0 $0x0  }
0x17: {  	[sflag:s7] =	ssyncpa.u1 $0x0;
	p0 =	por $0x0, $0x0;
	s8 =	sadd.s32 s8, s9  }
0x18: {  	vm0 =	vmmov $0xff;
	vm1 =	vcmask $0x3F20;
	s9 =	sadd.s32 $0x4E200, s4;
	[sflag:s10] =	ssyncpa.u1 $0x0;
	s10 =	sadd.s32 $0x1, s8  }
.LBB2_6:
0x19: {  	[hbm:s17] =	stream.linear.scatter [tilespmem:s14], [sflag:$0x3], $0x400, $0x38;
	[tilespmem:$0x19320] =	vst v63  }
.LBB2_7:
0x1a: {  	s13 =	sadd.s32 $0x190, s11  }
0x1b: {  	s15 =	smov.u32 s1;
	p2 =	slt.s32 s13, s3  }
0x1c: {  	s15 =	smov.u32 @p2 s13;
	p2 =	sne.s32 s12, s10  }
.Ltmp1:
0x1d: {  	p1 =	slt.u32 s12, $0x2;
	(pc) =	sbr.rel @!p2 .LBB2_8-.Ltmp1, $4  }
0x1e: {  	s14 =	simm.s32 @!p1 $0x3  }
0x1f: {  	s16 =	sadd.s32 $0x1, s12;
	_ =	swait.ge @!p1 [sflag:s14], $0xC800  }
0x20: {  	p0 =	por !p0, !p0;
	s13 =	smov.u32 s11;
	[sflag:s14] =	ssyncset.done @!p1 $0x0  }
0x21: {  	s12 =	smov.u32 s16;
	s11 =	smov.u32 s15;
	[sflag:s14] =	ssyncadd.s32 @!p1 $0xFFFF3800  }
.LBB2_1:
0x22: {  	p1 =	sge.u32 s12, s8  }
0x23: {  	s14 =	sxor.u32 @!p1 $0xFFFFFFFF, s12  }
0x24: {  	s14 =	sand.u32 @!p1 $0x1, s14  }
0x25: {  	s14 =	smul.u32 @!p1 $0x640, s14  }
0x26: {  	s31 =	sadd.s32 $0xFFFFFFFF, s12;
	s15 =	sshrl.u32 @!p1 s11, $0x3  }
0x27: {  	s16 =	sand.u32 @!p1 $0x7, s11;
	s15 =	sadd.s32 @!p1 s5, s15;
	s14 =	sshrl.u32 @!p1 s14, $0x2  }
0x28: {  	[tilespmem:s14], [sflag:$0x2] =	stream.linear.gather @!p1 [hbm4b:s15+s16], $0x190, $0x38;
	[tilespmem:$0x19320] =	vst v63  }
0x29: {  	p1 =	sge.u32 s31, s8  }
.Ltmp2:
0x2a: {  	_ = 	snop;
	(pc) =	sbr.rel @p1 .LBB2_7-.Ltmp2, $1  }
0x2b: {  	_ =	sdelay $0x3  }
0x2c: {  	s14 =	simm.s32 $0x1  }
0x2d: {  	s14 =	simm.s32 @!p0 $0x0  }
0x2e: {  	s15 =	smul.u32 $0x640, s14  }
0x2f: {  	_ =	swait.ge [sflag:s7], $0x190  }
0x30: {  	[sflag:s7] =	ssyncset.done $0x0;
	s16 =	sshrl.u32 s15, $0x2  }
0x31: {  	[sflag:s7] =	ssyncadd.s32 $0xFFFFFE70;
	s15 =	sadd.s32 $0x0, s16  }
0x32: {  	v0 =	vld.msk [tilespmem:s15+$0x0 ss:$0x1], $0xffff;
	_ =	sdelay $0x4  }
0x33: {  	vm2 =	vgt.s32 v0, $0x0  }
0x34: {  	v0 =	vnsel vm2, $0x0, v0  }
0x35: {  	v0 =	vmin.u32 v0, $0x4E1F  }
0x36: {  	v0 =	vshll.u32 v0, $0x4  }
0x37: {  	s14 =	smul.u32 $0x32000, s14;
	_ =	sdelay $0x1  }
0x38: {  	s14 =	sshrl.u32 s14, $0x2  }
0x39: {  	s14 =	sor.u32 $0x320, s14  }
0x3a: {  	[tilespmem:s14], [sflag:$0x1] =	stream.indirect_vreg.gather [hbm:s4], $0x80, v0, vm0, $0x38;
	[tilespmem:$0x19320] =	vst v63  }
0x3b: {  	s17 =	sadd.s32 $0x10, s16;
	s15 =	sadd.s32 $0x400, s14  }
0x3c: {  	[tilespmem:s15], [sflag:$0x1] =	stream.indirect_vreg.gather [hbm:s4], $0x80, v0, vm1, $0x38;
	[tilespmem:$0x19320] =	vst v63  }
0x3d: {  	s18 =	simm.s32 $0x80;
	v0 =	vld.msk [tilespmem:s17+$0x0 ss:$0x1], $0xffff;
	s17 =	smov.u32 s14  }
.LBB2_3:
0x3e: {  	p1 =	sne.s32 s18, $0x600;
	_ =	sdelay $0x4  }
0x3f: {  	vm2 =	vgt.s32 v0, $0x0  }
0x40: {  	v0 =	vnsel vm2, $0x0, v0  }
0x41: {  	v0 =	vmin.u32 v0, $0x4E1F  }
0x42: {  	v0 =	vshll.u32 v0, $0x4;
	_ =	sdelay $0x3  }
.Ltmp3:
0x43: {  	s19 =	sshra.s32 s18, $0x2;
	s17 =	sadd.s32 $0x800, s17;
	(pc) =	sbr.rel @p1 .LBB2_3-.Ltmp3, $4  }
0x44: {  	[tilespmem:s17], [sflag:$0x1] =	stream.indirect_vreg.gather [hbm:s4], $0x80, v0, vm0, $0x38;
	[tilespmem:$0x19320] =	vst v63  }
0x45: {  	s19 =	sadd.s32 s19, s16;
	s20 =	sadd.s32 $0x400, s17  }
0x46: {  	[tilespmem:s20], [sflag:$0x1] =	stream.indirect_vreg.gather [hbm:s4], $0x80, v0, vm1, $0x38;
	[tilespmem:$0x19320] =	vst v63  }
0x47: {  	s18 =	sadd.s32 $0x40, s18;
	v0 =	vld.msk [tilespmem:s19+$0x0 ss:$0x1], $0xffff  }
0x48: {  	_ =	sdelay $0x3  }
0x49: {  	vm2 =	vgt.s32 v0, $0x0  }
0x4a: {  	v0 =	vnsel vm2, $0x0, v0  }
0x4b: {  	v0 =	vmin.u32 v0, $0x4E1F  }
0x4c: {  	v0 =	vshll.u32 v0, $0x4;
	_ =	sdelay $0x3  }
0x4d: {  	s16 =	sadd.s32 $0x800, s17  }
0x4e: {  	[tilespmem:s16], [sflag:$0x1] =	stream.indirect_vreg.gather [hbm:s4], $0x80, v0, vm0, $0x38;
	[tilespmem:$0x19320] =	vst v63  }
0x4f: {  	s16 =	sadd.s32 $0x400, s16  }
0x50: {  	[tilespmem:s16], [sflag:$0x1] =	stream.indirect_vreg.gather [hbm:s4], $0x80, v0, vm1, $0x38;
	[tilespmem:$0x19320] =	vst v63  }
0x51: {  	s13 =	sshll.u32 s13, $0x4;
	_ =	swait.ge [sflag:s6], $0xC800  }
0x52: {  	s13 =	sadd.s32 s13, s9;
	[sflag:s6] =	ssyncset.done $0x0  }
0x53: {  	s17 =	sadd.s32 $0x0, s13;
	s16 =	simm.s32 $0x80;
	[sflag:s6] =	ssyncadd.s32 $0xFFFF3800  }
.LBB2_5:
0x54: {  	[hbm:s17] =	stream.linear.scatter [tilespmem:s14], [sflag:$0x3], $0x400, $0x38;
	[tilespmem:$0x19320] =	vst v63  }
0x55: {  	s17 =	smov.u32 s16;
	s14 =	smov.u32 s15;
	p1 =	sne.s32 s16, $0x1880  }
.Ltmp4:
0x56: {  	s16 =	sadd.s32 $0x80, s16;
	(pc) =	sbr.rel @p1 .LBB2_5-.Ltmp4, $2  }
0x57: {  	_ =	sdelay $0x2  }
0x58: {  	s15 =	sadd.s32 $0x400, s15;
	s17 =	sadd.s32 s17, s13  }
.Ltmp5:
0x59: {  	_ = 	snop;
	(pc) =	sbr.rel .LBB2_6-.Ltmp5, $1  }
0x5a: {  	_ =	sdelay $0x3  }
.LBB2_8:
0x5b: {  	_ =	sfence.sel $0x180000  }
0x5c: {  	s1 =	simm.s32 $0x2;
	[bflag:$0x0] =	sbarrier.arrive $0xFFFF  }
0x5d: {  	s30 =	simm.s32 $0x3;
	[sflag:s1] =	ssyncpa.u1 $0x1  }
0x5e: {  	s31 =	simm.s32 $0x1;
	[sflag:s30] =	ssyncpa.u1 $0x1  }
0x5f: {  	[sflag:s31] =	ssyncpa.u1 $0x1  }
0x60: {  	p0 =	sne.s32 s0, $0x0;
	_ =	strace $0x90000047  }
0x61: {  	s0 =	sadd.s32 @!p0 $0x100000, s2;
	[bflag:$0x2] =	sbarrier.arrive $0xFFFF  }
0x62: {  	[sflag:s0] =	ssyncadd.tile.s32 @!p0 $0x1;
	_ =	shalt  }
.Lfunc_end2:
_tile_overlayer_lowered:
.L_overlay_start_2:
0x63: {  	(tag) =	ssettag $0x2  }
0x64: {  	s0 =	rddreg [dreg:$0x0];
	s2 =	stileid.u32  }
0x65: {  	s1 =	rddreg [dreg:$0x1];
	p0 =	sne.s32 s2, $0x0  }
0x66: {  	s3 =	rddreg [dreg:$0x2];
	[bflag:$0x3] =	sbarrier.arrive $0xFFFF;
	s2 =	simm.s32 @!p0 $0x1C01  }
0x67: {  	[timem:s3], [sflag:s2] =	dma.local @!p0 [hbm:s0], s1  }
0x68: {  	s0 =	simm.s32 @!p0 $0x1  }
0x69: {  	_ =	swait.ge @!p0 [sflag:s0], s1  }
0x6a: {  	s1 =	ssub.s32 @!p0 $0x0, s1;
	[sflag:s0] =	ssyncset.done @!p0 $0x0  }
0x6b: {  	[sflag:s0] =	ssyncadd.s32 @!p0 s1  }
0x6c: {  	[bflag:$0x3] =	sbarrier.arrive $0xFFFF  }
0x6d: {  	_ =	shalt  }

// kernel: kernel.3.cloned.1.call-start
scs
__scs_entry_jumppad:
0x0: {  	(pc) =	sbr.rel $0x88, $3  }
0x1: {  	(tag) =	ssettag $0x0;
	lr =	simm.s32 $0x1  }
0x2: {  	[smem:$0x3F9F] =	sst lr;
	_ =	strace $0xD0000000  }
0x3: {  	_ = 	snop  }
0x4: {  	_ = 	snop  }
0x5: {  	_ = 	snop  }
0x6: {  	_ = 	snop  }
0x7: {  	_ = 	snop  }
__scs_overlays_trampoline_lowered:
0x8: {  	[smem:$0x3FAE] =	sst s0  }
0x9: {  	[smem:$0x3FAF] =	sst s1  }
0xa: {  	[smem:$0x3FB0] =	sst s2  }
0xb: {  	[smem:$0x3FB1] =	sst s3  }
0xc: {  	[smem:$0x3FB2] =	sst s4  }
0xd: {  	[smem:$0x3FB3] =	sst s5  }
0xe: {  	[smem:$0x3FB4] =	sst s6  }
0xf: {  	[smem:$0x3FB5] =	sst s7  }
0x10: {  	[smem:$0x3FB6] =	sst s8  }
0x11: {  	[smem:$0x3FB7] =	sst s9;
	s0 =	simm.s32 @!p0 $0x0  }
0x12: {  	s1 =	sld [smem:$0x3F9D];
	s0 =	simm.s32 @p0 $0x1  }
0x13: {  	[smem:$0x3FB8] =	sst s0;
	s0 =	simm.s32 @!p1 $0x0  }
0x14: {  	s2 =	sld [smem:$0x3F9C];
	s0 =	simm.s32 @p1 $0x1  }
0x15: {  	[smem:$0x3FB9] =	sst s0;
	s0 =	simm.s32 @!p2 $0x0  }
0x16: {  	s3 =	sld [smem:$0x3FDB];
	s0 =	simm.s32 @p2 $0x1  }
0x17: {  	s4 =	simm.s32 $0x1BF5;
	[smem:$0x3FBB] =	sst s0  }
0x18: {  	s0 =	sld [smem:$0x3F9E];
	_ =	swait.ge [sflag:s4], $0x0  }
0x19: {  	s7 =	sld [smem:$0x3F9F]  }
0x1a: {  	s8 =	sadd.s32 $0xFFFFE003, lr  }
0x1b: {  	s9 =	sadd.s32 $0xFFFFFEF7, lr;
	s5 =	simm.s32 $0xFFFFFFFF;
	p2 =	slt.u32 s8, $0xFFFFF086  }
0x1c: {  	p1 =	slt.u32 s9, $0xF7A;
	s5 =	simm.s32 @!p2 $0x0  }
0x1d: {  	s5 =	simm.s32 @p1 $0x1;
	p0 =	seq.s32 s7, s2  }
0x1e: {  	s7 =	smul.u32 @!p0 $0xF7A, s2;
	p2 =	seq.s32 @!p0 s5, $0x0  }
0x1f: {  	s9 =	smul.u32 $0xF7A, s1;
	s8 =	simm.s32 @!p0 $0x1BF5;
	p2 =	por !p2, p0  }
0x20: {  	[sflag:s8] =	ssyncset.s32 @!p0 $0xFFFFF086;
	s6 =	sadd.s32 @!p0 s3, s7;
	s7 =	simm.s32 @!p0 $0x108  }
0x21: {  	s3 =	sadd.s32 s3, s9;
	s6 =	sadd.s32 @!p0 $0x88, s6;
	s7 =	simm.s32 @p2 $0x1082  }
0x22: {  	[simem:s7], [sflag:s8] =	dma.local @!p0 [hbm:s6], $0xF7A  }
0x23: {  	s9 =	sor.u32 $0xD0000000, s2;
	s6 =	simm.s32 $0x108;
	_ =	swait.ge @!p0 [sflag:s8], $0x0  }
0x24: {  	s3 =	sadd.s32 $0x88, s3;
	s6 =	simm.s32 @!p1 $0x1082;
	[sflag:s4] =	ssyncset.s32 $0xFFFFF086  }
0x25: {  	[simem:s6], [sflag:s4] =	dma.local [hbm:s3], $0xF7A  }
0x26: {  	[smem:$0x3F9F] =	sst s1;
	(tag) =	ssettag s2;
	_ =	strace s9  }
0x27: {  	s1 =	sld [smem:$0x3FAF]  }
0x28: {  	s2 =	sld [smem:$0x3FB0]  }
0x29: {  	s4 =	sld [smem:$0x3FB2]  }
0x2a: {  	p0 =	seq.s32 s5, $0x0;
	s5 =	sld [smem:$0x3FB3]  }
0x2b: {  	s6 =	sld [smem:$0x3FB4]  }
0x2c: {  	s7 =	sld [smem:$0x3FB5]  }
0x2d: {  	s3 =	simm.s32 $0x108;
	s8 =	sld [smem:$0x3FB6]  }
0x2e: {  	s3 =	simm.s32 @!p0 $0x1082;
	s9 =	sld [smem:$0x3FB7]  }
0x2f: {  	lr =	sadd.s32 s0, s3;
	s0 =	sld [smem:$0x3FAE]  }
0x30: {  	s3 =	sld [smem:$0x3FB1]  }
0x31: {  	[smem:$0x3FBA] =	sst s10  }
0x32: {  	s10 =	sld [smem:$0x3FB8];
	_ =	sdelay $0x3  }
0x33: {  	p0 =	seq.s32 s10, $0x1;
	s10 =	sld [smem:$0x3FBA];
	_ =	sdelay $0x3  }
0x34: {  	[smem:$0x3FBA] =	sst s10  }
0x35: {  	s10 =	sld [smem:$0x3FB9];
	_ =	sdelay $0x3  }
0x36: {  	p1 =	seq.s32 s10, $0x1;
	s10 =	sld [smem:$0x3FBA];
	_ =	sdelay $0x3  }
0x37: {  	[smem:$0x3FBA] =	sst s10  }
0x38: {  	s10 =	sld [smem:$0x3FBB]  }
0x39: {  	_ = 	snop;
	(pc) =	sbr.ind lr, $3  }
0x3a: {  	_ = 	snop  }
0x3b: {  	_ = 	snop  }
0x3c: {  	p2 =	seq.s32 s10, $0x1;
	s10 =	sld [smem:$0x3FBA]  }
0x3d: {  	_ =	shalt  }
0x3e: {  	_ =	shalt  }
0x3f: {  	_ =	shalt  }
0x40: {  	_ =	shalt  }
0x41: {  	_ =	shalt  }
0x42: {  	_ =	shalt  }
0x43: {  	_ =	shalt  }
0x44: {  	_ =	shalt  }
0x45: {  	_ =	shalt  }
0x46: {  	_ =	shalt  }
0x47: {  	_ =	shalt  }
0x48: {  	_ =	shalt  }
0x49: {  	_ =	shalt  }
0x4a: {  	_ =	shalt  }
0x4b: {  	_ =	shalt  }
0x4c: {  	_ =	shalt  }
0x4d: {  	_ =	shalt  }
0x4e: {  	_ =	shalt  }
0x4f: {  	_ =	shalt  }
0x50: {  	_ =	shalt  }
0x51: {  	_ =	shalt  }
0x52: {  	_ =	shalt  }
0x53: {  	_ =	shalt  }
0x54: {  	_ =	shalt  }
0x55: {  	_ =	shalt  }
0x56: {  	_ =	shalt  }
0x57: {  	_ =	shalt  }
0x58: {  	_ =	shalt  }
0x59: {  	_ =	shalt  }
0x5a: {  	_ =	shalt  }
0x5b: {  	_ =	shalt  }
0x5c: {  	_ =	shalt  }
0x5d: {  	_ =	shalt  }
0x5e: {  	_ =	shalt  }
0x5f: {  	_ =	shalt  }
0x60: {  	_ =	shalt  }
0x61: {  	_ =	shalt  }
0x62: {  	_ =	shalt  }
0x63: {  	_ =	shalt  }
0x64: {  	_ =	shalt  }
0x65: {  	_ =	shalt  }
0x66: {  	_ =	shalt  }
0x67: {  	_ =	shalt  }
0x68: {  	_ =	shalt  }
0x69: {  	_ =	shalt  }
0x6a: {  	_ =	shalt  }
0x6b: {  	_ =	shalt  }
0x6c: {  	_ =	shalt  }
0x6d: {  	_ =	shalt  }
0x6e: {  	_ =	shalt  }
0x6f: {  	_ =	shalt  }
0x70: {  	_ =	shalt  }
0x71: {  	_ =	shalt  }
0x72: {  	_ =	shalt  }
0x73: {  	_ =	shalt  }
0x74: {  	_ =	shalt  }
0x75: {  	_ =	shalt  }
0x76: {  	_ =	shalt  }
0x77: {  	_ =	shalt  }
0x78: {  	_ =	shalt  }
0x79: {  	_ =	shalt  }
0x7a: {  	_ =	shalt  }
0x7b: {  	_ =	shalt  }
0x7c: {  	_ =	shalt  }
0x7d: {  	_ =	shalt  }
0x7e: {  	_ =	shalt  }
0x7f: {  	_ =	shalt  }
0x80: {  	_ =	shalt  }
0x81: {  	_ =	shalt  }
0x82: {  	_ =	shalt  }
0x83: {  	_ =	shalt  }
0x84: {  	_ =	shalt  }
0x85: {  	_ =	shalt  }
0x86: {  	_ =	shalt  }
0x87: {  	_ =	shalt  }
.Lfunc_end0:
.L_simem_size_0:
called_computation.2_lowered:
.L_overlay_start_0:
0x88: {  	s0 =	sld [smem:$0x3FD9]  }
0x89: {  	s1 =	sld [smem:$0x3FFE];
	_ =	sdelay $0x3  }
0x8a: {  	s0 =	sadd.s32 s1, s0  }
0x8b: {  	[smem:$0x3FC6] =	sst s0  }
0x8c: {  	_ = 	snop  }
0x8d: {  	(tm) =	ssettm $0x1  }
0x8e: {  	s15 =	sld [smem:$0x3FFB];
	_ =	sdelay $0x3  }
0x8f: {  	_ =	strace s15  }
0x90: {  	s0 =	sld [smem:$0x3FFC];
	_ =	sdelay $0x3  }
0x91: {  	_ =	strace s0  }
0x92: {  	s0 =	sld [smem:$0x3FFD];
	_ =	sdelay $0x3  }
0x93: {  	_ =	strace s0  }
0x94: {  	_ =	strace $0x8FFFFFFF  }
0x95: {  	s16 =	sld [smem:$0x3FDB];
	_ =	sdelay $0x1  }
0x96: {  	s17 =	simm.s32 $_scs_section_size  }
0x97: {  	s2 =	simm.s32 $_size__tile_overlayer_lowered;
	s3 =	simm.s32 $_tile_overlayer_lowered  }
0x98: {  	s20 =	simm.s32 $0x1BFF;
	s19 =	sshll.u32 s3, $0x1;
	s0 =	sadd.s32 s17, s16  }
0x99: {  	s4 =	simm.s32 $0x0;
	s18 =	sshll.u32 s2, $0x1;
	s2 =	sadd.s32 s19, s0  }
0x9a: {  	[timem:s4], [sflag:s20] =	dma.local [hbm:s2], s18  }
0x9b: {  	_ =	swait.ge [sflag:s20], s18  }
0x9c: {  	s1 =	ssub.s32 $0x0, s18;
	[sflag:s20] =	ssyncset.done $0x0  }
0x9d: {  	[sflag:s20] =	ssyncadd.s32 s1;
	_ =	sdelay $0x1  }
0x9e: {  	s21 =	simm.s32 $0x1B8B  }
0x9f: {  	_ =	swait.ge [sflag:s21], $0x1  }
0xa0: {  	[sflag:s21] =	ssyncset.done $0x0  }
0xa1: {  	s23 =	simm.s32 $0x1B8E;
	s22 =	sld [smem:$0x3FFE];
	[sflag:s21] =	ssyncadd.s32 $0xFFFFFFFF  }
0xa2: {  	s24 =	simm.s32 $execute0_lowered;
	[smem:$0x3FD2] =	sst s23  }
0xa3: {  	s2 =	sshll.u32 s24, $0x1;
	_ =	strace $0x8000004C;
	[dreg:$0x1] =	wrdreg $0xFFFFFFFF  }
0xa4: {  	s25 =	simm.s32 $_size_execute0_lowered;
	s0 =	sadd.s32 s0, s2;
	[dreg:$0x0] =	wrdreg $0x0  }
0xa5: {  	s2 =	sshll.u32 s25, $0x1;
	[dreg:$0x2] =	wrdreg s0  }
0xa6: {  	[dreg:$0x3] =	wrdreg s2  }
0xa7: {  	[dreg:$0x4] =	wrdreg $0xC0  }
0xa8: {  	_ =	task [dreg:s4], $0x5FFFF  }
0xa9: {  	[dreg:$0x1] =	wrdreg $0xFFFFFFFF  }
0xaa: {  	[dreg:$0x0] =	wrdreg $0x60  }
0xab: {  	[dreg:$0x2] =	wrdreg s22  }
0xac: {  	[dreg:$0x3] =	wrdreg $0x148800  }
0xad: {  	[dreg:$0x4] =	wrdreg $0x149000  }
0xae: {  	[dreg:$0x5] =	wrdreg $0xA  }
0xaf: {  	_ =	task.clear_ibuf [dreg:s4], $0x6FFFF;
	_ =	strace $0x9000004C  }
0xb0: {  	s26 =	simm.s32 $0xA;
	_ =	strace $0x8000004E  }
0xb1: {  	_ =	swait.ge [sflag:s26], $0x1  }
0xb2: {  	[sflag:s26] =	ssyncadd.s32 $0xFFFFFFFF  }
0xb3: {  	_ =	strace $0x9000004E  }
0xb4: {  	_ =	sfence  }
0xb5: {  	s28 =	sld [smem:$0x0];
	_ =	sdelay $0x1  }
0xb6: {  	s29 =	srdreg.scid  }
0xb7: {  	s30 =	sshll.u32 s29, $0xD;
	s31 =	sshrl.u32 s29, $0x2  }
0xb8: {  	s1 =	sand.u32 $0x1, s29;
	s2 =	sand.u32 $0x4000, s30;
	s0 =	sadd.s32 s31, s28  }
0xb9: {  	s1 =	sor.u32 s2, s1;
	s0 =	sshll.u32 s0, $0x11  }
0xba: {  	s0 =	sor.u32 s0, s1  }
0xbb: {  	s0 =	sadd.s32 $0x8F2B, s0  }
0xbc: {  	[sflag:s0] =	ssyncadd.remote.s32 $0x1  }
0xbd: {  	_ =	sfence.sel $0xFFFF  }
0xbe: {  	[dreg:$0x0] =	wrdreg $0xFFFFFFFF;
	(pc) =	sbr.abs _section_cstart, $3  }
0xbf: {  	[dreg:$0x1] =	wrdreg $0xFFFFFFFF  }
0xc0: {  	_ =	task.clear_ibuf [dreg:s4], $0x2FFFF;
	_ =	strace $0x9FFFFFFF  }
0xc1: {  	(tm) =	ssettm $0x7FFFFFFF  }
tec
execute0_lowered:
.L_overlay_start_1:
0x0: {  	(tag) =	ssettag $0x1  }
0x1: {  	s0 =	rddreg [dreg:$0x0]  }
0x2: {  	s1 =	rddreg [dreg:$0x1];
	s3 =	simm.s32 $0x0  }
0x3: {  	[smem:$0x7FF] =	sst s3  }
0x4: {  	s2 =	simm.s32 $0x1;
	s4 =	sadd.s32 $0x1E00, s0;
	_ =	strace $0x8000004D  }
0x5: {  	[tilespmem:s3], [sflag:$0x1] =	stream.linear.gather [hbm4b:s4+s3], $0x4E80, $0x38;
	[tilespmem:$0x14908] =	vst v63  }
0x6: {  	_ =	swait.ge [sflag:s2], $0x4E80  }
0x7: {  	[sflag:s2] =	ssyncset.done $0x0  }
0x8: {  	s5 =	simm.s32 $0x4E80;
	s6 =	sadd.s32 $0xA00, s0;
	[sflag:s2] =	ssyncadd.s32 $0xFFFFB180  }
0x9: {  	[tilespmem:s5], [sflag:$0x1] =	stream.linear.gather [hbm4b:s6+s3], $0x4E80, $0x38;
	[tilespmem:$0x14908] =	vst v63  }
0xa: {  	_ =	swait.ge [sflag:s2], $0x4E80  }
0xb: {  	[sflag:s2] =	ssyncset.done $0x0  }
0xc: {  	s7 =	sadd.s32 $0x1400, s0;
	s6 =	simm.s32 $0x9D00;
	[sflag:s2] =	ssyncadd.s32 $0xFFFFB180  }
0xd: {  	[tilespmem:s6], [sflag:$0x1] =	stream.linear.gather [hbm4b:s7+s3], $0x4E80, $0x38;
	[tilespmem:$0x14908] =	vst v63  }
0xe: {  	_ =	swait.ge [sflag:s2], $0x4E80  }
0xf: {  	[sflag:s2] =	ssyncset.done $0x0  }
0x10: {  	s7 =	simm.s32 $0xEB80;
	[sflag:s2] =	ssyncadd.s32 $0xFFFFB180  }
0x11: {  	[tilespmem:s7], [sflag:$0x1] =	stream.linear.gather [hbm4b:s0+s3], $0x4E80, $0x38;
	[tilespmem:$0x14908] =	vst v63  }
0x12: {  	_ =	swait.ge [sflag:s2], $0x4E80  }
0x13: {  	[sflag:s2] =	ssyncset.done $0x0  }
0x14: {  	v0 =	vimm.f32 $0.0e+00;
	[sflag:s2] =	ssyncadd.s32 $0xFFFFB180  }
0x15: {  	[tilespmem:$0x13F80] =	vst v0  }
0x16: {  	[tilespmem:$0x13F90] =	vst v0  }
0x17: {  	[tilespmem:$0x13FA0] =	vst v0  }
0x18: {  	[tilespmem:$0x13FB0] =	vst v0  }
0x19: {  	s14 =	stileid.u32;
	s12 =	simm.s32 $0x13A00;
	[tilespmem:$0x13FC0] =	vst v0  }
0x1a: {  	s13 =	simm.s32 $0x4E80;
	s19 =	simm.s32 $0x0;
	s11 =	simm.s32 $0x0;
	[tilespmem:$0x13FD0] =	vst v0  }
0x1b: {  	p0 =	sne.s32 s14, $0x0;
	s10 =	sshll.u32 s14, $0x7;
	s30 =	sxor.u32 $0xF, s14;
	[tilespmem:$0x13FE0] =	vst v0  }
0x1c: {  	s8 =	simm.s32 @!p0 $0x13F80;
	s9 =	simm.s32 @!p0 $0x1;
	s0 =	sadd.s32 $0x3200, s0;
	[tilespmem:$0x13FF0] =	vst v0  }
0x1d: {  	vm0 =	vcmask $0xB08;
	[spmem:s1] =	stream.linear.scatter @!p0 [tilespmem:s8], [sflag:$0x1], $0x80, $0x38;
	[tilespmem:$0x14908] =	vst v63  }
.Ltmp0:
0x1e: {  	vm1 =	vcmask $0x1310;
	vm2 =	vcmask $0x1B18;
	vm3 =	vcmask $0x300;
	_ =	swait.ge @!p0 [sflag:s9], $0x80;
	[dreg:$0x4] =	wrdreg s0;
	(pc) =	sbr.rel .LBB2_1-.Ltmp0, $4  }
0x1f: {  	vm4 =	vcmask $0x2320;
	vm5 =	vcmask $0x2B28;
	s31 =	sadd.s32 s10, s1;
	v0 =	vimm.s32 $0xECA86420;
	[dreg:$0x5] =	wrdreg s30;
	[sflag:s9] =	ssyncset.done @!p0 $0x0  }
0x20: {  	vm6 =	vcmask $0x3330;
	vm7 =	vcmask $0x3B38;
	s20 =	simm.s32 $0x0;
	v1 =	vunpack.c.l.s4.s8 v0;
	[dreg:$0x6] =	wrdreg s31;
	[sflag:s9] =	ssyncadd.s32 @!p0 $0xFFFFFF80  }
0x21: {  	v2 =	vlaneseq.u32;
	vm8 =	vmmov $0xff;
	v56 =	vimm.s32 $0x0;
	s29 =	sadd.s32 $0xFFFFFFFF, s14;
	p1 =	seq.s32 s14, $0x0;
	[bflag:$0x0] =	sbarrier.arrive $0xFFFF  }
0x22: {  	v3 =	vmul.u32 $0x2, v2;
	s10 =	simm.s32 $0x9D00;
	v0 =	vmov s29;
	s1 =	simm.s32 $0xFFFFFF80;
	v1 =	vunpack.c.0.s8.s32 v1;
	s9 =	simm.s32 $0xEB80  }
.LBB2_50:
0x23: {  	v7 =	vimm.f32 $0.0e+00;
	v8 =	vimm.f32 $0.0e+00;
	v6 =	vimm.f32 $0.0e+00  }
.LBB2_60:
0x24: {  	[tilespmem:$0x13FC0] =	vst v5  }
0x25: {  	[tilespmem:$0x13FD0] =	vst v7  }
0x26: {  	[tilespmem:$0x13FE0] =	vst v8  }
0x27: {  	[tilespmem:$0x13FF0] =	vst v6  }
.LBB2_61:
0x28: {  	s20 =	sadd.s32 $0x1, s20  }
0x29: {  	[bflag:$0x0] =	sbarrier.arrive $0xFFFF;
	p2 =	sne.s32 s20, $0x9D  }
.Ltmp1:
0x2a: {  	s0 =	rddreg [dreg:$0x2];
	(pc) =	sbr.rel @!p2 .LBB2_62-.Ltmp1, $4  }
0x2b: {  	[tilespmem:s8], [sflag:$0x1] =	stream.linear.gather [spmem:s0], $0x80, $0x38;
	[tilespmem:$0x14908] =	vst v63  }
0x2c: {  	s1 =	sadd.s32 $0x80, s1;
	_ =	swait.ge [sflag:s2], $0x80  }
0x2d: {  	s19 =	sadd.s32 $0x80, s19;
	s13 =	sadd.s32 $0x80, s13;
	[sflag:s2] =	ssyncset.done $0x0  }
0x2e: {  	s10 =	sadd.s32 $0x80, s10;
	s9 =	sadd.s32 $0x80, s9;
	[sflag:s2] =	ssyncadd.s32 $0xFFFFFF80  }
.LBB2_1:
0x2f: {  	s0 =	rddreg [dreg:$0x5]  }
0x30: {  	s0 =	sadd.s32 s0, s11  }
0x31: {  	s22 =	smulhi.u32 $0x88888889, s0;
	s23 =	sshra.s32 s0, $0x1F  }
0x32: {  	s23 =	smul.u32 $0x88888889, s23  }
0x33: {  	s22 =	ssub.s32 s22, s0  }
0x34: {  	s22 =	sadd.s32 s23, s22  }
0x35: {  	s22 =	sadd.s32 s0, s22  }
0x36: {  	s31 =	sshrl.u32 s22, $0x1F;
	s22 =	sshra.s32 s22, $0x3  }
0x37: {  	s23 =	sadd.s32 s31, s22  }
0x38: {  	s22 =	smul.u32 $0xFFFFFFF1, s23  }
0x39: {  	s24 =	ssub.s32 $0x0, s0  }
0x3a: {  	p2 =	slt.s32 s0, $0x1;
	p3 =	sne.s32 s22, s24  }
0x3b: {  	p6 =	sne.s32 s20, $0x0;
	p2 =	por !p2, !p3  }
0x3c: {  	s0 =	simm.s32 $0x1;
	p3 =	por !p0, !p6;
	p2 =	por !p2, !p2  }
0x3d: {  	[dreg:$0xa] =	wrdreg s13;
	s0 =	simm.s32 @!p2 $0x0;
	p2 =	por !p3, !p3  }
.Ltmp2:
0x3e: {  	[dreg:$0x9] =	wrdreg s10;
	(pc) =	sbr.rel @!p2 .LBB2_5-.Ltmp2, $4  }
0x3f: {  	[dreg:$0x8] =	wrdreg s9  }
0x40: {  	[dreg:$0x7] =	wrdreg s1  }
0x41: {  	s25 =	simm.s32 $0x0;
	s18 =	smov.u32 s11;
	s26 =	smov.u32 s11  }
0x42: {  	s22 =	sshll.u32 s20, $0x7;
	s24 =	smov.u32 s1;
	s23 =	ssub.s32 s23, s0  }
.LBB2_2:
0x43: {  	s0 =	sshra.s32 s25, $0x2  }
0x44: {  	v5 =	vld [tilespmem:s0+$0x14000];
	_ =	sdelay $0x4  }
0x45: {  	v6 =	vtrunc.f32 v5  }
0x46: {  	v6 =	vcvt.f32.s32 v6;
	_ =	sdelay $0x1  }
0x47: {  	(xrf0) =	vadd.scan.msk.s32 $0xffff, v6;
	_ =	sdelay $0x5  }
0x48: {  	v7, _, _ =	vpop (xrf0)  }
0x49: {  	v6 =	vsub.s32 v7, v6  }
0x4a: {  	v6 =	vadd.s32 s26, v6  }
0x4b: {  	(v2sf) =	vpush v6, $0xD;
	_ =	sdelay $0x1  }
0x4c: {  	(v2sf) =	vpush v6, $0xC;
	_ =	sdelay $0x1  }
0x4d: {  	(v2sf) =	vpush v6, $0xE  }
0x4e: {  	(v2sf) =	vpush v6, $0xF  }
0x4f: {  	(v2sf) =	vpush v6, $0x9;
	_ =	sdelay $0x1  }
0x50: {  	(v2sf) =	vpush v6, $0x8;
	_ =	sdelay $0x1  }
0x51: {  	(v2sf) =	vpush v6, $0xA;
	_ =	sdelay $0x1  }
0x52: {  	(v2sf) =	vpush v6, $0xB;
	_ =	sdelay $0x1  }
0x53: {  	(v2sf) =	vpush v6, $0x1  }
0x54: {  	s14 =	spop (v2sf);
	(v2sf) =	vpush v6, $0x0  }
0x55: {  	s28 =	smulhi.u32 $0x88888889, s14;
	s29 =	sshra.s32 s14, $0x1F  }
0x56: {  	s30 =	spop (v2sf);
	s29 =	smul.u32 $0x88888889, s29  }
0x57: {  	s15 =	smulhi.u32 $0x88888889, s30;
	s1 =	sshra.s32 s30, $0x1F  }
0x58: {  	s31 =	spop (v2sf);
	s1 =	smul.u32 $0x88888889, s1  }
0x59: {  	(v2sf) =	vpush v6, $0x2;
	s8 =	spop (v2sf);
	s13 =	smulhi.u32 $0x88888889, s31;
	s2 =	sshra.s32 s31, $0x1F  }
0x5a: {  	s0 =	ssub.s32 s28, s14;
	s10 =	spop (v2sf);
	s2 =	smul.u32 $0x88888889, s2  }
0x5b: {  	(v2sf) =	vpush v6, $0x3;
	s4 =	smulhi.u32 $0x88888889, s8;
	s14 =	sshra.s32 s8, $0x1F;
	s28 =	sadd.s32 s29, s0  }
0x5c: {  	s16 =	ssub.s32 s15, s30;
	s9 =	spop (v2sf);
	s14 =	smul.u32 $0x88888889, s14  }
0x5d: {  	(v2sf) =	vpush v6, $0x4;
	s15 =	smulhi.u32 $0x88888889, s10;
	s17 =	sshra.s32 s10, $0x1F;
	s30 =	sadd.s32 s1, s16  }
0x5e: {  	s11 =	ssub.s32 s13, s31;
	s21 =	spop (v2sf);
	s1 =	smul.u32 $0x88888889, s17  }
0x5f: {  	(v2sf) =	vpush v6, $0x5;
	s13 =	smulhi.u32 $0x88888889, s9;
	s16 =	sshra.s32 s9, $0x1F;
	s0 =	sadd.s32 s2, s11  }
0x60: {  	s17 =	ssub.s32 s4, s8;
	s31 =	spop (v2sf);
	s4 =	smul.u32 $0x88888889, s16  }
0x61: {  	(v2sf) =	vpush v6, $0x6;
	s8 =	smulhi.u32 $0x88888889, s21;
	s11 =	sshra.s32 s21, $0x1F;
	s29 =	sadd.s32 s14, s17  }
0x62: {  	s2 =	ssub.s32 s15, s10;
	s16 =	spop (v2sf);
	s10 =	smul.u32 $0x88888889, s11  }
0x63: {  	s11 =	smulhi.u32 $0x88888889, s31;
	s14 =	sshra.s32 s31, $0x1F;
	s15 =	spop (v2sf);
	(v2sf) =	vpush v6, $0x7  }
0x64: {  	s1 =	sadd.s32 s1, s2;
	s9 =	ssub.s32 s13, s9;
	s2 =	smul.u32 $0x88888889, s14  }
0x65: {  	s13 =	smulhi.u32 $0x88888889, s16;
	s14 =	sshra.s32 s16, $0x1F;
	s8 =	ssub.s32 s8, s21  }
0x66: {  	s4 =	sadd.s32 s4, s9;
	s9 =	smul.u32 $0x88888889, s14;
	s8 =	sadd.s32 s10, s8  }
0x67: {  	s11 =	ssub.s32 s11, s31;
	s10 =	smulhi.u32 $0x88888889, s15;
	s14 =	sshra.s32 s15, $0x1F  }
0x68: {  	s13 =	ssub.s32 s13, s16;
	s17 =	spop (v2sf);
	s14 =	smul.u32 $0x88888889, s14  }
0x69: {  	s2 =	sadd.s32 s2, s11;
	s16 =	smulhi.u32 $0x88888889, s17;
	s31 =	sshra.s32 s17, $0x1F  }
0x6a: {  	s9 =	sadd.s32 s9, s13;
	s21 =	spop (v2sf);
	s11 =	smul.u32 $0x88888889, s31  }
0x6b: {  	s10 =	ssub.s32 s10, s15;
	s13 =	smulhi.u32 $0x88888889, s21;
	s15 =	sshra.s32 s21, $0x1F  }
0x6c: {  	s31 =	spop (v2sf);
	s10 =	sadd.s32 s14, s10;
	s14 =	smul.u32 $0x88888889, s15  }
0x6d: {  	s15 =	ssub.s32 s16, s17;
	s16 =	smulhi.u32 $0x88888889, s31;
	s17 =	sshra.s32 s31, $0x1F  }
0x6e: {  	s11 =	sadd.s32 s11, s15;
	s15 =	spop (v2sf);
	s17 =	smul.u32 $0x88888889, s17  }
0x6f: {  	v8 =	vmov s10;
	s10 =	ssub.s32 s13, s21;
	s13 =	smulhi.u32 $0x88888889, s15;
	s21 =	sshra.s32 s15, $0x1F  }
0x70: {  	s10 =	sadd.s32 s14, s10;
	s14 =	spop (v2sf);
	v8 =	vnsel vm3, $0x0, v8;
	s21 =	smul.u32 $0x88888889, s21  }
0x71: {  	v8 =	vsel vm0, s9, v8;
	s9 =	ssub.s32 s16, s31;
	s16 =	smulhi.u32 $0x88888889, s14;
	s31 =	sshra.s32 s14, $0x1F  }
0x72: {  	v9 =	vmov s30;
	v10 =	vmov s4;
	v8 =	vsel vm1, s11, v8;
	s17 =	sadd.s32 s17, s9;
	s9 =	smul.u32 $0x88888889, s31;
	s11 =	spop (v2sf)  }
0x73: {  	v9 =	vsel vm0, s28, v9;
	v10 =	vsel vm0, s1, v10;
	s28 =	ssub.s32 s13, s15;
	v8 =	vsel vm2, s10, v8;
	s30 =	smulhi.u32 $0x88888889, s11;
	s31 =	sshra.s32 s11, $0x1F  }
0x74: {  	v9 =	vsel vm1, s0, v9;
	v10 =	vsel vm1, s8, v10;
	s15 =	sadd.s32 s21, s28;
	v8 =	vsel vm4, s17, v8;
	s17 =	ssub.s32 s16, s14;
	s21 =	smul.u32 $0x88888889, s31  }
0x75: {  	v9 =	vsel vm2, s29, v9;
	v10 =	vsel vm2, s2, v10;
	v8 =	vsel vm5, s15, v8;
	s28 =	sadd.s32 s9, s17;
	s29 =	ssub.s32 s30, s11  }
0x76: {  	v9 =	vcombine.low v10, v9;
	v8 =	vsel vm6, s28, v8;
	s30 =	sadd.s32 s21, s29  }
0x77: {  	v8 =	vsel vm7, s30, v8  }
0x78: {  	v9 =	vperm.xlane v9, v1;
	v8 =	vperm.xlane v8, v3;
	_ =	sdelay $0x1  }
0x79: {  	(v2sf) =	vpush v7, $0xF;
	v8 =	vsel vm8, v8, v9  }
0x7a: {  	v61 =	vadd.s32 v6, v8  }
0x7b: {  	v8 =	vshrl.u32 v61, $0x1F;
	v7 =	vshra.s32 v61, $0x3  }
0x7c: {  	v7 =	vadd.s32 v8, v7  }
0x7d: {  	v8 =	vmul.u32 $0xFFFFFFF1, v7;
	_ =	sdelay $0x1  }
0x7e: {  	v8 =	vadd.s32 v6, v8  }
0x7f: {  	vm9 =	vlt.s32 v8, $0x0;
	v62 =	vadd.s32 $0xF, v8  }
0x80: {  	vm10 =	vne.s32 v8, $0x0;
	v8 =	vsel vm9, v62, v8;
	vm9 =	vlt.s32 v6, $0x1  }
0x81: {  	vm11 =	vgt.f32 v5, $5.000000000e-01;
	vm9 =	vmand vm9, vm10;
	vm10 =	veq.s32 v8, v0  }
0x82: {  	vm10 =	vmand vm11, vm10;
	v5 =	vsel vm9, $0xFFFFFFFF, v56  }
0x83: {  	p3 =	seq.s32 s25, $0x1C0;
	v5 =	vadd.s32 v5, v7  }
.Ltmp3:
0x84: {  	_ = 	snop;
	(pc) =	sbr.rel @!p3 .LBB2_2-.Ltmp3, $3  }
0x85: {  	_ =	sdelay $0x1  }
0x86: {  	v63 =	vor.u32 s24, v2;
	s31 =	spop (v2sf)  }
0x87: {  	s24 =	sadd.s32 $0x10, s24;
	s25 =	sadd.s32 $0x40, s25;
	s26 =	sadd.s32 s26, s31;
	[tilespmem:v5+s12+$0x0] =	vst.idx.msk vm10, v63  }
.Ltmp4:
0x88: {  	_ = 	snop;
	(pc) =	sbr.rel .LBB2_3-.Ltmp4, $1  }
0x89: {  	_ =	sdelay $0x3  }
.LBB2_5:
0x8a: {  	p3 =	seq.s32 s20, $0x0  }
.Ltmp5:
0x8b: {  	_ = 	snop;
	(pc) =	sbr.rel @p3 .LBB2_6-.Ltmp5, $1  }
0x8c: {  	_ =	sdelay $0x3  }
.LBB2_3:
0x8d: {  	v5 =	vld [tilespmem:$0x14000]  }
0x8e: {  	v6 =	vld [tilespmem:$0x14010]  }
0x8f: {  	v7 =	vld [tilespmem:$0x14020]  }
0x90: {  	v8 =	vld [tilespmem:$0x14030]  }
0x91: {  	v9 =	vld [tilespmem:$0x14040]  }
0x92: {  	v10 =	vld [tilespmem:$0x14050];
	v5 =	vtrunc.f32 v5  }
0x93: {  	v11 =	vld [tilespmem:$0x14060];
	v6 =	vtrunc.f32 v6;
	v5 =	vcvt.f32.s32 v5  }
0x94: {  	v7 =	vtrunc.f32 v7;
	v6 =	vcvt.f32.s32 v6  }
0x95: {  	v12 =	vld [tilespmem:$0x14070];
	v51 =	vtrunc.f32 v8;
	(xrf0) =	vadd.scan.msk.s32 $0xffff, v5;
	v5 =	vcvt.f32.s32 v7  }
0x96: {  	v53 =	vtrunc.f32 v9;
	v52 =	vcvt.f32.s32 v51;
	(xrf0) =	vadd.scan.msk.s32 $0xffff, v6  }
0x97: {  	(xrf0) =	vadd.scan.msk.s32 $0xffff, v5;
	v5 =	vcvt.f32.s32 v53  }
0x98: {  	v54 =	vtrunc.f32 v10;
	v57 =	vtrunc.f32 v11;
	(xrf0) =	vadd.scan.msk.s32 $0xffff, v52  }
0x99: {  	v55 =	vcvt.f32.s32 v54;
	(xrf0) =	vadd.scan.msk.s32 $0xffff, v5;
	v5 =	vcvt.f32.s32 v57  }
0x9a: {  	v58 =	vtrunc.f32 v12  }
0x9b: {  	v59 =	vcvt.f32.s32 v58;
	(xrf0) =	vadd.scan.msk.s32 $0xffff, v55  }
0x9c: {  	v60, _, _ =	vpop (xrf0);
	(xrf0) =	vadd.scan.msk.s32 $0xffff, v5  }
0x9d: {  	(v2sf) =	vpush v60, $0xF;
	v5, _, _ =	vpop (xrf0);
	(xrf0) =	vadd.scan.msk.s32 $0xffff, v59  }
0x9e: {  	v61, _, _ =	vpop (xrf0);
	(v2sf) =	vpush v5, $0xF  }
0x9f: {  	v5, _, _ =	vpop (xrf0);
	(v2sf) =	vpush v61, $0xF  }
0xa0: {  	v62, _, _ =	vpop (xrf0);
	(v2sf) =	vpush v5, $0xF  }
0xa1: {  	v5, _, _ =	vpop (xrf0);
	(v2sf) =	vpush v62, $0xF  }
0xa2: {  	v63, _, _ =	vpop (xrf0);
	(v2sf) =	vpush v5, $0xF  }
0xa3: {  	(v2sf) =	vpush v63, $0xF;
	v5, _, _ =	vpop (xrf0)  }
0xa4: {  	(v2sf) =	vpush v5, $0xF;
	_ =	sdelay $0x7  }
0xa5: {  	s0 =	spop (v2sf)  }
0xa6: {  	s0 =	sadd.s32 s18, s0;
	s1 =	spop (v2sf)  }
0xa7: {  	s2 =	spop (v2sf);
	s0 =	sadd.s32 s0, s1  }
0xa8: {  	s18 =	spop (v2sf);
	s0 =	sadd.s32 s0, s2  }
0xa9: {  	s21 =	spop (v2sf);
	s0 =	sadd.s32 s0, s18  }
0xaa: {  	s24 =	spop (v2sf);
	s0 =	sadd.s32 s0, s21  }
0xab: {  	s25 =	spop (v2sf);
	s0 =	sadd.s32 s0, s24  }
0xac: {  	s0 =	sadd.s32 s0, s25;
	s26 =	spop (v2sf)  }
0xad: {  	s28 =	rddreg [dreg:$0x5];
	s11 =	sadd.s32 s0, s26  }
0xae: {  	s0 =	sadd.s32 s28, s11  }
0xaf: {  	s29 =	smulhi.u32 $0x88888889, s0;
	s30 =	sshra.s32 s0, $0x1F  }
0xb0: {  	s2 =	smul.u32 $0x88888889, s30  }
0xb1: {  	s1 =	ssub.s32 s29, s0  }
0xb2: {  	s1 =	sadd.s32 s2, s1  }
0xb3: {  	s1 =	sadd.s32 s0, s1  }
0xb4: {  	s31 =	sshrl.u32 s1, $0x1F;
	s1 =	sshra.s32 s1, $0x3  }
0xb5: {  	s1 =	sadd.s32 s31, s1  }
0xb6: {  	s2 =	smul.u32 $0xFFFFFFF1, s1  }
0xb7: {  	s4 =	ssub.s32 $0x0, s0  }
.Ltmp6:
0xb8: {  	p3 =	slt.s32 s0, $0x1;
	p4 =	sne.s32 s2, s4;
	(pc) =	sbr.rel @!p2 .LBB2_4-.Ltmp6, $4  }
0xb9: {  	p3 =	por !p3, !p4  }
0xba: {  	s0 =	simm.s32 $0x1;
	p3 =	por !p3, !p3  }
0xbb: {  	s0 =	simm.s32 @!p3 $0x0  }
0xbc: {  	s24 =	ssub.s32 s1, s0  }
0xbd: {  	p2 =	sgt.s32 s23, $0x0  }
0xbe: {  	s23 =	simm.s32 @!p2 $0x0  }
0xbf: {  	p2 =	sle.s32 s24, s23  }
.Ltmp7:
0xc0: {  	_ = 	snop;
	(pc) =	sbr.rel @p2 .LBB2_10-.Ltmp7, $4  }
0xc1: {  	v7 =	vld [tilespmem:$0x13F80]  }
0xc2: {  	v8 =	vld [tilespmem:$0x13F90]  }
0xc3: {  	v5 =	vld [tilespmem:$0x13FA0]  }
0xc4: {  	v6 =	vld [tilespmem:$0x13FB0]  }
0xc5: {  	v21 =	vld [tilespmem:s22+$0x0]  }
0xc6: {  	v24 =	vld [tilespmem:s22+$0x4E80]  }
0xc7: {  	v25 =	vld [tilespmem:s22+$0x4E90]  }
0xc8: {  	v26 =	vld [tilespmem:s22+$0x4EA0]  }
0xc9: {  	v15 =	vld [tilespmem:s22+$0x4EB0]  }
0xca: {  	v9 =	vmov s23;
	v27 =	vld [tilespmem:s22+$0x9D00]  }
0xcb: {  	v28 =	vld [tilespmem:s22+$0x9D10]  }
0xcc: {  	v13 =	vld [tilespmem:s22+$0x9D20]  }
0xcd: {  	v18 =	vld [tilespmem:s22+$0x9D30]  }
0xce: {  	v17 =	vld [tilespmem:s22+$0xEB80]  }
0xcf: {  	v29 =	vld.idx.msk [tilespmem:v9+s12+$0x0], $0xffff  }
0xd0: {  	v16 =	vld [tilespmem:s22+$0xEB90]  }
0xd1: {  	v14 =	vld [tilespmem:s22+$0xEBA0]  }
0xd2: {  	s0 =	sor.u32 $0x10, s22;
	v19 =	vld [tilespmem:s22+$0xEBB0]  }
0xd3: {  	s30 =	sor.u32 $0x20, s22;
	v22 =	vld [tilespmem:s0+$0x0]  }
0xd4: {  	s31 =	sor.u32 $0x30, s22;
	v23 =	vld [tilespmem:s30+$0x0]  }
0xd5: {  	v12 =	vld [tilespmem:s31+$0x0];
	_ =	sdelay $0x1  }
0xd6: {  	v9 =	vsub.f32 v27, v21;
	v10 =	vsub.f32 v17, v24;
	v39 =	vld.idx.msk [tilespmem:v29+s3+$0x0], $0xffff  }
0xd7: {  	s0 =	sadd.s32 $0x1, s23;
	v20 =	vsub.f32 v16, v25;
	v31 =	vsub.f32 v14, v26;
	v40 =	vld.idx.msk [tilespmem:v29+s5+$0x0], $0xffff  }
0xd8: {  	p5 =	sne.s32 s24, s0;
	v11 =	vsub.f32 v28, v22;
	v30 =	vsub.f32 v13, v23;
	v33 =	vld.idx.msk [tilespmem:v29+s6+$0x0], $0xffff  }
.Ltmp8:
0xd9: {  	v34 =	vsub.f32 v19, v15;
	v32 =	vsub.f32 v18, v12;
	v10 =	vmul.f32 v10, v9;
	(pc) =	sbr.rel @!p5 .LBB2_12-.Ltmp8, $4  }
0xda: {  	s1 =	rddreg [dreg:$0x7];
	v11 =	vmul.f32 v20, v11;
	v9 =	vmul.f32 v31, v30  }
0xdb: {  	s9 =	rddreg [dreg:$0x8];
	v20 =	vmul.f32 v34, v32;
	v41 =	vmax.f32 v39, v21;
	v36 =	vmax.f32 v39, v22  }
0xdc: {  	p3 =	por $0x0, $0x0;
	p4 =	por $0x0, $0x0;
	s10 =	rddreg [dreg:$0x9];
	v31 =	vmax.f32 v39, v23;
	v42 =	vmax.f32 v40, v24;
	v38 =	vmax.f32 v40, v25  }
0xdd: {  	s2 =	simm.s32 $0x1;
	s8 =	simm.s32 $0x14000;
	s13 =	rddreg [dreg:$0xa];
	v46 =	vld.idx.msk [tilespmem:v29+s7+$0x0], $0xffff;
	v34 =	vmax.f32 v40, v26;
	v51 =	vmin.f32 v33, v27;
	v49 =	vmin.f32 v33, v28  }
0xde: {  	_ =	sdelay $0x1  }
0xdf: {  	v29 =	vmov s0  }
0xe0: {  	v30 =	vsub.f32 v33, v39;
	v35 =	vmax.f32 v39, v12;
	v37 =	vmax.f32 v40, v15  }
0xe1: {  	v63 =	vmin.f32 v33, v18;
	v32 =	vsub.f32 v46, v40;
	v44 =	vmin.f32 v46, v19  }
0xe2: {  	v35 =	vsub.f32 v63, v35;
	v37 =	vsub.f32 v44, v37  }
0xe3: {  	v30 =	vmul.f32 v32, v30  }
0xe4: {  	v53 =	vmin.f32 v33, v13;
	v45 =	vmax.f32 v35, $0.0e+00;
	v47 =	vmax.f32 v37, $0.0e+00  }
0xe5: {  	v54 =	vsub.f32 v51, v41;
	v32 =	vmul.f32 v47, v45;
	v50 =	vadd.f32 v30, v20  }
0xe6: {  	v36 =	vsub.f32 v49, v36;
	v31 =	vsub.f32 v53, v31;
	v29 =	vld.idx.msk [tilespmem:v29+s12+$0x0], $0xffff  }
0xe7: {  	v48 =	vmin.f32 v46, v17;
	v52 =	vmin.f32 v46, v16;
	v35 =	vsub.f32 v50, v32  }
0xe8: {  	v58 =	vmax.f32 v36, $0.0e+00;
	v38 =	vsub.f32 v52, v38;
	v37 =	vsub.f32 v48, v42  }
0xe9: {  	v55 =	vmin.f32 v46, v14;
	v40 =	vmax.f32 v54, $0.0e+00;
	v57 =	vadd.f32 $9.999999930e-09, v35  }
0xea: {  	v34 =	vsub.f32 v55, v34;
	v59 =	vmax.f32 v38, $0.0e+00;
	v37 =	vmax.f32 v37, $0.0e+00  }
0xeb: {  	v60 =	vadd.f32 v30, v10;
	v44 =	vmul.f32 v37, v40;
	(erf) = vrcp.f32 v57  }
0xec: {  	v45 =	vmul.f32 v59, v58;
	v61 =	vadd.f32 v30, v11  }
0xed: {  	v31 =	vmax.f32 v31, $0.0e+00;
	v34 =	vmax.f32 v34, $0.0e+00;
	v62 =	vsub.f32 v60, v44  }
0xee: {  	v43 =	vmul.f32 v34, v31;
	v30 =	vadd.f32 v30, v9;
	v31 =	vsub.f32 v61, v45;
	v39 =	vld.idx.msk [tilespmem:v29+s3+$0x0], $0xffff  }
0xef: {  	s25 =	sadd.s32 $0x1, s0;
	v40 =	vld.idx.msk [tilespmem:v29+s5+$0x0], $0xffff;
	v63 =	vadd.f32 $9.999999930e-09, v62  }
0xf0: {  	p5 =	sne.s32 s24, s25;
	v30 =	vsub.f32 v30, v43;
	v31 =	vadd.f32 $9.999999930e-09, v31;
	v33 =	vld.idx.msk [tilespmem:v29+s6+$0x0], $0xffff  }
.Ltmp9:
0xf1: {  	(erf) = vrcp.f32 v63;
	(pc) =	sbr.rel @!p5 .LBB2_14-.Ltmp9, $4  }
0xf2: {  	v35 =	vadd.f32 $9.999999930e-09, v30;
	(erf) = vrcp.f32 v31  }
0xf3: {  	v41 =	vmax.f32 v39, v21;
	v36 =	vmax.f32 v39, v22;
	v31 =	vmax.f32 v39, v23  }
0xf4: {  	v42 =	vmax.f32 v40, v24;
	v38 =	vmax.f32 v40, v25;
	v34 =	vmax.f32 v40, v26;
	v30 =	vpop (erf)  }
0xf5: {  	p3 =	por $0x1, $0x1;
	v46 =	vld.idx.msk [tilespmem:v29+s7+$0x0], $0xffff;
	v51 =	vmin.f32 v33, v27;
	v49 =	vmin.f32 v33, v28;
	v52 =	vmul.f32 v30, v32  }
0xf6: {  	_ =	sdelay $0x1  }
0xf7: {  	v29 =	vmov s25  }
0xf8: {  	v30 =	vsub.f32 v33, v39;
	v37 =	vmax.f32 v39, v12;
	v57 =	vmax.f32 v40, v15  }
0xf9: {  	v58 =	vmin.f32 v33, v18;
	v32 =	vsub.f32 v46, v40;
	v47 =	vmin.f32 v46, v19  }
0xfa: {  	v61 =	vmin.f32 v33, v13;
	v37 =	vsub.f32 v58, v37;
	v39 =	vsub.f32 v47, v57  }
0xfb: {  	v41 =	vsub.f32 v51, v41;
	(erf) = vrcp.f32 v35;
	v30 =	vmul.f32 v32, v30  }
0xfc: {  	v50 =	vsub.f32 v49, v36;
	v37 =	vmax.f32 v37, $0.0e+00;
	v39 =	vmax.f32 v39, $0.0e+00  }
0xfd: {  	vm9 =	vgt.f32 v52, $3.000000120e-01;
	v37 =	vmul.f32 v39, v37;
	v62 =	vadd.f32 v30, v20  }
0xfe: {  	v31 =	vsub.f32 v61, v31;
	v52 =	vmax.f32 v41, $0.0e+00;
	v59 =	vmin.f32 v46, v17;
	v51 =	vld.idx.msk [tilespmem:v29+s12+$0x0], $0xffff  }
0xff: {  	v63 =	vmin.f32 v46, v14;
	v29 =	vsub.f32 v59, v42;
	v39 =	vsub.f32 v62, v37  }
0x100: {  	v54 =	vmax.f32 v50, $0.0e+00;
	v60 =	vmin.f32 v46, v16;
	v53 =	vsub.f32 v63, v34  }
0x101: {  	v32 =	vsub.f32 v60, v38;
	v29 =	vmax.f32 v29, $0.0e+00;
	v55 =	vadd.f32 $9.999999930e-09, v39  }
0x102: {  	v48 =	vmul.f32 v29, v52;
	v29 =	vmax.f32 v31, $0.0e+00;
	v31 =	vmax.f32 v53, $0.0e+00  }
0x103: {  	v58 =	vpop (erf);
	v32 =	vmax.f32 v32, $0.0e+00;
	v57 =	vadd.f32 v30, v10;
	(erf) = vrcp.f32 v55  }
0x104: {  	v60 =	vmul.f32 v58, v44;
	v59 =	vadd.f32 v30, v11;
	v50 =	vmul.f32 v32, v54  }
0x105: {  	v30 =	vadd.f32 v30, v9;
	v47 =	vmul.f32 v31, v29;
	v33 =	vsub.f32 v57, v48;
	v31 =	vpop (erf)  }
0x106: {  	v29 =	vsel vm9, $0x3F800000, v6;
	v32 =	vsub.f32 v59, v50;
	v31 =	vmul.f32 v31, v45;
	v39 =	vld.idx.msk [tilespmem:v51+s3+$0x0], $0xffff  }
0x107: {  	s25 =	sadd.s32 $0x1, s25;
	vm9 =	vgt.f32 v60, $3.000000120e-01;
	v30 =	vsub.f32 v30, v47;
	v61 =	vadd.f32 $9.999999930e-09, v33;
	v62 =	vpop (erf);
	v40 =	vld.idx.msk [tilespmem:v51+s5+$0x0], $0xffff  }
0x108: {  	p5 =	sne.s32 s24, s25;
	v33 =	vld.idx.msk [tilespmem:v51+s6+$0x0], $0xffff;
	v34 =	vmul.f32 v62, v43;
	vm10 =	vgt.f32 v31, $3.000000120e-01;
	v31 =	vadd.f32 $9.999999930e-09, v32  }
.Ltmp10:
0x109: {  	v35 =	vadd.f32 $9.999999930e-09, v30;
	v30 =	vsel vm9, $0x3F800000, v7;
	v46 =	vld.idx.msk [tilespmem:v51+s7+$0x0], $0xffff;
	(erf) = vrcp.f32 v61;
	(pc) =	sbr.rel @!p5 .LBB2_16-.Ltmp10, $4  }
0x10a: {  	v32 =	vsel vm10, $0x3F800000, v8;
	vm9 =	vgt.f32 v34, $3.000000120e-01;
	(erf) = vrcp.f32 v31  }
0x10b: {  	v41 =	vmax.f32 v39, v21;
	v36 =	vmax.f32 v39, v22;
	v31 =	vmax.f32 v39, v23  }
0x10c: {  	v42 =	vmax.f32 v40, v24;
	v38 =	vmax.f32 v40, v25;
	v34 =	vmax.f32 v40, v26;
	v63 =	vpop (erf)  }
0x10d: {  	p4 =	por $0x1, $0x1;
	v51 =	vmin.f32 v33, v27;
	v49 =	vmin.f32 v33, v28;
	v52 =	vmul.f32 v63, v37;
	v37 =	vmovc v5  }
.LBB2_17:
0x10e: {  	v43 =	vmov s25;
	v44 =	vsub.f32 v33, v39;
	v45 =	vsub.f32 v46, v40  }
0x10f: {  	v39 =	vmax.f32 v39, v12;
	v40 =	vmax.f32 v40, v15;
	vm10 =	vgt.f32 v52, $3.000000120e-01  }
0x110: {  	v4 =	vmin.f32 v33, v18;
	v53 =	vmin.f32 v46, v19;
	v29 =	vsel vm10, $0x3F800000, v29  }
0x111: {  	v54 =	vmin.f32 v46, v17;
	v39 =	vsub.f32 v4, v39;
	v40 =	vsub.f32 v53, v40  }
0x112: {  	v33 =	vmin.f32 v33, v13;
	v44 =	vmul.f32 v45, v44;
	v45 =	vmin.f32 v46, v16;
	v52 =	vpop (erf)  }
0x113: {  	v46 =	vmin.f32 v46, v14;
	v39 =	vmax.f32 v39, $0.0e+00;
	v40 =	vmax.f32 v40, $0.0e+00;
	v53 =	vpop (erf)  }
0x114: {  	s25 =	sadd.s32 $0x1, s25;
	v41 =	vsub.f32 v51, v41;
	v55 =	vmul.f32 v40, v39;
	v39 =	vadd.f32 v44, v20;
	v43 =	vld.idx.msk [tilespmem:v43+s12+$0x0], $0xffff  }
0x115: {  	v36 =	vsub.f32 v49, v36;
	p5 =	sne.s32 s24, s25;
	v40 =	vsub.f32 v54, v42;
	(erf) = vrcp.f32 v35  }
0x116: {  	v38 =	vsub.f32 v45, v38;
	v39 =	vsub.f32 v39, v55;
	v35 =	vmax.f32 v41, $0.0e+00  }
0x117: {  	v31 =	vsub.f32 v33, v31;
	v33 =	vsub.f32 v46, v34;
	v40 =	vmax.f32 v40, $0.0e+00  }
0x118: {  	v34 =	vmax.f32 v36, $0.0e+00;
	v36 =	vmax.f32 v38, $0.0e+00;
	v38 =	vadd.f32 $9.999999930e-09, v39  }
0x119: {  	v31 =	vmax.f32 v31, $0.0e+00;
	v33 =	vmax.f32 v33, $0.0e+00;
	v35 =	vmul.f32 v40, v35  }
0x11a: {  	v34 =	vmul.f32 v36, v34;
	v40 =	vadd.f32 v44, v10;
	(erf) = vrcp.f32 v38  }
0x11b: {  	v36 =	vadd.f32 v44, v11;
	v31 =	vmul.f32 v33, v31;
	v33 =	vadd.f32 v44, v9  }
0x11c: {  	v4 =	vmul.f32 v52, v48;
	v42 =	vmul.f32 v53, v50;
	v38 =	vsub.f32 v40, v35;
	v39 =	vld.idx.msk [tilespmem:v43+s3+$0x0], $0xffff  }
0x11d: {  	v37 =	vsel vm9, $0x3F800000, v37;
	v36 =	vsub.f32 v36, v34;
	v44 =	vsub.f32 v33, v31;
	v48 =	vmovc v35;
	v40 =	vld.idx.msk [tilespmem:v43+s5+$0x0], $0xffff  }
0x11e: {  	vm9 =	vgt.f32 v4, $3.000000120e-01;
	vm10 =	vgt.f32 v42, $3.000000120e-01;
	v38 =	vadd.f32 $9.999999930e-09, v38;
	v33 =	vld.idx.msk [tilespmem:v43+s6+$0x0], $0xffff;
	v41 =	vpop (erf)  }
0x11f: {  	v50 =	vmovc v34;
	v36 =	vadd.f32 $9.999999930e-09, v36;
	v35 =	vadd.f32 $9.999999930e-09, v44;
	v46 =	vld.idx.msk [tilespmem:v43+s7+$0x0], $0xffff;
	v41 =	vmul.f32 v41, v47;
	v47 =	vmovc v31  }
.Ltmp11:
0x120: {  	v30 =	vsel vm9, $0x3F800000, v30;
	v32 =	vsel vm10, $0x3F800000, v32;
	(erf) = vrcp.f32 v38;
	(pc) =	sbr.rel @p5 .LBB2_17-.Ltmp11, $4  }
0x121: {  	(erf) = vrcp.f32 v36;
	vm9 =	vgt.f32 v41, $3.000000120e-01  }
0x122: {  	v41 =	vmax.f32 v39, v21;
	v36 =	vmax.f32 v39, v22;
	v31 =	vmax.f32 v39, v23  }
0x123: {  	v42 =	vmax.f32 v40, v24;
	v38 =	vmax.f32 v40, v25;
	v34 =	vmax.f32 v40, v26;
	v43 =	vpop (erf)  }
0x124: {  	v51 =	vmin.f32 v33, v27;
	v49 =	vmin.f32 v33, v28;
	v52 =	vmul.f32 v43, v55  }
0x125: {  	v44 =	vmov v48;
	v45 =	vmov v50;
	v43 =	vmov v47  }
.LBB2_19:
0x126: {  	v21 =	vsub.f32 v33, v39  }
0x127: {  	v22 =	vsub.f32 v46, v40;
	v12 =	vmax.f32 v39, v12;
	v15 =	vmax.f32 v40, v15  }
0x128: {  	v18 =	vmin.f32 v33, v18;
	v19 =	vmin.f32 v46, v19;
	v17 =	vmin.f32 v46, v17  }
0x129: {  	v16 =	vmin.f32 v46, v16;
	v59 =	vsub.f32 v51, v41;
	v61 =	vsub.f32 v49, v36  }
0x12a: {  	v13 =	vmin.f32 v33, v13;
	v12 =	vsub.f32 v18, v12;
	v15 =	vsub.f32 v19, v15  }
0x12b: {  	v14 =	vmin.f32 v46, v14;
	v17 =	vsub.f32 v17, v42;
	v16 =	vsub.f32 v16, v38  }
0x12c: {  	v13 =	vsub.f32 v13, v31;
	v14 =	vsub.f32 v14, v34;
	v58 =	vmul.f32 v22, v21  }
0x12d: {  	v19 =	vmax.f32 v59, $0.0e+00;
	v12 =	vmax.f32 v12, $0.0e+00;
	v15 =	vmax.f32 v15, $0.0e+00  }
0x12e: {  	v17 =	vmax.f32 v17, $0.0e+00;
	v16 =	vmax.f32 v16, $0.0e+00;
	v13 =	vmax.f32 v13, $0.0e+00  }
0x12f: {  	v14 =	vmax.f32 v14, $0.0e+00;
	v12 =	vmul.f32 v15, v12;
	v60 =	vadd.f32 v58, v20  }
0x130: {  	v20 =	vmax.f32 v61, $0.0e+00;
	v17 =	vmul.f32 v17, v19;
	v10 =	vadd.f32 v58, v10  }
0x131: {  	v11 =	vadd.f32 v58, v11;
	v16 =	vmul.f32 v16, v20;
	v15 =	vsub.f32 v60, v12  }
0x132: {  	v13 =	vmul.f32 v14, v13;
	v9 =	vadd.f32 v58, v9;
	v10 =	vsub.f32 v10, v17  }
0x133: {  	(erf) = vrcp.f32 @p3 v35;
	v11 =	vsub.f32 v11, v16;
	v62 =	vadd.f32 $9.999999930e-09, v15  }
0x134: {  	v9 =	vsub.f32 v9, v13;
	v10 =	vadd.f32 $9.999999930e-09, v10  }
0x135: {  	v11 =	vadd.f32 $9.999999930e-09, v11;
	(erf) = vrcp.f32 v62  }
0x136: {  	v9 =	vadd.f32 $9.999999930e-09, v9;
	(erf) = vrcp.f32 v10  }
0x137: {  	(erf) = vrcp.f32 v11  }
0x138: {  	(erf) = vrcp.f32 v9;
	_ =	sdelay $0x1  }
0x139: {  	v9 =	vpop @p3 (erf)  }
0x13a: {  	v10 =	vpop @p3 (erf);
	v9 =	vmul.f32 @p3 v9, v44  }
0x13b: {  	vm10 =	vgt.f32 @p3 v52, $3.000000120e-01;
	v11 =	vpop @p3 (erf);
	v10 =	vmul.f32 @p3 v10, v45  }
0x13c: {  	v14 =	vsel @p3 vm10, $0x3F800000, v29;
	vm10 =	vgt.f32 @p3 v9, $3.000000120e-01;
	v9 =	vmul.f32 @p3 v11, v43  }
0x13d: {  	v6 =	vpsel p3, v14, v6;
	v15 =	vsel @p4 vm9, $0x3F800000, v37;
	vm9 =	vgt.f32 @p3 v10, $3.000000120e-01;
	v11 =	vpop (erf)  }
0x13e: {  	v18 =	vsel @p3 vm9, $0x3F800000, v32;
	vm9 =	vgt.f32 @p3 v9, $3.000000120e-01;
	v9 =	vmul.f32 v11, v12;
	v11 =	vpop (erf)  }
0x13f: {  	v10 =	vsel @p3 vm10, $0x3F800000, v30;
	vm9 =	vmmov @p3 vm9;
	v12 =	vpsel p4, v15, v5;
	v63 =	vpop (erf)  }
.Ltmp12:
0x140: {  	v7 =	vpsel p3, v10, v7;
	v10 =	vmul.f32 v11, v17;
	v12 =	vsel @p3 vm9, $0x3F800000, v12;
	v11 =	vpop (erf);
	(pc) =	sbr.rel .LBB2_20-.Ltmp12, $4  }
0x141: {  	vm10 =	vgt.f32 v9, $3.000000120e-01;
	v9 =	vmul.f32 v63, v16;
	v11 =	vmul.f32 v11, v13  }
0x142: {  	v8 =	vpsel p3, v18, v8;
	v5 =	vpsel p3, v12, v5;
	v6 =	vsel vm10, $0x3F800000, v6  }
0x143: {  	vm9 =	vgt.f32 v10, $3.000000120e-01;
	vm10 =	vgt.f32 v9, $3.000000120e-01;
	vm11 =	vgt.f32 v11, $3.000000120e-01  }
0x144: {  	v7 =	vsel vm9, $0x3F800000, v7;
	v8 =	vsel vm10, $0x3F800000, v8;
	v5 =	vsel vm11, $0x3F800000, v5  }
.LBB2_4:
.Ltmp13:
0x145: {  	(pc) =	sbr.rel .LBB2_7-.Ltmp13, $2  }
0x146: {  	_ =	sdelay $0x2  }
0x147: {  	s23 =	smov.u32 s24  }
.LBB2_10:
0x148: {  	s1 =	rddreg [dreg:$0x7]  }
0x149: {  	s9 =	rddreg [dreg:$0x8]  }
0x14a: {  	s10 =	rddreg [dreg:$0x9]  }
0x14b: {  	s2 =	simm.s32 $0x1;
	s8 =	simm.s32 $0x14000;
	s13 =	rddreg [dreg:$0xa]  }
.LBB2_20:
.Ltmp14:
0x14c: {  	(pc) =	sbr.rel @p2 .LBB2_30-.Ltmp14, $4  }
0x14d: {  	[tilespmem:$0x13F80] =	vst v7;
	v7 =	vld [tilespmem:$0x13FC0]  }
0x14e: {  	[tilespmem:$0x13F90] =	vst v8;
	v8 =	vld [tilespmem:$0x13FD0]  }
0x14f: {  	[tilespmem:$0x13FA0] =	vst v5;
	v5 =	vld [tilespmem:$0x13FE0]  }
0x150: {  	[tilespmem:$0x13FB0] =	vst v6;
	v6 =	vld [tilespmem:$0x13FF0]  }
0x151: {  	v24 =	vld [tilespmem:s22+$0x4EC0]  }
0x152: {  	v25 =	vld [tilespmem:s22+$0x4ED0]  }
0x153: {  	v26 =	vld [tilespmem:s22+$0x4EE0]  }
0x154: {  	v15 =	vld [tilespmem:s22+$0x4EF0]  }
0x155: {  	v27 =	vld [tilespmem:s22+$0x9D40]  }
0x156: {  	v9 =	vmov s23;
	v28 =	vld [tilespmem:s22+$0x9D50]  }
0x157: {  	v13 =	vld [tilespmem:s22+$0x9D60]  }
0x158: {  	v18 =	vld [tilespmem:s22+$0x9D70]  }
0x159: {  	v17 =	vld [tilespmem:s22+$0xEBC0]  }
0x15a: {  	v16 =	vld [tilespmem:s22+$0xEBD0]  }
0x15b: {  	v29 =	vld.idx.msk [tilespmem:v9+s12+$0x0], $0xffff  }
0x15c: {  	v14 =	vld [tilespmem:s22+$0xEBE0]  }
0x15d: {  	s0 =	sor.u32 $0x40, s22;
	v19 =	vld [tilespmem:s22+$0xEBF0]  }
0x15e: {  	s29 =	sor.u32 $0x50, s22;
	v21 =	vld [tilespmem:s0+$0x0]  }
0x15f: {  	s30 =	sor.u32 $0x60, s22;
	v22 =	vld [tilespmem:s29+$0x0]  }
0x160: {  	s31 =	sor.u32 $0x70, s22;
	v23 =	vld [tilespmem:s30+$0x0]  }
0x161: {  	v12 =	vld [tilespmem:s31+$0x0];
	_ =	sdelay $0x1  }
0x162: {  	v10 =	vsub.f32 v17, v24;
	v20 =	vsub.f32 v16, v25;
	v39 =	vld.idx.msk [tilespmem:v29+s3+$0x0], $0xffff  }
0x163: {  	s0 =	sadd.s32 $0x1, s23;
	v31 =	vsub.f32 v14, v26;
	v9 =	vsub.f32 v27, v21;
	v40 =	vld.idx.msk [tilespmem:v29+s5+$0x0], $0xffff  }
0x164: {  	p4 =	sne.s32 s24, s0;
	v11 =	vsub.f32 v28, v22;
	v30 =	vsub.f32 v13, v23;
	v33 =	vld.idx.msk [tilespmem:v29+s6+$0x0], $0xffff  }
.Ltmp15:
0x165: {  	v34 =	vsub.f32 v19, v15;
	v32 =	vsub.f32 v18, v12;
	v10 =	vmul.f32 v10, v9;
	(pc) =	sbr.rel @!p4 .LBB2_22-.Ltmp15, $4  }
0x166: {  	v11 =	vmul.f32 v20, v11;
	v9 =	vmul.f32 v31, v30  }
0x167: {  	v20 =	vmul.f32 v34, v32;
	v41 =	vmax.f32 v39, v21;
	v36 =	vmax.f32 v39, v22  }
0x168: {  	v31 =	vmax.f32 v39, v23;
	v42 =	vmax.f32 v40, v24;
	v38 =	vmax.f32 v40, v25  }
0x169: {  	p2 =	por $0x0, $0x0;
	p3 =	por $0x0, $0x0;
	v46 =	vld.idx.msk [tilespmem:v29+s7+$0x0], $0xffff;
	v34 =	vmax.f32 v40, v26;
	v51 =	vmin.f32 v33, v27;
	v49 =	vmin.f32 v33, v28  }
0x16a: {  	_ =	sdelay $0x1  }
0x16b: {  	v29 =	vmov s0  }
0x16c: {  	v30 =	vsub.f32 v33, v39;
	v35 =	vmax.f32 v39, v12;
	v37 =	vmax.f32 v40, v15  }
0x16d: {  	v63 =	vmin.f32 v33, v18;
	v32 =	vsub.f32 v46, v40;
	v44 =	vmin.f32 v46, v19  }
0x16e: {  	v35 =	vsub.f32 v63, v35;
	v37 =	vsub.f32 v44, v37  }
0x16f: {  	v30 =	vmul.f32 v32, v30  }
0x170: {  	v53 =	vmin.f32 v33, v13;
	v45 =	vmax.f32 v35, $0.0e+00;
	v47 =	vmax.f32 v37, $0.0e+00  }
0x171: {  	v54 =	vsub.f32 v51, v41;
	v32 =	vmul.f32 v47, v45;
	v50 =	vadd.f32 v30, v20  }
0x172: {  	v36 =	vsub.f32 v49, v36;
	v31 =	vsub.f32 v53, v31;
	v29 =	vld.idx.msk [tilespmem:v29+s12+$0x0], $0xffff  }
0x173: {  	v48 =	vmin.f32 v46, v17;
	v52 =	vmin.f32 v46, v16;
	v35 =	vsub.f32 v50, v32  }
0x174: {  	v58 =	vmax.f32 v36, $0.0e+00;
	v38 =	vsub.f32 v52, v38;
	v37 =	vsub.f32 v48, v42  }
0x175: {  	v55 =	vmin.f32 v46, v14;
	v40 =	vmax.f32 v54, $0.0e+00;
	v57 =	vadd.f32 $9.999999930e-09, v35  }
0x176: {  	v34 =	vsub.f32 v55, v34;
	v59 =	vmax.f32 v38, $0.0e+00;
	v37 =	vmax.f32 v37, $0.0e+00  }
0x177: {  	v60 =	vadd.f32 v30, v10;
	v44 =	vmul.f32 v37, v40;
	(erf) = vrcp.f32 v57  }
0x178: {  	v45 =	vmul.f32 v59, v58;
	v61 =	vadd.f32 v30, v11  }
0x179: {  	v31 =	vmax.f32 v31, $0.0e+00;
	v34 =	vmax.f32 v34, $0.0e+00;
	v62 =	vsub.f32 v60, v44  }
0x17a: {  	v43 =	vmul.f32 v34, v31;
	v30 =	vadd.f32 v30, v9;
	v31 =	vsub.f32 v61, v45;
	v39 =	vld.idx.msk [tilespmem:v29+s3+$0x0], $0xffff  }
0x17b: {  	s23 =	sadd.s32 $0x1, s0;
	v40 =	vld.idx.msk [tilespmem:v29+s5+$0x0], $0xffff;
	v63 =	vadd.f32 $9.999999930e-09, v62  }
0x17c: {  	p4 =	sne.s32 s24, s23;
	v30 =	vsub.f32 v30, v43;
	v31 =	vadd.f32 $9.999999930e-09, v31;
	v33 =	vld.idx.msk [tilespmem:v29+s6+$0x0], $0xffff  }
.Ltmp16:
0x17d: {  	(erf) = vrcp.f32 v63;
	(pc) =	sbr.rel @!p4 .LBB2_24-.Ltmp16, $4  }
0x17e: {  	v35 =	vadd.f32 $9.999999930e-09, v30;
	(erf) = vrcp.f32 v31  }
0x17f: {  	v41 =	vmax.f32 v39, v21;
	v36 =	vmax.f32 v39, v22;
	v31 =	vmax.f32 v39, v23  }
0x180: {  	v42 =	vmax.f32 v40, v24;
	v38 =	vmax.f32 v40, v25;
	v34 =	vmax.f32 v40, v26;
	v30 =	vpop (erf)  }
0x181: {  	p2 =	por $0x1, $0x1;
	v46 =	vld.idx.msk [tilespmem:v29+s7+$0x0], $0xffff;
	v51 =	vmin.f32 v33, v27;
	v49 =	vmin.f32 v33, v28;
	v52 =	vmul.f32 v30, v32  }
0x182: {  	_ =	sdelay $0x1  }
0x183: {  	v29 =	vmov s23  }
0x184: {  	v30 =	vsub.f32 v33, v39;
	v37 =	vmax.f32 v39, v12;
	v57 =	vmax.f32 v40, v15  }
0x185: {  	v58 =	vmin.f32 v33, v18;
	v32 =	vsub.f32 v46, v40;
	v47 =	vmin.f32 v46, v19  }
0x186: {  	v61 =	vmin.f32 v33, v13;
	v37 =	vsub.f32 v58, v37;
	v39 =	vsub.f32 v47, v57  }
0x187: {  	v41 =	vsub.f32 v51, v41;
	(erf) = vrcp.f32 v35;
	v30 =	vmul.f32 v32, v30  }
0x188: {  	v50 =	vsub.f32 v49, v36;
	v37 =	vmax.f32 v37, $0.0e+00;
	v39 =	vmax.f32 v39, $0.0e+00  }
0x189: {  	vm9 =	vgt.f32 v52, $3.000000120e-01;
	v37 =	vmul.f32 v39, v37;
	v62 =	vadd.f32 v30, v20  }
0x18a: {  	v31 =	vsub.f32 v61, v31;
	v52 =	vmax.f32 v41, $0.0e+00;
	v59 =	vmin.f32 v46, v17;
	v51 =	vld.idx.msk [tilespmem:v29+s12+$0x0], $0xffff  }
0x18b: {  	v63 =	vmin.f32 v46, v14;
	v29 =	vsub.f32 v59, v42;
	v39 =	vsub.f32 v62, v37  }
0x18c: {  	v54 =	vmax.f32 v50, $0.0e+00;
	v60 =	vmin.f32 v46, v16;
	v53 =	vsub.f32 v63, v34  }
0x18d: {  	v32 =	vsub.f32 v60, v38;
	v29 =	vmax.f32 v29, $0.0e+00;
	v55 =	vadd.f32 $9.999999930e-09, v39  }
0x18e: {  	v48 =	vmul.f32 v29, v52;
	v29 =	vmax.f32 v31, $0.0e+00;
	v31 =	vmax.f32 v53, $0.0e+00  }
0x18f: {  	v58 =	vpop (erf);
	v32 =	vmax.f32 v32, $0.0e+00;
	v57 =	vadd.f32 v30, v10;
	(erf) = vrcp.f32 v55  }
0x190: {  	v60 =	vmul.f32 v58, v44;
	v59 =	vadd.f32 v30, v11;
	v50 =	vmul.f32 v32, v54  }
0x191: {  	v30 =	vadd.f32 v30, v9;
	v47 =	vmul.f32 v31, v29;
	v33 =	vsub.f32 v57, v48;
	v31 =	vpop (erf)  }
0x192: {  	v29 =	vsel vm9, $0x3F800000, v6;
	v32 =	vsub.f32 v59, v50;
	v31 =	vmul.f32 v31, v45;
	v39 =	vld.idx.msk [tilespmem:v51+s3+$0x0], $0xffff  }
0x193: {  	s23 =	sadd.s32 $0x1, s23;
	vm9 =	vgt.f32 v60, $3.000000120e-01;
	v30 =	vsub.f32 v30, v47;
	v61 =	vadd.f32 $9.999999930e-09, v33;
	v62 =	vpop (erf);
	v40 =	vld.idx.msk [tilespmem:v51+s5+$0x0], $0xffff  }
0x194: {  	p4 =	sne.s32 s24, s23;
	v33 =	vld.idx.msk [tilespmem:v51+s6+$0x0], $0xffff;
	v34 =	vmul.f32 v62, v43;
	vm10 =	vgt.f32 v31, $3.000000120e-01;
	v31 =	vadd.f32 $9.999999930e-09, v32  }
.Ltmp17:
0x195: {  	v35 =	vadd.f32 $9.999999930e-09, v30;
	v30 =	vsel vm9, $0x3F800000, v7;
	v46 =	vld.idx.msk [tilespmem:v51+s7+$0x0], $0xffff;
	(erf) = vrcp.f32 v61;
	(pc) =	sbr.rel @!p4 .LBB2_26-.Ltmp17, $4  }
0x196: {  	v32 =	vsel vm10, $0x3F800000, v8;
	vm9 =	vgt.f32 v34, $3.000000120e-01;
	(erf) = vrcp.f32 v31  }
0x197: {  	v41 =	vmax.f32 v39, v21;
	v36 =	vmax.f32 v39, v22;
	v31 =	vmax.f32 v39, v23  }
0x198: {  	v42 =	vmax.f32 v40, v24;
	v38 =	vmax.f32 v40, v25;
	v34 =	vmax.f32 v40, v26;
	v63 =	vpop (erf)  }
0x199: {  	p3 =	por $0x1, $0x1;
	v51 =	vmin.f32 v33, v27;
	v49 =	vmin.f32 v33, v28;
	v52 =	vmul.f32 v63, v37;
	v37 =	vmovc v5  }
.LBB2_27:
0x19a: {  	v43 =	vmov s23;
	v44 =	vsub.f32 v33, v39;
	v45 =	vsub.f32 v46, v40  }
0x19b: {  	v39 =	vmax.f32 v39, v12;
	v40 =	vmax.f32 v40, v15;
	vm10 =	vgt.f32 v52, $3.000000120e-01  }
0x19c: {  	v4 =	vmin.f32 v33, v18;
	v53 =	vmin.f32 v46, v19;
	v29 =	vsel vm10, $0x3F800000, v29  }
0x19d: {  	v54 =	vmin.f32 v46, v17;
	v39 =	vsub.f32 v4, v39;
	v40 =	vsub.f32 v53, v40  }
0x19e: {  	v33 =	vmin.f32 v33, v13;
	v44 =	vmul.f32 v45, v44;
	v45 =	vmin.f32 v46, v16;
	v52 =	vpop (erf)  }
0x19f: {  	v46 =	vmin.f32 v46, v14;
	v39 =	vmax.f32 v39, $0.0e+00;
	v40 =	vmax.f32 v40, $0.0e+00;
	v53 =	vpop (erf)  }
0x1a0: {  	s23 =	sadd.s32 $0x1, s23;
	v41 =	vsub.f32 v51, v41;
	v55 =	vmul.f32 v40, v39;
	v39 =	vadd.f32 v44, v20;
	v43 =	vld.idx.msk [tilespmem:v43+s12+$0x0], $0xffff  }
0x1a1: {  	v36 =	vsub.f32 v49, v36;
	p4 =	sne.s32 s24, s23;
	v40 =	vsub.f32 v54, v42;
	(erf) = vrcp.f32 v35  }
0x1a2: {  	v38 =	vsub.f32 v45, v38;
	v39 =	vsub.f32 v39, v55;
	v35 =	vmax.f32 v41, $0.0e+00  }
0x1a3: {  	v31 =	vsub.f32 v33, v31;
	v33 =	vsub.f32 v46, v34;
	v40 =	vmax.f32 v40, $0.0e+00  }
0x1a4: {  	v34 =	vmax.f32 v36, $0.0e+00;
	v36 =	vmax.f32 v38, $0.0e+00;
	v38 =	vadd.f32 $9.999999930e-09, v39  }
0x1a5: {  	v31 =	vmax.f32 v31, $0.0e+00;
	v33 =	vmax.f32 v33, $0.0e+00;
	v35 =	vmul.f32 v40, v35  }
0x1a6: {  	v34 =	vmul.f32 v36, v34;
	v40 =	vadd.f32 v44, v10;
	(erf) = vrcp.f32 v38  }
0x1a7: {  	v36 =	vadd.f32 v44, v11;
	v31 =	vmul.f32 v33, v31;
	v33 =	vadd.f32 v44, v9  }
0x1a8: {  	v4 =	vmul.f32 v52, v48;
	v42 =	vmul.f32 v53, v50;
	v38 =	vsub.f32 v40, v35;
	v39 =	vld.idx.msk [tilespmem:v43+s3+$0x0], $0xffff  }
0x1a9: {  	v37 =	vsel vm9, $0x3F800000, v37;
	v36 =	vsub.f32 v36, v34;
	v44 =	vsub.f32 v33, v31;
	v48 =	vmovc v35;
	v40 =	vld.idx.msk [tilespmem:v43+s5+$0x0], $0xffff  }
0x1aa: {  	vm9 =	vgt.f32 v4, $3.000000120e-01;
	vm10 =	vgt.f32 v42, $3.000000120e-01;
	v38 =	vadd.f32 $9.999999930e-09, v38;
	v33 =	vld.idx.msk [tilespmem:v43+s6+$0x0], $0xffff;
	v41 =	vpop (erf)  }
0x1ab: {  	v50 =	vmovc v34;
	v36 =	vadd.f32 $9.999999930e-09, v36;
	v35 =	vadd.f32 $9.999999930e-09, v44;
	v46 =	vld.idx.msk [tilespmem:v43+s7+$0x0], $0xffff;
	v41 =	vmul.f32 v41, v47;
	v47 =	vmovc v31  }
.Ltmp18:
0x1ac: {  	v30 =	vsel vm9, $0x3F800000, v30;
	v32 =	vsel vm10, $0x3F800000, v32;
	(erf) = vrcp.f32 v38;
	(pc) =	sbr.rel @p4 .LBB2_27-.Ltmp18, $4  }
0x1ad: {  	(erf) = vrcp.f32 v36;
	vm9 =	vgt.f32 v41, $3.000000120e-01  }
0x1ae: {  	v41 =	vmax.f32 v39, v21;
	v36 =	vmax.f32 v39, v22;
	v31 =	vmax.f32 v39, v23  }
0x1af: {  	v42 =	vmax.f32 v40, v24;
	v38 =	vmax.f32 v40, v25;
	v34 =	vmax.f32 v40, v26;
	v43 =	vpop (erf)  }
0x1b0: {  	v51 =	vmin.f32 v33, v27;
	v49 =	vmin.f32 v33, v28;
	v52 =	vmul.f32 v43, v55  }
0x1b1: {  	v44 =	vmov v48;
	v45 =	vmov v50;
	v43 =	vmov v47  }
.LBB2_29:
0x1b2: {  	v21 =	vsub.f32 v33, v39  }
0x1b3: {  	v22 =	vsub.f32 v46, v40;
	v12 =	vmax.f32 v39, v12;
	v15 =	vmax.f32 v40, v15  }
0x1b4: {  	v18 =	vmin.f32 v33, v18;
	v19 =	vmin.f32 v46, v19;
	v17 =	vmin.f32 v46, v17  }
0x1b5: {  	v16 =	vmin.f32 v46, v16;
	v59 =	vsub.f32 v51, v41;
	v61 =	vsub.f32 v49, v36  }
0x1b6: {  	v13 =	vmin.f32 v33, v13;
	v12 =	vsub.f32 v18, v12;
	v15 =	vsub.f32 v19, v15  }
0x1b7: {  	v14 =	vmin.f32 v46, v14;
	v17 =	vsub.f32 v17, v42;
	v16 =	vsub.f32 v16, v38  }
0x1b8: {  	v13 =	vsub.f32 v13, v31;
	v14 =	vsub.f32 v14, v34;
	v58 =	vmul.f32 v22, v21  }
0x1b9: {  	v19 =	vmax.f32 v59, $0.0e+00;
	v12 =	vmax.f32 v12, $0.0e+00;
	v15 =	vmax.f32 v15, $0.0e+00  }
0x1ba: {  	v17 =	vmax.f32 v17, $0.0e+00;
	v16 =	vmax.f32 v16, $0.0e+00;
	v13 =	vmax.f32 v13, $0.0e+00  }
0x1bb: {  	v14 =	vmax.f32 v14, $0.0e+00;
	v12 =	vmul.f32 v15, v12;
	v60 =	vadd.f32 v58, v20  }
0x1bc: {  	v20 =	vmax.f32 v61, $0.0e+00;
	v17 =	vmul.f32 v17, v19;
	v10 =	vadd.f32 v58, v10  }
0x1bd: {  	v11 =	vadd.f32 v58, v11;
	v16 =	vmul.f32 v16, v20;
	v15 =	vsub.f32 v60, v12  }
0x1be: {  	v13 =	vmul.f32 v14, v13;
	v9 =	vadd.f32 v58, v9;
	v10 =	vsub.f32 v10, v17  }
0x1bf: {  	(erf) = vrcp.f32 @p2 v35;
	v11 =	vsub.f32 v11, v16;
	v62 =	vadd.f32 $9.999999930e-09, v15  }
0x1c0: {  	v9 =	vsub.f32 v9, v13;
	v10 =	vadd.f32 $9.999999930e-09, v10  }
0x1c1: {  	v11 =	vadd.f32 $9.999999930e-09, v11;
	(erf) = vrcp.f32 v62  }
0x1c2: {  	v9 =	vadd.f32 $9.999999930e-09, v9;
	(erf) = vrcp.f32 v10  }
0x1c3: {  	(erf) = vrcp.f32 v11  }
0x1c4: {  	(erf) = vrcp.f32 v9;
	_ =	sdelay $0x1  }
0x1c5: {  	v9 =	vpop @p2 (erf)  }
0x1c6: {  	v10 =	vpop @p2 (erf);
	v9 =	vmul.f32 @p2 v9, v44  }
0x1c7: {  	vm10 =	vgt.f32 @p2 v52, $3.000000120e-01;
	v11 =	vpop @p2 (erf);
	v10 =	vmul.f32 @p2 v10, v45  }
0x1c8: {  	v14 =	vsel @p2 vm10, $0x3F800000, v29;
	vm10 =	vgt.f32 @p2 v9, $3.000000120e-01;
	v9 =	vmul.f32 @p2 v11, v43  }
0x1c9: {  	v6 =	vpsel p2, v14, v6;
	v15 =	vsel @p3 vm9, $0x3F800000, v37;
	vm9 =	vgt.f32 @p2 v10, $3.000000120e-01;
	v11 =	vpop (erf)  }
0x1ca: {  	v18 =	vsel @p2 vm9, $0x3F800000, v32;
	vm9 =	vgt.f32 @p2 v9, $3.000000120e-01;
	v9 =	vmul.f32 v11, v12;
	v11 =	vpop (erf)  }
0x1cb: {  	v10 =	vsel @p2 vm10, $0x3F800000, v30;
	vm9 =	vmmov @p2 vm9;
	v12 =	vpsel p3, v15, v5;
	v63 =	vpop (erf)  }
0x1cc: {  	v7 =	vpsel p2, v10, v7;
	v10 =	vmul.f32 v11, v17;
	v12 =	vsel @p2 vm9, $0x3F800000, v12;
	v11 =	vpop (erf)  }
0x1cd: {  	vm10 =	vgt.f32 v9, $3.000000120e-01;
	v9 =	vmul.f32 v63, v16;
	v11 =	vmul.f32 v11, v13  }
0x1ce: {  	v8 =	vpsel p2, v18, v8;
	v5 =	vpsel p2, v12, v5;
	v6 =	vsel vm10, $0x3F800000, v6  }
0x1cf: {  	vm9 =	vgt.f32 v10, $3.000000120e-01;
	vm10 =	vgt.f32 v9, $3.000000120e-01;
	vm11 =	vgt.f32 v11, $3.000000120e-01  }
0x1d0: {  	v7 =	vsel vm9, $0x3F800000, v7;
	v8 =	vsel vm10, $0x3F800000, v8;
	v5 =	vsel vm11, $0x3F800000, v5  }
.LBB2_30:
.Ltmp19:
0x1d1: {  	_ = 	snop;
	(pc) =	sbr.rel .LBB2_31-.Ltmp19, $4  }
0x1d2: {  	[tilespmem:$0x13FC0] =	vst v7  }
0x1d3: {  	[tilespmem:$0x13FD0] =	vst v8  }
0x1d4: {  	[tilespmem:$0x13FE0] =	vst v5  }
0x1d5: {  	s23 =	smov.u32 s24;
	[tilespmem:$0x13FF0] =	vst v6  }
.LBB2_6:
0x1d6: {  	s11 =	smov.u32 s18  }
.LBB2_7:
.Ltmp20:
0x1d7: {  	(pc) =	sbr.rel @p1 .LBB2_32-.Ltmp20, $2  }
0x1d8: {  	_ =	sdelay $0x2  }
0x1d9: {  	s2 =	simm.s32 $0x1;
	s8 =	simm.s32 $0x14000  }
0x1da: {  	s1 =	rddreg [dreg:$0x7]  }
0x1db: {  	s9 =	rddreg [dreg:$0x8]  }
0x1dc: {  	s10 =	rddreg [dreg:$0x9]  }
0x1dd: {  	s13 =	rddreg [dreg:$0xa]  }
.LBB2_31:
0x1de: {  	s0 =	rddreg [dreg:$0x6];
	s4 =	simm.s32 $0x13F80  }
0x1df: {  	[spmem:s0] =	stream.linear.scatter [tilespmem:s4], [sflag:$0x1], $0x80, $0x38;
	[tilespmem:$0x14908] =	vst v63  }
.Ltmp21:
0x1e0: {  	_ =	swait.ge [sflag:s2], $0x80;
	(pc) =	sbr.rel .LBB2_38-.Ltmp21, $3  }
0x1e1: {  	[sflag:s2] =	ssyncset.done $0x0  }
0x1e2: {  	[sflag:s2] =	ssyncadd.s32 $0xFFFFFF80  }
0x1e3: {  	[bflag:$0x0] =	sbarrier.arrive $0xFFFF;
	_ =	sdelay $0x1  }
.LBB2_32:
0x1e4: {  	[bflag:$0x0] =	sbarrier.arrive $0xFFFF  }
0x1e5: {  	s1 =	simm.s32 $0x14080;
	s0 =	rddreg [dreg:$0x1]  }
0x1e6: {  	[tilespmem:s1], [sflag:$0x1] =	stream.linear.gather [spmem:s0], $0x800, $0x38;
	[tilespmem:$0x14908] =	vst v63  }
0x1e7: {  	_ =	swait.ge [sflag:s2], $0x800  }
0x1e8: {  	[sflag:s2] =	ssyncset.done $0x0  }
0x1e9: {  	[sflag:s2] =	ssyncadd.s32 $0xFFFFF800  }
0x1ea: {  	v7 =	vld [tilespmem:$0x14080]  }
0x1eb: {  	v8 =	vld [tilespmem:$0x14100]  }
0x1ec: {  	v9 =	vld [tilespmem:$0x14180]  }
0x1ed: {  	v11 =	vld [tilespmem:$0x14200]  }
0x1ee: {  	v12 =	vld [tilespmem:$0x14280]  }
0x1ef: {  	v14 =	vld [tilespmem:$0x14300]  }
0x1f0: {  	v16 =	vld [tilespmem:$0x14380]  }
0x1f1: {  	v17 =	vld [tilespmem:$0x14400]  }
0x1f2: {  	v19 =	vld [tilespmem:$0x14480]  }
0x1f3: {  	v22 =	vld [tilespmem:$0x14500]  }
0x1f4: {  	v38 =	vld [tilespmem:$0x14580]  }
0x1f5: {  	v52 =	vld [tilespmem:$0x14600]  }
0x1f6: {  	v4 =	vld [tilespmem:$0x14680]  }
0x1f7: {  	v23 =	vld [tilespmem:$0x14090]  }
0x1f8: {  	v24 =	vld [tilespmem:$0x14110]  }
0x1f9: {  	v25 =	vld [tilespmem:$0x14190]  }
0x1fa: {  	v26 =	vld [tilespmem:$0x14210]  }
0x1fb: {  	v27 =	vld [tilespmem:$0x14290]  }
0x1fc: {  	v28 =	vld [tilespmem:$0x14310]  }
0x1fd: {  	v29 =	vld [tilespmem:$0x14390]  }
0x1fe: {  	v30 =	vld [tilespmem:$0x14410]  }
0x1ff: {  	v31 =	vld [tilespmem:$0x14490]  }
0x200: {  	v32 =	vld [tilespmem:$0x14510]  }
0x201: {  	v33 =	vld [tilespmem:$0x14590]  }
0x202: {  	v34 =	vld [tilespmem:$0x14610]  }
0x203: {  	v35 =	vld [tilespmem:$0x14690]  }
0x204: {  	v36 =	vld [tilespmem:$0x14710]  }
0x205: {  	v48 =	vld [tilespmem:$0x14790]  }
0x206: {  	v53 =	vld [tilespmem:$0x14810]  }
0x207: {  	v39 =	vld [tilespmem:$0x140A0]  }
0x208: {  	v40 =	vld [tilespmem:$0x14120]  }
0x209: {  	v41 =	vld [tilespmem:$0x141A0]  }
0x20a: {  	v42 =	vld [tilespmem:$0x14220]  }
0x20b: {  	v43 =	vld [tilespmem:$0x142A0]  }
0x20c: {  	v44 =	vld [tilespmem:$0x14320]  }
0x20d: {  	[tilespmem:$0x1FE60] =	vst v4;
	v4 =	vld [tilespmem:$0x14700]  }
0x20e: {  	v45 =	vld [tilespmem:$0x143A0]  }
0x20f: {  	v46 =	vld [tilespmem:$0x14420]  }
0x210: {  	v49 =	vld [tilespmem:$0x144A0]  }
0x211: {  	v62 =	vld [tilespmem:$0x14520]  }
0x212: {  	[tilespmem:$0x1FE70] =	vst v4;
	v4 =	vld [tilespmem:$0x14780]  }
0x213: {  	v55 =	vld [tilespmem:$0x140B0]  }
0x214: {  	v56 =	vld [tilespmem:$0x14130]  }
0x215: {  	v57 =	vld [tilespmem:$0x141B0]  }
0x216: {  	v58 =	vld [tilespmem:$0x14230]  }
0x217: {  	[tilespmem:$0x1FE80] =	vst v4;
	v4 =	vld [tilespmem:$0x14800]  }
0x218: {  	v59 =	vld [tilespmem:$0x142B0]  }
0x219: {  	v60 =	vld [tilespmem:$0x14330]  }
0x21a: {  	v61 =	vld [tilespmem:$0x143B0]  }
0x21b: {  	v5 =	vld [tilespmem:$0x14140]  }
0x21c: {  	[tilespmem:$0x1FE90] =	vst v4;
	v4 =	vld [tilespmem:$0x145A0]  }
0x21d: {  	v6 =	vld [tilespmem:$0x141C0]  }
0x21e: {  	v10 =	vld [tilespmem:$0x14240]  }
0x21f: {  	v13 =	vld [tilespmem:$0x142C0]  }
0x220: {  	v15 =	vld [tilespmem:$0x14340]  }
0x221: {  	[tilespmem:$0x1FEA0] =	vst v4;
	v4 =	vld [tilespmem:$0x14620]  }
0x222: {  	v18 =	vld [tilespmem:$0x143C0]  }
0x223: {  	v21 =	vld [tilespmem:$0x14440]  }
0x224: {  	v47 =	vld [tilespmem:$0x144C0]  }
0x225: {  	v50 =	vld [tilespmem:$0x14540]  }
0x226: {  	[tilespmem:$0x1FEB0] =	vst v4;
	v4 =	vld [tilespmem:$0x146A0]  }
0x227: {  	v20 =	vld [tilespmem:$0x145C0]  }
0x228: {  	v51 =	vld [tilespmem:$0x14640]  }
0x229: {  	v54 =	vld [tilespmem:$0x146C0]  }
0x22a: {  	v37 =	vld [tilespmem:$0x147C0]  }
0x22b: {  	[tilespmem:$0x1FEC0] =	vst v4;
	v4 =	vld [tilespmem:$0x14720]  }
0x22c: {  	v63 =	vld [tilespmem:$0x14740]  }
0x22d: {  	[tilespmem:$0x1FF70] =	vst v51;
	v51 =	vld [tilespmem:$0x14840]  }
0x22e: {  	[tilespmem:$0x1FF50] =	vst v20;
	v20 =	vld [tilespmem:$0x140D0]  }
0x22f: {  	[tilespmem:$0x1FFE0] =	vst v37;
	v37 =	vld [tilespmem:$0x14150]  }
0x230: {  	[tilespmem:$0x1FED0] =	vst v4;
	v4 =	vld [tilespmem:$0x147A0]  }
0x231: {  	[tilespmem:$0x1FFB0] =	vst v63;
	v63 =	vld [tilespmem:$0x14250];
	v7 =	vmax.f32 v7, $0.0e+00  }
0x232: {  	[tilespmem:$0x1FF90] =	vst v54;
	v54 =	vld [tilespmem:$0x142D0];
	v7 =	vmax.f32 v7, v8  }
0x233: {  	v7 =	vmax.f32 v7, v9;
	v9 =	vld [tilespmem:$0x143D0]  }
0x234: {  	v7 =	vmax.f32 v7, v11;
	v11 =	vld [tilespmem:$0x14450]  }
0x235: {  	[tilespmem:$0x1FEF0] =	vst v4;
	v4 =	vld [tilespmem:$0x14820]  }
0x236: {  	v7 =	vmax.f32 v7, v12;
	v12 =	vld [tilespmem:$0x144D0]  }
0x237: {  	[tilespmem:$0x1FFF0] =	vst v51;
	v51 =	vld [tilespmem:$0x141D0]  }
0x238: {  	[tilespmem:$0x1FFC0] =	vst v54;
	v54 =	vmax.f32 v23, $0.0e+00;
	v23 =	vld [tilespmem:$0x14350]  }
0x239: {  	v7 =	vmax.f32 v7, v14;
	v14 =	vld [tilespmem:$0x14550]  }
0x23a: {  	[tilespmem:$0x1FF10] =	vst v4;
	v4 =	vld [tilespmem:$0x14430]  }
0x23b: {  	v39 =	vmax.f32 v39, $0.0e+00;
	v7 =	vmax.f32 v7, v16;
	v16 =	vld [tilespmem:$0x145D0]  }
0x23c: {  	v8 =	vmax.f32 v54, v24;
	v24 =	vmax.f32 v39, v40;
	v40 =	vld [tilespmem:$0x1FE60]  }
0x23d: {  	v7 =	vmax.f32 v7, v17;
	v17 =	vld [tilespmem:$0x14650]  }
0x23e: {  	v8 =	vmax.f32 v8, v25;
	v25 =	vld [tilespmem:$0x147D0]  }
0x23f: {  	[tilespmem:$0x1FEE0] =	vst v4;
	v4 =	vld [tilespmem:$0x144B0]  }
0x240: {  	v24 =	vmax.f32 v24, v41;
	v41 =	vld [tilespmem:$0x1FE70]  }
0x241: {  	v7 =	vmax.f32 v7, v19;
	v19 =	vld [tilespmem:$0x146D0]  }
0x242: {  	v8 =	vmax.f32 v8, v26;
	v26 =	vld [tilespmem:$0x14850]  }
0x243: {  	v7 =	vmax.f32 v7, v22;
	v22 =	vld [tilespmem:$0x14750]  }
0x244: {  	[tilespmem:$0x1FF00] =	vst v4;
	v4 =	vld [tilespmem:$0x14530]  }
0x245: {  	v20 =	vmax.f32 v20, $0.0e+00;
	v8 =	vmax.f32 v8, v27;
	v27 =	vld [tilespmem:$0x140E0]  }
0x246: {  	v20 =	vmax.f32 v20, v37;
	v8 =	vmax.f32 v8, v28;
	v28 =	vld [tilespmem:$0x14160]  }
0x247: {  	v7 =	vmax.f32 v7, v38;
	v20 =	vmax.f32 v20, v51;
	v51 =	vld [tilespmem:$0x144F0]  }
0x248: {  	v7 =	vmax.f32 v7, v52;
	v52 =	vld [tilespmem:$0x1FE80]  }
0x249: {  	[tilespmem:$0x1FF20] =	vst v4;
	v4 =	vld [tilespmem:$0x145B0]  }
0x24a: {  	v8 =	vmax.f32 v8, v29;
	v29 =	vld [tilespmem:$0x141E0]  }
0x24b: {  	v24 =	vmax.f32 v24, v42;
	v20 =	vmax.f32 v20, v63;
	v63 =	vld [tilespmem:$0x1FFF0]  }
0x24c: {  	v55 =	vmax.f32 v55, $0.0e+00;
	v24 =	vmax.f32 v24, v43;
	v8 =	vmax.f32 v8, v30;
	v30 =	vld [tilespmem:$0x14260]  }
0x24d: {  	v24 =	vmax.f32 v24, v44;
	v8 =	vmax.f32 v8, v31;
	v31 =	vmax.f32 v55, v56;
	v55 =	vld [tilespmem:$0x14170]  }
0x24e: {  	v24 =	vmax.f32 v24, v45;
	[tilespmem:$0x1FF30] =	vst v4;
	v4 =	vld [tilespmem:$0x14630]  }
0x24f: {  	v24 =	vmax.f32 v24, v46;
	v8 =	vmax.f32 v8, v32;
	v32 =	vld [tilespmem:$0x142E0]  }
0x250: {  	v24 =	vmax.f32 v24, v49;
	v31 =	vmax.f32 v31, v57;
	v57 =	vld [tilespmem:$0x1FFB0]  }
0x251: {  	v24 =	vmax.f32 v24, v62;
	v62 =	vld [tilespmem:$0x14270]  }
0x252: {  	v8 =	vmax.f32 v8, v33;
	v33 =	vld [tilespmem:$0x14360]  }
0x253: {  	[tilespmem:$0x1FF40] =	vst v4;
	v4 =	vld [tilespmem:$0x146B0]  }
0x254: {  	v31 =	vmax.f32 v31, v58;
	v58 =	vld [tilespmem:$0x1FFC0]  }
0x255: {  	v7 =	vmax.f32 v7, v40;
	v54 =	vld [tilespmem:$0x1FE90]  }
0x256: {  	v7 =	vmax.f32 v7, v41;
	v8 =	vmax.f32 v8, v34;
	v34 =	vld [tilespmem:$0x14760]  }
0x257: {  	v7 =	vmax.f32 v7, v52;
	v52 =	vld [tilespmem:$0x140F0]  }
0x258: {  	[tilespmem:$0x1FF60] =	vst v4;
	v4 =	vld [tilespmem:$0x14730]  }
0x259: {  	v31 =	vmax.f32 v31, v59;
	v59 =	vld [tilespmem:$0x141F0]  }
0x25a: {  	v8 =	vmax.f32 v8, v35;
	v31 =	vmax.f32 v31, v60;
	v35 =	vld [tilespmem:$0x147E0]  }
0x25b: {  	v8 =	vmax.f32 v8, v36;
	v31 =	vmax.f32 v31, v61;
	v61 =	vld [tilespmem:$0x1FFE0]  }
0x25c: {  	v8 =	vmax.f32 v8, v48;
	v48 =	vld [tilespmem:$0x1FF50]  }
0x25d: {  	[tilespmem:$0x1FF80] =	vst v4;
	v4 =	vld [tilespmem:$0x147B0]  }
0x25e: {  	v36 =	vld [tilespmem:$0x1FEA0]  }
0x25f: {  	v38 =	vld [tilespmem:$0x1FEB0]  }
0x260: {  	v39 =	vld [tilespmem:$0x1FEC0]  }
0x261: {  	v40 =	vld [tilespmem:$0x1FED0]  }
0x262: {  	[tilespmem:$0x1FFA0] =	vst v4;
	v4 =	vld [tilespmem:$0x14830]  }
0x263: {  	v42 =	vld [tilespmem:$0x1FEF0]  }
0x264: {  	v24 =	vmax.f32 v24, v36;
	v44 =	vld [tilespmem:$0x1FF10]  }
0x265: {  	v7 =	vmax.f32 v7, v54;
	v54 =	vld [tilespmem:$0x1FF90];
	v24 =	vmax.f32 v24, v38  }
0x266: {  	v36 =	vld [tilespmem:$0x14860];
	v24 =	vmax.f32 v24, v39  }
0x267: {  	v24 =	vmax.f32 v24, v40;
	[tilespmem:$0x1FFD0] =	vst v4;
	v4 =	vld [tilespmem:$0x140C0]  }
0x268: {  	v24 =	vmax.f32 v24, v42;
	v41 =	vld [tilespmem:$0x1FEE0]  }
0x269: {  	v24 =	vmax.f32 v24, v44;
	v44 =	vld [tilespmem:$0x142F0]  }
0x26a: {  	v43 =	vld [tilespmem:$0x1FF00]  }
0x26b: {  	v45 =	vld [tilespmem:$0x1FF20]  }
0x26c: {  	v46 =	vld [tilespmem:$0x1FF30];
	v4 =	vmax.f32 v4, $0.0e+00  }
0x26d: {  	v49 =	vld [tilespmem:$0x1FF60];
	v4 =	vmax.f32 v4, v5  }
0x26e: {  	v8 =	vmax.f32 v8, v53;
	v53 =	vld [tilespmem:$0x1FF80];
	v4 =	vmax.f32 v4, v6  }
0x26f: {  	v20 =	vmax.f32 v20, v58;
	v56 =	vld [tilespmem:$0x1FFA0];
	v4 =	vmax.f32 v4, v10  }
0x270: {  	v20 =	vmax.f32 v20, v23;
	v5 =	vld [tilespmem:$0x143E0];
	v4 =	vmax.f32 v4, v13  }
0x271: {  	v9 =	vmax.f32 v20, v9;
	v31 =	vmax.f32 v31, v41;
	v6 =	vld [tilespmem:$0x14460];
	v4 =	vmax.f32 v4, v15  }
0x272: {  	v31 =	vmax.f32 v31, v43;
	v43 =	vmax.f32 v27, $0.0e+00;
	v10 =	vld [tilespmem:$0x144E0];
	v4 =	vmax.f32 v4, v18  }
0x273: {  	v31 =	vmax.f32 v31, v45;
	v45 =	vmax.f32 v43, v28;
	v13 =	vld [tilespmem:$0x14560];
	v4 =	vmax.f32 v4, v21  }
0x274: {  	v9 =	vmax.f32 v9, v11;
	v11 =	vmax.f32 v45, v29;
	v4 =	vmax.f32 v4, v47;
	v47 =	vld [tilespmem:$0x1FF40]  }
0x275: {  	v11 =	vmax.f32 v11, v30;
	v15 =	vld [tilespmem:$0x145E0]  }
0x276: {  	v8 =	vsub.f32 $1.000000000e+00, v8;
	v11 =	vmax.f32 v11, v32;
	v4 =	vmax.f32 v4, v50;
	v50 =	vld [tilespmem:$0x1FF70]  }
0x277: {  	v7 =	vsub.f32 $1.000000000e+00, v7;
	v9 =	vmax.f32 v9, v12;
	v11 =	vmax.f32 v11, v33;
	v18 =	vld [tilespmem:$0x14660]  }
0x278: {  	v9 =	vmax.f32 v9, v14;
	v31 =	vmax.f32 v31, v46;
	v5 =	vmax.f32 v11, v5;
	v21 =	vld [tilespmem:$0x146E0]  }
0x279: {  	v46 =	vmax.f32 v52, $0.0e+00;
	v5 =	vmax.f32 v5, v6;
	v31 =	vmax.f32 v31, v47;
	v47 =	vld [tilespmem:$0x14370]  }
0x27a: {  	v4 =	vmax.f32 v4, v48;
	v48 =	vmax.f32 v46, v55;
	v31 =	vmax.f32 v31, v49;
	v49 =	vld [tilespmem:$0x143F0]  }
0x27b: {  	v5 =	vmax.f32 v5, v10;
	v12 =	vmax.f32 v48, v59;
	v4 =	vmax.f32 v4, v50;
	v50 =	vld [tilespmem:$0x14470]  }
0x27c: {  	v9 =	vmax.f32 v9, v16;
	v52 =	vld [tilespmem:$0x14570];
	v5 =	vmax.f32 v5, v13;
	v12 =	vmax.f32 v12, v62  }
0x27d: {  	v9 =	vmax.f32 v9, v17;
	v60 =	vld [tilespmem:$0x1FFD0];
	v5 =	vmax.f32 v5, v15;
	v12 =	vmax.f32 v12, v44  }
0x27e: {  	v31 =	vmax.f32 v31, v53;
	v4 =	vmax.f32 v4, v54;
	v54 =	vld [tilespmem:$0x145F0];
	v53 =	vmax.f32 v12, v47  }
0x27f: {  	v5 =	vmax.f32 v5, v18;
	v31 =	vmax.f32 v31, v56;
	v56 =	vld [tilespmem:$0x14670];
	v55 =	vmax.f32 v53, v49  }
0x280: {  	v5 =	vmax.f32 v5, v21;
	v4 =	vmax.f32 v4, v57;
	v57 =	vld [tilespmem:$0x146F0];
	v6 =	vmax.f32 v55, v50  }
0x281: {  	v58 =	vld [tilespmem:$0x14770];
	v9 =	vmax.f32 v9, v19;
	v5 =	vmax.f32 v5, v34;
	v6 =	vmax.f32 v6, v51  }
0x282: {  	v9 =	vmax.f32 v9, v22;
	v59 =	vld [tilespmem:$0x147F0];
	v5 =	vmax.f32 v5, v35;
	v6 =	vmax.f32 v6, v52  }
0x283: {  	v5 =	vmax.f32 v5, v36;
	v31 =	vmax.f32 v31, v60;
	v60 =	vld [tilespmem:$0x14870];
	v6 =	vmax.f32 v6, v54  }
0x284: {  	[tilespmem:$0x14010] =	vst v8;
	v5 =	vsub.f32 $1.000000000e+00, v5;
	v4 =	vmax.f32 v4, v61;
	v6 =	vmax.f32 v6, v56  }
0x285: {  	[tilespmem:$0x14000] =	vst v7;
	v61 =	vsub.f32 $1.000000000e+00, v24;
	v4 =	vmax.f32 v4, v63;
	v6 =	vmax.f32 v6, v57  }
0x286: {  	v9 =	vmax.f32 v9, v25;
	[tilespmem:$0x14060] =	vst v5;
	v4 =	vsub.f32 $1.000000000e+00, v4;
	v6 =	vmax.f32 v6, v58  }
.Ltmp22:
0x287: {  	v9 =	vmax.f32 v9, v26;
	v62 =	vsub.f32 $1.000000000e+00, v31;
	[tilespmem:$0x14020] =	vst v61;
	v6 =	vmax.f32 v6, v59;
	(pc) =	sbr.rel .LBB2_33-.Ltmp22, $4  }
0x288: {  	v63 =	vsub.f32 $1.000000000e+00, v9;
	[tilespmem:$0x14040] =	vst v4;
	v4 =	vmax.f32 v6, v60  }
0x289: {  	s9 =	rddreg [dreg:$0x8];
	[tilespmem:$0x14030] =	vst v62;
	v4 =	vsub.f32 $1.000000000e+00, v4  }
0x28a: {  	s10 =	rddreg [dreg:$0x9];
	[tilespmem:$0x14050] =	vst v63  }
0x28b: {  	s24 =	simm.s32 $0x0;
	s13 =	rddreg [dreg:$0xa];
	[tilespmem:$0x14070] =	vst v4  }
.LBB2_36:
0x28c: {  	s24 =	sadd.s32 $0x1, s24  }
0x28d: {  	p2 =	sne.s32 s24, $0x80  }
.Ltmp23:
0x28e: {  	_ = 	snop;
	(pc) =	sbr.rel @!p2 .LBB2_37-.Ltmp23, $1  }
0x28f: {  	_ =	sdelay $0x3  }
.LBB2_33:
0x290: {  	v5 =	vmov s24;
	_ =	sdelay $0x4  }
0x291: {  	v4 =	vld.idx.msk [tilespmem:v5+s8+$0x0], $0xffff;
	_ =	sdelay $0x4  }
0x292: {  	(v2sf) =	vpush v4, $0x0;
	_ =	sdelay $0xe  }
0x293: {  	s0 =	spop (v2sf)  }
0x294: {  	p2 =	sgt.f32 s0, $5.000000000e-01  }
.Ltmp24:
0x295: {  	_ = 	snop;
	(pc) =	sbr.rel @!p2 .LBB2_36-.Ltmp24, $1  }
0x296: {  	_ =	sdelay $0x3  }
0x297: {  	s0 =	sor.u32 s22, s24  }
0x298: {  	s18 =	sand.u32 $0x3FFFFFF0, s24;
	v4 =	vmov s0  }
0x299: {  	s25 =	sadd.s32 s18, s10  }
0x29a: {  	s26 =	sadd.s32 s18, s13;
	v10 =	vld [tilespmem:s25+$0x0]  }
0x29b: {  	s28 =	sadd.s32 s18, s9;
	v11 =	vld [tilespmem:s26+$0x0]  }
0x29c: {  	v12 =	vld [tilespmem:s28+$0x0]  }
0x29d: {  	v6 =	vld.idx.msk [tilespmem:v4+s3+$0x0], $0xffff  }
0x29e: {  	v7 =	vld.idx.msk [tilespmem:v4+s5+$0x0], $0xffff  }
0x29f: {  	v8 =	vld.idx.msk [tilespmem:v4+s6+$0x0], $0xffff  }
0x2a0: {  	s1 =	sadd.s32 s18, s19;
	v9 =	vld.idx.msk [tilespmem:v4+s7+$0x0], $0xffff  }
0x2a1: {  	v4 =	vld [tilespmem:s1+$0x0];
	_ =	sdelay $0x3  }
0x2a2: {  	v16 =	vsub.f32 v12, v11;
	v13 =	vsub.f32 v8, v6  }
0x2a3: {  	v14 =	vsub.f32 v9, v7;
	v15 =	vsub.f32 v10, v4;
	v4 =	vmax.f32 v6, v4  }
0x2a4: {  	v10 =	vmin.f32 v8, v10;
	v11 =	vmax.f32 v7, v11;
	v12 =	vmin.f32 v9, v12  }
0x2a5: {  	v4 =	vsub.f32 v10, v4;
	v11 =	vsub.f32 v12, v11  }
0x2a6: {  	v10 =	vmul.f32 v14, v13;
	v61 =	vmul.f32 v16, v15  }
0x2a7: {  	v4 =	vmax.f32 v4, $0.0e+00;
	v11 =	vmax.f32 v11, $0.0e+00  }
0x2a8: {  	v4 =	vmul.f32 v11, v4;
	v11 =	vadd.f32 v61, v10;
	_ =	sdelay $0x1  }
0x2a9: {  	v11 =	vsub.f32 v11, v4;
	_ =	sdelay $0x1  }
0x2aa: {  	v11 =	vadd.f32 $9.999999930e-09, v11;
	_ =	sdelay $0x1  }
0x2ab: {  	(erf) = vrcp.f32 v11;
	_ =	sdelay $0x6  }
0x2ac: {  	s21 =	sshrl.u32 s24, $0x4  }
0x2ad: {  	s29 =	sadd.s32 $0x14000, s18;
	s0 =	sadd.s32 $0xFFFFFFFF, s21  }
0x2ae: {  	s31 =	sadd.s32 $0x1, s0;
	v11 =	vld [tilespmem:s29+$0x0];
	v62 =	vpop (erf)  }
0x2af: {  	s30 =	sand.u32 $0xFFFFFFF0, s24;
	p2 =	slt.u32 s31, $0x7;
	v4 =	vmul.f32 v62, v4  }
.Ltmp25:
0x2b0: {  	v63 =	vor.u32 s30, v2;
	(pc) =	sbr.rel @!p2 .LBB2_36-.Ltmp25, $4  }
0x2b1: {  	vm10 =	vgt.u32 v63, v5;
	vm9 =	vgt.f32 v4, $3.000000120e-01  }
0x2b2: {  	vm9 =	vmand vm10, vm9  }
0x2b3: {  	v4 =	vsel vm9, $0x0, v11  }
0x2b4: {  	s0 =	sadd.s32 $0x10, s1;
	[tilespmem:s29+$0x0] =	vst v4  }
.LBB2_35:
0x2b5: {  	v4 =	vld [tilespmem:s0+$0x0];
	s25 =	sadd.s32 $0x10, s25  }
0x2b6: {  	s26 =	sadd.s32 $0x10, s26;
	v11 =	vld [tilespmem:s25+$0x0]  }
0x2b7: {  	s28 =	sadd.s32 $0x10, s28;
	v12 =	vld [tilespmem:s26+$0x0]  }
0x2b8: {  	s31 =	sadd.s32 $0x1, s31;
	v13 =	vld [tilespmem:s28+$0x0]  }
0x2b9: {  	p2 =	slt.u32 s31, $0x7;
	_ =	sdelay $0x2  }
0x2ba: {  	v14 =	vsub.f32 v11, v4;
	v4 =	vmax.f32 v6, v4;
	v11 =	vmin.f32 v8, v11  }
0x2bb: {  	v15 =	vsub.f32 v13, v12;
	v12 =	vmax.f32 v7, v12;
	v13 =	vmin.f32 v9, v13  }
0x2bc: {  	v4 =	vsub.f32 v11, v4;
	v11 =	vsub.f32 v13, v12  }
0x2bd: {  	v12 =	vmul.f32 v15, v14  }
0x2be: {  	v4 =	vmax.f32 v4, $0.0e+00;
	v11 =	vmax.f32 v11, $0.0e+00  }
0x2bf: {  	v4 =	vmul.f32 v11, v4;
	v11 =	vadd.f32 v12, v10;
	_ =	sdelay $0x1  }
0x2c0: {  	v11 =	vsub.f32 v11, v4;
	_ =	sdelay $0x1  }
0x2c1: {  	v11 =	vadd.f32 $9.999999930e-09, v11;
	_ =	sdelay $0x1  }
0x2c2: {  	(erf) = vrcp.f32 v11;
	_ =	sdelay $0x7  }
0x2c3: {  	s29 =	sadd.s32 $0x10, s29  }
0x2c4: {  	v11 =	vld [tilespmem:s29+$0x0];
	v12 =	vpop (erf)  }
0x2c5: {  	s30 =	sadd.s32 $0x10, s30;
	v4 =	vmul.f32 v12, v4  }
.Ltmp26:
0x2c6: {  	v12 =	vor.u32 s30, v2;
	(pc) =	sbr.rel @p2 .LBB2_35-.Ltmp26, $4  }
0x2c7: {  	vm10 =	vgt.u32 v12, v5;
	vm9 =	vgt.f32 v4, $3.000000120e-01  }
0x2c8: {  	vm9 =	vmand vm10, vm9  }
0x2c9: {  	v4 =	vsel vm9, $0x0, v11  }
0x2ca: {  	s0 =	sadd.s32 $0x10, s0;
	[tilespmem:s29+$0x0] =	vst v4  }
.Ltmp27:
0x2cb: {  	_ = 	snop;
	(pc) =	sbr.rel .LBB2_36-.Ltmp27, $1  }
0x2cc: {  	_ =	sdelay $0x3  }
.LBB2_37:
0x2cd: {  	s0 =	rddreg [dreg:$0x2]  }
0x2ce: {  	[spmem:s0] =	stream.linear.scatter [tilespmem:s8], [sflag:$0x1], $0x80, $0x38;
	[tilespmem:$0x14908] =	vst v63  }
0x2cf: {  	_ =	swait.ge [sflag:s2], $0x80  }
0x2d0: {  	s31 =	sshll.u32 s20, $0x4;
	[sflag:s2] =	ssyncset.done $0x0;
	s1 =	rddreg [dreg:$0x4]  }
0x2d1: {  	[sflag:s2] =	ssyncadd.s32 $0xFFFFFF80;
	s0 =	sadd.s32 s1, s31  }
0x2d2: {  	[hbm4b:s0+s3] =	stream.linear.scatter [tilespmem:s8], [sflag:$0x1], $0x80, $0x38;
	[tilespmem:$0x14908] =	vst v63  }
0x2d3: {  	_ =	swait.ge [sflag:s2], $0x80  }
0x2d4: {  	[sflag:s2] =	ssyncset.done $0x0  }
0x2d5: {  	v56 =	vimm.s32 $0x0;
	s1 =	rddreg [dreg:$0x7];
	[sflag:s2] =	ssyncadd.s32 $0xFFFFFF80  }
.LBB2_38:
0x2d6: {  	p2 =	seq.s32 @!p1 s20, $0x9C  }
0x2d7: {  	p2 =	por p1, p2  }
.Ltmp28:
0x2d8: {  	_ = 	snop;
	(pc) =	sbr.rel @p2 .LBB2_61-.Ltmp28, $1  }
0x2d9: {  	_ =	sdelay $0x3  }
0x2da: {  	v5 =	vimm.f32 $0.0e+00  }
0x2db: {  	[tilespmem:$0x13F80] =	vst v5  }
0x2dc: {  	[tilespmem:$0x13F90] =	vst v5  }
0x2dd: {  	p2 =	slt.s32 s23, $0x1;
	[tilespmem:$0x13FA0] =	vst v5  }
.Ltmp29:
0x2de: {  	[tilespmem:$0x13FB0] =	vst v5;
	(pc) =	sbr.rel @p2 .LBB2_49-.Ltmp29, $4  }
0x2df: {  	[tilespmem:$0x13FC0] =	vst v5  }
0x2e0: {  	[tilespmem:$0x13FD0] =	vst v5  }
0x2e1: {  	v7 =	vimm.f32 $0.0e+00;
	[tilespmem:$0x13FE0] =	vst v5  }
0x2e2: {  	v8 =	vimm.f32 $0.0e+00;
	v9 =	vimm.f32 $0.0e+00;
	v6 =	vimm.f32 $0.0e+00;
	[tilespmem:$0x13FF0] =	vst v5  }
0x2e3: {  	v18 =	vld [tilespmem:s22+$0x80]  }
0x2e4: {  	v19 =	vld [tilespmem:s22+$0x90]  }
0x2e5: {  	v20 =	vld [tilespmem:s22+$0xA0]  }
0x2e6: {  	v9 =	vld [tilespmem:s22+$0xB0]  }
0x2e7: {  	v21 =	vld [tilespmem:s22+$0x4F00];
	s0 =	simm.s32 $0x0  }
0x2e8: {  	v22 =	vld [tilespmem:s22+$0x4F10];
	v4 =	vmov s0  }
0x2e9: {  	v23 =	vld [tilespmem:s22+$0x4F20]  }
0x2ea: {  	v12 =	vld [tilespmem:s22+$0x4F30]  }
0x2eb: {  	v24 =	vld [tilespmem:s22+$0x9D80]  }
0x2ec: {  	v25 =	vld [tilespmem:s22+$0x9D90]  }
0x2ed: {  	v4 =	vld.idx.msk [tilespmem:v4+s12+$0x0], $0xffff  }
0x2ee: {  	v10 =	vld [tilespmem:s22+$0x9DA0]  }
0x2ef: {  	v15 =	vld [tilespmem:s22+$0x9DB0]  }
0x2f0: {  	v14 =	vld [tilespmem:s22+$0xEC00]  }
0x2f1: {  	v13 =	vld [tilespmem:s22+$0xEC10]  }
0x2f2: {  	v11 =	vld [tilespmem:s22+$0xEC20]  }
0x2f3: {  	v16 =	vld [tilespmem:s22+$0xEC30];
	_ =	sdelay $0x1  }
0x2f4: {  	v6 =	vsub.f32 v24, v18;
	v7 =	vsub.f32 v14, v21;
	v36 =	vld.idx.msk [tilespmem:v4+s3+$0x0], $0xffff  }
0x2f5: {  	v8 =	vsub.f32 v25, v19;
	v17 =	vsub.f32 v13, v22;
	v39 =	vld.idx.msk [tilespmem:v4+s5+$0x0], $0xffff  }
0x2f6: {  	p5 =	sne.s32 s23, $0x1;
	v26 =	vsub.f32 v10, v20;
	v27 =	vsub.f32 v11, v23;
	v30 =	vld.idx.msk [tilespmem:v4+s6+$0x0], $0xffff  }
.Ltmp30:
0x2f7: {  	v28 =	vsub.f32 v15, v9;
	v29 =	vsub.f32 v16, v12;
	v7 =	vmul.f32 v7, v6;
	(pc) =	sbr.rel @!p5 .LBB2_41-.Ltmp30, $4  }
0x2f8: {  	v8 =	vmul.f32 v17, v8;
	v6 =	vmul.f32 v27, v26  }
0x2f9: {  	v17 =	vmul.f32 v29, v28;
	v37 =	vmax.f32 v36, v18;
	v33 =	vmax.f32 v36, v19  }
0x2fa: {  	v27 =	vmax.f32 v36, v20;
	v38 =	vmax.f32 v39, v21;
	v35 =	vmax.f32 v39, v22  }
0x2fb: {  	p3 =	por $0x0, $0x0;
	p4 =	por $0x0, $0x0;
	s0 =	simm.s32 $0x1;
	v46 =	vld.idx.msk [tilespmem:v4+s7+$0x0], $0xffff;
	v31 =	vmax.f32 v39, v23;
	v47 =	vmin.f32 v30, v24;
	v45 =	vmin.f32 v30, v25  }
0x2fc: {  	_ =	sdelay $0x1  }
0x2fd: {  	v4 =	vmov s0  }
0x2fe: {  	v26 =	vsub.f32 v30, v36;
	v29 =	vmax.f32 v36, v9;
	v32 =	vmax.f32 v39, v12  }
0x2ff: {  	v34 =	vmin.f32 v30, v15;
	v28 =	vsub.f32 v46, v39;
	v57 =	vmin.f32 v46, v16  }
0x300: {  	v29 =	vsub.f32 v34, v29;
	v32 =	vsub.f32 v57, v32  }
0x301: {  	v26 =	vmul.f32 v28, v26  }
0x302: {  	v28 =	vmax.f32 v29, $0.0e+00;
	v29 =	vmax.f32 v32, $0.0e+00  }
0x303: {  	v4 =	vld.idx.msk [tilespmem:v4+s12+$0x0], $0xffff;
	v28 =	vmul.f32 v29, v28;
	v29 =	vadd.f32 v26, v17  }
0x304: {  	v30 =	vmin.f32 v30, v10;
	v60 =	vsub.f32 v47, v37;
	v33 =	vsub.f32 v45, v33  }
0x305: {  	v27 =	vsub.f32 v30, v27;
	v29 =	vsub.f32 v29, v28  }
0x306: {  	v36 =	vmax.f32 v60, $0.0e+00;
	v58 =	vmin.f32 v46, v14;
	v59 =	vmin.f32 v46, v13  }
0x307: {  	v61 =	vmin.f32 v46, v11;
	v32 =	vsub.f32 v58, v38;
	v29 =	vadd.f32 $9.999999930e-09, v29  }
0x308: {  	v27 =	vmax.f32 v27, $0.0e+00;
	v34 =	vsub.f32 v59, v35;
	v30 =	vsub.f32 v61, v31  }
0x309: {  	v31 =	vmax.f32 v33, $0.0e+00;
	v32 =	vmax.f32 v32, $0.0e+00;
	(erf) = vrcp.f32 v29  }
0x30a: {  	v62 =	vmax.f32 v34, $0.0e+00;
	v63 =	vadd.f32 v26, v7;
	v41 =	vmul.f32 v32, v36  }
0x30b: {  	v30 =	vmax.f32 v30, $0.0e+00;
	v42 =	vmul.f32 v62, v31;
	v36 =	vld.idx.msk [tilespmem:v4+s3+$0x0], $0xffff;
	v29 =	vadd.f32 v26, v8  }
0x30c: {  	v40 =	vmul.f32 v30, v27;
	v31 =	vsub.f32 v63, v41;
	v39 =	vld.idx.msk [tilespmem:v4+s5+$0x0], $0xffff;
	v26 =	vadd.f32 v26, v6  }
0x30d: {  	v30 =	vld.idx.msk [tilespmem:v4+s6+$0x0], $0xffff;
	v27 =	vsub.f32 v29, v42  }
0x30e: {  	p5 =	sne.s32 s23, $0x2;
	v29 =	vadd.f32 $9.999999930e-09, v31;
	v26 =	vsub.f32 v26, v40  }
.Ltmp31:
0x30f: {  	v27 =	vadd.f32 $9.999999930e-09, v27;
	(pc) =	sbr.rel @!p5 .LBB2_43-.Ltmp31, $4  }
0x310: {  	(erf) = vrcp.f32 v29;
	v32 =	vadd.f32 $9.999999930e-09, v26;
	v37 =	vmax.f32 v36, v18  }
0x311: {  	v33 =	vmax.f32 v36, v19;
	v38 =	vmax.f32 v39, v21;
	v35 =	vmax.f32 v39, v22  }
0x312: {  	v31 =	vmax.f32 v39, v23;
	v47 =	vmin.f32 v30, v24;
	v45 =	vmin.f32 v30, v25;
	v26 =	vpop (erf)  }
0x313: {  	s0 =	simm.s32 $0x2;
	p3 =	por $0x1, $0x1;
	v46 =	vld.idx.msk [tilespmem:v4+s7+$0x0], $0xffff;
	(erf) = vrcp.f32 v27;
	v27 =	vmax.f32 v36, v20;
	v49 =	vmul.f32 v26, v28  }
0x314: {  	_ =	sdelay $0x1  }
0x315: {  	v4 =	vmov s0;
	v26 =	vsub.f32 v30, v36;
	v29 =	vmax.f32 v36, v9  }
0x316: {  	v34 =	vmax.f32 v39, v12;
	v54 =	vmin.f32 v30, v15;
	v37 =	vsub.f32 v47, v37  }
0x317: {  	v33 =	vsub.f32 v45, v33;
	v28 =	vsub.f32 v46, v39;
	v55 =	vmin.f32 v46, v16  }
0x318: {  	v30 =	vmin.f32 v30, v10;
	v29 =	vsub.f32 v54, v29;
	v34 =	vsub.f32 v55, v34  }
0x319: {  	(erf) = vrcp.f32 v32;
	v27 =	vsub.f32 v30, v27;
	v26 =	vmul.f32 v28, v26  }
0x31a: {  	v29 =	vmax.f32 v29, $0.0e+00;
	v43 =	vmin.f32 v46, v14;
	v34 =	vmax.f32 v34, $0.0e+00  }
0x31b: {  	v4 =	vld.idx.msk [tilespmem:v4+s12+$0x0], $0xffff;
	v28 =	vmin.f32 v46, v13;
	v34 =	vmul.f32 v34, v29;
	v29 =	vadd.f32 v26, v17  }
0x31c: {  	v57 =	vmin.f32 v46, v11;
	v38 =	vsub.f32 v43, v38;
	v28 =	vsub.f32 v28, v35  }
0x31d: {  	v58 =	vmax.f32 v37, $0.0e+00;
	v30 =	vsub.f32 v57, v31;
	v29 =	vsub.f32 v29, v34  }
0x31e: {  	v27 =	vmax.f32 v27, $0.0e+00;
	v31 =	vmax.f32 v33, $0.0e+00;
	v28 =	vmax.f32 v28, $0.0e+00  }
0x31f: {  	v59 =	vmax.f32 v38, $0.0e+00;
	v30 =	vmax.f32 v30, $0.0e+00;
	v29 =	vadd.f32 $9.999999930e-09, v29  }
0x320: {  	v60 =	vpop (erf);
	v44 =	vmul.f32 v59, v58;
	v61 =	vadd.f32 v26, v7;
	v43 =	vmul.f32 v30, v27  }
0x321: {  	v27 =	vadd.f32 v26, v6;
	v48 =	vmul.f32 v28, v31;
	v28 =	vpop (erf);
	(erf) = vrcp.f32 v29  }
0x322: {  	v31 =	vsub.f32 v61, v44;
	v28 =	vmul.f32 v28, v42;
	v29 =	vadd.f32 v26, v8  }
0x323: {  	v32 =	vmul.f32 v60, v41;
	v27 =	vsub.f32 v27, v43;
	v36 =	vld.idx.msk [tilespmem:v4+s3+$0x0], $0xffff  }
0x324: {  	vm9 =	vgt.f32 v49, $3.000000120e-01;
	v31 =	vadd.f32 $9.999999930e-09, v31;
	v39 =	vld.idx.msk [tilespmem:v4+s5+$0x0], $0xffff;
	v29 =	vsub.f32 v29, v48  }
0x325: {  	v30 =	vld.idx.msk [tilespmem:v4+s6+$0x0], $0xffff;
	v26 =	vsel vm9, $0x3F800000, v5;
	vm9 =	vgt.f32 v32, $3.000000120e-01;
	v32 =	vadd.f32 $9.999999930e-09, v27  }
0x326: {  	p5 =	sne.s32 s23, $0x3;
	vm10 =	vgt.f32 v28, $3.000000120e-01;
	(erf) = vrcp.f32 v31;
	v28 =	vpop (erf);
	v62 =	vadd.f32 $9.999999930e-09, v29  }
.Ltmp32:
0x327: {  	v46 =	vld.idx.msk [tilespmem:v4+s7+$0x0], $0xffff;
	v27 =	vmul.f32 v28, v40;
	v28 =	vsel vm9, $0x3F800000, v5;
	v29 =	vsel vm10, $0x3F800000, v5;
	(pc) =	sbr.rel @!p5 .LBB2_45-.Ltmp32, $4  }
0x328: {  	v37 =	vmax.f32 v36, v18;
	v33 =	vmax.f32 v36, v19;
	(erf) = vrcp.f32 v62  }
0x329: {  	v38 =	vmax.f32 v39, v21;
	v35 =	vmax.f32 v39, v22;
	v31 =	vmax.f32 v39, v23  }
0x32a: {  	v47 =	vmin.f32 v30, v24;
	v45 =	vmin.f32 v30, v25;
	vm9 =	vgt.f32 v27, $3.000000120e-01;
	v63 =	vpop (erf)  }
0x32b: {  	s24 =	simm.s32 $0x3;
	p4 =	por $0x1, $0x1;
	v27 =	vmax.f32 v36, v20;
	v49 =	vmul.f32 v63, v34;
	v34 =	vimm.f32 $0.0e+00  }
.LBB2_46:
0x32c: {  	v4 =	vmov s24;
	v40 =	vsub.f32 v30, v36;
	v41 =	vsub.f32 v46, v39  }
0x32d: {  	v36 =	vmax.f32 v36, v9;
	v39 =	vmax.f32 v39, v12;
	vm10 =	vgt.f32 v49, $3.000000120e-01  }
0x32e: {  	v51 =	vmin.f32 v30, v15;
	v49 =	vmin.f32 v46, v16;
	v26 =	vsel vm10, $0x3F800000, v26  }
0x32f: {  	v50 =	vmin.f32 v46, v14;
	v36 =	vsub.f32 v51, v36;
	v39 =	vsub.f32 v49, v39  }
0x330: {  	v30 =	vmin.f32 v30, v10;
	v40 =	vmul.f32 v41, v40;
	v41 =	vmin.f32 v46, v13;
	v42 =	vpop (erf)  }
0x331: {  	v46 =	vmin.f32 v46, v11;
	v36 =	vmax.f32 v36, $0.0e+00;
	v39 =	vmax.f32 v39, $0.0e+00;
	v49 =	vpop (erf)  }
0x332: {  	s24 =	sadd.s32 $0x1, s24;
	v37 =	vsub.f32 v47, v37;
	v51 =	vmul.f32 v39, v36;
	v36 =	vadd.f32 v40, v17;
	v4 =	vld.idx.msk [tilespmem:v4+s12+$0x0], $0xffff  }
0x333: {  	v33 =	vsub.f32 v45, v33;
	p5 =	sne.s32 s23, s24;
	v38 =	vsub.f32 v50, v38;
	(erf) = vrcp.f32 v32  }
0x334: {  	v35 =	vsub.f32 v41, v35;
	v32 =	vmax.f32 v37, $0.0e+00;
	v36 =	vsub.f32 v36, v51  }
0x335: {  	v27 =	vsub.f32 v30, v27;
	v30 =	vsub.f32 v46, v31;
	v37 =	vmax.f32 v38, $0.0e+00  }
0x336: {  	v31 =	vmax.f32 v33, $0.0e+00;
	v33 =	vmax.f32 v35, $0.0e+00;
	v35 =	vadd.f32 $9.999999930e-09, v36  }
0x337: {  	v27 =	vmax.f32 v27, $0.0e+00;
	v30 =	vmax.f32 v30, $0.0e+00;
	v32 =	vmul.f32 v37, v32  }
0x338: {  	v31 =	vmul.f32 v33, v31;
	v37 =	vadd.f32 v40, v7;
	(erf) = vrcp.f32 v35  }
0x339: {  	v33 =	vadd.f32 v40, v8;
	v27 =	vmul.f32 v30, v27;
	v30 =	vadd.f32 v40, v6  }
0x33a: {  	v41 =	vmul.f32 v42, v44;
	v38 =	vmul.f32 v49, v48;
	v35 =	vsub.f32 v37, v32;
	v36 =	vld.idx.msk [tilespmem:v4+s3+$0x0], $0xffff  }
0x33b: {  	v34 =	vsel vm9, $0x3F800000, v34;
	v33 =	vsub.f32 v33, v31;
	v40 =	vsub.f32 v30, v27;
	v44 =	vmovc v32;
	v39 =	vld.idx.msk [tilespmem:v4+s5+$0x0], $0xffff  }
0x33c: {  	vm9 =	vgt.f32 v41, $3.000000120e-01;
	vm10 =	vgt.f32 v38, $3.000000120e-01;
	v35 =	vadd.f32 $9.999999930e-09, v35;
	v30 =	vld.idx.msk [tilespmem:v4+s6+$0x0], $0xffff;
	v37 =	vpop (erf)  }
0x33d: {  	v48 =	vmovc v31;
	v32 =	vadd.f32 $9.999999930e-09, v40;
	v46 =	vld.idx.msk [tilespmem:v4+s7+$0x0], $0xffff;
	v4 =	vadd.f32 $9.999999930e-09, v33;
	v33 =	vmul.f32 v37, v43;
	v43 =	vmovc v27  }
.Ltmp33:
0x33e: {  	v28 =	vsel vm9, $0x3F800000, v28;
	v29 =	vsel vm10, $0x3F800000, v29;
	(erf) = vrcp.f32 v35;
	(pc) =	sbr.rel @p5 .LBB2_46-.Ltmp33, $4  }
0x33f: {  	(erf) = vrcp.f32 v4;
	vm9 =	vgt.f32 v33, $3.000000120e-01  }
0x340: {  	v37 =	vmax.f32 v36, v18;
	v33 =	vmax.f32 v36, v19;
	v27 =	vmax.f32 v36, v20  }
0x341: {  	v38 =	vmax.f32 v39, v21;
	v35 =	vmax.f32 v39, v22;
	v31 =	vmax.f32 v39, v23;
	v4 =	vpop (erf)  }
0x342: {  	v47 =	vmin.f32 v30, v24;
	v45 =	vmin.f32 v30, v25;
	v49 =	vmul.f32 v4, v51  }
0x343: {  	v41 =	vmov v44;
	v42 =	vmov v48;
	v40 =	vmov v43  }
.LBB2_48:
0x344: {  	v4 =	vsub.f32 v30, v36  }
0x345: {  	v18 =	vsub.f32 v46, v39;
	v9 =	vmax.f32 v36, v9;
	v12 =	vmax.f32 v39, v12  }
0x346: {  	v15 =	vmin.f32 v30, v15;
	v16 =	vmin.f32 v46, v16;
	v14 =	vmin.f32 v46, v14  }
0x347: {  	v13 =	vmin.f32 v46, v13;
	v60 =	vsub.f32 v47, v37;
	v62 =	vsub.f32 v45, v33  }
0x348: {  	v10 =	vmin.f32 v30, v10;
	v9 =	vsub.f32 v15, v9;
	v12 =	vsub.f32 v16, v12  }
0x349: {  	v11 =	vmin.f32 v46, v11;
	v14 =	vsub.f32 v14, v38;
	v13 =	vsub.f32 v13, v35  }
0x34a: {  	v10 =	vsub.f32 v10, v27;
	v11 =	vsub.f32 v11, v31;
	v4 =	vmul.f32 v18, v4  }
0x34b: {  	v15 =	vmax.f32 v60, $0.0e+00;
	v16 =	vmax.f32 v62, $0.0e+00;
	v9 =	vmax.f32 v9, $0.0e+00  }
0x34c: {  	v12 =	vmax.f32 v12, $0.0e+00;
	v14 =	vmax.f32 v14, $0.0e+00;
	v13 =	vmax.f32 v13, $0.0e+00  }
0x34d: {  	v10 =	vmax.f32 v10, $0.0e+00;
	v9 =	vmul.f32 v12, v9;
	v61 =	vadd.f32 v4, v17  }
0x34e: {  	v11 =	vmax.f32 v11, $0.0e+00;
	v14 =	vmul.f32 v14, v15;
	v7 =	vadd.f32 v4, v7  }
0x34f: {  	v13 =	vmul.f32 v13, v16;
	v8 =	vadd.f32 v4, v8;
	v12 =	vsub.f32 v61, v9  }
0x350: {  	v10 =	vmul.f32 v11, v10;
	v4 =	vadd.f32 v4, v6;
	v6 =	vsub.f32 v7, v14  }
0x351: {  	(erf) = vrcp.f32 @p3 v32;
	v8 =	vsub.f32 v8, v13;
	v7 =	vadd.f32 $9.999999930e-09, v12  }
0x352: {  	v4 =	vsub.f32 v4, v10;
	v6 =	vadd.f32 $9.999999930e-09, v6  }
0x353: {  	(erf) = vrcp.f32 v7;
	v7 =	vadd.f32 $9.999999930e-09, v8  }
0x354: {  	v4 =	vadd.f32 $9.999999930e-09, v4;
	(erf) = vrcp.f32 v6  }
0x355: {  	(erf) = vrcp.f32 v7  }
0x356: {  	(erf) = vrcp.f32 v4;
	_ =	sdelay $0x1  }
0x357: {  	v4 =	vpop @p3 (erf)  }
0x358: {  	v6 =	vpop @p3 (erf);
	v4 =	vmul.f32 @p3 v4, v41  }
0x359: {  	vm10 =	vgt.f32 @p3 v49, $3.000000120e-01;
	v11 =	vsel @p4 vm9, $0x3F800000, v34;
	v7 =	vpop @p3 (erf);
	v6 =	vmul.f32 @p3 v6, v42  }
0x35a: {  	v8 =	vsel @p3 vm10, $0x3F800000, v26;
	vm10 =	vgt.f32 @p3 v4, $3.000000120e-01;
	v4 =	vmul.f32 @p3 v7, v40  }
0x35b: {  	vm9 =	vgt.f32 @p3 v6, $3.000000120e-01;
	v6 =	vsel @p3 vm10, $0x3F800000, v28;
	v7 =	vpop (erf)  }
0x35c: {  	v12 =	vsel @p3 vm9, $0x3F800000, v29;
	vm9 =	vgt.f32 @p3 v4, $3.000000120e-01;
	v4 =	vmul.f32 v7, v9;
	v7 =	vpop (erf)  }
0x35d: {  	v8 =	vpsel p3, v8, v5;
	v63 =	vpsel p3, v6, v5;
	v9 =	vpsel p4, v11, v5;
	v11 =	vpop (erf)  }
0x35e: {  	vm9 =	vmmov @p3 vm9;
	v12 =	vpsel p3, v12, v5;
	v7 =	vmul.f32 v7, v14;
	v6 =	vpop (erf)  }
0x35f: {  	vm10 =	vgt.f32 v4, $3.000000120e-01;
	v4 =	vmul.f32 v11, v13;
	v10 =	vmul.f32 v6, v10  }
0x360: {  	v6 =	vsel vm10, $0x3F800000, v8;
	v8 =	vsel @p3 vm9, $0x3F800000, v9;
	vm9 =	vgt.f32 v7, $3.000000120e-01  }
0x361: {  	vm10 =	vgt.f32 v4, $3.000000120e-01;
	v4 =	vpsel p3, v8, v5;
	vm11 =	vgt.f32 v10, $3.000000120e-01  }
0x362: {  	v7 =	vsel vm9, $0x3F800000, v63;
	v8 =	vsel vm10, $0x3F800000, v12;
	v9 =	vsel vm11, $0x3F800000, v4  }
.LBB2_49:
.Ltmp34:
0x363: {  	(pc) =	sbr.rel @p2 .LBB2_50-.Ltmp34, $4  }
0x364: {  	[tilespmem:$0x13F80] =	vst v7  }
0x365: {  	[tilespmem:$0x13F90] =	vst v8  }
0x366: {  	[tilespmem:$0x13FA0] =	vst v9  }
0x367: {  	[tilespmem:$0x13FB0] =	vst v6  }
0x368: {  	v18 =	vld [tilespmem:s22+$0xC0]  }
0x369: {  	v19 =	vld [tilespmem:s22+$0xD0]  }
0x36a: {  	v20 =	vld [tilespmem:s22+$0xE0]  }
0x36b: {  	v9 =	vld [tilespmem:s22+$0xF0]  }
0x36c: {  	v21 =	vld [tilespmem:s22+$0x4F40];
	s0 =	simm.s32 $0x0  }
0x36d: {  	v22 =	vld [tilespmem:s22+$0x4F50];
	v4 =	vmov s0  }
0x36e: {  	v23 =	vld [tilespmem:s22+$0x4F60]  }
0x36f: {  	v12 =	vld [tilespmem:s22+$0x4F70]  }
0x370: {  	v24 =	vld [tilespmem:s22+$0x9DC0]  }
0x371: {  	v25 =	vld [tilespmem:s22+$0x9DD0]  }
0x372: {  	v4 =	vld.idx.msk [tilespmem:v4+s12+$0x0], $0xffff  }
0x373: {  	v10 =	vld [tilespmem:s22+$0x9DE0]  }
0x374: {  	v15 =	vld [tilespmem:s22+$0x9DF0]  }
0x375: {  	v14 =	vld [tilespmem:s22+$0xEC40]  }
0x376: {  	v13 =	vld [tilespmem:s22+$0xEC50]  }
0x377: {  	v11 =	vld [tilespmem:s22+$0xEC60]  }
0x378: {  	v16 =	vld [tilespmem:s22+$0xEC70];
	_ =	sdelay $0x1  }
0x379: {  	v6 =	vsub.f32 v24, v18;
	v7 =	vsub.f32 v14, v21;
	v36 =	vld.idx.msk [tilespmem:v4+s3+$0x0], $0xffff  }
0x37a: {  	v8 =	vsub.f32 v25, v19;
	v17 =	vsub.f32 v13, v22;
	v39 =	vld.idx.msk [tilespmem:v4+s5+$0x0], $0xffff  }
0x37b: {  	p4 =	sne.s32 s23, $0x1;
	v26 =	vsub.f32 v10, v20;
	v27 =	vsub.f32 v11, v23;
	v30 =	vld.idx.msk [tilespmem:v4+s6+$0x0], $0xffff  }
.Ltmp35:
0x37c: {  	v28 =	vsub.f32 v15, v9;
	v29 =	vsub.f32 v16, v12;
	v7 =	vmul.f32 v7, v6;
	(pc) =	sbr.rel @!p4 .LBB2_52-.Ltmp35, $4  }
0x37d: {  	v8 =	vmul.f32 v17, v8;
	v6 =	vmul.f32 v27, v26  }
0x37e: {  	v17 =	vmul.f32 v29, v28;
	v37 =	vmax.f32 v36, v18;
	v33 =	vmax.f32 v36, v19  }
0x37f: {  	v27 =	vmax.f32 v36, v20;
	v38 =	vmax.f32 v39, v21;
	v35 =	vmax.f32 v39, v22  }
0x380: {  	p2 =	por $0x0, $0x0;
	p3 =	por $0x0, $0x0;
	s0 =	simm.s32 $0x1;
	v46 =	vld.idx.msk [tilespmem:v4+s7+$0x0], $0xffff;
	v31 =	vmax.f32 v39, v23;
	v47 =	vmin.f32 v30, v24;
	v45 =	vmin.f32 v30, v25  }
0x381: {  	_ =	sdelay $0x1  }
0x382: {  	v4 =	vmov s0  }
0x383: {  	v26 =	vsub.f32 v30, v36;
	v29 =	vmax.f32 v36, v9;
	v32 =	vmax.f32 v39, v12  }
0x384: {  	v34 =	vmin.f32 v30, v15;
	v28 =	vsub.f32 v46, v39;
	v57 =	vmin.f32 v46, v16  }
0x385: {  	v29 =	vsub.f32 v34, v29;
	v32 =	vsub.f32 v57, v32  }
0x386: {  	v26 =	vmul.f32 v28, v26  }
0x387: {  	v28 =	vmax.f32 v29, $0.0e+00;
	v29 =	vmax.f32 v32, $0.0e+00  }
0x388: {  	v4 =	vld.idx.msk [tilespmem:v4+s12+$0x0], $0xffff;
	v28 =	vmul.f32 v29, v28;
	v29 =	vadd.f32 v26, v17  }
0x389: {  	v30 =	vmin.f32 v30, v10;
	v60 =	vsub.f32 v47, v37;
	v33 =	vsub.f32 v45, v33  }
0x38a: {  	v27 =	vsub.f32 v30, v27;
	v29 =	vsub.f32 v29, v28  }
0x38b: {  	v36 =	vmax.f32 v60, $0.0e+00;
	v58 =	vmin.f32 v46, v14;
	v59 =	vmin.f32 v46, v13  }
0x38c: {  	v61 =	vmin.f32 v46, v11;
	v32 =	vsub.f32 v58, v38;
	v29 =	vadd.f32 $9.999999930e-09, v29  }
0x38d: {  	v27 =	vmax.f32 v27, $0.0e+00;
	v34 =	vsub.f32 v59, v35;
	v30 =	vsub.f32 v61, v31  }
0x38e: {  	v31 =	vmax.f32 v33, $0.0e+00;
	v32 =	vmax.f32 v32, $0.0e+00;
	(erf) = vrcp.f32 v29  }
0x38f: {  	v62 =	vmax.f32 v34, $0.0e+00;
	v63 =	vadd.f32 v26, v7;
	v41 =	vmul.f32 v32, v36  }
0x390: {  	v30 =	vmax.f32 v30, $0.0e+00;
	v42 =	vmul.f32 v62, v31;
	v36 =	vld.idx.msk [tilespmem:v4+s3+$0x0], $0xffff;
	v29 =	vadd.f32 v26, v8  }
0x391: {  	v40 =	vmul.f32 v30, v27;
	v31 =	vsub.f32 v63, v41;
	v39 =	vld.idx.msk [tilespmem:v4+s5+$0x0], $0xffff;
	v26 =	vadd.f32 v26, v6  }
0x392: {  	v30 =	vld.idx.msk [tilespmem:v4+s6+$0x0], $0xffff;
	v27 =	vsub.f32 v29, v42  }
0x393: {  	p4 =	sne.s32 s23, $0x2;
	v29 =	vadd.f32 $9.999999930e-09, v31;
	v26 =	vsub.f32 v26, v40  }
.Ltmp36:
0x394: {  	v27 =	vadd.f32 $9.999999930e-09, v27;
	(pc) =	sbr.rel @!p4 .LBB2_54-.Ltmp36, $4  }
0x395: {  	(erf) = vrcp.f32 v29;
	v32 =	vadd.f32 $9.999999930e-09, v26;
	v37 =	vmax.f32 v36, v18  }
0x396: {  	v33 =	vmax.f32 v36, v19;
	v38 =	vmax.f32 v39, v21;
	v35 =	vmax.f32 v39, v22  }
0x397: {  	v31 =	vmax.f32 v39, v23;
	v47 =	vmin.f32 v30, v24;
	v45 =	vmin.f32 v30, v25;
	v26 =	vpop (erf)  }
0x398: {  	s0 =	simm.s32 $0x2;
	p2 =	por $0x1, $0x1;
	v46 =	vld.idx.msk [tilespmem:v4+s7+$0x0], $0xffff;
	(erf) = vrcp.f32 v27;
	v27 =	vmax.f32 v36, v20;
	v49 =	vmul.f32 v26, v28  }
0x399: {  	_ =	sdelay $0x1  }
0x39a: {  	v4 =	vmov s0;
	v26 =	vsub.f32 v30, v36;
	v29 =	vmax.f32 v36, v9  }
0x39b: {  	v34 =	vmax.f32 v39, v12;
	v54 =	vmin.f32 v30, v15;
	v37 =	vsub.f32 v47, v37  }
0x39c: {  	v33 =	vsub.f32 v45, v33;
	v28 =	vsub.f32 v46, v39;
	v55 =	vmin.f32 v46, v16  }
0x39d: {  	v30 =	vmin.f32 v30, v10;
	v29 =	vsub.f32 v54, v29;
	v34 =	vsub.f32 v55, v34  }
0x39e: {  	(erf) = vrcp.f32 v32;
	v27 =	vsub.f32 v30, v27;
	v26 =	vmul.f32 v28, v26  }
0x39f: {  	v29 =	vmax.f32 v29, $0.0e+00;
	v43 =	vmin.f32 v46, v14;
	v34 =	vmax.f32 v34, $0.0e+00  }
0x3a0: {  	v4 =	vld.idx.msk [tilespmem:v4+s12+$0x0], $0xffff;
	v28 =	vmin.f32 v46, v13;
	v34 =	vmul.f32 v34, v29;
	v29 =	vadd.f32 v26, v17  }
0x3a1: {  	v57 =	vmin.f32 v46, v11;
	v38 =	vsub.f32 v43, v38;
	v28 =	vsub.f32 v28, v35  }
0x3a2: {  	v58 =	vmax.f32 v37, $0.0e+00;
	v30 =	vsub.f32 v57, v31;
	v29 =	vsub.f32 v29, v34  }
0x3a3: {  	v27 =	vmax.f32 v27, $0.0e+00;
	v31 =	vmax.f32 v33, $0.0e+00;
	v28 =	vmax.f32 v28, $0.0e+00  }
0x3a4: {  	v59 =	vmax.f32 v38, $0.0e+00;
	v30 =	vmax.f32 v30, $0.0e+00;
	v29 =	vadd.f32 $9.999999930e-09, v29  }
0x3a5: {  	v60 =	vpop (erf);
	v44 =	vmul.f32 v59, v58;
	v61 =	vadd.f32 v26, v7;
	v43 =	vmul.f32 v30, v27  }
0x3a6: {  	v27 =	vadd.f32 v26, v6;
	v48 =	vmul.f32 v28, v31;
	v28 =	vpop (erf);
	(erf) = vrcp.f32 v29  }
0x3a7: {  	v31 =	vsub.f32 v61, v44;
	v28 =	vmul.f32 v28, v42;
	v29 =	vadd.f32 v26, v8  }
0x3a8: {  	v32 =	vmul.f32 v60, v41;
	v27 =	vsub.f32 v27, v43;
	v36 =	vld.idx.msk [tilespmem:v4+s3+$0x0], $0xffff  }
0x3a9: {  	vm9 =	vgt.f32 v49, $3.000000120e-01;
	v31 =	vadd.f32 $9.999999930e-09, v31;
	v39 =	vld.idx.msk [tilespmem:v4+s5+$0x0], $0xffff;
	v29 =	vsub.f32 v29, v48  }
0x3aa: {  	v30 =	vld.idx.msk [tilespmem:v4+s6+$0x0], $0xffff;
	v26 =	vsel vm9, $0x3F800000, v5;
	vm9 =	vgt.f32 v32, $3.000000120e-01;
	v32 =	vadd.f32 $9.999999930e-09, v27  }
0x3ab: {  	p4 =	sne.s32 s23, $0x3;
	vm10 =	vgt.f32 v28, $3.000000120e-01;
	(erf) = vrcp.f32 v31;
	v28 =	vpop (erf);
	v62 =	vadd.f32 $9.999999930e-09, v29  }
.Ltmp37:
0x3ac: {  	v46 =	vld.idx.msk [tilespmem:v4+s7+$0x0], $0xffff;
	v27 =	vmul.f32 v28, v40;
	v28 =	vsel vm9, $0x3F800000, v5;
	v29 =	vsel vm10, $0x3F800000, v5;
	(pc) =	sbr.rel @!p4 .LBB2_56-.Ltmp37, $4  }
0x3ad: {  	v37 =	vmax.f32 v36, v18;
	v33 =	vmax.f32 v36, v19;
	(erf) = vrcp.f32 v62  }
0x3ae: {  	v38 =	vmax.f32 v39, v21;
	v35 =	vmax.f32 v39, v22;
	v31 =	vmax.f32 v39, v23  }
0x3af: {  	v47 =	vmin.f32 v30, v24;
	v45 =	vmin.f32 v30, v25;
	vm9 =	vgt.f32 v27, $3.000000120e-01;
	v63 =	vpop (erf)  }
0x3b0: {  	s22 =	simm.s32 $0x3;
	p3 =	por $0x1, $0x1;
	v27 =	vmax.f32 v36, v20;
	v49 =	vmul.f32 v63, v34;
	v34 =	vimm.f32 $0.0e+00  }
.LBB2_57:
0x3b1: {  	v4 =	vmov s22;
	v40 =	vsub.f32 v30, v36;
	v41 =	vsub.f32 v46, v39  }
0x3b2: {  	v36 =	vmax.f32 v36, v9;
	v39 =	vmax.f32 v39, v12;
	vm10 =	vgt.f32 v49, $3.000000120e-01  }
0x3b3: {  	v51 =	vmin.f32 v30, v15;
	v49 =	vmin.f32 v46, v16;
	v26 =	vsel vm10, $0x3F800000, v26  }
0x3b4: {  	v50 =	vmin.f32 v46, v14;
	v36 =	vsub.f32 v51, v36;
	v39 =	vsub.f32 v49, v39  }
0x3b5: {  	v30 =	vmin.f32 v30, v10;
	v40 =	vmul.f32 v41, v40;
	v41 =	vmin.f32 v46, v13;
	v42 =	vpop (erf)  }
0x3b6: {  	v46 =	vmin.f32 v46, v11;
	v36 =	vmax.f32 v36, $0.0e+00;
	v39 =	vmax.f32 v39, $0.0e+00;
	v49 =	vpop (erf)  }
0x3b7: {  	s22 =	sadd.s32 $0x1, s22;
	v37 =	vsub.f32 v47, v37;
	v51 =	vmul.f32 v39, v36;
	v36 =	vadd.f32 v40, v17;
	v4 =	vld.idx.msk [tilespmem:v4+s12+$0x0], $0xffff  }
0x3b8: {  	v33 =	vsub.f32 v45, v33;
	p4 =	sne.s32 s23, s22;
	v38 =	vsub.f32 v50, v38;
	(erf) = vrcp.f32 v32  }
0x3b9: {  	v35 =	vsub.f32 v41, v35;
	v32 =	vmax.f32 v37, $0.0e+00;
	v36 =	vsub.f32 v36, v51  }
0x3ba: {  	v27 =	vsub.f32 v30, v27;
	v30 =	vsub.f32 v46, v31;
	v37 =	vmax.f32 v38, $0.0e+00  }
0x3bb: {  	v31 =	vmax.f32 v33, $0.0e+00;
	v33 =	vmax.f32 v35, $0.0e+00;
	v35 =	vadd.f32 $9.999999930e-09, v36  }
0x3bc: {  	v27 =	vmax.f32 v27, $0.0e+00;
	v30 =	vmax.f32 v30, $0.0e+00;
	v32 =	vmul.f32 v37, v32  }
0x3bd: {  	v31 =	vmul.f32 v33, v31;
	v37 =	vadd.f32 v40, v7;
	(erf) = vrcp.f32 v35  }
0x3be: {  	v33 =	vadd.f32 v40, v8;
	v27 =	vmul.f32 v30, v27;
	v30 =	vadd.f32 v40, v6  }
0x3bf: {  	v41 =	vmul.f32 v42, v44;
	v38 =	vmul.f32 v49, v48;
	v35 =	vsub.f32 v37, v32;
	v36 =	vld.idx.msk [tilespmem:v4+s3+$0x0], $0xffff  }
0x3c0: {  	v34 =	vsel vm9, $0x3F800000, v34;
	v33 =	vsub.f32 v33, v31;
	v40 =	vsub.f32 v30, v27;
	v44 =	vmovc v32;
	v39 =	vld.idx.msk [tilespmem:v4+s5+$0x0], $0xffff  }
0x3c1: {  	vm9 =	vgt.f32 v41, $3.000000120e-01;
	vm10 =	vgt.f32 v38, $3.000000120e-01;
	v35 =	vadd.f32 $9.999999930e-09, v35;
	v30 =	vld.idx.msk [tilespmem:v4+s6+$0x0], $0xffff;
	v37 =	vpop (erf)  }
0x3c2: {  	v48 =	vmovc v31;
	v32 =	vadd.f32 $9.999999930e-09, v40;
	v46 =	vld.idx.msk [tilespmem:v4+s7+$0x0], $0xffff;
	v4 =	vadd.f32 $9.999999930e-09, v33;
	v33 =	vmul.f32 v37, v43;
	v43 =	vmovc v27  }
.Ltmp38:
0x3c3: {  	v28 =	vsel vm9, $0x3F800000, v28;
	v29 =	vsel vm10, $0x3F800000, v29;
	(erf) = vrcp.f32 v35;
	(pc) =	sbr.rel @p4 .LBB2_57-.Ltmp38, $4  }
0x3c4: {  	(erf) = vrcp.f32 v4;
	vm9 =	vgt.f32 v33, $3.000000120e-01  }
0x3c5: {  	v37 =	vmax.f32 v36, v18;
	v33 =	vmax.f32 v36, v19;
	v27 =	vmax.f32 v36, v20  }
0x3c6: {  	v38 =	vmax.f32 v39, v21;
	v35 =	vmax.f32 v39, v22;
	v31 =	vmax.f32 v39, v23;
	v4 =	vpop (erf)  }
0x3c7: {  	v47 =	vmin.f32 v30, v24;
	v45 =	vmin.f32 v30, v25;
	v49 =	vmul.f32 v4, v51  }
0x3c8: {  	v41 =	vmov v44;
	v42 =	vmov v48;
	v40 =	vmov v43  }
.LBB2_59:
0x3c9: {  	v4 =	vsub.f32 v30, v36  }
0x3ca: {  	v18 =	vsub.f32 v46, v39;
	v9 =	vmax.f32 v36, v9;
	v12 =	vmax.f32 v39, v12  }
0x3cb: {  	v15 =	vmin.f32 v30, v15;
	v16 =	vmin.f32 v46, v16;
	v14 =	vmin.f32 v46, v14  }
0x3cc: {  	v13 =	vmin.f32 v46, v13;
	v60 =	vsub.f32 v47, v37;
	v62 =	vsub.f32 v45, v33  }
0x3cd: {  	v10 =	vmin.f32 v30, v10;
	v9 =	vsub.f32 v15, v9;
	v12 =	vsub.f32 v16, v12  }
0x3ce: {  	v11 =	vmin.f32 v46, v11;
	v14 =	vsub.f32 v14, v38;
	v13 =	vsub.f32 v13, v35  }
0x3cf: {  	v10 =	vsub.f32 v10, v27;
	v11 =	vsub.f32 v11, v31;
	v4 =	vmul.f32 v18, v4  }
0x3d0: {  	v15 =	vmax.f32 v60, $0.0e+00;
	v16 =	vmax.f32 v62, $0.0e+00;
	v9 =	vmax.f32 v9, $0.0e+00  }
0x3d1: {  	v12 =	vmax.f32 v12, $0.0e+00;
	v14 =	vmax.f32 v14, $0.0e+00;
	v13 =	vmax.f32 v13, $0.0e+00  }
0x3d2: {  	v10 =	vmax.f32 v10, $0.0e+00;
	v9 =	vmul.f32 v12, v9;
	v61 =	vadd.f32 v4, v17  }
0x3d3: {  	v11 =	vmax.f32 v11, $0.0e+00;
	v14 =	vmul.f32 v14, v15;
	v7 =	vadd.f32 v4, v7  }
0x3d4: {  	v13 =	vmul.f32 v13, v16;
	v8 =	vadd.f32 v4, v8;
	v12 =	vsub.f32 v61, v9  }
0x3d5: {  	v10 =	vmul.f32 v11, v10;
	v4 =	vadd.f32 v4, v6;
	v6 =	vsub.f32 v7, v14  }
0x3d6: {  	(erf) = vrcp.f32 @p2 v32;
	v8 =	vsub.f32 v8, v13;
	v7 =	vadd.f32 $9.999999930e-09, v12  }
0x3d7: {  	v4 =	vsub.f32 v4, v10;
	v6 =	vadd.f32 $9.999999930e-09, v6  }
0x3d8: {  	(erf) = vrcp.f32 v7;
	v7 =	vadd.f32 $9.999999930e-09, v8  }
0x3d9: {  	v4 =	vadd.f32 $9.999999930e-09, v4;
	(erf) = vrcp.f32 v6  }
0x3da: {  	(erf) = vrcp.f32 v7  }
0x3db: {  	(erf) = vrcp.f32 v4;
	_ =	sdelay $0x1  }
0x3dc: {  	v4 =	vpop @p2 (erf)  }
0x3dd: {  	v6 =	vpop @p2 (erf);
	v4 =	vmul.f32 @p2 v4, v41  }
0x3de: {  	vm10 =	vgt.f32 @p2 v49, $3.000000120e-01;
	v11 =	vsel @p3 vm9, $0x3F800000, v34;
	v7 =	vpop @p2 (erf);
	v6 =	vmul.f32 @p2 v6, v42  }
0x3df: {  	v8 =	vsel @p2 vm10, $0x3F800000, v26;
	vm10 =	vgt.f32 @p2 v4, $3.000000120e-01;
	v4 =	vmul.f32 @p2 v7, v40  }
0x3e0: {  	vm9 =	vgt.f32 @p2 v6, $3.000000120e-01;
	v6 =	vsel @p2 vm10, $0x3F800000, v28;
	v7 =	vpop (erf)  }
0x3e1: {  	v12 =	vsel @p2 vm9, $0x3F800000, v29;
	vm9 =	vgt.f32 @p2 v4, $3.000000120e-01;
	v4 =	vmul.f32 v7, v9;
	v7 =	vpop (erf)  }
0x3e2: {  	v8 =	vpsel p2, v8, v5;
	v6 =	vpsel p2, v6, v5;
	v9 =	vpsel p3, v11, v5;
	v11 =	vpop (erf)  }
.Ltmp39:
0x3e3: {  	vm9 =	vmmov @p2 vm9;
	v7 =	vmul.f32 v7, v14;
	v11 =	vmul.f32 v11, v13;
	v63 =	vpop (erf);
	(pc) =	sbr.rel .LBB2_60-.Ltmp39, $4  }
0x3e4: {  	v12 =	vpsel p2, v12, v5;
	vm10 =	vgt.f32 v4, $3.000000120e-01;
	v4 =	vmul.f32 v63, v10  }
0x3e5: {  	v9 =	vsel @p2 vm9, $0x3F800000, v9;
	vm9 =	vgt.f32 v7, $3.000000120e-01;
	vm11 =	vgt.f32 v11, $3.000000120e-01  }
0x3e6: {  	v10 =	vsel vm9, $0x3F800000, v6;
	vm9 =	vgt.f32 v4, $3.000000120e-01;
	v4 =	vpsel p2, v9, v5  }
0x3e7: {  	v6 =	vsel vm10, $0x3F800000, v8;
	v7 =	vsel vm11, $0x3F800000, v12;
	v5 =	vmovc v10;
	v8 =	vsel vm9, $0x3F800000, v4  }
.LBB2_41:
.Ltmp40:
0x3e8: {  	(pc) =	sbr.rel .LBB2_48-.Ltmp40, $3  }
0x3e9: {  	_ =	sdelay $0x1  }
0x3ea: {  	v26 =	vimm.f32 $0.0e+00  }
0x3eb: {  	v34 =	vimm.f32 $0.0e+00;
	v28 =	vimm.f32 $0.0e+00;
	v29 =	vimm.f32 $0.0e+00  }
.LBB2_52:
.Ltmp41:
0x3ec: {  	(pc) =	sbr.rel .LBB2_59-.Ltmp41, $3  }
0x3ed: {  	_ =	sdelay $0x1  }
0x3ee: {  	v26 =	vimm.f32 $0.0e+00  }
0x3ef: {  	v34 =	vimm.f32 $0.0e+00;
	v28 =	vimm.f32 $0.0e+00;
	v29 =	vimm.f32 $0.0e+00  }
.LBB2_43:
.Ltmp42:
0x3f0: {  	(pc) =	sbr.rel .LBB2_48-.Ltmp42, $3  }
0x3f1: {  	_ =	sdelay $0x1  }
0x3f2: {  	v26 =	vimm.f32 $0.0e+00  }
0x3f3: {  	v34 =	vimm.f32 $0.0e+00;
	v28 =	vimm.f32 $0.0e+00;
	v29 =	vimm.f32 $0.0e+00  }
.LBB2_54:
.Ltmp43:
0x3f4: {  	(pc) =	sbr.rel .LBB2_59-.Ltmp43, $3  }
0x3f5: {  	_ =	sdelay $0x1  }
0x3f6: {  	v26 =	vimm.f32 $0.0e+00  }
0x3f7: {  	v34 =	vimm.f32 $0.0e+00;
	v28 =	vimm.f32 $0.0e+00;
	v29 =	vimm.f32 $0.0e+00  }
.LBB2_45:
.Ltmp44:
0x3f8: {  	(pc) =	sbr.rel .LBB2_48-.Ltmp44, $2  }
0x3f9: {  	_ =	sdelay $0x2  }
0x3fa: {  	v41 =	vmovc v44;
	v42 =	vmov v48;
	v34 =	vimm.f32 $0.0e+00;
	v40 =	vmov v43  }
.LBB2_56:
.Ltmp45:
0x3fb: {  	(pc) =	sbr.rel .LBB2_59-.Ltmp45, $2  }
0x3fc: {  	_ =	sdelay $0x2  }
0x3fd: {  	v41 =	vmovc v44;
	v42 =	vmov v48;
	v34 =	vimm.f32 $0.0e+00;
	v40 =	vmov v43  }
.LBB2_12:
.Ltmp46:
0x3fe: {  	(pc) =	sbr.rel .LBB2_19-.Ltmp46, $2  }
0x3ff: {  	_ =	sdelay $0x2  }
0x400: {  	v29 =	vmovc v6;
	v37 =	vmov v5;
	v30 =	vmov v7;
	v32 =	vmov v8  }
.LBB2_22:
.Ltmp47:
0x401: {  	(pc) =	sbr.rel .LBB2_29-.Ltmp47, $2  }
0x402: {  	_ =	sdelay $0x2  }
0x403: {  	v29 =	vmovc v6;
	v37 =	vmov v5;
	v30 =	vmov v7;
	v32 =	vmov v8  }
.LBB2_14:
.Ltmp48:
0x404: {  	(pc) =	sbr.rel .LBB2_19-.Ltmp48, $2  }
0x405: {  	_ =	sdelay $0x2  }
0x406: {  	v29 =	vmovc v6;
	v37 =	vmov v5;
	v30 =	vmov v7;
	v32 =	vmov v8  }
.LBB2_24:
.Ltmp49:
0x407: {  	(pc) =	sbr.rel .LBB2_29-.Ltmp49, $2  }
0x408: {  	_ =	sdelay $0x2  }
0x409: {  	v29 =	vmovc v6;
	v37 =	vmov v5;
	v30 =	vmov v7;
	v32 =	vmov v8  }
.LBB2_16:
.Ltmp50:
0x40a: {  	(pc) =	sbr.rel .LBB2_19-.Ltmp50, $2  }
0x40b: {  	_ =	sdelay $0x2  }
0x40c: {  	v44 =	vmovc v48;
	v45 =	vmov v50;
	v37 =	vmov v5;
	v43 =	vmov v47  }
.LBB2_26:
.Ltmp51:
0x40d: {  	(pc) =	sbr.rel .LBB2_29-.Ltmp51, $2  }
0x40e: {  	_ =	sdelay $0x2  }
0x40f: {  	v44 =	vmovc v48;
	v45 =	vmov v50;
	v37 =	vmov v5;
	v43 =	vmov v47  }
.LBB2_62:
0x410: {  	_ =	sfence.sel $0x180000  }
0x411: {  	[bflag:$0x0] =	sbarrier.arrive $0xFFFF  }
0x412: {  	_ =	strace $0x9000004D  }
0x413: {  	[bflag:$0x2] =	sbarrier.arrive $0xFFFF  }
0x414: {  	s0 =	rddreg [dreg:$0x3]  }
0x415: {  	s0 =	sadd.s32 @!p0 $0x100000, s0  }
0x416: {  	[sflag:s0] =	ssyncadd.tile.s32 @!p0 $0x1;
	_ =	shalt  }
.Lfunc_end2:
_tile_overlayer_lowered:
.L_overlay_start_2:
0x417: {  	(tag) =	ssettag $0x2  }
0x418: {  	s0 =	rddreg [dreg:$0x0];
	s2 =	stileid.u32  }
0x419: {  	s1 =	rddreg [dreg:$0x1];
	p0 =	sne.s32 s2, $0x0  }
0x41a: {  	s3 =	rddreg [dreg:$0x2];
	[bflag:$0x3] =	sbarrier.arrive $0xFFFF;
	s2 =	simm.s32 @!p0 $0x1C01  }
0x41b: {  	[timem:s3], [sflag:s2] =	dma.local @!p0 [hbm:s0], s1  }
0x41c: {  	s0 =	simm.s32 @!p0 $0x1  }
0x41d: {  	_ =	swait.ge @!p0 [sflag:s0], s1  }
0x41e: {  	s1 =	ssub.s32 @!p0 $0x0, s1;
	[sflag:s0] =	ssyncset.done @!p0 $0x0  }
0x41f: {  	[sflag:s0] =	ssyncadd.s32 @!p0 s1  }
0x420: {  	[bflag:$0x3] =	sbarrier.arrive $0xFFFF  }
0x421: {  	_ =	shalt  }

</sc_bundles>
